<compile_context>
chip_gen: v7x
topology: tpu7x:2x2x1
jax: 0.10.2.dev20260603
libtpu: 0.0.44.dev20260713+nightly
codegen_flags: <defaults>
</compile_context>

<pallas_src>
import functools

import jax
import jax.numpy as jnp
from jax import lax
from jax.experimental import pallas as pl
from jax.experimental.pallas import tpu as pltpu
from jax.experimental.pallas import tpu_sc as plsc

N_NODES = 10000
N_EDGES = 320000
D = 128
D2 = 256

NC = 2
NS = 16
NW = NC * NS
E_PER_TILE = N_EDGES // NW
CHUNK = 125
N_CHUNKS = E_PER_TILE // CHUNK
IDX_BLK = 16
N_BLKS = N_CHUNKS // IDX_BLK
STRIPE = 632
STRIPE_LAST = N_NODES - 15 * STRIPE

_MESH = plsc.VectorSubcoreMesh(core_axis_name="c", subcore_axis_name="s")


def _zero_stripe(sid, zrows, acc_sh):
    @pl.when(sid < NS - 1)
    def _():
        pltpu.sync_copy(zrows.at[pl.ds(sid * STRIPE, STRIPE)],
                        acc_sh.at[pl.ds(sid * STRIPE, STRIPE)])

    @pl.when(sid == NS - 1)
    def _():
        pltpu.sync_copy(zrows.at[pl.ds(15 * STRIPE, STRIPE_LAST)],
                        acc_sh.at[pl.ds(15 * STRIPE, STRIPE_LAST)])


def _copyout_stripe(sid, cid, acc_sh, out_hbm):
    @pl.when(sid < NS - 1)
    def _():
        pltpu.sync_copy(acc_sh.at[pl.ds(sid * STRIPE, STRIPE)],
                        out_hbm.at[cid, pl.ds(sid * STRIPE, STRIPE)])

    @pl.when(sid == NS - 1)
    def _():
        pltpu.sync_copy(acc_sh.at[pl.ds(15 * STRIPE, STRIPE_LAST)],
                        out_hbm.at[cid, pl.ds(15 * STRIPE, STRIPE_LAST)])


def _sc_body(with_cnt, y, srcs, dsts, zrows, *rest):
    if with_cnt:
        (ones_h, agg_out, cnt_out,
         src_v, dst_v, rows_v, acc_sh, sem) = rest
    else:
        agg_out, src_v, dst_v, rows_v, acc_sh, sem = rest
    cid = lax.axis_index("c")
    sid = lax.axis_index("s")
    pltpu.sync_copy(srcs.at[cid, sid, pl.ds(0, IDX_BLK)], src_v)
    pltpu.sync_copy(dsts.at[cid, sid, pl.ds(0, IDX_BLK)], dst_v)
    pltpu.async_copy(y.at[src_v.at[0]], rows_v.at[0], sem)
    _zero_stripe(sid, zrows, acc_sh)
    plsc.subcore_barrier()

    def step_g(g, carry):
        @pl.when(g > 0)
        def _():
            pltpu.sync_copy(srcs.at[cid, sid, pl.ds(g * IDX_BLK, IDX_BLK)],
                            src_v)
            pltpu.sync_copy(dsts.at[cid, sid, pl.ds(g * IDX_BLK, IDX_BLK)],
                            dst_v)
            pltpu.async_copy(y.at[src_v.at[0]], rows_v.at[0], sem)
        for j in range(IDX_BLK):
            pltpu.make_async_copy(y.at[src_v.at[j]], rows_v.at[j % 2],
                                  sem).wait()
            if j + 1 < IDX_BLK:
                pltpu.async_copy(y.at[src_v.at[j + 1]],
                                 rows_v.at[(j + 1) % 2], sem)
            pltpu.sync_copy(rows_v.at[j % 2], acc_sh.at[dst_v.at[j]],
                            add=True)
        return carry

    lax.fori_loop(0, N_BLKS, step_g, 0)

    plsc.subcore_barrier()
    _copyout_stripe(sid, cid, acc_sh, agg_out)

    if with_cnt:
        ones_v = rows_v.at[0]
        pltpu.sync_copy(ones_h, ones_v)
        _zero_stripe(sid, zrows, acc_sh)
        plsc.subcore_barrier()

        def cnt_g(g, carry):
            pltpu.sync_copy(dsts.at[cid, sid, pl.ds(g * IDX_BLK, IDX_BLK)],
                            dst_v)
            for j in range(IDX_BLK):
                pltpu.async_copy(ones_v, acc_sh.at[dst_v.at[j]], sem,
                                 add=True)
            for j in range(IDX_BLK):
                pltpu.make_async_copy(ones_v, acc_sh.at[dst_v.at[j]],
                                      sem).wait()
            return carry

        lax.fori_loop(0, N_BLKS, cnt_g, 0)
        plsc.subcore_barrier()
        _copyout_stripe(sid, cid, acc_sh, cnt_out)


_sc_agg_cnt = pl.kernel(
    functools.partial(_sc_body, True),
    mesh=_MESH,
    out_type=[
        jax.ShapeDtypeStruct((NC, N_NODES, D), jnp.float32),
        jax.ShapeDtypeStruct((NC, N_NODES, D), jnp.float32),
    ],
    scratch_types=[
        pltpu.VMEM((IDX_BLK, CHUNK), jnp.int32),
        pltpu.VMEM((IDX_BLK, CHUNK), jnp.int32),
        pltpu.VMEM((2, CHUNK, D), jnp.float32),
        pltpu.VMEM_SHARED((N_NODES, D), jnp.float32),
        pltpu.SemaphoreType.DMA,
    ],
)

_sc_agg = pl.kernel(
    functools.partial(_sc_body, False),
    mesh=_MESH,
    out_type=jax.ShapeDtypeStruct((NC, N_NODES, D), jnp.float32),
    scratch_types=[
        pltpu.VMEM((IDX_BLK, CHUNK), jnp.int32),
        pltpu.VMEM((IDX_BLK, CHUNK), jnp.int32),
        pltpu.VMEM((2, CHUNK, D), jnp.float32),
        pltpu.VMEM_SHARED((N_NODES, D), jnp.float32),
        pltpu.SemaphoreType.DMA,
    ],
)

BLK = 2000


def _tc_layer1(agg, cnt, x, Wl, Wr, b):
    def body(a_ref, c_ref, x_ref, wl_ref, wr_ref, b_ref, o_ref):
        c = jnp.maximum(c_ref[0, :, 0:1] + c_ref[1, :, 0:1], 1.0)
        mean = (a_ref[0] + a_ref[1]) / c
        o_ref[...] = jnp.maximum(
            jnp.dot(mean, wl_ref[...], preferred_element_type=jnp.float32)
            + jnp.dot(x_ref[...], wr_ref[...], preferred_element_type=jnp.float32)
            + b_ref[...],
            0.0,
        )

    return pl.pallas_call(
        body,
        grid=(N_NODES // BLK,),
        in_specs=[
            pl.BlockSpec((NC, BLK, D), lambda i: (0, i, 0)),
            pl.BlockSpec((NC, BLK, D), lambda i: (0, i, 0)),
            pl.BlockSpec((BLK, D), lambda i: (i, 0)),
            pl.BlockSpec((D, D), lambda i: (0, 0)),
            pl.BlockSpec((D, D), lambda i: (0, 0)),
            pl.BlockSpec((1, D), lambda i: (0, 0)),
        ],
        out_specs=pl.BlockSpec((BLK, D), lambda i: (i, 0)),
        out_shape=jax.ShapeDtypeStruct((N_NODES, D), jnp.float32),
    )(agg, cnt, x, Wl, Wr, b)


def _tc_final(agg2, cnt, h1, x, Wl2, Wr2, b2, Wlin, blin, Wsc, bsc):
    def body(a_ref, c_ref, h1_ref, x_ref, wl2_ref, wr2_ref, b2_ref,
             wlin_ref, blin_ref, wsc_ref, bsc_ref, o_ref):
        c = jnp.maximum(c_ref[0, :, 0:1] + c_ref[1, :, 0:1], 1.0)
        mean = (a_ref[0] + a_ref[1]) / c
        h2 = jnp.maximum(
            jnp.dot(mean, wl2_ref[...], preferred_element_type=jnp.float32)
            + jnp.dot(h1_ref[...], wr2_ref[...], preferred_element_type=jnp.float32)
            + b2_ref[...],
            0.0,
        )
        o_ref[...] = (
            jnp.dot(h2, wlin_ref[...], preferred_element_type=jnp.float32)
            + blin_ref[...]
            + jnp.dot(x_ref[...], wsc_ref[...], preferred_element_type=jnp.float32)
            + bsc_ref[...]
        )

    return pl.pallas_call(
        body,
        grid=(N_NODES // BLK,),
        in_specs=[
            pl.BlockSpec((NC, BLK, D), lambda i: (0, i, 0)),
            pl.BlockSpec((NC, BLK, D), lambda i: (0, i, 0)),
            pl.BlockSpec((BLK, D), lambda i: (i, 0)),
            pl.BlockSpec((BLK, D), lambda i: (i, 0)),
            pl.BlockSpec((D, D2), lambda i: (0, 0)),
            pl.BlockSpec((D, D2), lambda i: (0, 0)),
            pl.BlockSpec((1, D2), lambda i: (0, 0)),
            pl.BlockSpec((D2, D), lambda i: (0, 0)),
            pl.BlockSpec((1, D), lambda i: (0, 0)),
            pl.BlockSpec((D, D), lambda i: (0, 0)),
            pl.BlockSpec((1, D), lambda i: (0, 0)),
        ],
        out_specs=pl.BlockSpec((BLK, D), lambda i: (i, 0)),
        out_shape=jax.ShapeDtypeStruct((N_NODES, D), jnp.float32),
    )(agg2, cnt, h1, x, Wl2, Wr2, b2, Wlin, blin, Wsc, bsc)


def kernel(x, edge_index, Wl1, Wr1, b1, Wl2, Wr2, b2, Wlin, blin, Wsc, bsc):
    ei = edge_index.astype(jnp.int32)
    srcs = ei[0].reshape(NC, NS, N_CHUNKS, CHUNK)
    dsts = ei[1].reshape(NC, NS, N_CHUNKS, CHUNK)
    del ei
    zrows = jnp.zeros((N_NODES, D), jnp.float32)
    ones_h = jnp.ones((CHUNK, D), jnp.float32)

    agg1, cnt = _sc_agg_cnt(x, srcs, dsts, zrows, ones_h)
    h1 = _tc_layer1(agg1, cnt, x, Wl1, Wr1, b1.reshape(1, D))
    agg2 = _sc_agg(h1, srcs, dsts, zrows)
    out = _tc_final(agg2, cnt, h1, x, Wl2, Wr2, b2.reshape(1, D2),
                    Wlin, blin.reshape(1, D), Wsc, bsc.reshape(1, D))
    return out

# --- scband reference (transcript-rebuilt; emitter-appended) ---
"""Pipeline reference for scband-graph-encoder-with-residual-10857677324491 (READ-ONLY COPY).

The authoritative reference and input builder live on the scoring server;
editing this copy changes nothing except your own understanding.
"""

import jax, jax.numpy as jnp
import numpy as np

N_NODES = 10000
N_EDGES = 320000
D_IN = 128
D_HID = 128
D_OUT = 128


def _glorot(key, shape):
    fan_in = shape[0]
    return jax.random.normal(key, shape, dtype=jnp.float32) / jnp.sqrt(jnp.float32(fan_in))


def setup_inputs(seed: int = 0) -> dict:
    key = jax.random.key(seed)
    ks = jax.random.split(key, 12)
    x = jax.random.normal(ks[0], (N_NODES, D_IN), dtype=jnp.float32)
    edge_index = jax.random.randint(ks[1], (2, N_EDGES), 0, N_NODES, dtype=jnp.int64)
    # SAGEConv1: in=128 -> out=128 (lin_l has bias, lin_r no bias)
    Wl1 = _glorot(ks[2], (D_IN, D_HID))
    Wr1 = _glorot(ks[3], (D_IN, D_HID))
    b1 = jnp.zeros((D_HID,), dtype=jnp.float32)
    # SAGEConv2: in=128 -> out=256
    Wl2 = _glorot(ks[4], (D_HID, D_HID * 2))
    Wr2 = _glorot(ks[5], (D_HID, D_HID * 2))
    b2 = jnp.zeros((D_HID * 2,), dtype=jnp.float32)
    # lin: 256 -> 128
    Wlin = _glorot(ks[6], (D_HID * 2, D_OUT))
    blin = jnp.zeros((D_OUT,), dtype=jnp.float32)
    # shortcut: 128 -> 128
    Wsc = _glorot(ks[7], (D_IN, D_OUT))
    bsc = jnp.zeros((D_OUT,), dtype=jnp.float32)
    return {
        "x": x, "edge_index": edge_index,
        "Wl1": Wl1, "Wr1": Wr1, "b1": b1,
        "Wl2": Wl2, "Wr2": Wr2, "b2": b2,
        "Wlin": Wlin, "blin": blin,
        "Wsc": Wsc, "bsc": bsc,
    }


def _sage_conv(x, edge_index, Wl, Wr, b):
    # PyG SAGEConv with mean aggregation:
    # out = lin_l(mean_{j in N(i)} x_j) + lin_r(x_i)
    src = edge_index[0]
    dst = edge_index[1]
    msgs = jnp.take(x, src, axis=0)                       # gather [E, d]
    agg = jax.ops.segment_sum(msgs, dst, num_segments=x.shape[0])  # scatter-add
    cnt = jax.ops.segment_sum(jnp.ones((edge_index.shape[1],), dtype=x.dtype), dst,
                              num_segments=x.shape[0])
    cnt = jnp.clip(cnt, 1.0, None)
    mean = agg / cnt[:, None]
    return mean @ Wl + b + x @ Wr


def reference(x, edge_index, Wl1, Wr1, b1, Wl2, Wr2, b2, Wlin, blin, Wsc, bsc):
    identity = x
    h = jax.nn.relu(_sage_conv(x, edge_index, Wl1, Wr1, b1))
    h = jax.nn.relu(_sage_conv(h, edge_index, Wl2, Wr2, b2))
    h = h @ Wlin + blin
    identity = identity @ Wsc + bsc
    return h + identity

if __name__ == "__main__":
    import jax
    _d = setup_inputs()
    print(jax.jit(kernel)(*tuple(_d.values())))

</pallas_src>

<mosaic_0001>
#map = affine_map<(d0, d1) -> (0, 0)>
#map1 = affine_map<(d0, d1) -> (0, 0, 0, 0)>
#map2 = affine_map<(d0, d1) -> (0, 0, 0)>
module attributes {stable_mosaic.version = 14 : i64} {
  func.func @_sc_body(%arg0: i32, %arg1: i32, %arg2: memref<10000x128xf32, #tpu.memory_space<hbm>>, %arg3: memref<2x16x80x125xi32, #tpu.memory_space<hbm>>, %arg4: memref<2x16x80x125xi32, #tpu.memory_space<hbm>>, %arg5: memref<10000x128xf32, #tpu.memory_space<hbm>>, %arg6: memref<125x128xf32, #tpu.memory_space<hbm>>, %arg7: memref<2x10000x128xf32, #tpu.memory_space<hbm>>, %arg8: memref<2x10000x128xf32, #tpu.memory_space<hbm>>, %arg9: memref<16x125xi32, #tpu.memory_space<vmem>>, %arg10: memref<16x125xi32, #tpu.memory_space<vmem>>, %arg11: memref<2x125x128xf32, #tpu.memory_space<vmem>>, %arg12: memref<10000x128xf32, #tpu.memory_space<vmem_shared>>, %arg13: memref<!tpu.dma_semaphore, #tpu.memory_space<semaphore_mem>>) attributes {dimension_semantics = [#tpu.dimension_semantics<core_parallel>, #tpu.dimension_semantics<subcore_parallel>], iteration_bounds = array<i64: 2, 16>, scalar_prefetch = 0 : i64, scratch_operands = 5 : i64, tpu.core_type = #tpu.core_type<sc_vector_subcore>, window_params = [{transform_indices = #map}, {transform_indices = #map1}, {transform_indices = #map1}, {transform_indices = #map}, {transform_indices = #map}, {transform_indices = #map2}, {transform_indices = #map2}]} {
    "tpu.region"() ({
      %run_scoped3A_62 = tpu.sem_alloc : memref<!tpu.dma_semaphore, #tpu.memory_space<semaphore_mem>>
      %dma_start3A_63 = arith.constant 0 : i32
      %dma_start3A_64 = arith.constant 0 : i32
      %dma_start3A_65 = tpu.memref_slice %arg3[%arg0, %arg1, %dma_start3A_63, %dma_start3A_64] : memref<2x16x80x125xi32, #tpu.memory_space<hbm>> -> memref<1x1x16x125xi32, #tpu.memory_space<hbm>>
      %dma_start3A_66 = tpu.memref_squeeze %dma_start3A_65 : memref<1x1x16x125xi32, #tpu.memory_space<hbm>> -> memref<16x125xi32, #tpu.memory_space<hbm>>
      %dma_start3A_67 = arith.constant 0 : i32
      %dma_start3A_68 = arith.constant 0 : i32
      %dma_start3A_69 = tpu.memref_slice %arg3[%arg0, %arg1, %dma_start3A_67, %dma_start3A_68] : memref<2x16x80x125xi32, #tpu.memory_space<hbm>> -> memref<1x1x16x125xi32, #tpu.memory_space<hbm>>
      %dma_start3A_70 = tpu.memref_squeeze %dma_start3A_69 : memref<1x1x16x125xi32, #tpu.memory_space<hbm>> -> memref<16x125xi32, #tpu.memory_space<hbm>>
      tpu.enqueue_dma source(%dma_start3A_70 : memref<16x125xi32, #tpu.memory_space<hbm>>) target(%arg9 : memref<16x125xi32, #tpu.memory_space<vmem>>) target_semaphore(%run_scoped3A_62 : memref<!tpu.dma_semaphore, #tpu.memory_space<semaphore_mem>>)
      %dma_wait3A = arith.constant 0 : i32
      %dma_wait3A_71 = arith.constant 0 : i32
      %dma_wait3A_72 = tpu.memref_slice %arg3[%arg0, %arg1, %dma_wait3A, %dma_wait3A_71] : memref<2x16x80x125xi32, #tpu.memory_space<hbm>> -> memref<1x1x16x125xi32, #tpu.memory_space<hbm>>
      %dma_wait3A_73 = tpu.memref_squeeze %dma_wait3A_72 : memref<1x1x16x125xi32, #tpu.memory_space<hbm>> -> memref<16x125xi32, #tpu.memory_space<hbm>>
      %dma_wait3A_74 = arith.constant 0 : i32
      %dma_wait3A_75 = arith.constant 0 : i32
      %dma_wait3A_76 = tpu.memref_slice %arg3[%arg0, %arg1, %dma_wait3A_74, %dma_wait3A_75] : memref<2x16x80x125xi32, #tpu.memory_space<hbm>> -> memref<1x1x16x125xi32, #tpu.memory_space<hbm>>
      %dma_wait3A_77 = tpu.memref_squeeze %dma_wait3A_76 : memref<1x1x16x125xi32, #tpu.memory_space<hbm>> -> memref<16x125xi32, #tpu.memory_space<hbm>>
      tpu.wait_dma2 semaphore(%run_scoped3A_62 : memref<!tpu.dma_semaphore, #tpu.memory_space<semaphore_mem>>) src(%dma_wait3A_77 : memref<16x125xi32, #tpu.memory_space<hbm>>) dst(%arg9 : memref<16x125xi32, #tpu.memory_space<vmem>>)
      tpu.yield
    }) : () -> ()
    "tpu.region"() ({
      %run_scoped3A_62 = tpu.sem_alloc : memref<!tpu.dma_semaphore, #tpu.memory_space<semaphore_mem>>
      %dma_start3A_63 = arith.constant 0 : i32
      %dma_start3A_64 = arith.constant 0 : i32
      %dma_start3A_65 = tpu.memref_slice %arg4[%arg0, %arg1, %dma_start3A_63, %dma_start3A_64] : memref<2x16x80x125xi32, #tpu.memory_space<hbm>> -> memref<1x1x16x125xi32, #tpu.memory_space<hbm>>
      %dma_start3A_66 = tpu.memref_squeeze %dma_start3A_65 : memref<1x1x16x125xi32, #tpu.memory_space<hbm>> -> memref<16x125xi32, #tpu.memory_space<hbm>>
      %dma_start3A_67 = arith.constant 0 : i32
      %dma_start3A_68 = arith.constant 0 : i32
      %dma_start3A_69 = tpu.memref_slice %arg4[%arg0, %arg1, %dma_start3A_67, %dma_start3A_68] : memref<2x16x80x125xi32, #tpu.memory_space<hbm>> -> memref<1x1x16x125xi32, #tpu.memory_space<hbm>>
      %dma_start3A_70 = tpu.memref_squeeze %dma_start3A_69 : memref<1x1x16x125xi32, #tpu.memory_space<hbm>> -> memref<16x125xi32, #tpu.memory_space<hbm>>
      tpu.enqueue_dma source(%dma_start3A_70 : memref<16x125xi32, #tpu.memory_space<hbm>>) target(%arg10 : memref<16x125xi32, #tpu.memory_space<vmem>>) target_semaphore(%run_scoped3A_62 : memref<!tpu.dma_semaphore, #tpu.memory_space<semaphore_mem>>)
      %dma_wait3A = arith.constant 0 : i32
      %dma_wait3A_71 = arith.constant 0 : i32
      %dma_wait3A_72 = tpu.memref_slice %arg4[%arg0, %arg1, %dma_wait3A, %dma_wait3A_71] : memref<2x16x80x125xi32, #tpu.memory_space<hbm>> -> memref<1x1x16x125xi32, #tpu.memory_space<hbm>>
      %dma_wait3A_73 = tpu.memref_squeeze %dma_wait3A_72 : memref<1x1x16x125xi32, #tpu.memory_space<hbm>> -> memref<16x125xi32, #tpu.memory_space<hbm>>
      %dma_wait3A_74 = arith.constant 0 : i32
      %dma_wait3A_75 = arith.constant 0 : i32
      %dma_wait3A_76 = tpu.memref_slice %arg4[%arg0, %arg1, %dma_wait3A_74, %dma_wait3A_75] : memref<2x16x80x125xi32, #tpu.memory_space<hbm>> -> memref<1x1x16x125xi32, #tpu.memory_space<hbm>>
      %dma_wait3A_77 = tpu.memref_squeeze %dma_wait3A_76 : memref<1x1x16x125xi32, #tpu.memory_space<hbm>> -> memref<16x125xi32, #tpu.memory_space<hbm>>
      tpu.wait_dma2 semaphore(%run_scoped3A_62 : memref<!tpu.dma_semaphore, #tpu.memory_space<semaphore_mem>>) src(%dma_wait3A_77 : memref<16x125xi32, #tpu.memory_space<hbm>>) dst(%arg10 : memref<16x125xi32, #tpu.memory_space<vmem>>)
      tpu.yield
    }) : () -> ()
    %dma_start3A = arith.constant 0 : i32
    %dma_start3A_0 = arith.constant 0 : i32
    %dma_start3A_1 = arith.constant 0 : i32
    %dma_start3A_2 = arith.constant 0 : i32
    %dma_start3A_3 = tpu.memref_slice %arg11[%dma_start3A_0, %dma_start3A_1, %dma_start3A_2] : memref<2x125x128xf32, #tpu.memory_space<vmem>> -> memref<1x125x128xf32, #tpu.memory_space<vmem>>
    %dma_start3A_4 = tpu.memref_squeeze %dma_start3A_3 : memref<1x125x128xf32, #tpu.memory_space<vmem>> -> memref<125x128xf32, #tpu.memory_space<vmem>>
    %dma_start3A_5 = arith.constant 0 : i32
    %dma_start3A_6 = tpu.memref_slice %arg9[%dma_start3A, %dma_start3A_5] : memref<16x125xi32, #tpu.memory_space<vmem>> -> memref<1x125xi32, #tpu.memory_space<vmem>>
    %dma_start3A_7 = tpu.memref_squeeze %dma_start3A_6 : memref<1x125xi32, #tpu.memory_space<vmem>> -> memref<125xi32, #tpu.memory_space<vmem>>
    %dma_start3A_8 = arith.constant 0 : i32
    %dma_start3A_9 = arith.constant 0 : i32
    %dma_start3A_10 = tpu.memref_slice %arg2[%dma_start3A_8, %dma_start3A_9] : memref<10000x128xf32, #tpu.memory_space<hbm>> -> memref<10000x128xf32, #tpu.memory_space<hbm>>
    tpu.enqueue_indirect_dma source(%dma_start3A_10 : memref<10000x128xf32, #tpu.memory_space<hbm>>) target(%dma_start3A_4 : memref<125x128xf32, #tpu.memory_space<vmem>>) offsets(%dma_start3A_7 : memref<125xi32, #tpu.memory_space<vmem>>) semaphore(%arg13 : memref<!tpu.dma_semaphore, #tpu.memory_space<semaphore_mem>>)
    %lt3A = arith.constant 15 : i32
    %lt3A_11 = arith.cmpi slt, %arg1, %lt3A : i32
    %convert_element_type3A = arith.extui %lt3A_11 : i1 to i32
    %cond3A = arith.constant 0 : i32
    %cond3A_12 = arith.cmpi ne, %convert_element_type3A, %cond3A : i32
    scf.if %cond3A_12 {
      %mul3A = arith.constant 632 : i32
      %mul3A_62 = arith.muli %arg1, %mul3A : i32
      %mul3A_63 = arith.constant 632 : i32
      %mul3A_64 = arith.muli %arg1, %mul3A_63 : i32
      "tpu.region"() ({
        %run_scoped3A_65 = tpu.sem_alloc : memref<!tpu.dma_semaphore, #tpu.memory_space<semaphore_mem>>
        %dma_start3A_66 = arith.constant 0 : i32
        %dma_start3A_67 = tpu.memref_slice %arg12[%mul3A_64, %dma_start3A_66] : memref<10000x128xf32, #tpu.memory_space<vmem_shared>> -> memref<632x128xf32, #tpu.memory_space<vmem_shared>>
        %dma_start3A_68 = arith.constant 0 : i32
        %dma_start3A_69 = tpu.memref_slice %arg5[%mul3A_62, %dma_start3A_68] : memref<10000x128xf32, #tpu.memory_space<hbm>> -> memref<632x128xf32, #tpu.memory_space<hbm>>
        tpu.enqueue_dma source(%dma_start3A_69 : memref<632x128xf32, #tpu.memory_space<hbm>>) target(%dma_start3A_67 : memref<632x128xf32, #tpu.memory_space<vmem_shared>>) target_semaphore(%run_scoped3A_65 : memref<!tpu.dma_semaphore, #tpu.memory_space<semaphore_mem>>)
        %dma_wait3A = arith.constant 0 : i32
        %dma_wait3A_70 = tpu.memref_slice %arg12[%mul3A_64, %dma_wait3A] : memref<10000x128xf32, #tpu.memory_space<vmem_shared>> -> memref<632x128xf32, #tpu.memory_space<vmem_shared>>
        %dma_wait3A_71 = arith.constant 0 : i32
        %dma_wait3A_72 = tpu.memref_slice %arg5[%mul3A_62, %dma_wait3A_71] : memref<10000x128xf32, #tpu.memory_space<hbm>> -> memref<632x128xf32, #tpu.memory_space<hbm>>
        tpu.wait_dma2 semaphore(%run_scoped3A_65 : memref<!tpu.dma_semaphore, #tpu.memory_space<semaphore_mem>>) src(%dma_wait3A_72 : memref<632x128xf32, #tpu.memory_space<hbm>>) dst(%dma_wait3A_70 : memref<632x128xf32, #tpu.memory_space<vmem_shared>>)
        tpu.yield
      }) : () -> ()
    } else {
    }
    %eq3A = arith.constant 15 : i32
    %eq3A_13 = arith.cmpi eq, %arg1, %eq3A : i32
    %convert_element_type3A_14 = arith.extui %eq3A_13 : i1 to i32
    %cond3A_15 = arith.constant 0 : i32
    %cond3A_16 = arith.cmpi ne, %convert_element_type3A_14, %cond3A_15 : i32
    scf.if %cond3A_16 {
      "tpu.region"() ({
        %run_scoped3A_62 = tpu.sem_alloc : memref<!tpu.dma_semaphore, #tpu.memory_space<semaphore_mem>>
        %dma_start3A_63 = arith.constant 9480 : i32
        %dma_start3A_64 = arith.constant 0 : i32
        %dma_start3A_65 = tpu.memref_slice %arg12[%dma_start3A_63, %dma_start3A_64] : memref<10000x128xf32, #tpu.memory_space<vmem_shared>> -> memref<520x128xf32, #tpu.memory_space<vmem_shared>>
        %dma_start3A_66 = arith.constant 9480 : i32
        %dma_start3A_67 = arith.constant 0 : i32
        %dma_start3A_68 = tpu.memref_slice %arg5[%dma_start3A_66, %dma_start3A_67] : memref<10000x128xf32, #tpu.memory_space<hbm>> -> memref<520x128xf32, #tpu.memory_space<hbm>>
        tpu.enqueue_dma source(%dma_start3A_68 : memref<520x128xf32, #tpu.memory_space<hbm>>) target(%dma_start3A_65 : memref<520x128xf32, #tpu.memory_space<vmem_shared>>) target_semaphore(%run_scoped3A_62 : memref<!tpu.dma_semaphore, #tpu.memory_space<semaphore_mem>>)
        %dma_wait3A = arith.constant 9480 : i32
        %dma_wait3A_69 = arith.constant 0 : i32
        %dma_wait3A_70 = tpu.memref_slice %arg12[%dma_wait3A, %dma_wait3A_69] : memref<10000x128xf32, #tpu.memory_space<vmem_shared>> -> memref<520x128xf32, #tpu.memory_space<vmem_shared>>
        %dma_wait3A_71 = arith.constant 9480 : i32
        %dma_wait3A_72 = arith.constant 0 : i32
        %dma_wait3A_73 = tpu.memref_slice %arg5[%dma_wait3A_71, %dma_wait3A_72] : memref<10000x128xf32, #tpu.memory_space<hbm>> -> memref<520x128xf32, #tpu.memory_space<hbm>>
        tpu.wait_dma2 semaphore(%run_scoped3A_62 : memref<!tpu.dma_semaphore, #tpu.memory_space<semaphore_mem>>) src(%dma_wait3A_73 : memref<520x128xf32, #tpu.memory_space<hbm>>) dst(%dma_wait3A_70 : memref<520x128xf32, #tpu.memory_space<vmem_shared>>)
        tpu.yield
      }) : () -> ()
    } else {
    }
    %barrier3A = arith.constant 0 : index
    tpu.barrier barrier_id(%barrier3A)
    %scan3A = arith.constant 0 : i32
    %scan3A_17 = arith.constant 0 : i32
    %scan3A_18 = arith.constant 5 : i32
    %scan3A_19 = arith.addi %scan3A_17, %scan3A_18 : i32
    %scan3A_20 = arith.constant 1 : i32
    scf.for %scan3A_62 = %scan3A_17 to %scan3A_19 step %scan3A_20  : i32 {
      %gt3A = arith.constant 0 : i32
      %gt3A_63 = arith.cmpi sgt, %scan3A_62, %gt3A : i32
      %convert_element_type3A_64 = arith.extui %gt3A_63 : i1 to i32
      %cond3A_65 = arith.constant 0 : i32
      %cond3A_66 = arith.cmpi ne, %convert_element_type3A_64, %cond3A_65 : i32
      scf.if %cond3A_66 {
        %mul3A = arith.constant 16 : i32
        %mul3A_470 = arith.muli %scan3A_62, %mul3A : i32
        "tpu.region"() ({
          %run_scoped3A_485 = tpu.sem_alloc : memref<!tpu.dma_semaphore, #tpu.memory_space<semaphore_mem>>
          %dma_start3A_486 = arith.constant 0 : i32
          %dma_start3A_487 = tpu.memref_slice %arg3[%arg0, %arg1, %mul3A_470, %dma_start3A_486] : memref<2x16x80x125xi32, #tpu.memory_space<hbm>> -> memref<1x1x16x125xi32, #tpu.memory_space<hbm>>
          %dma_start3A_488 = tpu.memref_squeeze %dma_start3A_487 : memref<1x1x16x125xi32, #tpu.memory_space<hbm>> -> memref<16x125xi32, #tpu.memory_space<hbm>>
          %dma_start3A_489 = arith.constant 0 : i32
          %dma_start3A_490 = tpu.memref_slice %arg3[%arg0, %arg1, %mul3A_470, %dma_start3A_489] : memref<2x16x80x125xi32, #tpu.memory_space<hbm>> -> memref<1x1x16x125xi32, #tpu.memory_space<hbm>>
          %dma_start3A_491 = tpu.memref_squeeze %dma_start3A_490 : memref<1x1x16x125xi32, #tpu.memory_space<hbm>> -> memref<16x125xi32, #tpu.memory_space<hbm>>
          tpu.enqueue_dma source(%dma_start3A_491 : memref<16x125xi32, #tpu.memory_space<hbm>>) target(%arg9 : memref<16x125xi32, #tpu.memory_space<vmem>>) target_semaphore(%run_scoped3A_485 : memref<!tpu.dma_semaphore, #tpu.memory_space<semaphore_mem>>)
          %dma_wait3A_492 = arith.constant 0 : i32
          %dma_wait3A_493 = tpu.memref_slice %arg3[%arg0, %arg1, %mul3A_470, %dma_wait3A_492] : memref<2x16x80x125xi32, #tpu.memory_space<hbm>> -> memref<1x1x16x125xi32, #tpu.memory_space<hbm>>
          %dma_wait3A_494 = tpu.memref_squeeze %dma_wait3A_493 : memref<1x1x16x125xi32, #tpu.memory_space<hbm>> -> memref<16x125xi32, #tpu.memory_space<hbm>>
          %dma_wait3A_495 = arith.constant 0 : i32
          %dma_wait3A_496 = tpu.memref_slice %arg3[%arg0, %arg1, %mul3A_470, %dma_wait3A_495] : memref<2x16x80x125xi32, #tpu.memory_space<hbm>> -> memref<1x1x16x125xi32, #tpu.memory_space<hbm>>
          %dma_wait3A_497 = tpu.memref_squeeze %dma_wait3A_496 : memref<1x1x16x125xi32, #tpu.memory_space<hbm>> -> memref<16x125xi32, #tpu.memory_space<hbm>>
          tpu.wait_dma2 semaphore(%run_scoped3A_485 : memref<!tpu.dma_semaphore, #tpu.memory_space<semaphore_mem>>) src(%dma_wait3A_497 : memref<16x125xi32, #tpu.memory_space<hbm>>) dst(%arg9 : memref<16x125xi32, #tpu.memory_space<vmem>>)
          tpu.yield
        }) : () -> ()
        %mul3A_471 = arith.constant 16 : i32
        %mul3A_472 = arith.muli %scan3A_62, %mul3A_471 : i32
        "tpu.region"() ({
          %run_scoped3A_485 = tpu.sem_alloc : memref<!tpu.dma_semaphore, #tpu.memory_space<semaphore_mem>>
          %dma_start3A_486 = arith.constant 0 : i32
          %dma_start3A_487 = tpu.memref_slice %arg4[%arg0, %arg1, %mul3A_472, %dma_start3A_486] : memref<2x16x80x125xi32, #tpu.memory_space<hbm>> -> memref<1x1x16x125xi32, #tpu.memory_space<hbm>>
          %dma_start3A_488 = tpu.memref_squeeze %dma_start3A_487 : memref<1x1x16x125xi32, #tpu.memory_space<hbm>> -> memref<16x125xi32, #tpu.memory_space<hbm>>
          %dma_start3A_489 = arith.constant 0 : i32
          %dma_start3A_490 = tpu.memref_slice %arg4[%arg0, %arg1, %mul3A_472, %dma_start3A_489] : memref<2x16x80x125xi32, #tpu.memory_space<hbm>> -> memref<1x1x16x125xi32, #tpu.memory_space<hbm>>
          %dma_start3A_491 = tpu.memref_squeeze %dma_start3A_490 : memref<1x1x16x125xi32, #tpu.memory_space<hbm>> -> memref<16x125xi32, #tpu.memory_space<hbm>>
          tpu.enqueue_dma source(%dma_start3A_491 : memref<16x125xi32, #tpu.memory_space<hbm>>) target(%arg10 : memref<16x125xi32, #tpu.memory_space<vmem>>) target_semaphore(%run_scoped3A_485 : memref<!tpu.dma_semaphore, #tpu.memory_space<semaphore_mem>>)
          %dma_wait3A_492 = arith.constant 0 : i32
          %dma_wait3A_493 = tpu.memref_slice %arg4[%arg0, %arg1, %mul3A_472, %dma_wait3A_492] : memref<2x16x80x125xi32, #tpu.memory_space<hbm>> -> memref<1x1x16x125xi32, #tpu.memory_space<hbm>>
          %dma_wait3A_494 = tpu.memref_squeeze %dma_wait3A_493 : memref<1x1x16x125xi32, #tpu.memory_space<hbm>> -> memref<16x125xi32, #tpu.memory_space<hbm>>
          %dma_wait3A_495 = arith.constant 0 : i32
          %dma_wait3A_496 = tpu.memref_slice %arg4[%arg0, %arg1, %mul3A_472, %dma_wait3A_495] : memref<2x16x80x125xi32, #tpu.memory_space<hbm>> -> memref<1x1x16x125xi32, #tpu.memory_space<hbm>>
          %dma_wait3A_497 = tpu.memref_squeeze %dma_wait3A_496 : memref<1x1x16x125xi32, #tpu.memory_space<hbm>> -> memref<16x125xi32, #tpu.memory_space<hbm>>
          tpu.wait_dma2 semaphore(%run_scoped3A_485 : memref<!tpu.dma_semaphore, #tpu.memory_space<semaphore_mem>>) src(%dma_wait3A_497 : memref<16x125xi32, #tpu.memory_space<hbm>>) dst(%arg10 : memref<16x125xi32, #tpu.memory_space<vmem>>)
          tpu.yield
        }) : () -> ()
        %dma_start3A_473 = arith.constant 0 : i32
        %dma_start3A_474 = arith.constant 0 : i32
        %dma_start3A_475 = arith.constant 0 : i32
        %dma_start3A_476 = arith.constant 0 : i32
        %dma_start3A_477 = tpu.memref_slice %arg11[%dma_start3A_474, %dma_start3A_475, %dma_start3A_476] : memref<2x125x128xf32, #tpu.memory_space<vmem>> -> memref<1x125x128xf32, #tpu.memory_space<vmem>>
        %dma_start3A_478 = tpu.memref_squeeze %dma_start3A_477 : memref<1x125x128xf32, #tpu.memory_space<vmem>> -> memref<125x128xf32, #tpu.memory_space<vmem>>
        %dma_start3A_479 = arith.constant 0 : i32
        %dma_start3A_480 = tpu.memref_slice %arg9[%dma_start3A_473, %dma_start3A_479] : memref<16x125xi32, #tpu.memory_space<vmem>> -> memref<1x125xi32, #tpu.memory_space<vmem>>
        %dma_start3A_481 = tpu.memref_squeeze %dma_start3A_480 : memref<1x125xi32, #tpu.memory_space<vmem>> -> memref<125xi32, #tpu.memory_space<vmem>>
        %dma_start3A_482 = arith.constant 0 : i32
        %dma_start3A_483 = arith.constant 0 : i32
        %dma_start3A_484 = tpu.memref_slice %arg2[%dma_start3A_482, %dma_start3A_483] : memref<10000x128xf32, #tpu.memory_space<hbm>> -> memref<10000x128xf32, #tpu.memory_space<hbm>>
        tpu.enqueue_indirect_dma source(%dma_start3A_484 : memref<10000x128xf32, #tpu.memory_space<hbm>>) target(%dma_start3A_478 : memref<125x128xf32, #tpu.memory_space<vmem>>) offsets(%dma_start3A_481 : memref<125xi32, #tpu.memory_space<vmem>>) semaphore(%arg13 : memref<!tpu.dma_semaphore, #tpu.memory_space<semaphore_mem>>)
      } else {
      }
      %dma_wait3A = arith.constant 0 : i32
      %dma_wait3A_67 = arith.constant 0 : i32
      %dma_wait3A_68 = arith.constant 0 : i32
      %dma_wait3A_69 = arith.constant 0 : i32
      %dma_wait3A_70 = tpu.memref_slice %arg11[%dma_wait3A_67, %dma_wait3A_68, %dma_wait3A_69] : memref<2x125x128xf32, #tpu.memory_space<vmem>> -> memref<1x125x128xf32, #tpu.memory_space<vmem>>
      %dma_wait3A_71 = tpu.memref_squeeze %dma_wait3A_70 : memref<1x125x128xf32, #tpu.memory_space<vmem>> -> memref<125x128xf32, #tpu.memory_space<vmem>>
      %dma_wait3A_72 = arith.constant 0 : i32
      %dma_wait3A_73 = tpu.memref_slice %arg9[%dma_wait3A, %dma_wait3A_72] : memref<16x125xi32, #tpu.memory_space<vmem>> -> memref<1x125xi32, #tpu.memory_space<vmem>>
      %dma_wait3A_74 = tpu.memref_squeeze %dma_wait3A_73 : memref<1x125xi32, #tpu.memory_space<vmem>> -> memref<125xi32, #tpu.memory_space<vmem>>
      %dma_wait3A_75 = arith.constant 0 : i32
      %dma_wait3A_76 = arith.constant 0 : i32
      %dma_wait3A_77 = tpu.memref_slice %arg2[%dma_wait3A_75, %dma_wait3A_76] : memref<10000x128xf32, #tpu.memory_space<hbm>> -> memref<10000x128xf32, #tpu.memory_space<hbm>>
      tpu.wait_indirect_dma semaphore(%arg13 : memref<!tpu.dma_semaphore, #tpu.memory_space<semaphore_mem>>) src(%dma_wait3A_77 : memref<10000x128xf32, #tpu.memory_space<hbm>>) dst(%dma_wait3A_71 : memref<125x128xf32, #tpu.memory_space<vmem>>)
      %dma_start3A_78 = arith.constant 1 : i32
      %dma_start3A_79 = arith.constant 1 : i32
      %dma_start3A_80 = arith.constant 0 : i32
      %dma_start3A_81 = arith.constant 0 : i32
      %dma_start3A_82 = tpu.memref_slice %arg11[%dma_start3A_79, %dma_start3A_80, %dma_start3A_81] : memref<2x125x128xf32, #tpu.memory_space<vmem>> -> memref<1x125x128xf32, #tpu.memory_space<vmem>>
      %dma_start3A_83 = tpu.memref_squeeze %dma_start3A_82 : memref<1x125x128xf32, #tpu.memory_space<vmem>> -> memref<125x128xf32, #tpu.memory_space<vmem>>
      %dma_start3A_84 = arith.constant 0 : i32
      %dma_start3A_85 = tpu.memref_slice %arg9[%dma_start3A_78, %dma_start3A_84] : memref<16x125xi32, #tpu.memory_space<vmem>> -> memref<1x125xi32, #tpu.memory_space<vmem>>
      %dma_start3A_86 = tpu.memref_squeeze %dma_start3A_85 : memref<1x125xi32, #tpu.memory_space<vmem>> -> memref<125xi32, #tpu.memory_space<vmem>>
      %dma_start3A_87 = arith.constant 0 : i32
      %dma_start3A_88 = arith.constant 0 : i32
      %dma_start3A_89 = tpu.memref_slice %arg2[%dma_start3A_87, %dma_start3A_88] : memref<10000x128xf32, #tpu.memory_space<hbm>> -> memref<10000x128xf32, #tpu.memory_space<hbm>>
      tpu.enqueue_indirect_dma source(%dma_start3A_89 : memref<10000x128xf32, #tpu.memory_space<hbm>>) target(%dma_start3A_83 : memref<125x128xf32, #tpu.memory_space<vmem>>) offsets(%dma_start3A_86 : memref<125xi32, #tpu.memory_space<vmem>>) semaphore(%arg13 : memref<!tpu.dma_semaphore, #tpu.memory_space<semaphore_mem>>)
      %run_scoped3A_90 = arith.constant 0 : i32
      %run_scoped3A_91 = arith.constant 0 : i32
      "tpu.region"() ({
        %run_scoped3A_470 = tpu.sem_alloc : memref<!tpu.dma_semaphore, #tpu.memory_space<semaphore_mem>>
        %dma_start3A_471 = arith.constant 0 : i32
        %dma_start3A_472 = arith.constant 0 : i32
        %dma_start3A_473 = tpu.memref_slice %arg11[%run_scoped3A_90, %dma_start3A_471, %dma_start3A_472] : memref<2x125x128xf32, #tpu.memory_space<vmem>> -> memref<1x125x128xf32, #tpu.memory_space<vmem>>
        %dma_start3A_474 = tpu.memref_squeeze %dma_start3A_473 : memref<1x125x128xf32, #tpu.memory_space<vmem>> -> memref<125x128xf32, #tpu.memory_space<vmem>>
        %dma_start3A_475 = arith.constant 0 : i32
        %dma_start3A_476 = tpu.memref_slice %arg10[%run_scoped3A_91, %dma_start3A_475] : memref<16x125xi32, #tpu.memory_space<vmem>> -> memref<1x125xi32, #tpu.memory_space<vmem>>
        %dma_start3A_477 = tpu.memref_squeeze %dma_start3A_476 : memref<1x125xi32, #tpu.memory_space<vmem>> -> memref<125xi32, #tpu.memory_space<vmem>>
        %dma_start3A_478 = arith.constant 0 : i32
        %dma_start3A_479 = arith.constant 0 : i32
        %dma_start3A_480 = tpu.memref_slice %arg12[%dma_start3A_478, %dma_start3A_479] : memref<10000x128xf32, #tpu.memory_space<vmem_shared>> -> memref<10000x128xf32, #tpu.memory_space<vmem_shared>>
        tpu.enqueue_indirect_dma source(%dma_start3A_474 : memref<125x128xf32, #tpu.memory_space<vmem>>) target(%dma_start3A_480 : memref<10000x128xf32, #tpu.memory_space<vmem_shared>>) offsets(%dma_start3A_477 : memref<125xi32, #tpu.memory_space<vmem>>) semaphore(%run_scoped3A_470 : memref<!tpu.dma_semaphore, #tpu.memory_space<semaphore_mem>>) {add = true}
        %dma_wait3A_481 = arith.constant 0 : i32
        %dma_wait3A_482 = arith.constant 0 : i32
        %dma_wait3A_483 = tpu.memref_slice %arg11[%run_scoped3A_90, %dma_wait3A_481, %dma_wait3A_482] : memref<2x125x128xf32, #tpu.memory_space<vmem>> -> memref<1x125x128xf32, #tpu.memory_space<vmem>>
        %dma_wait3A_484 = tpu.memref_squeeze %dma_wait3A_483 : memref<1x125x128xf32, #tpu.memory_space<vmem>> -> memref<125x128xf32, #tpu.memory_space<vmem>>
        %dma_wait3A_485 = arith.constant 0 : i32
        %dma_wait3A_486 = tpu.memref_slice %arg10[%run_scoped3A_91, %dma_wait3A_485] : memref<16x125xi32, #tpu.memory_space<vmem>> -> memref<1x125xi32, #tpu.memory_space<vmem>>
        %dma_wait3A_487 = tpu.memref_squeeze %dma_wait3A_486 : memref<1x125xi32, #tpu.memory_space<vmem>> -> memref<125xi32, #tpu.memory_space<vmem>>
        %dma_wait3A_488 = arith.constant 0 : i32
        %dma_wait3A_489 = arith.constant 0 : i32
        %dma_wait3A_490 = tpu.memref_slice %arg12[%dma_wait3A_488, %dma_wait3A_489] : memref<10000x128xf32, #tpu.memory_space<vmem_shared>> -> memref<10000x128xf32, #tpu.memory_space<vmem_shared>>
        tpu.wait_indirect_dma semaphore(%run_scoped3A_470 : memref<!tpu.dma_semaphore, #tpu.memory_space<semaphore_mem>>) src(%dma_wait3A_484 : memref<125x128xf32, #tpu.memory_space<vmem>>) dst(%dma_wait3A_490 : memref<10000x128xf32, #tpu.memory_space<vmem_shared>>)
        tpu.yield
      }) : () -> ()
      %dma_wait3A_92 = arith.constant 1 : i32
      %dma_wait3A_93 = arith.constant 1 : i32
      %dma_wait3A_94 = arith.constant 0 : i32
      %dma_wait3A_95 = arith.constant 0 : i32
      %dma_wait3A_96 = tpu.memref_slice %arg11[%dma_wait3A_93, %dma_wait3A_94, %dma_wait3A_95] : memref<2x125x128xf32, #tpu.memory_space<vmem>> -> memref<1x125x128xf32, #tpu.memory_space<vmem>>
      %dma_wait3A_97 = tpu.memref_squeeze %dma_wait3A_96 : memref<1x125x128xf32, #tpu.memory_space<vmem>> -> memref<125x128xf32, #tpu.memory_space<vmem>>
      %dma_wait3A_98 = arith.constant 0 : i32
      %dma_wait3A_99 = tpu.memref_slice %arg9[%dma_wait3A_92, %dma_wait3A_98] : memref<16x125xi32, #tpu.memory_space<vmem>> -> memref<1x125xi32, #tpu.memory_space<vmem>>
      %dma_wait3A_100 = tpu.memref_squeeze %dma_wait3A_99 : memref<1x125xi32, #tpu.memory_space<vmem>> -> memref<125xi32, #tpu.memory_space<vmem>>
      %dma_wait3A_101 = arith.constant 0 : i32
      %dma_wait3A_102 = arith.constant 0 : i32
      %dma_wait3A_103 = tpu.memref_slice %arg2[%dma_wait3A_101, %dma_wait3A_102] : memref<10000x128xf32, #tpu.memory_space<hbm>> -> memref<10000x128xf32, #tpu.memory_space<hbm>>
      tpu.wait_indirect_dma semaphore(%arg13 : memref<!tpu.dma_semaphore, #tpu.memory_space<semaphore_mem>>) src(%dma_wait3A_103 : memref<10000x128xf32, #tpu.memory_space<hbm>>) dst(%dma_wait3A_97 : memref<125x128xf32, #tpu.memory_space<vmem>>)
      %dma_start3A_104 = arith.constant 2 : i32
      %dma_start3A_105 = arith.constant 0 : i32
      %dma_start3A_106 = arith.constant 0 : i32
      %dma_start3A_107 = arith.constant 0 : i32
      %dma_start3A_108 = tpu.memref_slice %arg11[%dma_start3A_105, %dma_start3A_106, %dma_start3A_107] : memref<2x125x128xf32, #tpu.memory_space<vmem>> -> memref<1x125x128xf32, #tpu.memory_space<vmem>>
      %dma_start3A_109 = tpu.memref_squeeze %dma_start3A_108 : memref<1x125x128xf32, #tpu.memory_space<vmem>> -> memref<125x128xf32, #tpu.memory_space<vmem>>
      %dma_start3A_110 = arith.constant 0 : i32
      %dma_start3A_111 = tpu.memref_slice %arg9[%dma_start3A_104, %dma_start3A_110] : memref<16x125xi32, #tpu.memory_space<vmem>> -> memref<1x125xi32, #tpu.memory_space<vmem>>
      %dma_start3A_112 = tpu.memref_squeeze %dma_start3A_111 : memref<1x125xi32, #tpu.memory_space<vmem>> -> memref<125xi32, #tpu.memory_space<vmem>>
      %dma_start3A_113 = arith.constant 0 : i32
      %dma_start3A_114 = arith.constant 0 : i32
      %dma_start3A_115 = tpu.memref_slice %arg2[%dma_start3A_113, %dma_start3A_114] : memref<10000x128xf32, #tpu.memory_space<hbm>> -> memref<10000x128xf32, #tpu.memory_space<hbm>>
      tpu.enqueue_indirect_dma source(%dma_start3A_115 : memref<10000x128xf32, #tpu.memory_space<hbm>>) target(%dma_start3A_109 : memref<125x128xf32, #tpu.memory_space<vmem>>) offsets(%dma_start3A_112 : memref<125xi32, #tpu.memory_space<vmem>>) semaphore(%arg13 : memref<!tpu.dma_semaphore, #tpu.memory_space<semaphore_mem>>)
      %run_scoped3A_116 = arith.constant 1 : i32
      %run_scoped3A_117 = arith.constant 1 : i32
      "tpu.region"() ({
        %run_scoped3A_470 = tpu.sem_alloc : memref<!tpu.dma_semaphore, #tpu.memory_space<semaphore_mem>>
        %dma_start3A_471 = arith.constant 0 : i32
        %dma_start3A_472 = arith.constant 0 : i32
        %dma_start3A_473 = tpu.memref_slice %arg11[%run_scoped3A_116, %dma_start3A_471, %dma_start3A_472] : memref<2x125x128xf32, #tpu.memory_space<vmem>> -> memref<1x125x128xf32, #tpu.memory_space<vmem>>
        %dma_start3A_474 = tpu.memref_squeeze %dma_start3A_473 : memref<1x125x128xf32, #tpu.memory_space<vmem>> -> memref<125x128xf32, #tpu.memory_space<vmem>>
        %dma_start3A_475 = arith.constant 0 : i32
        %dma_start3A_476 = tpu.memref_slice %arg10[%run_scoped3A_117, %dma_start3A_475] : memref<16x125xi32, #tpu.memory_space<vmem>> -> memref<1x125xi32, #tpu.memory_space<vmem>>
        %dma_start3A_477 = tpu.memref_squeeze %dma_start3A_476 : memref<1x125xi32, #tpu.memory_space<vmem>> -> memref<125xi32, #tpu.memory_space<vmem>>
        %dma_start3A_478 = arith.constant 0 : i32
        %dma_start3A_479 = arith.constant 0 : i32
        %dma_start3A_480 = tpu.memref_slice %arg12[%dma_start3A_478, %dma_start3A_479] : memref<10000x128xf32, #tpu.memory_space<vmem_shared>> -> memref<10000x128xf32, #tpu.memory_space<vmem_shared>>
        tpu.enqueue_indirect_dma source(%dma_start3A_474 : memref<125x128xf32, #tpu.memory_space<vmem>>) target(%dma_start3A_480 : memref<10000x128xf32, #tpu.memory_space<vmem_shared>>) offsets(%dma_start3A_477 : memref<125xi32, #tpu.memory_space<vmem>>) semaphore(%run_scoped3A_470 : memref<!tpu.dma_semaphore, #tpu.memory_space<semaphore_mem>>) {add = true}
        %dma_wait3A_481 = arith.constant 0 : i32
        %dma_wait3A_482 = arith.constant 0 : i32
        %dma_wait3A_483 = tpu.memref_slice %arg11[%run_scoped3A_116, %dma_wait3A_481, %dma_wait3A_482] : memref<2x125x128xf32, #tpu.memory_space<vmem>> -> memref<1x125x128xf32, #tpu.memory_space<vmem>>
        %dma_wait3A_484 = tpu.memref_squeeze %dma_wait3A_483 : memref<1x125x128xf32, #tpu.memory_space<vmem>> -> memref<125x128xf32, #tpu.memory_space<vmem>>
        %dma_wait3A_485 = arith.constant 0 : i32
        %dma_wait3A_486 = tpu.memref_slice %arg10[%run_scoped3A_117, %dma_wait3A_485] : memref<16x125xi32, #tpu.memory_space<vmem>> -> memref<1x125xi32, #tpu.memory_space<vmem>>
        %dma_wait3A_487 = tpu.memref_squeeze %dma_wait3A_486 : memref<1x125xi32, #tpu.memory_space<vmem>> -> memref<125xi32, #tpu.memory_space<vmem>>
        %dma_wait3A_488 = arith.constant 0 : i32
        %dma_wait3A_489 = arith.constant 0 : i32
        %dma_wait3A_490 = tpu.memref_slice %arg12[%dma_wait3A_488, %dma_wait3A_489] : memref<10000x128xf32, #tpu.memory_space<vmem_shared>> -> memref<10000x128xf32, #tpu.memory_space<vmem_shared>>
        tpu.wait_indirect_dma semaphore(%run_scoped3A_470 : memref<!tpu.dma_semaphore, #tpu.memory_space<semaphore_mem>>) src(%dma_wait3A_484 : memref<125x128xf32, #tpu.memory_space<vmem>>) dst(%dma_wait3A_490 : memref<10000x128xf32, #tpu.memory_space<vmem_shared>>)
        tpu.yield
      }) : () -> ()
      %dma_wait3A_118 = arith.constant 2 : i32
      %dma_wait3A_119 = arith.constant 0 : i32
      %dma_wait3A_120 = arith.constant 0 : i32
      %dma_wait3A_121 = arith.constant 0 : i32
      %dma_wait3A_122 = tpu.memref_slice %arg11[%dma_wait3A_119, %dma_wait3A_120, %dma_wait3A_121] : memref<2x125x128xf32, #tpu.memory_space<vmem>> -> memref<1x125x128xf32, #tpu.memory_space<vmem>>
      %dma_wait3A_123 = tpu.memref_squeeze %dma_wait3A_122 : memref<1x125x128xf32, #tpu.memory_space<vmem>> -> memref<125x128xf32, #tpu.memory_space<vmem>>
      %dma_wait3A_124 = arith.constant 0 : i32
      %dma_wait3A_125 = tpu.memref_slice %arg9[%dma_wait3A_118, %dma_wait3A_124] : memref<16x125xi32, #tpu.memory_space<vmem>> -> memref<1x125xi32, #tpu.memory_space<vmem>>
      %dma_wait3A_126 = tpu.memref_squeeze %dma_wait3A_125 : memref<1x125xi32, #tpu.memory_space<vmem>> -> memref<125xi32, #tpu.memory_space<vmem>>
      %dma_wait3A_127 = arith.constant 0 : i32
      %dma_wait3A_128 = arith.constant 0 : i32
      %dma_wait3A_129 = tpu.memref_slice %arg2[%dma_wait3A_127, %dma_wait3A_128] : memref<10000x128xf32, #tpu.memory_space<hbm>> -> memref<10000x128xf32, #tpu.memory_space<hbm>>
      tpu.wait_indirect_dma semaphore(%arg13 : memref<!tpu.dma_semaphore, #tpu.memory_space<semaphore_mem>>) src(%dma_wait3A_129 : memref<10000x128xf32, #tpu.memory_space<hbm>>) dst(%dma_wait3A_123 : memref<125x128xf32, #tpu.memory_space<vmem>>)
      %dma_start3A_130 = arith.constant 3 : i32
      %dma_start3A_131 = arith.constant 1 : i32
      %dma_start3A_132 = arith.constant 0 : i32
      %dma_start3A_133 = arith.constant 0 : i32
      %dma_start3A_134 = tpu.memref_slice %arg11[%dma_start3A_131, %dma_start3A_132, %dma_start3A_133] : memref<2x125x128xf32, #tpu.memory_space<vmem>> -> memref<1x125x128xf32, #tpu.memory_space<vmem>>
      %dma_start3A_135 = tpu.memref_squeeze %dma_start3A_134 : memref<1x125x128xf32, #tpu.memory_space<vmem>> -> memref<125x128xf32, #tpu.memory_space<vmem>>
      %dma_start3A_136 = arith.constant 0 : i32
      %dma_start3A_137 = tpu.memref_slice %arg9[%dma_start3A_130, %dma_start3A_136] : memref<16x125xi32, #tpu.memory_space<vmem>> -> memref<1x125xi32, #tpu.memory_space<vmem>>
      %dma_start3A_138 = tpu.memref_squeeze %dma_start3A_137 : memref<1x125xi32, #tpu.memory_space<vmem>> -> memref<125xi32, #tpu.memory_space<vmem>>
      %dma_start3A_139 = arith.constant 0 : i32
      %dma_start3A_140 = arith.constant 0 : i32
      %dma_start3A_141 = tpu.memref_slice %arg2[%dma_start3A_139, %dma_start3A_140] : memref<10000x128xf32, #tpu.memory_space<hbm>> -> memref<10000x128xf32, #tpu.memory_space<hbm>>
      tpu.enqueue_indirect_dma source(%dma_start3A_141 : memref<10000x128xf32, #tpu.memory_space<hbm>>) target(%dma_start3A_135 : memref<125x128xf32, #tpu.memory_space<vmem>>) offsets(%dma_start3A_138 : memref<125xi32, #tpu.memory_space<vmem>>) semaphore(%arg13 : memref<!tpu.dma_semaphore, #tpu.memory_space<semaphore_mem>>)
      %run_scoped3A_142 = arith.constant 0 : i32
      %run_scoped3A_143 = arith.constant 2 : i32
      "tpu.region"() ({
        %run_scoped3A_470 = tpu.sem_alloc : memref<!tpu.dma_semaphore, #tpu.memory_space<semaphore_mem>>
        %dma_start3A_471 = arith.constant 0 : i32
        %dma_start3A_472 = arith.constant 0 : i32
        %dma_start3A_473 = tpu.memref_slice %arg11[%run_scoped3A_142, %dma_start3A_471, %dma_start3A_472] : memref<2x125x128xf32, #tpu.memory_space<vmem>> -> memref<1x125x128xf32, #tpu.memory_space<vmem>>
        %dma_start3A_474 = tpu.memref_squeeze %dma_start3A_473 : memref<1x125x128xf32, #tpu.memory_space<vmem>> -> memref<125x128xf32, #tpu.memory_space<vmem>>
        %dma_start3A_475 = arith.constant 0 : i32
        %dma_start3A_476 = tpu.memref_slice %arg10[%run_scoped3A_143, %dma_start3A_475] : memref<16x125xi32, #tpu.memory_space<vmem>> -> memref<1x125xi32, #tpu.memory_space<vmem>>
        %dma_start3A_477 = tpu.memref_squeeze %dma_start3A_476 : memref<1x125xi32, #tpu.memory_space<vmem>> -> memref<125xi32, #tpu.memory_space<vmem>>
        %dma_start3A_478 = arith.constant 0 : i32
        %dma_start3A_479 = arith.constant 0 : i32
        %dma_start3A_480 = tpu.memref_slice %arg12[%dma_start3A_478, %dma_start3A_479] : memref<10000x128xf32, #tpu.memory_space<vmem_shared>> -> memref<10000x128xf32, #tpu.memory_space<vmem_shared>>
        tpu.enqueue_indirect_dma source(%dma_start3A_474 : memref<125x128xf32, #tpu.memory_space<vmem>>) target(%dma_start3A_480 : memref<10000x128xf32, #tpu.memory_space<vmem_shared>>) offsets(%dma_start3A_477 : memref<125xi32, #tpu.memory_space<vmem>>) semaphore(%run_scoped3A_470 : memref<!tpu.dma_semaphore, #tpu.memory_space<semaphore_mem>>) {add = true}
        %dma_wait3A_481 = arith.constant 0 : i32
        %dma_wait3A_482 = arith.constant 0 : i32
        %dma_wait3A_483 = tpu.memref_slice %arg11[%run_scoped3A_142, %dma_wait3A_481, %dma_wait3A_482] : memref<2x125x128xf32, #tpu.memory_space<vmem>> -> memref<1x125x128xf32, #tpu.memory_space<vmem>>
        %dma_wait3A_484 = tpu.memref_squeeze %dma_wait3A_483 : memref<1x125x128xf32, #tpu.memory_space<vmem>> -> memref<125x128xf32, #tpu.memory_space<vmem>>
        %dma_wait3A_485 = arith.constant 0 : i32
        %dma_wait3A_486 = tpu.memref_slice %arg10[%run_scoped3A_143, %dma_wait3A_485] : memref<16x125xi32, #tpu.memory_space<vmem>> -> memref<1x125xi32, #tpu.memory_space<vmem>>
        %dma_wait3A_487 = tpu.memref_squeeze %dma_wait3A_486 : memref<1x125xi32, #tpu.memory_space<vmem>> -> memref<125xi32, #tpu.memory_space<vmem>>
        %dma_wait3A_488 = arith.constant 0 : i32
        %dma_wait3A_489 = arith.constant 0 : i32
        %dma_wait3A_490 = tpu.memref_slice %arg12[%dma_wait3A_488, %dma_wait3A_489] : memref<10000x128xf32, #tpu.memory_space<vmem_shared>> -> memref<10000x128xf32, #tpu.memory_space<vmem_shared>>
        tpu.wait_indirect_dma semaphore(%run_scoped3A_470 : memref<!tpu.dma_semaphore, #tpu.memory_space<semaphore_mem>>) src(%dma_wait3A_484 : memref<125x128xf32, #tpu.memory_space<vmem>>) dst(%dma_wait3A_490 : memref<10000x128xf32, #tpu.memory_space<vmem_shared>>)
        tpu.yield
      }) : () -> ()
      %dma_wait3A_144 = arith.constant 3 : i32
      %dma_wait3A_145 = arith.constant 1 : i32
      %dma_wait3A_146 = arith.constant 0 : i32
      %dma_wait3A_147 = arith.constant 0 : i32
      %dma_wait3A_148 = tpu.memref_slice %arg11[%dma_wait3A_145, %dma_wait3A_146, %dma_wait3A_147] : memref<2x125x128xf32, #tpu.memory_space<vmem>> -> memref<1x125x128xf32, #tpu.memory_space<vmem>>
      %dma_wait3A_149 = tpu.memref_squeeze %dma_wait3A_148 : memref<1x125x128xf32, #tpu.memory_space<vmem>> -> memref<125x128xf32, #tpu.memory_space<vmem>>
      %dma_wait3A_150 = arith.constant 0 : i32
      %dma_wait3A_151 = tpu.memref_slice %arg9[%dma_wait3A_144, %dma_wait3A_150] : memref<16x125xi32, #tpu.memory_space<vmem>> -> memref<1x125xi32, #tpu.memory_space<vmem>>
      %dma_wait3A_152 = tpu.memref_squeeze %dma_wait3A_151 : memref<1x125xi32, #tpu.memory_space<vmem>> -> memref<125xi32, #tpu.memory_space<vmem>>
      %dma_wait3A_153 = arith.constant 0 : i32
      %dma_wait3A_154 = arith.constant 0 : i32
      %dma_wait3A_155 = tpu.memref_slice %arg2[%dma_wait3A_153, %dma_wait3A_154] : memref<10000x128xf32, #tpu.memory_space<hbm>> -> memref<10000x128xf32, #tpu.memory_space<hbm>>
      tpu.wait_indirect_dma semaphore(%arg13 : memref<!tpu.dma_semaphore, #tpu.memory_space<semaphore_mem>>) src(%dma_wait3A_155 : memref<10000x128xf32, #tpu.memory_space<hbm>>) dst(%dma_wait3A_149 : memref<125x128xf32, #tpu.memory_space<vmem>>)
      %dma_start3A_156 = arith.constant 4 : i32
      %dma_start3A_157 = arith.constant 0 : i32
      %dma_start3A_158 = arith.constant 0 : i32
      %dma_start3A_159 = arith.constant 0 : i32
      %dma_start3A_160 = tpu.memref_slice %arg11[%dma_start3A_157, %dma_start3A_158, %dma_start3A_159] : memref<2x125x128xf32, #tpu.memory_space<vmem>> -> memref<1x125x128xf32, #tpu.memory_space<vmem>>
      %dma_start3A_161 = tpu.memref_squeeze %dma_start3A_160 : memref<1x125x128xf32, #tpu.memory_space<vmem>> -> memref<125x128xf32, #tpu.memory_space<vmem>>
      %dma_start3A_162 = arith.constant 0 : i32
      %dma_start3A_163 = tpu.memref_slice %arg9[%dma_start3A_156, %dma_start3A_162] : memref<16x125xi32, #tpu.memory_space<vmem>> -> memref<1x125xi32, #tpu.memory_space<vmem>>
      %dma_start3A_164 = tpu.memref_squeeze %dma_start3A_163 : memref<1x125xi32, #tpu.memory_space<vmem>> -> memref<125xi32, #tpu.memory_space<vmem>>
      %dma_start3A_165 = arith.constant 0 : i32
      %dma_start3A_166 = arith.constant 0 : i32
      %dma_start3A_167 = tpu.memref_slice %arg2[%dma_start3A_165, %dma_start3A_166] : memref<10000x128xf32, #tpu.memory_space<hbm>> -> memref<10000x128xf32, #tpu.memory_space<hbm>>
      tpu.enqueue_indirect_dma source(%dma_start3A_167 : memref<10000x128xf32, #tpu.memory_space<hbm>>) target(%dma_start3A_161 : memref<125x128xf32, #tpu.memory_space<vmem>>) offsets(%dma_start3A_164 : memref<125xi32, #tpu.memory_space<vmem>>) semaphore(%arg13 : memref<!tpu.dma_semaphore, #tpu.memory_space<semaphore_mem>>)
      %run_scoped3A_168 = arith.constant 1 : i32
      %run_scoped3A_169 = arith.constant 3 : i32
      "tpu.region"() ({
        %run_scoped3A_470 = tpu.sem_alloc : memref<!tpu.dma_semaphore, #tpu.memory_space<semaphore_mem>>
        %dma_start3A_471 = arith.constant 0 : i32
        %dma_start3A_472 = arith.constant 0 : i32
        %dma_start3A_473 = tpu.memref_slice %arg11[%run_scoped3A_168, %dma_start3A_471, %dma_start3A_472] : memref<2x125x128xf32, #tpu.memory_space<vmem>> -> memref<1x125x128xf32, #tpu.memory_space<vmem>>
        %dma_start3A_474 = tpu.memref_squeeze %dma_start3A_473 : memref<1x125x128xf32, #tpu.memory_space<vmem>> -> memref<125x128xf32, #tpu.memory_space<vmem>>
        %dma_start3A_475 = arith.constant 0 : i32
        %dma_start3A_476 = tpu.memref_slice %arg10[%run_scoped3A_169, %dma_start3A_475] : memref<16x125xi32, #tpu.memory_space<vmem>> -> memref<1x125xi32, #tpu.memory_space<vmem>>
        %dma_start3A_477 = tpu.memref_squeeze %dma_start3A_476 : memref<1x125xi32, #tpu.memory_space<vmem>> -> memref<125xi32, #tpu.memory_space<vmem>>
        %dma_start3A_478 = arith.constant 0 : i32
        %dma_start3A_479 = arith.constant 0 : i32
        %dma_start3A_480 = tpu.memref_slice %arg12[%dma_start3A_478, %dma_start3A_479] : memref<10000x128xf32, #tpu.memory_space<vmem_shared>> -> memref<10000x128xf32, #tpu.memory_space<vmem_shared>>
        tpu.enqueue_indirect_dma source(%dma_start3A_474 : memref<125x128xf32, #tpu.memory_space<vmem>>) target(%dma_start3A_480 : memref<10000x128xf32, #tpu.memory_space<vmem_shared>>) offsets(%dma_start3A_477 : memref<125xi32, #tpu.memory_space<vmem>>) semaphore(%run_scoped3A_470 : memref<!tpu.dma_semaphore, #tpu.memory_space<semaphore_mem>>) {add = true}
        %dma_wait3A_481 = arith.constant 0 : i32
        %dma_wait3A_482 = arith.constant 0 : i32
        %dma_wait3A_483 = tpu.memref_slice %arg11[%run_scoped3A_168, %dma_wait3A_481, %dma_wait3A_482] : memref<2x125x128xf32, #tpu.memory_space<vmem>> -> memref<1x125x128xf32, #tpu.memory_space<vmem>>
        %dma_wait3A_484 = tpu.memref_squeeze %dma_wait3A_483 : memref<1x125x128xf32, #tpu.memory_space<vmem>> -> memref<125x128xf32, #tpu.memory_space<vmem>>
        %dma_wait3A_485 = arith.constant 0 : i32
        %dma_wait3A_486 = tpu.memref_slice %arg10[%run_scoped3A_169, %dma_wait3A_485] : memref<16x125xi32, #tpu.memory_space<vmem>> -> memref<1x125xi32, #tpu.memory_space<vmem>>
        %dma_wait3A_487 = tpu.memref_squeeze %dma_wait3A_486 : memref<1x125xi32, #tpu.memory_space<vmem>> -> memref<125xi32, #tpu.memory_space<vmem>>
        %dma_wait3A_488 = arith.constant 0 : i32
        %dma_wait3A_489 = arith.constant 0 : i32
        %dma_wait3A_490 = tpu.memref_slice %arg12[%dma_wait3A_488, %dma_wait3A_489] : memref<10000x128xf32, #tpu.memory_space<vmem_shared>> -> memref<10000x128xf32, #tpu.memory_space<vmem_shared>>
        tpu.wait_indirect_dma semaphore(%run_scoped3A_470 : memref<!tpu.dma_semaphore, #tpu.memory_space<semaphore_mem>>) src(%dma_wait3A_484 : memref<125x128xf32, #tpu.memory_space<vmem>>) dst(%dma_wait3A_490 : memref<10000x128xf32, #tpu.memory_space<vmem_shared>>)
        tpu.yield
      }) : () -> ()
      %dma_wait3A_170 = arith.constant 4 : i32
      %dma_wait3A_171 = arith.constant 0 : i32
      %dma_wait3A_172 = arith.constant 0 : i32
      %dma_wait3A_173 = arith.constant 0 : i32
      %dma_wait3A_174 = tpu.memref_slice %arg11[%dma_wait3A_171, %dma_wait3A_172, %dma_wait3A_173] : memref<2x125x128xf32, #tpu.memory_space<vmem>> -> memref<1x125x128xf32, #tpu.memory_space<vmem>>
      %dma_wait3A_175 = tpu.memref_squeeze %dma_wait3A_174 : memref<1x125x128xf32, #tpu.memory_space<vmem>> -> memref<125x128xf32, #tpu.memory_space<vmem>>
      %dma_wait3A_176 = arith.constant 0 : i32
      %dma_wait3A_177 = tpu.memref_slice %arg9[%dma_wait3A_170, %dma_wait3A_176] : memref<16x125xi32, #tpu.memory_space<vmem>> -> memref<1x125xi32, #tpu.memory_space<vmem>>
      %dma_wait3A_178 = tpu.memref_squeeze %dma_wait3A_177 : memref<1x125xi32, #tpu.memory_space<vmem>> -> memref<125xi32, #tpu.memory_space<vmem>>
      %dma_wait3A_179 = arith.constant 0 : i32
      %dma_wait3A_180 = arith.constant 0 : i32
      %dma_wait3A_181 = tpu.memref_slice %arg2[%dma_wait3A_179, %dma_wait3A_180] : memref<10000x128xf32, #tpu.memory_space<hbm>> -> memref<10000x128xf32, #tpu.memory_space<hbm>>
      tpu.wait_indirect_dma semaphore(%arg13 : memref<!tpu.dma_semaphore, #tpu.memory_space<semaphore_mem>>) src(%dma_wait3A_181 : memref<10000x128xf32, #tpu.memory_space<hbm>>) dst(%dma_wait3A_175 : memref<125x128xf32, #tpu.memory_space<vmem>>)
      %dma_start3A_182 = arith.constant 5 : i32
      %dma_start3A_183 = arith.constant 1 : i32
      %dma_start3A_184 = arith.constant 0 : i32
      %dma_start3A_185 = arith.constant 0 : i32
      %dma_start3A_186 = tpu.memref_slice %arg11[%dma_start3A_183, %dma_start3A_184, %dma_start3A_185] : memref<2x125x128xf32, #tpu.memory_space<vmem>> -> memref<1x125x128xf32, #tpu.memory_space<vmem>>
      %dma_start3A_187 = tpu.memref_squeeze %dma_start3A_186 : memref<1x125x128xf32, #tpu.memory_space<vmem>> -> memref<125x128xf32, #tpu.memory_space<vmem>>
      %dma_start3A_188 = arith.constant 0 : i32
      %dma_start3A_189 = tpu.memref_slice %arg9[%dma_start3A_182, %dma_start3A_188] : memref<16x125xi32, #tpu.memory_space<vmem>> -> memref<1x125xi32, #tpu.memory_space<vmem>>
      %dma_start3A_190 = tpu.memref_squeeze %dma_start3A_189 : memref<1x125xi32, #tpu.memory_space<vmem>> -> memref<125xi32, #tpu.memory_space<vmem>>
      %dma_start3A_191 = arith.constant 0 : i32
      %dma_start3A_192 = arith.constant 0 : i32
      %dma_start3A_193 = tpu.memref_slice %arg2[%dma_start3A_191, %dma_start3A_192] : memref<10000x128xf32, #tpu.memory_space<hbm>> -> memref<10000x128xf32, #tpu.memory_space<hbm>>
      tpu.enqueue_indirect_dma source(%dma_start3A_193 : memref<10000x128xf32, #tpu.memory_space<hbm>>) target(%dma_start3A_187 : memref<125x128xf32, #tpu.memory_space<vmem>>) offsets(%dma_start3A_190 : memref<125xi32, #tpu.memory_space<vmem>>) semaphore(%arg13 : memref<!tpu.dma_semaphore, #tpu.memory_space<semaphore_mem>>)
      %run_scoped3A_194 = arith.constant 0 : i32
      %run_scoped3A_195 = arith.constant 4 : i32
      "tpu.region"() ({
        %run_scoped3A_470 = tpu.sem_alloc : memref<!tpu.dma_semaphore, #tpu.memory_space<semaphore_mem>>
        %dma_start3A_471 = arith.constant 0 : i32
        %dma_start3A_472 = arith.constant 0 : i32
        %dma_start3A_473 = tpu.memref_slice %arg11[%run_scoped3A_194, %dma_start3A_471, %dma_start3A_472] : memref<2x125x128xf32, #tpu.memory_space<vmem>> -> memref<1x125x128xf32, #tpu.memory_space<vmem>>
        %dma_start3A_474 = tpu.memref_squeeze %dma_start3A_473 : memref<1x125x128xf32, #tpu.memory_space<vmem>> -> memref<125x128xf32, #tpu.memory_space<vmem>>
        %dma_start3A_475 = arith.constant 0 : i32
        %dma_start3A_476 = tpu.memref_slice %arg10[%run_scoped3A_195, %dma_start3A_475] : memref<16x125xi32, #tpu.memory_space<vmem>> -> memref<1x125xi32, #tpu.memory_space<vmem>>
        %dma_start3A_477 = tpu.memref_squeeze %dma_start3A_476 : memref<1x125xi32, #tpu.memory_space<vmem>> -> memref<125xi32, #tpu.memory_space<vmem>>
        %dma_start3A_478 = arith.constant 0 : i32
        %dma_start3A_479 = arith.constant 0 : i32
        %dma_start3A_480 = tpu.memref_slice %arg12[%dma_start3A_478, %dma_start3A_479] : memref<10000x128xf32, #tpu.memory_space<vmem_shared>> -> memref<10000x128xf32, #tpu.memory_space<vmem_shared>>
        tpu.enqueue_indirect_dma source(%dma_start3A_474 : memref<125x128xf32, #tpu.memory_space<vmem>>) target(%dma_start3A_480 : memref<10000x128xf32, #tpu.memory_space<vmem_shared>>) offsets(%dma_start3A_477 : memref<125xi32, #tpu.memory_space<vmem>>) semaphore(%run_scoped3A_470 : memref<!tpu.dma_semaphore, #tpu.memory_space<semaphore_mem>>) {add = true}
        %dma_wait3A_481 = arith.constant 0 : i32
        %dma_wait3A_482 = arith.constant 0 : i32
        %dma_wait3A_483 = tpu.memref_slice %arg11[%run_scoped3A_194, %dma_wait3A_481, %dma_wait3A_482] : memref<2x125x128xf32, #tpu.memory_space<vmem>> -> memref<1x125x128xf32, #tpu.memory_space<vmem>>
        %dma_wait3A_484 = tpu.memref_squeeze %dma_wait3A_483 : memref<1x125x128xf32, #tpu.memory_space<vmem>> -> memref<125x128xf32, #tpu.memory_space<vmem>>
        %dma_wait3A_485 = arith.constant 0 : i32
        %dma_wait3A_486 = tpu.memref_slice %arg10[%run_scoped3A_195, %dma_wait3A_485] : memref<16x125xi32, #tpu.memory_space<vmem>> -> memref<1x125xi32, #tpu.memory_space<vmem>>
        %dma_wait3A_487 = tpu.memref_squeeze %dma_wait3A_486 : memref<1x125xi32, #tpu.memory_space<vmem>> -> memref<125xi32, #tpu.memory_space<vmem>>
        %dma_wait3A_488 = arith.constant 0 : i32
        %dma_wait3A_489 = arith.constant 0 : i32
        %dma_wait3A_490 = tpu.memref_slice %arg12[%dma_wait3A_488, %dma_wait3A_489] : memref<10000x128xf32, #tpu.memory_space<vmem_shared>> -> memref<10000x128xf32, #tpu.memory_space<vmem_shared>>
        tpu.wait_indirect_dma semaphore(%run_scoped3A_470 : memref<!tpu.dma_semaphore, #tpu.memory_space<semaphore_mem>>) src(%dma_wait3A_484 : memref<125x128xf32, #tpu.memory_space<vmem>>) dst(%dma_wait3A_490 : memref<10000x128xf32, #tpu.memory_space<vmem_shared>>)
        tpu.yield
      }) : () -> ()
      %dma_wait3A_196 = arith.constant 5 : i32
      %dma_wait3A_197 = arith.constant 1 : i32
      %dma_wait3A_198 = arith.constant 0 : i32
      %dma_wait3A_199 = arith.constant 0 : i32
      %dma_wait3A_200 = tpu.memref_slice %arg11[%dma_wait3A_197, %dma_wait3A_198, %dma_wait3A_199] : memref<2x125x128xf32, #tpu.memory_space<vmem>> -> memref<1x125x128xf32, #tpu.memory_space<vmem>>
      %dma_wait3A_201 = tpu.memref_squeeze %dma_wait3A_200 : memref<1x125x128xf32, #tpu.memory_space<vmem>> -> memref<125x128xf32, #tpu.memory_space<vmem>>
      %dma_wait3A_202 = arith.constant 0 : i32
      %dma_wait3A_203 = tpu.memref_slice %arg9[%dma_wait3A_196, %dma_wait3A_202] : memref<16x125xi32, #tpu.memory_space<vmem>> -> memref<1x125xi32, #tpu.memory_space<vmem>>
      %dma_wait3A_204 = tpu.memref_squeeze %dma_wait3A_203 : memref<1x125xi32, #tpu.memory_space<vmem>> -> memref<125xi32, #tpu.memory_space<vmem>>
      %dma_wait3A_205 = arith.constant 0 : i32
      %dma_wait3A_206 = arith.constant 0 : i32
      %dma_wait3A_207 = tpu.memref_slice %arg2[%dma_wait3A_205, %dma_wait3A_206] : memref<10000x128xf32, #tpu.memory_space<hbm>> -> memref<10000x128xf32, #tpu.memory_space<hbm>>
      tpu.wait_indirect_dma semaphore(%arg13 : memref<!tpu.dma_semaphore, #tpu.memory_space<semaphore_mem>>) src(%dma_wait3A_207 : memref<10000x128xf32, #tpu.memory_space<hbm>>) dst(%dma_wait3A_201 : memref<125x128xf32, #tpu.memory_space<vmem>>)
      %dma_start3A_208 = arith.constant 6 : i32
      %dma_start3A_209 = arith.constant 0 : i32
      %dma_start3A_210 = arith.constant 0 : i32
      %dma_start3A_211 = arith.constant 0 : i32
      %dma_start3A_212 = tpu.memref_slice %arg11[%dma_start3A_209, %dma_start3A_210, %dma_start3A_211] : memref<2x125x128xf32, #tpu.memory_space<vmem>> -> memref<1x125x128xf32, #tpu.memory_space<vmem>>
      %dma_start3A_213 = tpu.memref_squeeze %dma_start3A_212 : memref<1x125x128xf32, #tpu.memory_space<vmem>> -> memref<125x128xf32, #tpu.memory_space<vmem>>
      %dma_start3A_214 = arith.constant 0 : i32
      %dma_start3A_215 = tpu.memref_slice %arg9[%dma_start3A_208, %dma_start3A_214] : memref<16x125xi32, #tpu.memory_space<vmem>> -> memref<1x125xi32, #tpu.memory_space<vmem>>
      %dma_start3A_216 = tpu.memref_squeeze %dma_start3A_215 : memref<1x125xi32, #tpu.memory_space<vmem>> -> memref<125xi32, #tpu.memory_space<vmem>>
      %dma_start3A_217 = arith.constant 0 : i32
      %dma_start3A_218 = arith.constant 0 : i32
      %dma_start3A_219 = tpu.memref_slice %arg2[%dma_start3A_217, %dma_start3A_218] : memref<10000x128xf32, #tpu.memory_space<hbm>> -> memref<10000x128xf32, #tpu.memory_space<hbm>>
      tpu.enqueue_indirect_dma source(%dma_start3A_219 : memref<10000x128xf32, #tpu.memory_space<hbm>>) target(%dma_start3A_213 : memref<125x128xf32, #tpu.memory_space<vmem>>) offsets(%dma_start3A_216 : memref<125xi32, #tpu.memory_space<vmem>>) semaphore(%arg13 : memref<!tpu.dma_semaphore, #tpu.memory_space<semaphore_mem>>)
      %run_scoped3A_220 = arith.constant 1 : i32
      %run_scoped3A_221 = arith.constant 5 : i32
      "tpu.region"() ({
        %run_scoped3A_470 = tpu.sem_alloc : memref<!tpu.dma_semaphore, #tpu.memory_space<semaphore_mem>>
        %dma_start3A_471 = arith.constant 0 : i32
        %dma_start3A_472 = arith.constant 0 : i32
        %dma_start3A_473 = tpu.memref_slice %arg11[%run_scoped3A_220, %dma_start3A_471, %dma_start3A_472] : memref<2x125x128xf32, #tpu.memory_space<vmem>> -> memref<1x125x128xf32, #tpu.memory_space<vmem>>
        %dma_start3A_474 = tpu.memref_squeeze %dma_start3A_473 : memref<1x125x128xf32, #tpu.memory_space<vmem>> -> memref<125x128xf32, #tpu.memory_space<vmem>>
        %dma_start3A_475 = arith.constant 0 : i32
        %dma_start3A_476 = tpu.memref_slice %arg10[%run_scoped3A_221, %dma_start3A_475] : memref<16x125xi32, #tpu.memory_space<vmem>> -> memref<1x125xi32, #tpu.memory_space<vmem>>
        %dma_start3A_477 = tpu.memref_squeeze %dma_start3A_476 : memref<1x125xi32, #tpu.memory_space<vmem>> -> memref<125xi32, #tpu.memory_space<vmem>>
        %dma_start3A_478 = arith.constant 0 : i32
        %dma_start3A_479 = arith.constant 0 : i32
        %dma_start3A_480 = tpu.memref_slice %arg12[%dma_start3A_478, %dma_start3A_479] : memref<10000x128xf32, #tpu.memory_space<vmem_shared>> -> memref<10000x128xf32, #tpu.memory_space<vmem_shared>>
        tpu.enqueue_indirect_dma source(%dma_start3A_474 : memref<125x128xf32, #tpu.memory_space<vmem>>) target(%dma_start3A_480 : memref<10000x128xf32, #tpu.memory_space<vmem_shared>>) offsets(%dma_start3A_477 : memref<125xi32, #tpu.memory_space<vmem>>) semaphore(%run_scoped3A_470 : memref<!tpu.dma_semaphore, #tpu.memory_space<semaphore_mem>>) {add = true}
        %dma_wait3A_481 = arith.constant 0 : i32
        %dma_wait3A_482 = arith.constant 0 : i32
        %dma_wait3A_483 = tpu.memref_slice %arg11[%run_scoped3A_220, %dma_wait3A_481, %dma_wait3A_482] : memref<2x125x128xf32, #tpu.memory_space<vmem>> -> memref<1x125x128xf32, #tpu.memory_space<vmem>>
        %dma_wait3A_484 = tpu.memref_squeeze %dma_wait3A_483 : memref<1x125x128xf32, #tpu.memory_space<vmem>> -> memref<125x128xf32, #tpu.memory_space<vmem>>
        %dma_wait3A_485 = arith.constant 0 : i32
        %dma_wait3A_486 = tpu.memref_slice %arg10[%run_scoped3A_221, %dma_wait3A_485] : memref<16x125xi32, #tpu.memory_space<vmem>> -> memref<1x125xi32, #tpu.memory_space<vmem>>
        %dma_wait3A_487 = tpu.memref_squeeze %dma_wait3A_486 : memref<1x125xi32, #tpu.memory_space<vmem>> -> memref<125xi32, #tpu.memory_space<vmem>>
        %dma_wait3A_488 = arith.constant 0 : i32
        %dma_wait3A_489 = arith.constant 0 : i32
        %dma_wait3A_490 = tpu.memref_slice %arg12[%dma_wait3A_488, %dma_wait3A_489] : memref<10000x128xf32, #tpu.memory_space<vmem_shared>> -> memref<10000x128xf32, #tpu.memory_space<vmem_shared>>
        tpu.wait_indirect_dma semaphore(%run_scoped3A_470 : memref<!tpu.dma_semaphore, #tpu.memory_space<semaphore_mem>>) src(%dma_wait3A_484 : memref<125x128xf32, #tpu.memory_space<vmem>>) dst(%dma_wait3A_490 : memref<10000x128xf32, #tpu.memory_space<vmem_shared>>)
        tpu.yield
      }) : () -> ()
      %dma_wait3A_222 = arith.constant 6 : i32
      %dma_wait3A_223 = arith.constant 0 : i32
      %dma_wait3A_224 = arith.constant 0 : i32
      %dma_wait3A_225 = arith.constant 0 : i32
      %dma_wait3A_226 = tpu.memref_slice %arg11[%dma_wait3A_223, %dma_wait3A_224, %dma_wait3A_225] : memref<2x125x128xf32, #tpu.memory_space<vmem>> -> memref<1x125x128xf32, #tpu.memory_space<vmem>>
      %dma_wait3A_227 = tpu.memref_squeeze %dma_wait3A_226 : memref<1x125x128xf32, #tpu.memory_space<vmem>> -> memref<125x128xf32, #tpu.memory_space<vmem>>
      %dma_wait3A_228 = arith.constant 0 : i32
      %dma_wait3A_229 = tpu.memref_slice %arg9[%dma_wait3A_222, %dma_wait3A_228] : memref<16x125xi32, #tpu.memory_space<vmem>> -> memref<1x125xi32, #tpu.memory_space<vmem>>
      %dma_wait3A_230 = tpu.memref_squeeze %dma_wait3A_229 : memref<1x125xi32, #tpu.memory_space<vmem>> -> memref<125xi32, #tpu.memory_space<vmem>>
      %dma_wait3A_231 = arith.constant 0 : i32
      %dma_wait3A_232 = arith.constant 0 : i32
      %dma_wait3A_233 = tpu.memref_slice %arg2[%dma_wait3A_231, %dma_wait3A_232] : memref<10000x128xf32, #tpu.memory_space<hbm>> -> memref<10000x128xf32, #tpu.memory_space<hbm>>
      tpu.wait_indirect_dma semaphore(%arg13 : memref<!tpu.dma_semaphore, #tpu.memory_space<semaphore_mem>>) src(%dma_wait3A_233 : memref<10000x128xf32, #tpu.memory_space<hbm>>) dst(%dma_wait3A_227 : memref<125x128xf32, #tpu.memory_space<vmem>>)
      %dma_start3A_234 = arith.constant 7 : i32
      %dma_start3A_235 = arith.constant 1 : i32
      %dma_start3A_236 = arith.constant 0 : i32
      %dma_start3A_237 = arith.constant 0 : i32
      %dma_start3A_238 = tpu.memref_slice %arg11[%dma_start3A_235, %dma_start3A_236, %dma_start3A_237] : memref<2x125x128xf32, #tpu.memory_space<vmem>> -> memref<1x125x128xf32, #tpu.memory_space<vmem>>
      %dma_start3A_239 = tpu.memref_squeeze %dma_start3A_238 : memref<1x125x128xf32, #tpu.memory_space<vmem>> -> memref<125x128xf32, #tpu.memory_space<vmem>>
      %dma_start3A_240 = arith.constant 0 : i32
      %dma_start3A_241 = tpu.memref_slice %arg9[%dma_start3A_234, %dma_start3A_240] : memref<16x125xi32, #tpu.memory_space<vmem>> -> memref<1x125xi32, #tpu.memory_space<vmem>>
      %dma_start3A_242 = tpu.memref_squeeze %dma_start3A_241 : memref<1x125xi32, #tpu.memory_space<vmem>> -> memref<125xi32, #tpu.memory_space<vmem>>
      %dma_start3A_243 = arith.constant 0 : i32
      %dma_start3A_244 = arith.constant 0 : i32
      %dma_start3A_245 = tpu.memref_slice %arg2[%dma_start3A_243, %dma_start3A_244] : memref<10000x128xf32, #tpu.memory_space<hbm>> -> memref<10000x128xf32, #tpu.memory_space<hbm>>
      tpu.enqueue_indirect_dma source(%dma_start3A_245 : memref<10000x128xf32, #tpu.memory_space<hbm>>) target(%dma_start3A_239 : memref<125x128xf32, #tpu.memory_space<vmem>>) offsets(%dma_start3A_242 : memref<125xi32, #tpu.memory_space<vmem>>) semaphore(%arg13 : memref<!tpu.dma_semaphore, #tpu.memory_space<semaphore_mem>>)
      %run_scoped3A_246 = arith.constant 0 : i32
      %run_scoped3A_247 = arith.constant 6 : i32
      "tpu.region"() ({
        %run_scoped3A_470 = tpu.sem_alloc : memref<!tpu.dma_semaphore, #tpu.memory_space<semaphore_mem>>
        %dma_start3A_471 = arith.constant 0 : i32
        %dma_start3A_472 = arith.constant 0 : i32
        %dma_start3A_473 = tpu.memref_slice %arg11[%run_scoped3A_246, %dma_start3A_471, %dma_start3A_472] : memref<2x125x128xf32, #tpu.memory_space<vmem>> -> memref<1x125x128xf32, #tpu.memory_space<vmem>>
        %dma_start3A_474 = tpu.memref_squeeze %dma_start3A_473 : memref<1x125x128xf32, #tpu.memory_space<vmem>> -> memref<125x128xf32, #tpu.memory_space<vmem>>
        %dma_start3A_475 = arith.constant 0 : i32
        %dma_start3A_476 = tpu.memref_slice %arg10[%run_scoped3A_247, %dma_start3A_475] : memref<16x125xi32, #tpu.memory_space<vmem>> -> memref<1x125xi32, #tpu.memory_space<vmem>>
        %dma_start3A_477 = tpu.memref_squeeze %dma_start3A_476 : memref<1x125xi32, #tpu.memory_space<vmem>> -> memref<125xi32, #tpu.memory_space<vmem>>
        %dma_start3A_478 = arith.constant 0 : i32
        %dma_start3A_479 = arith.constant 0 : i32
        %dma_start3A_480 = tpu.memref_slice %arg12[%dma_start3A_478, %dma_start3A_479] : memref<10000x128xf32, #tpu.memory_space<vmem_shared>> -> memref<10000x128xf32, #tpu.memory_space<vmem_shared>>
        tpu.enqueue_indirect_dma source(%dma_start3A_474 : memref<125x128xf32, #tpu.memory_space<vmem>>) target(%dma_start3A_480 : memref<10000x128xf32, #tpu.memory_space<vmem_shared>>) offsets(%dma_start3A_477 : memref<125xi32, #tpu.memory_space<vmem>>) semaphore(%run_scoped3A_470 : memref<!tpu.dma_semaphore, #tpu.memory_space<semaphore_mem>>) {add = true}
        %dma_wait3A_481 = arith.constant 0 : i32
        %dma_wait3A_482 = arith.constant 0 : i32
        %dma_wait3A_483 = tpu.memref_slice %arg11[%run_scoped3A_246, %dma_wait3A_481, %dma_wait3A_482] : memref<2x125x128xf32, #tpu.memory_space<vmem>> -> memref<1x125x128xf32, #tpu.memory_space<vmem>>
        %dma_wait3A_484 = tpu.memref_squeeze %dma_wait3A_483 : memref<1x125x128xf32, #tpu.memory_space<vmem>> -> memref<125x128xf32, #tpu.memory_space<vmem>>
        %dma_wait3A_485 = arith.constant 0 : i32
        %dma_wait3A_486 = tpu.memref_slice %arg10[%run_scoped3A_247, %dma_wait3A_485] : memref<16x125xi32, #tpu.memory_space<vmem>> -> memref<1x125xi32, #tpu.memory_space<vmem>>
        %dma_wait3A_487 = tpu.memref_squeeze %dma_wait3A_486 : memref<1x125xi32, #tpu.memory_space<vmem>> -> memref<125xi32, #tpu.memory_space<vmem>>
        %dma_wait3A_488 = arith.constant 0 : i32
        %dma_wait3A_489 = arith.constant 0 : i32
        %dma_wait3A_490 = tpu.memref_slice %arg12[%dma_wait3A_488, %dma_wait3A_489] : memref<10000x128xf32, #tpu.memory_space<vmem_shared>> -> memref<10000x128xf32, #tpu.memory_space<vmem_shared>>
        tpu.wait_indirect_dma semaphore(%run_scoped3A_470 : memref<!tpu.dma_semaphore, #tpu.memory_space<semaphore_mem>>) src(%dma_wait3A_484 : memref<125x128xf32, #tpu.memory_space<vmem>>) dst(%dma_wait3A_490 : memref<10000x128xf32, #tpu.memory_space<vmem_shared>>)
        tpu.yield
      }) : () -> ()
      %dma_wait3A_248 = arith.constant 7 : i32
      %dma_wait3A_249 = arith.constant 1 : i32
      %dma_wait3A_250 = arith.constant 0 : i32
      %dma_wait3A_251 = arith.constant 0 : i32
      %dma_wait3A_252 = tpu.memref_slice %arg11[%dma_wait3A_249, %dma_wait3A_250, %dma_wait3A_251] : memref<2x125x128xf32, #tpu.memory_space<vmem>> -> memref<1x125x128xf32, #tpu.memory_space<vmem>>
      %dma_wait3A_253 = tpu.memref_squeeze %dma_wait3A_252 : memref<1x125x128xf32, #tpu.memory_space<vmem>> -> memref<125x128xf32, #tpu.memory_space<vmem>>
      %dma_wait3A_254 = arith.constant 0 : i32
      %dma_wait3A_255 = tpu.memref_slice %arg9[%dma_wait3A_248, %dma_wait3A_254] : memref<16x125xi32, #tpu.memory_space<vmem>> -> memref<1x125xi32, #tpu.memory_space<vmem>>
      %dma_wait3A_256 = tpu.memref_squeeze %dma_wait3A_255 : memref<1x125xi32, #tpu.memory_space<vmem>> -> memref<125xi32, #tpu.memory_space<vmem>>
      %dma_wait3A_257 = arith.constant 0 : i32
      %dma_wait3A_258 = arith.constant 0 : i32
      %dma_wait3A_259 = tpu.memref_slice %arg2[%dma_wait3A_257, %dma_wait3A_258] : memref<10000x128xf32, #tpu.memory_space<hbm>> -> memref<10000x128xf32, #tpu.memory_space<hbm>>
      tpu.wait_indirect_dma semaphore(%arg13 : memref<!tpu.dma_semaphore, #tpu.memory_space<semaphore_mem>>) src(%dma_wait3A_259 : memref<10000x128xf32, #tpu.memory_space<hbm>>) dst(%dma_wait3A_253 : memref<125x128xf32, #tpu.memory_space<vmem>>)
      %dma_start3A_260 = arith.constant 8 : i32
      %dma_start3A_261 = arith.constant 0 : i32
      %dma_start3A_262 = arith.constant 0 : i32
      %dma_start3A_263 = arith.constant 0 : i32
      %dma_start3A_264 = tpu.memref_slice %arg11[%dma_start3A_261, %dma_start3A_262, %dma_start3A_263] : memref<2x125x128xf32, #tpu.memory_space<vmem>> -> memref<1x125x128xf32, #tpu.memory_space<vmem>>
      %dma_start3A_265 = tpu.memref_squeeze %dma_start3A_264 : memref<1x125x128xf32, #tpu.memory_space<vmem>> -> memref<125x128xf32, #tpu.memory_space<vmem>>
      %dma_start3A_266 = arith.constant 0 : i32
      %dma_start3A_267 = tpu.memref_slice %arg9[%dma_start3A_260, %dma_start3A_266] : memref<16x125xi32, #tpu.memory_space<vmem>> -> memref<1x125xi32, #tpu.memory_space<vmem>>
      %dma_start3A_268 = tpu.memref_squeeze %dma_start3A_267 : memref<1x125xi32, #tpu.memory_space<vmem>> -> memref<125xi32, #tpu.memory_space<vmem>>
      %dma_start3A_269 = arith.constant 0 : i32
      %dma_start3A_270 = arith.constant 0 : i32
      %dma_start3A_271 = tpu.memref_slice %arg2[%dma_start3A_269, %dma_start3A_270] : memref<10000x128xf32, #tpu.memory_space<hbm>> -> memref<10000x128xf32, #tpu.memory_space<hbm>>
      tpu.enqueue_indirect_dma source(%dma_start3A_271 : memref<10000x128xf32, #tpu.memory_space<hbm>>) target(%dma_start3A_265 : memref<125x128xf32, #tpu.memory_space<vmem>>) offsets(%dma_start3A_268 : memref<125xi32, #tpu.memory_space<vmem>>) semaphore(%arg13 : memref<!tpu.dma_semaphore, #tpu.memory_space<semaphore_mem>>)
      %run_scoped3A_272 = arith.constant 1 : i32
      %run_scoped3A_273 = arith.constant 7 : i32
      "tpu.region"() ({
        %run_scoped3A_470 = tpu.sem_alloc : memref<!tpu.dma_semaphore, #tpu.memory_space<semaphore_mem>>
        %dma_start3A_471 = arith.constant 0 : i32
        %dma_start3A_472 = arith.constant 0 : i32
        %dma_start3A_473 = tpu.memref_slice %arg11[%run_scoped3A_272, %dma_start3A_471, %dma_start3A_472] : memref<2x125x128xf32, #tpu.memory_space<vmem>> -> memref<1x125x128xf32, #tpu.memory_space<vmem>>
        %dma_start3A_474 = tpu.memref_squeeze %dma_start3A_473 : memref<1x125x128xf32, #tpu.memory_space<vmem>> -> memref<125x128xf32, #tpu.memory_space<vmem>>
        %dma_start3A_475 = arith.constant 0 : i32
        %dma_start3A_476 = tpu.memref_slice %arg10[%run_scoped3A_273, %dma_start3A_475] : memref<16x125xi32, #tpu.memory_space<vmem>> -> memref<1x125xi32, #tpu.memory_space<vmem>>
        %dma_start3A_477 = tpu.memref_squeeze %dma_start3A_476 : memref<1x125xi32, #tpu.memory_space<vmem>> -> memref<125xi32, #tpu.memory_space<vmem>>
        %dma_start3A_478 = arith.constant 0 : i32
        %dma_start3A_479 = arith.constant 0 : i32
        %dma_start3A_480 = tpu.memref_slice %arg12[%dma_start3A_478, %dma_start3A_479] : memref<10000x128xf32, #tpu.memory_space<vmem_shared>> -> memref<10000x128xf32, #tpu.memory_space<vmem_shared>>
        tpu.enqueue_indirect_dma source(%dma_start3A_474 : memref<125x128xf32, #tpu.memory_space<vmem>>) target(%dma_start3A_480 : memref<10000x128xf32, #tpu.memory_space<vmem_shared>>) offsets(%dma_start3A_477 : memref<125xi32, #tpu.memory_space<vmem>>) semaphore(%run_scoped3A_470 : memref<!tpu.dma_semaphore, #tpu.memory_space<semaphore_mem>>) {add = true}
        %dma_wait3A_481 = arith.constant 0 : i32
        %dma_wait3A_482 = arith.constant 0 : i32
        %dma_wait3A_483 = tpu.memref_slice %arg11[%run_scoped3A_272, %dma_wait3A_481, %dma_wait3A_482] : memref<2x125x128xf32, #tpu.memory_space<vmem>> -> memref<1x125x128xf32, #tpu.memory_space<vmem>>
        %dma_wait3A_484 = tpu.memref_squeeze %dma_wait3A_483 : memref<1x125x128xf32, #tpu.memory_space<vmem>> -> memref<125x128xf32, #tpu.memory_space<vmem>>
        %dma_wait3A_485 = arith.constant 0 : i32
        %dma_wait3A_486 = tpu.memref_slice %arg10[%run_scoped3A_273, %dma_wait3A_485] : memref<16x125xi32, #tpu.memory_space<vmem>> -> memref<1x125xi32, #tpu.memory_space<vmem>>
        %dma_wait3A_487 = tpu.memref_squeeze %dma_wait3A_486 : memref<1x125xi32, #tpu.memory_space<vmem>> -> memref<125xi32, #tpu.memory_space<vmem>>
        %dma_wait3A_488 = arith.constant 0 : i32
        %dma_wait3A_489 = arith.constant 0 : i32
        %dma_wait3A_490 = tpu.memref_slice %arg12[%dma_wait3A_488, %dma_wait3A_489] : memref<10000x128xf32, #tpu.memory_space<vmem_shared>> -> memref<10000x128xf32, #tpu.memory_space<vmem_shared>>
        tpu.wait_indirect_dma semaphore(%run_scoped3A_470 : memref<!tpu.dma_semaphore, #tpu.memory_space<semaphore_mem>>) src(%dma_wait3A_484 : memref<125x128xf32, #tpu.memory_space<vmem>>) dst(%dma_wait3A_490 : memref<10000x128xf32, #tpu.memory_space<vmem_shared>>)
        tpu.yield
      }) : () -> ()
      %dma_wait3A_274 = arith.constant 8 : i32
      %dma_wait3A_275 = arith.constant 0 : i32
      %dma_wait3A_276 = arith.constant 0 : i32
      %dma_wait3A_277 = arith.constant 0 : i32
      %dma_wait3A_278 = tpu.memref_slice %arg11[%dma_wait3A_275, %dma_wait3A_276, %dma_wait3A_277] : memref<2x125x128xf32, #tpu.memory_space<vmem>> -> memref<1x125x128xf32, #tpu.memory_space<vmem>>
      %dma_wait3A_279 = tpu.memref_squeeze %dma_wait3A_278 : memref<1x125x128xf32, #tpu.memory_space<vmem>> -> memref<125x128xf32, #tpu.memory_space<vmem>>
      %dma_wait3A_280 = arith.constant 0 : i32
      %dma_wait3A_281 = tpu.memref_slice %arg9[%dma_wait3A_274, %dma_wait3A_280] : memref<16x125xi32, #tpu.memory_space<vmem>> -> memref<1x125xi32, #tpu.memory_space<vmem>>
      %dma_wait3A_282 = tpu.memref_squeeze %dma_wait3A_281 : memref<1x125xi32, #tpu.memory_space<vmem>> -> memref<125xi32, #tpu.memory_space<vmem>>
      %dma_wait3A_283 = arith.constant 0 : i32
      %dma_wait3A_284 = arith.constant 0 : i32
      %dma_wait3A_285 = tpu.memref_slice %arg2[%dma_wait3A_283, %dma_wait3A_284] : memref<10000x128xf32, #tpu.memory_space<hbm>> -> memref<10000x128xf32, #tpu.memory_space<hbm>>
      tpu.wait_indirect_dma semaphore(%arg13 : memref<!tpu.dma_semaphore, #tpu.memory_space<semaphore_mem>>) src(%dma_wait3A_285 : memref<10000x128xf32, #tpu.memory_space<hbm>>) dst(%dma_wait3A_279 : memref<125x128xf32, #tpu.memory_space<vmem>>)
      %dma_start3A_286 = arith.constant 9 : i32
      %dma_start3A_287 = arith.constant 1 : i32
      %dma_start3A_288 = arith.constant 0 : i32
      %dma_start3A_289 = arith.constant 0 : i32
      %dma_start3A_290 = tpu.memref_slice %arg11[%dma_start3A_287, %dma_start3A_288, %dma_start3A_289] : memref<2x125x128xf32, #tpu.memory_space<vmem>> -> memref<1x125x128xf32, #tpu.memory_space<vmem>>
      %dma_start3A_291 = tpu.memref_squeeze %dma_start3A_290 : memref<1x125x128xf32, #tpu.memory_space<vmem>> -> memref<125x128xf32, #tpu.memory_space<vmem>>
      %dma_start3A_292 = arith.constant 0 : i32
      %dma_start3A_293 = tpu.memref_slice %arg9[%dma_start3A_286, %dma_start3A_292] : memref<16x125xi32, #tpu.memory_space<vmem>> -> memref<1x125xi32, #tpu.memory_space<vmem>>
      %dma_start3A_294 = tpu.memref_squeeze %dma_start3A_293 : memref<1x125xi32, #tpu.memory_space<vmem>> -> memref<125xi32, #tpu.memory_space<vmem>>
      %dma_start3A_295 = arith.constant 0 : i32
      %dma_start3A_296 = arith.constant 0 : i32
      %dma_start3A_297 = tpu.memref_slice %arg2[%dma_start3A_295, %dma_start3A_296] : memref<10000x128xf32, #tpu.memory_space<hbm>> -> memref<10000x128xf32, #tpu.memory_space<hbm>>
      tpu.enqueue_indirect_dma source(%dma_start3A_297 : memref<10000x128xf32, #tpu.memory_space<hbm>>) target(%dma_start3A_291 : memref<125x128xf32, #tpu.memory_space<vmem>>) offsets(%dma_start3A_294 : memref<125xi32, #tpu.memory_space<vmem>>) semaphore(%arg13 : memref<!tpu.dma_semaphore, #tpu.memory_space<semaphore_mem>>)
      %run_scoped3A_298 = arith.constant 0 : i32
      %run_scoped3A_299 = arith.constant 8 : i32
      "tpu.region"() ({
        %run_scoped3A_470 = tpu.sem_alloc : memref<!tpu.dma_semaphore, #tpu.memory_space<semaphore_mem>>
        %dma_start3A_471 = arith.constant 0 : i32
        %dma_start3A_472 = arith.constant 0 : i32
        %dma_start3A_473 = tpu.memref_slice %arg11[%run_scoped3A_298, %dma_start3A_471, %dma_start3A_472] : memref<2x125x128xf32, #tpu.memory_space<vmem>> -> memref<1x125x128xf32, #tpu.memory_space<vmem>>
        %dma_start3A_474 = tpu.memref_squeeze %dma_start3A_473 : memref<1x125x128xf32, #tpu.memory_space<vmem>> -> memref<125x128xf32, #tpu.memory_space<vmem>>
        %dma_start3A_475 = arith.constant 0 : i32
        %dma_start3A_476 = tpu.memref_slice %arg10[%run_scoped3A_299, %dma_start3A_475] : memref<16x125xi32, #tpu.memory_space<vmem>> -> memref<1x125xi32, #tpu.memory_space<vmem>>
        %dma_start3A_477 = tpu.memref_squeeze %dma_start3A_476 : memref<1x125xi32, #tpu.memory_space<vmem>> -> memref<125xi32, #tpu.memory_space<vmem>>
        %dma_start3A_478 = arith.constant 0 : i32
        %dma_start3A_479 = arith.constant 0 : i32
        %dma_start3A_480 = tpu.memref_slice %arg12[%dma_start3A_478, %dma_start3A_479] : memref<10000x128xf32, #tpu.memory_space<vmem_shared>> -> memref<10000x128xf32, #tpu.memory_space<vmem_shared>>
        tpu.enqueue_indirect_dma source(%dma_start3A_474 : memref<125x128xf32, #tpu.memory_space<vmem>>) target(%dma_start3A_480 : memref<10000x128xf32, #tpu.memory_space<vmem_shared>>) offsets(%dma_start3A_477 : memref<125xi32, #tpu.memory_space<vmem>>) semaphore(%run_scoped3A_470 : memref<!tpu.dma_semaphore, #tpu.memory_space<semaphore_mem>>) {add = true}
        %dma_wait3A_481 = arith.constant 0 : i32
        %dma_wait3A_482 = arith.constant 0 : i32
        %dma_wait3A_483 = tpu.memref_slice %arg11[%run_scoped3A_298, %dma_wait3A_481, %dma_wait3A_482] : memref<2x125x128xf32, #tpu.memory_space<vmem>> -> memref<1x125x128xf32, #tpu.memory_space<vmem>>
        %dma_wait3A_484 = tpu.memref_squeeze %dma_wait3A_483 : memref<1x125x128xf32, #tpu.memory_space<vmem>> -> memref<125x128xf32, #tpu.memory_space<vmem>>
        %dma_wait3A_485 = arith.constant 0 : i32
        %dma_wait3A_486 = tpu.memref_slice %arg10[%run_scoped3A_299, %dma_wait3A_485] : memref<16x125xi32, #tpu.memory_space<vmem>> -> memref<1x125xi32, #tpu.memory_space<vmem>>
        %dma_wait3A_487 = tpu.memref_squeeze %dma_wait3A_486 : memref<1x125xi32, #tpu.memory_space<vmem>> -> memref<125xi32, #tpu.memory_space<vmem>>
        %dma_wait3A_488 = arith.constant 0 : i32
        %dma_wait3A_489 = arith.constant 0 : i32
        %dma_wait3A_490 = tpu.memref_slice %arg12[%dma_wait3A_488, %dma_wait3A_489] : memref<10000x128xf32, #tpu.memory_space<vmem_shared>> -> memref<10000x128xf32, #tpu.memory_space<vmem_shared>>
        tpu.wait_indirect_dma semaphore(%run_scoped3A_470 : memref<!tpu.dma_semaphore, #tpu.memory_space<semaphore_mem>>) src(%dma_wait3A_484 : memref<125x128xf32, #tpu.memory_space<vmem>>) dst(%dma_wait3A_490 : memref<10000x128xf32, #tpu.memory_space<vmem_shared>>)
        tpu.yield
      }) : () -> ()
      %dma_wait3A_300 = arith.constant 9 : i32
      %dma_wait3A_301 = arith.constant 1 : i32
      %dma_wait3A_302 = arith.constant 0 : i32
      %dma_wait3A_303 = arith.constant 0 : i32
      %dma_wait3A_304 = tpu.memref_slice %arg11[%dma_wait3A_301, %dma_wait3A_302, %dma_wait3A_303] : memref<2x125x128xf32, #tpu.memory_space<vmem>> -> memref<1x125x128xf32, #tpu.memory_space<vmem>>
      %dma_wait3A_305 = tpu.memref_squeeze %dma_wait3A_304 : memref<1x125x128xf32, #tpu.memory_space<vmem>> -> memref<125x128xf32, #tpu.memory_space<vmem>>
      %dma_wait3A_306 = arith.constant 0 : i32
      %dma_wait3A_307 = tpu.memref_slice %arg9[%dma_wait3A_300, %dma_wait3A_306] : memref<16x125xi32, #tpu.memory_space<vmem>> -> memref<1x125xi32, #tpu.memory_space<vmem>>
      %dma_wait3A_308 = tpu.memref_squeeze %dma_wait3A_307 : memref<1x125xi32, #tpu.memory_space<vmem>> -> memref<125xi32, #tpu.memory_space<vmem>>
      %dma_wait3A_309 = arith.constant 0 : i32
      %dma_wait3A_310 = arith.constant 0 : i32
      %dma_wait3A_311 = tpu.memref_slice %arg2[%dma_wait3A_309, %dma_wait3A_310] : memref<10000x128xf32, #tpu.memory_space<hbm>> -> memref<10000x128xf32, #tpu.memory_space<hbm>>
      tpu.wait_indirect_dma semaphore(%arg13 : memref<!tpu.dma_semaphore, #tpu.memory_space<semaphore_mem>>) src(%dma_wait3A_311 : memref<10000x128xf32, #tpu.memory_space<hbm>>) dst(%dma_wait3A_305 : memref<125x128xf32, #tpu.memory_space<vmem>>)
      %dma_start3A_312 = arith.constant 10 : i32
      %dma_start3A_313 = arith.constant 0 : i32
      %dma_start3A_314 = arith.constant 0 : i32
      %dma_start3A_315 = arith.constant 0 : i32
      %dma_start3A_316 = tpu.memref_slice %arg11[%dma_start3A_313, %dma_start3A_314, %dma_start3A_315] : memref<2x125x128xf32, #tpu.memory_space<vmem>> -> memref<1x125x128xf32, #tpu.memory_space<vmem>>
      %dma_start3A_317 = tpu.memref_squeeze %dma_start3A_316 : memref<1x125x128xf32, #tpu.memory_space<vmem>> -> memref<125x128xf32, #tpu.memory_space<vmem>>
      %dma_start3A_318 = arith.constant 0 : i32
      %dma_start3A_319 = tpu.memref_slice %arg9[%dma_start3A_312, %dma_start3A_318] : memref<16x125xi32, #tpu.memory_space<vmem>> -> memref<1x125xi32, #tpu.memory_space<vmem>>
      %dma_start3A_320 = tpu.memref_squeeze %dma_start3A_319 : memref<1x125xi32, #tpu.memory_space<vmem>> -> memref<125xi32, #tpu.memory_space<vmem>>
      %dma_start3A_321 = arith.constant 0 : i32
      %dma_start3A_322 = arith.constant 0 : i32
      %dma_start3A_323 = tpu.memref_slice %arg2[%dma_start3A_321, %dma_start3A_322] : memref<10000x128xf32, #tpu.memory_space<hbm>> -> memref<10000x128xf32, #tpu.memory_space<hbm>>
      tpu.enqueue_indirect_dma source(%dma_start3A_323 : memref<10000x128xf32, #tpu.memory_space<hbm>>) target(%dma_start3A_317 : memref<125x128xf32, #tpu.memory_space<vmem>>) offsets(%dma_start3A_320 : memref<125xi32, #tpu.memory_space<vmem>>) semaphore(%arg13 : memref<!tpu.dma_semaphore, #tpu.memory_space<semaphore_mem>>)
      %run_scoped3A_324 = arith.constant 1 : i32
      %run_scoped3A_325 = arith.constant 9 : i32
      "tpu.region"() ({
        %run_scoped3A_470 = tpu.sem_alloc : memref<!tpu.dma_semaphore, #tpu.memory_space<semaphore_mem>>
        %dma_start3A_471 = arith.constant 0 : i32
        %dma_start3A_472 = arith.constant 0 : i32
        %dma_start3A_473 = tpu.memref_slice %arg11[%run_scoped3A_324, %dma_start3A_471, %dma_start3A_472] : memref<2x125x128xf32, #tpu.memory_space<vmem>> -> memref<1x125x128xf32, #tpu.memory_space<vmem>>
        %dma_start3A_474 = tpu.memref_squeeze %dma_start3A_473 : memref<1x125x128xf32, #tpu.memory_space<vmem>> -> memref<125x128xf32, #tpu.memory_space<vmem>>
        %dma_start3A_475 = arith.constant 0 : i32
        %dma_start3A_476 = tpu.memref_slice %arg10[%run_scoped3A_325, %dma_start3A_475] : memref<16x125xi32, #tpu.memory_space<vmem>> -> memref<1x125xi32, #tpu.memory_space<vmem>>
        %dma_start3A_477 = tpu.memref_squeeze %dma_start3A_476 : memref<1x125xi32, #tpu.memory_space<vmem>> -> memref<125xi32, #tpu.memory_space<vmem>>
        %dma_start3A_478 = arith.constant 0 : i32
        %dma_start3A_479 = arith.constant 0 : i32
        %dma_start3A_480 = tpu.memref_slice %arg12[%dma_start3A_478, %dma_start3A_479] : memref<10000x128xf32, #tpu.memory_space<vmem_shared>> -> memref<10000x128xf32, #tpu.memory_space<vmem_shared>>
        tpu.enqueue_indirect_dma source(%dma_start3A_474 : memref<125x128xf32, #tpu.memory_space<vmem>>) target(%dma_start3A_480 : memref<10000x128xf32, #tpu.memory_space<vmem_shared>>) offsets(%dma_start3A_477 : memref<125xi32, #tpu.memory_space<vmem>>) semaphore(%run_scoped3A_470 : memref<!tpu.dma_semaphore, #tpu.memory_space<semaphore_mem>>) {add = true}
        %dma_wait3A_481 = arith.constant 0 : i32
        %dma_wait3A_482 = arith.constant 0 : i32
        %dma_wait3A_483 = tpu.memref_slice %arg11[%run_scoped3A_324, %dma_wait3A_481, %dma_wait3A_482] : memref<2x125x128xf32, #tpu.memory_space<vmem>> -> memref<1x125x128xf32, #tpu.memory_space<vmem>>
        %dma_wait3A_484 = tpu.memref_squeeze %dma_wait3A_483 : memref<1x125x128xf32, #tpu.memory_space<vmem>> -> memref<125x128xf32, #tpu.memory_space<vmem>>
        %dma_wait3A_485 = arith.constant 0 : i32
        %dma_wait3A_486 = tpu.memref_slice %arg10[%run_scoped3A_325, %dma_wait3A_485] : memref<16x125xi32, #tpu.memory_space<vmem>> -> memref<1x125xi32, #tpu.memory_space<vmem>>
        %dma_wait3A_487 = tpu.memref_squeeze %dma_wait3A_486 : memref<1x125xi32, #tpu.memory_space<vmem>> -> memref<125xi32, #tpu.memory_space<vmem>>
        %dma_wait3A_488 = arith.constant 0 : i32
        %dma_wait3A_489 = arith.constant 0 : i32
        %dma_wait3A_490 = tpu.memref_slice %arg12[%dma_wait3A_488, %dma_wait3A_489] : memref<10000x128xf32, #tpu.memory_space<vmem_shared>> -> memref<10000x128xf32, #tpu.memory_space<vmem_shared>>
        tpu.wait_indirect_dma semaphore(%run_scoped3A_470 : memref<!tpu.dma_semaphore, #tpu.memory_space<semaphore_mem>>) src(%dma_wait3A_484 : memref<125x128xf32, #tpu.memory_space<vmem>>) dst(%dma_wait3A_490 : memref<10000x128xf32, #tpu.memory_space<vmem_shared>>)
        tpu.yield
      }) : () -> ()
      %dma_wait3A_326 = arith.constant 10 : i32
      %dma_wait3A_327 = arith.constant 0 : i32
      %dma_wait3A_328 = arith.constant 0 : i32
      %dma_wait3A_329 = arith.constant 0 : i32
      %dma_wait3A_330 = tpu.memref_slice %arg11[%dma_wait3A_327, %dma_wait3A_328, %dma_wait3A_329] : memref<2x125x128xf32, #tpu.memory_space<vmem>> -> memref<1x125x128xf32, #tpu.memory_space<vmem>>
      %dma_wait3A_331 = tpu.memref_squeeze %dma_wait3A_330 : memref<1x125x128xf32, #tpu.memory_space<vmem>> -> memref<125x128xf32, #tpu.memory_space<vmem>>
      %dma_wait3A_332 = arith.constant 0 : i32
      %dma_wait3A_333 = tpu.memref_slice %arg9[%dma_wait3A_326, %dma_wait3A_332] : memref<16x125xi32, #tpu.memory_space<vmem>> -> memref<1x125xi32, #tpu.memory_space<vmem>>
      %dma_wait3A_334 = tpu.memref_squeeze %dma_wait3A_333 : memref<1x125xi32, #tpu.memory_space<vmem>> -> memref<125xi32, #tpu.memory_space<vmem>>
      %dma_wait3A_335 = arith.constant 0 : i32
      %dma_wait3A_336 = arith.constant 0 : i32
      %dma_wait3A_337 = tpu.memref_slice %arg2[%dma_wait3A_335, %dma_wait3A_336] : memref<10000x128xf32, #tpu.memory_space<hbm>> -> memref<10000x128xf32, #tpu.memory_space<hbm>>
      tpu.wait_indirect_dma semaphore(%arg13 : memref<!tpu.dma_semaphore, #tpu.memory_space<semaphore_mem>>) src(%dma_wait3A_337 : memref<10000x128xf32, #tpu.memory_space<hbm>>) dst(%dma_wait3A_331 : memref<125x128xf32, #tpu.memory_space<vmem>>)
      %dma_start3A_338 = arith.constant 11 : i32
      %dma_start3A_339 = arith.constant 1 : i32
      %dma_start3A_340 = arith.constant 0 : i32
      %dma_start3A_341 = arith.constant 0 : i32
      %dma_start3A_342 = tpu.memref_slice %arg11[%dma_start3A_339, %dma_start3A_340, %dma_start3A_341] : memref<2x125x128xf32, #tpu.memory_space<vmem>> -> memref<1x125x128xf32, #tpu.memory_space<vmem>>
      %dma_start3A_343 = tpu.memref_squeeze %dma_start3A_342 : memref<1x125x128xf32, #tpu.memory_space<vmem>> -> memref<125x128xf32, #tpu.memory_space<vmem>>
      %dma_start3A_344 = arith.constant 0 : i32
      %dma_start3A_345 = tpu.memref_slice %arg9[%dma_start3A_338, %dma_start3A_344] : memref<16x125xi32, #tpu.memory_space<vmem>> -> memref<1x125xi32, #tpu.memory_space<vmem>>
      %dma_start3A_346 = tpu.memref_squeeze %dma_start3A_345 : memref<1x125xi32, #tpu.memory_space<vmem>> -> memref<125xi32, #tpu.memory_space<vmem>>
      %dma_start3A_347 = arith.constant 0 : i32
      %dma_start3A_348 = arith.constant 0 : i32
      %dma_start3A_349 = tpu.memref_slice %arg2[%dma_start3A_347, %dma_start3A_348] : memref<10000x128xf32, #tpu.memory_space<hbm>> -> memref<10000x128xf32, #tpu.memory_space<hbm>>
      tpu.enqueue_indirect_dma source(%dma_start3A_349 : memref<10000x128xf32, #tpu.memory_space<hbm>>) target(%dma_start3A_343 : memref<125x128xf32, #tpu.memory_space<vmem>>) offsets(%dma_start3A_346 : memref<125xi32, #tpu.memory_space<vmem>>) semaphore(%arg13 : memref<!tpu.dma_semaphore, #tpu.memory_space<semaphore_mem>>)
      %run_scoped3A_350 = arith.constant 0 : i32
      %run_scoped3A_351 = arith.constant 10 : i32
      "tpu.region"() ({
        %run_scoped3A_470 = tpu.sem_alloc : memref<!tpu.dma_semaphore, #tpu.memory_space<semaphore_mem>>
        %dma_start3A_471 = arith.constant 0 : i32
        %dma_start3A_472 = arith.constant 0 : i32
        %dma_start3A_473 = tpu.memref_slice %arg11[%run_scoped3A_350, %dma_start3A_471, %dma_start3A_472] : memref<2x125x128xf32, #tpu.memory_space<vmem>> -> memref<1x125x128xf32, #tpu.memory_space<vmem>>
        %dma_start3A_474 = tpu.memref_squeeze %dma_start3A_473 : memref<1x125x128xf32, #tpu.memory_space<vmem>> -> memref<125x128xf32, #tpu.memory_space<vmem>>
        %dma_start3A_475 = arith.constant 0 : i32
        %dma_start3A_476 = tpu.memref_slice %arg10[%run_scoped3A_351, %dma_start3A_475] : memref<16x125xi32, #tpu.memory_space<vmem>> -> memref<1x125xi32, #tpu.memory_space<vmem>>
        %dma_start3A_477 = tpu.memref_squeeze %dma_start3A_476 : memref<1x125xi32, #tpu.memory_space<vmem>> -> memref<125xi32, #tpu.memory_space<vmem>>
        %dma_start3A_478 = arith.constant 0 : i32
        %dma_start3A_479 = arith.constant 0 : i32
        %dma_start3A_480 = tpu.memref_slice %arg12[%dma_start3A_478, %dma_start3A_479] : memref<10000x128xf32, #tpu.memory_space<vmem_shared>> -> memref<10000x128xf32, #tpu.memory_space<vmem_shared>>
        tpu.enqueue_indirect_dma source(%dma_start3A_474 : memref<125x128xf32, #tpu.memory_space<vmem>>) target(%dma_start3A_480 : memref<10000x128xf32, #tpu.memory_space<vmem_shared>>) offsets(%dma_start3A_477 : memref<125xi32, #tpu.memory_space<vmem>>) semaphore(%run_scoped3A_470 : memref<!tpu.dma_semaphore, #tpu.memory_space<semaphore_mem>>) {add = true}
        %dma_wait3A_481 = arith.constant 0 : i32
        %dma_wait3A_482 = arith.constant 0 : i32
        %dma_wait3A_483 = tpu.memref_slice %arg11[%run_scoped3A_350, %dma_wait3A_481, %dma_wait3A_482] : memref<2x125x128xf32, #tpu.memory_space<vmem>> -> memref<1x125x128xf32, #tpu.memory_space<vmem>>
        %dma_wait3A_484 = tpu.memref_squeeze %dma_wait3A_483 : memref<1x125x128xf32, #tpu.memory_space<vmem>> -> memref<125x128xf32, #tpu.memory_space<vmem>>
        %dma_wait3A_485 = arith.constant 0 : i32
        %dma_wait3A_486 = tpu.memref_slice %arg10[%run_scoped3A_351, %dma_wait3A_485] : memref<16x125xi32, #tpu.memory_space<vmem>> -> memref<1x125xi32, #tpu.memory_space<vmem>>
        %dma_wait3A_487 = tpu.memref_squeeze %dma_wait3A_486 : memref<1x125xi32, #tpu.memory_space<vmem>> -> memref<125xi32, #tpu.memory_space<vmem>>
        %dma_wait3A_488 = arith.constant 0 : i32
        %dma_wait3A_489 = arith.constant 0 : i32
        %dma_wait3A_490 = tpu.memref_slice %arg12[%dma_wait3A_488, %dma_wait3A_489] : memref<10000x128xf32, #tpu.memory_space<vmem_shared>> -> memref<10000x128xf32, #tpu.memory_space<vmem_shared>>
        tpu.wait_indirect_dma semaphore(%run_scoped3A_470 : memref<!tpu.dma_semaphore, #tpu.memory_space<semaphore_mem>>) src(%dma_wait3A_484 : memref<125x128xf32, #tpu.memory_space<vmem>>) dst(%dma_wait3A_490 : memref<10000x128xf32, #tpu.memory_space<vmem_shared>>)
        tpu.yield
      }) : () -> ()
      %dma_wait3A_352 = arith.constant 11 : i32
      %dma_wait3A_353 = arith.constant 1 : i32
      %dma_wait3A_354 = arith.constant 0 : i32
      %dma_wait3A_355 = arith.constant 0 : i32
      %dma_wait3A_356 = tpu.memref_slice %arg11[%dma_wait3A_353, %dma_wait3A_354, %dma_wait3A_355] : memref<2x125x128xf32, #tpu.memory_space<vmem>> -> memref<1x125x128xf32, #tpu.memory_space<vmem>>
      %dma_wait3A_357 = tpu.memref_squeeze %dma_wait3A_356 : memref<1x125x128xf32, #tpu.memory_space<vmem>> -> memref<125x128xf32, #tpu.memory_space<vmem>>
      %dma_wait3A_358 = arith.constant 0 : i32
      %dma_wait3A_359 = tpu.memref_slice %arg9[%dma_wait3A_352, %dma_wait3A_358] : memref<16x125xi32, #tpu.memory_space<vmem>> -> memref<1x125xi32, #tpu.memory_space<vmem>>
      %dma_wait3A_360 = tpu.memref_squeeze %dma_wait3A_359 : memref<1x125xi32, #tpu.memory_space<vmem>> -> memref<125xi32, #tpu.memory_space<vmem>>
      %dma_wait3A_361 = arith.constant 0 : i32
      %dma_wait3A_362 = arith.constant 0 : i32
      %dma_wait3A_363 = tpu.memref_slice %arg2[%dma_wait3A_361, %dma_wait3A_362] : memref<10000x128xf32, #tpu.memory_space<hbm>> -> memref<10000x128xf32, #tpu.memory_space<hbm>>
      tpu.wait_indirect_dma semaphore(%arg13 : memref<!tpu.dma_semaphore, #tpu.memory_space<semaphore_mem>>) src(%dma_wait3A_363 : memref<10000x128xf32, #tpu.memory_space<hbm>>) dst(%dma_wait3A_357 : memref<125x128xf32, #tpu.memory_space<vmem>>)
      %dma_start3A_364 = arith.constant 12 : i32
      %dma_start3A_365 = arith.constant 0 : i32
      %dma_start3A_366 = arith.constant 0 : i32
      %dma_start3A_367 = arith.constant 0 : i32
      %dma_start3A_368 = tpu.memref_slice %arg11[%dma_start3A_365, %dma_start3A_366, %dma_start3A_367] : memref<2x125x128xf32, #tpu.memory_space<vmem>> -> memref<1x125x128xf32, #tpu.memory_space<vmem>>
      %dma_start3A_369 = tpu.memref_squeeze %dma_start3A_368 : memref<1x125x128xf32, #tpu.memory_space<vmem>> -> memref<125x128xf32, #tpu.memory_space<vmem>>
      %dma_start3A_370 = arith.constant 0 : i32
      %dma_start3A_371 = tpu.memref_slice %arg9[%dma_start3A_364, %dma_start3A_370] : memref<16x125xi32, #tpu.memory_space<vmem>> -> memref<1x125xi32, #tpu.memory_space<vmem>>
      %dma_start3A_372 = tpu.memref_squeeze %dma_start3A_371 : memref<1x125xi32, #tpu.memory_space<vmem>> -> memref<125xi32, #tpu.memory_space<vmem>>
      %dma_start3A_373 = arith.constant 0 : i32
      %dma_start3A_374 = arith.constant 0 : i32
      %dma_start3A_375 = tpu.memref_slice %arg2[%dma_start3A_373, %dma_start3A_374] : memref<10000x128xf32, #tpu.memory_space<hbm>> -> memref<10000x128xf32, #tpu.memory_space<hbm>>
      tpu.enqueue_indirect_dma source(%dma_start3A_375 : memref<10000x128xf32, #tpu.memory_space<hbm>>) target(%dma_start3A_369 : memref<125x128xf32, #tpu.memory_space<vmem>>) offsets(%dma_start3A_372 : memref<125xi32, #tpu.memory_space<vmem>>) semaphore(%arg13 : memref<!tpu.dma_semaphore, #tpu.memory_space<semaphore_mem>>)
      %run_scoped3A_376 = arith.constant 1 : i32
      %run_scoped3A_377 = arith.constant 11 : i32
      "tpu.region"() ({
        %run_scoped3A_470 = tpu.sem_alloc : memref<!tpu.dma_semaphore, #tpu.memory_space<semaphore_mem>>
        %dma_start3A_471 = arith.constant 0 : i32
        %dma_start3A_472 = arith.constant 0 : i32
        %dma_start3A_473 = tpu.memref_slice %arg11[%run_scoped3A_376, %dma_start3A_471, %dma_start3A_472] : memref<2x125x128xf32, #tpu.memory_space<vmem>> -> memref<1x125x128xf32, #tpu.memory_space<vmem>>
        %dma_start3A_474 = tpu.memref_squeeze %dma_start3A_473 : memref<1x125x128xf32, #tpu.memory_space<vmem>> -> memref<125x128xf32, #tpu.memory_space<vmem>>
        %dma_start3A_475 = arith.constant 0 : i32
        %dma_start3A_476 = tpu.memref_slice %arg10[%run_scoped3A_377, %dma_start3A_475] : memref<16x125xi32, #tpu.memory_space<vmem>> -> memref<1x125xi32, #tpu.memory_space<vmem>>
        %dma_start3A_477 = tpu.memref_squeeze %dma_start3A_476 : memref<1x125xi32, #tpu.memory_space<vmem>> -> memref<125xi32, #tpu.memory_space<vmem>>
        %dma_start3A_478 = arith.constant 0 : i32
        %dma_start3A_479 = arith.constant 0 : i32
        %dma_start3A_480 = tpu.memref_slice %arg12[%dma_start3A_478, %dma_start3A_479] : memref<10000x128xf32, #tpu.memory_space<vmem_shared>> -> memref<10000x128xf32, #tpu.memory_space<vmem_shared>>
        tpu.enqueue_indirect_dma source(%dma_start3A_474 : memref<125x128xf32, #tpu.memory_space<vmem>>) target(%dma_start3A_480 : memref<10000x128xf32, #tpu.memory_space<vmem_shared>>) offsets(%dma_start3A_477 : memref<125xi32, #tpu.memory_space<vmem>>) semaphore(%run_scoped3A_470 : memref<!tpu.dma_semaphore, #tpu.memory_space<semaphore_mem>>) {add = true}
        %dma_wait3A_481 = arith.constant 0 : i32
        %dma_wait3A_482 = arith.constant 0 : i32
        %dma_wait3A_483 = tpu.memref_slice %arg11[%run_scoped3A_376, %dma_wait3A_481, %dma_wait3A_482] : memref<2x125x128xf32, #tpu.memory_space<vmem>> -> memref<1x125x128xf32, #tpu.memory_space<vmem>>
        %dma_wait3A_484 = tpu.memref_squeeze %dma_wait3A_483 : memref<1x125x128xf32, #tpu.memory_space<vmem>> -> memref<125x128xf32, #tpu.memory_space<vmem>>
        %dma_wait3A_485 = arith.constant 0 : i32
        %dma_wait3A_486 = tpu.memref_slice %arg10[%run_scoped3A_377, %dma_wait3A_485] : memref<16x125xi32, #tpu.memory_space<vmem>> -> memref<1x125xi32, #tpu.memory_space<vmem>>
        %dma_wait3A_487 = tpu.memref_squeeze %dma_wait3A_486 : memref<1x125xi32, #tpu.memory_space<vmem>> -> memref<125xi32, #tpu.memory_space<vmem>>
        %dma_wait3A_488 = arith.constant 0 : i32
        %dma_wait3A_489 = arith.constant 0 : i32
        %dma_wait3A_490 = tpu.memref_slice %arg12[%dma_wait3A_488, %dma_wait3A_489] : memref<10000x128xf32, #tpu.memory_space<vmem_shared>> -> memref<10000x128xf32, #tpu.memory_space<vmem_shared>>
        tpu.wait_indirect_dma semaphore(%run_scoped3A_470 : memref<!tpu.dma_semaphore, #tpu.memory_space<semaphore_mem>>) src(%dma_wait3A_484 : memref<125x128xf32, #tpu.memory_space<vmem>>) dst(%dma_wait3A_490 : memref<10000x128xf32, #tpu.memory_space<vmem_shared>>)
        tpu.yield
      }) : () -> ()
      %dma_wait3A_378 = arith.constant 12 : i32
      %dma_wait3A_379 = arith.constant 0 : i32
      %dma_wait3A_380 = arith.constant 0 : i32
      %dma_wait3A_381 = arith.constant 0 : i32
      %dma_wait3A_382 = tpu.memref_slice %arg11[%dma_wait3A_379, %dma_wait3A_380, %dma_wait3A_381] : memref<2x125x128xf32, #tpu.memory_space<vmem>> -> memref<1x125x128xf32, #tpu.memory_space<vmem>>
      %dma_wait3A_383 = tpu.memref_squeeze %dma_wait3A_382 : memref<1x125x128xf32, #tpu.memory_space<vmem>> -> memref<125x128xf32, #tpu.memory_space<vmem>>
      %dma_wait3A_384 = arith.constant 0 : i32
      %dma_wait3A_385 = tpu.memref_slice %arg9[%dma_wait3A_378, %dma_wait3A_384] : memref<16x125xi32, #tpu.memory_space<vmem>> -> memref<1x125xi32, #tpu.memory_space<vmem>>
      %dma_wait3A_386 = tpu.memref_squeeze %dma_wait3A_385 : memref<1x125xi32, #tpu.memory_space<vmem>> -> memref<125xi32, #tpu.memory_space<vmem>>
      %dma_wait3A_387 = arith.constant 0 : i32
      %dma_wait3A_388 = arith.constant 0 : i32
      %dma_wait3A_389 = tpu.memref_slice %arg2[%dma_wait3A_387, %dma_wait3A_388] : memref<10000x128xf32, #tpu.memory_space<hbm>> -> memref<10000x128xf32, #tpu.memory_space<hbm>>
      tpu.wait_indirect_dma semaphore(%arg13 : memref<!tpu.dma_semaphore, #tpu.memory_space<semaphore_mem>>) src(%dma_wait3A_389 : memref<10000x128xf32, #tpu.memory_space<hbm>>) dst(%dma_wait3A_383 : memref<125x128xf32, #tpu.memory_space<vmem>>)
      %dma_start3A_390 = arith.constant 13 : i32
      %dma_start3A_391 = arith.constant 1 : i32
      %dma_start3A_392 = arith.constant 0 : i32
      %dma_start3A_393 = arith.constant 0 : i32
      %dma_start3A_394 = tpu.memref_slice %arg11[%dma_start3A_391, %dma_start3A_392, %dma_start3A_393] : memref<2x125x128xf32, #tpu.memory_space<vmem>> -> memref<1x125x128xf32, #tpu.memory_space<vmem>>
      %dma_start3A_395 = tpu.memref_squeeze %dma_start3A_394 : memref<1x125x128xf32, #tpu.memory_space<vmem>> -> memref<125x128xf32, #tpu.memory_space<vmem>>
      %dma_start3A_396 = arith.constant 0 : i32
      %dma_start3A_397 = tpu.memref_slice %arg9[%dma_start3A_390, %dma_start3A_396] : memref<16x125xi32, #tpu.memory_space<vmem>> -> memref<1x125xi32, #tpu.memory_space<vmem>>
      %dma_start3A_398 = tpu.memref_squeeze %dma_start3A_397 : memref<1x125xi32, #tpu.memory_space<vmem>> -> memref<125xi32, #tpu.memory_space<vmem>>
      %dma_start3A_399 = arith.constant 0 : i32
      %dma_start3A_400 = arith.constant 0 : i32
      %dma_start3A_401 = tpu.memref_slice %arg2[%dma_start3A_399, %dma_start3A_400] : memref<10000x128xf32, #tpu.memory_space<hbm>> -> memref<10000x128xf32, #tpu.memory_space<hbm>>
      tpu.enqueue_indirect_dma source(%dma_start3A_401 : memref<10000x128xf32, #tpu.memory_space<hbm>>) target(%dma_start3A_395 : memref<125x128xf32, #tpu.memory_space<vmem>>) offsets(%dma_start3A_398 : memref<125xi32, #tpu.memory_space<vmem>>) semaphore(%arg13 : memref<!tpu.dma_semaphore, #tpu.memory_space<semaphore_mem>>)
      %run_scoped3A_402 = arith.constant 0 : i32
      %run_scoped3A_403 = arith.constant 12 : i32
      "tpu.region"() ({
        %run_scoped3A_470 = tpu.sem_alloc : memref<!tpu.dma_semaphore, #tpu.memory_space<semaphore_mem>>
        %dma_start3A_471 = arith.constant 0 : i32
        %dma_start3A_472 = arith.constant 0 : i32
        %dma_start3A_473 = tpu.memref_slice %arg11[%run_scoped3A_402, %dma_start3A_471, %dma_start3A_472] : memref<2x125x128xf32, #tpu.memory_space<vmem>> -> memref<1x125x128xf32, #tpu.memory_space<vmem>>
        %dma_start3A_474 = tpu.memref_squeeze %dma_start3A_473 : memref<1x125x128xf32, #tpu.memory_space<vmem>> -> memref<125x128xf32, #tpu.memory_space<vmem>>
        %dma_start3A_475 = arith.constant 0 : i32
        %dma_start3A_476 = tpu.memref_slice %arg10[%run_scoped3A_403, %dma_start3A_475] : memref<16x125xi32, #tpu.memory_space<vmem>> -> memref<1x125xi32, #tpu.memory_space<vmem>>
        %dma_start3A_477 = tpu.memref_squeeze %dma_start3A_476 : memref<1x125xi32, #tpu.memory_space<vmem>> -> memref<125xi32, #tpu.memory_space<vmem>>
        %dma_start3A_478 = arith.constant 0 : i32
        %dma_start3A_479 = arith.constant 0 : i32
        %dma_start3A_480 = tpu.memref_slice %arg12[%dma_start3A_478, %dma_start3A_479] : memref<10000x128xf32, #tpu.memory_space<vmem_shared>> -> memref<10000x128xf32, #tpu.memory_space<vmem_shared>>
        tpu.enqueue_indirect_dma source(%dma_start3A_474 : memref<125x128xf32, #tpu.memory_space<vmem>>) target(%dma_start3A_480 : memref<10000x128xf32, #tpu.memory_space<vmem_shared>>) offsets(%dma_start3A_477 : memref<125xi32, #tpu.memory_space<vmem>>) semaphore(%run_scoped3A_470 : memref<!tpu.dma_semaphore, #tpu.memory_space<semaphore_mem>>) {add = true}
        %dma_wait3A_481 = arith.constant 0 : i32
        %dma_wait3A_482 = arith.constant 0 : i32
        %dma_wait3A_483 = tpu.memref_slice %arg11[%run_scoped3A_402, %dma_wait3A_481, %dma_wait3A_482] : memref<2x125x128xf32, #tpu.memory_space<vmem>> -> memref<1x125x128xf32, #tpu.memory_space<vmem>>
        %dma_wait3A_484 = tpu.memref_squeeze %dma_wait3A_483 : memref<1x125x128xf32, #tpu.memory_space<vmem>> -> memref<125x128xf32, #tpu.memory_space<vmem>>
        %dma_wait3A_485 = arith.constant 0 : i32
        %dma_wait3A_486 = tpu.memref_slice %arg10[%run_scoped3A_403, %dma_wait3A_485] : memref<16x125xi32, #tpu.memory_space<vmem>> -> memref<1x125xi32, #tpu.memory_space<vmem>>
        %dma_wait3A_487 = tpu.memref_squeeze %dma_wait3A_486 : memref<1x125xi32, #tpu.memory_space<vmem>> -> memref<125xi32, #tpu.memory_space<vmem>>
        %dma_wait3A_488 = arith.constant 0 : i32
        %dma_wait3A_489 = arith.constant 0 : i32
        %dma_wait3A_490 = tpu.memref_slice %arg12[%dma_wait3A_488, %dma_wait3A_489] : memref<10000x128xf32, #tpu.memory_space<vmem_shared>> -> memref<10000x128xf32, #tpu.memory_space<vmem_shared>>
        tpu.wait_indirect_dma semaphore(%run_scoped3A_470 : memref<!tpu.dma_semaphore, #tpu.memory_space<semaphore_mem>>) src(%dma_wait3A_484 : memref<125x128xf32, #tpu.memory_space<vmem>>) dst(%dma_wait3A_490 : memref<10000x128xf32, #tpu.memory_space<vmem_shared>>)
        tpu.yield
      }) : () -> ()
      %dma_wait3A_404 = arith.constant 13 : i32
      %dma_wait3A_405 = arith.constant 1 : i32
      %dma_wait3A_406 = arith.constant 0 : i32
      %dma_wait3A_407 = arith.constant 0 : i32
      %dma_wait3A_408 = tpu.memref_slice %arg11[%dma_wait3A_405, %dma_wait3A_406, %dma_wait3A_407] : memref<2x125x128xf32, #tpu.memory_space<vmem>> -> memref<1x125x128xf32, #tpu.memory_space<vmem>>
      %dma_wait3A_409 = tpu.memref_squeeze %dma_wait3A_408 : memref<1x125x128xf32, #tpu.memory_space<vmem>> -> memref<125x128xf32, #tpu.memory_space<vmem>>
      %dma_wait3A_410 = arith.constant 0 : i32
      %dma_wait3A_411 = tpu.memref_slice %arg9[%dma_wait3A_404, %dma_wait3A_410] : memref<16x125xi32, #tpu.memory_space<vmem>> -> memref<1x125xi32, #tpu.memory_space<vmem>>
      %dma_wait3A_412 = tpu.memref_squeeze %dma_wait3A_411 : memref<1x125xi32, #tpu.memory_space<vmem>> -> memref<125xi32, #tpu.memory_space<vmem>>
      %dma_wait3A_413 = arith.constant 0 : i32
      %dma_wait3A_414 = arith.constant 0 : i32
      %dma_wait3A_415 = tpu.memref_slice %arg2[%dma_wait3A_413, %dma_wait3A_414] : memref<10000x128xf32, #tpu.memory_space<hbm>> -> memref<10000x128xf32, #tpu.memory_space<hbm>>
      tpu.wait_indirect_dma semaphore(%arg13 : memref<!tpu.dma_semaphore, #tpu.memory_space<semaphore_mem>>) src(%dma_wait3A_415 : memref<10000x128xf32, #tpu.memory_space<hbm>>) dst(%dma_wait3A_409 : memref<125x128xf32, #tpu.memory_space<vmem>>)
      %dma_start3A_416 = arith.constant 14 : i32
      %dma_start3A_417 = arith.constant 0 : i32
      %dma_start3A_418 = arith.constant 0 : i32
      %dma_start3A_419 = arith.constant 0 : i32
      %dma_start3A_420 = tpu.memref_slice %arg11[%dma_start3A_417, %dma_start3A_418, %dma_start3A_419] : memref<2x125x128xf32, #tpu.memory_space<vmem>> -> memref<1x125x128xf32, #tpu.memory_space<vmem>>
      %dma_start3A_421 = tpu.memref_squeeze %dma_start3A_420 : memref<1x125x128xf32, #tpu.memory_space<vmem>> -> memref<125x128xf32, #tpu.memory_space<vmem>>
      %dma_start3A_422 = arith.constant 0 : i32
      %dma_start3A_423 = tpu.memref_slice %arg9[%dma_start3A_416, %dma_start3A_422] : memref<16x125xi32, #tpu.memory_space<vmem>> -> memref<1x125xi32, #tpu.memory_space<vmem>>
      %dma_start3A_424 = tpu.memref_squeeze %dma_start3A_423 : memref<1x125xi32, #tpu.memory_space<vmem>> -> memref<125xi32, #tpu.memory_space<vmem>>
      %dma_start3A_425 = arith.constant 0 : i32
      %dma_start3A_426 = arith.constant 0 : i32
      %dma_start3A_427 = tpu.memref_slice %arg2[%dma_start3A_425, %dma_start3A_426] : memref<10000x128xf32, #tpu.memory_space<hbm>> -> memref<10000x128xf32, #tpu.memory_space<hbm>>
      tpu.enqueue_indirect_dma source(%dma_start3A_427 : memref<10000x128xf32, #tpu.memory_space<hbm>>) target(%dma_start3A_421 : memref<125x128xf32, #tpu.memory_space<vmem>>) offsets(%dma_start3A_424 : memref<125xi32, #tpu.memory_space<vmem>>) semaphore(%arg13 : memref<!tpu.dma_semaphore, #tpu.memory_space<semaphore_mem>>)
      %run_scoped3A_428 = arith.constant 1 : i32
      %run_scoped3A_429 = arith.constant 13 : i32
      "tpu.region"() ({
        %run_scoped3A_470 = tpu.sem_alloc : memref<!tpu.dma_semaphore, #tpu.memory_space<semaphore_mem>>
        %dma_start3A_471 = arith.constant 0 : i32
        %dma_start3A_472 = arith.constant 0 : i32
        %dma_start3A_473 = tpu.memref_slice %arg11[%run_scoped3A_428, %dma_start3A_471, %dma_start3A_472] : memref<2x125x128xf32, #tpu.memory_space<vmem>> -> memref<1x125x128xf32, #tpu.memory_space<vmem>>
        %dma_start3A_474 = tpu.memref_squeeze %dma_start3A_473 : memref<1x125x128xf32, #tpu.memory_space<vmem>> -> memref<125x128xf32, #tpu.memory_space<vmem>>
        %dma_start3A_475 = arith.constant 0 : i32
        %dma_start3A_476 = tpu.memref_slice %arg10[%run_scoped3A_429, %dma_start3A_475] : memref<16x125xi32, #tpu.memory_space<vmem>> -> memref<1x125xi32, #tpu.memory_space<vmem>>
        %dma_start3A_477 = tpu.memref_squeeze %dma_start3A_476 : memref<1x125xi32, #tpu.memory_space<vmem>> -> memref<125xi32, #tpu.memory_space<vmem>>
        %dma_start3A_478 = arith.constant 0 : i32
        %dma_start3A_479 = arith.constant 0 : i32
        %dma_start3A_480 = tpu.memref_slice %arg12[%dma_start3A_478, %dma_start3A_479] : memref<10000x128xf32, #tpu.memory_space<vmem_shared>> -> memref<10000x128xf32, #tpu.memory_space<vmem_shared>>
        tpu.enqueue_indirect_dma source(%dma_start3A_474 : memref<125x128xf32, #tpu.memory_space<vmem>>) target(%dma_start3A_480 : memref<10000x128xf32, #tpu.memory_space<vmem_shared>>) offsets(%dma_start3A_477 : memref<125xi32, #tpu.memory_space<vmem>>) semaphore(%run_scoped3A_470 : memref<!tpu.dma_semaphore, #tpu.memory_space<semaphore_mem>>) {add = true}
        %dma_wait3A_481 = arith.constant 0 : i32
        %dma_wait3A_482 = arith.constant 0 : i32
        %dma_wait3A_483 = tpu.memref_slice %arg11[%run_scoped3A_428, %dma_wait3A_481, %dma_wait3A_482] : memref<2x125x128xf32, #tpu.memory_space<vmem>> -> memref<1x125x128xf32, #tpu.memory_space<vmem>>
        %dma_wait3A_484 = tpu.memref_squeeze %dma_wait3A_483 : memref<1x125x128xf32, #tpu.memory_space<vmem>> -> memref<125x128xf32, #tpu.memory_space<vmem>>
        %dma_wait3A_485 = arith.constant 0 : i32
        %dma_wait3A_486 = tpu.memref_slice %arg10[%run_scoped3A_429, %dma_wait3A_485] : memref<16x125xi32, #tpu.memory_space<vmem>> -> memref<1x125xi32, #tpu.memory_space<vmem>>
        %dma_wait3A_487 = tpu.memref_squeeze %dma_wait3A_486 : memref<1x125xi32, #tpu.memory_space<vmem>> -> memref<125xi32, #tpu.memory_space<vmem>>
        %dma_wait3A_488 = arith.constant 0 : i32
        %dma_wait3A_489 = arith.constant 0 : i32
        %dma_wait3A_490 = tpu.memref_slice %arg12[%dma_wait3A_488, %dma_wait3A_489] : memref<10000x128xf32, #tpu.memory_space<vmem_shared>> -> memref<10000x128xf32, #tpu.memory_space<vmem_shared>>
        tpu.wait_indirect_dma semaphore(%run_scoped3A_470 : memref<!tpu.dma_semaphore, #tpu.memory_space<semaphore_mem>>) src(%dma_wait3A_484 : memref<125x128xf32, #tpu.memory_space<vmem>>) dst(%dma_wait3A_490 : memref<10000x128xf32, #tpu.memory_space<vmem_shared>>)
        tpu.yield
      }) : () -> ()
      %dma_wait3A_430 = arith.constant 14 : i32
      %dma_wait3A_431 = arith.constant 0 : i32
      %dma_wait3A_432 = arith.constant 0 : i32
      %dma_wait3A_433 = arith.constant 0 : i32
      %dma_wait3A_434 = tpu.memref_slice %arg11[%dma_wait3A_431, %dma_wait3A_432, %dma_wait3A_433] : memref<2x125x128xf32, #tpu.memory_space<vmem>> -> memref<1x125x128xf32, #tpu.memory_space<vmem>>
      %dma_wait3A_435 = tpu.memref_squeeze %dma_wait3A_434 : memref<1x125x128xf32, #tpu.memory_space<vmem>> -> memref<125x128xf32, #tpu.memory_space<vmem>>
      %dma_wait3A_436 = arith.constant 0 : i32
      %dma_wait3A_437 = tpu.memref_slice %arg9[%dma_wait3A_430, %dma_wait3A_436] : memref<16x125xi32, #tpu.memory_space<vmem>> -> memref<1x125xi32, #tpu.memory_space<vmem>>
      %dma_wait3A_438 = tpu.memref_squeeze %dma_wait3A_437 : memref<1x125xi32, #tpu.memory_space<vmem>> -> memref<125xi32, #tpu.memory_space<vmem>>
      %dma_wait3A_439 = arith.constant 0 : i32
      %dma_wait3A_440 = arith.constant 0 : i32
      %dma_wait3A_441 = tpu.memref_slice %arg2[%dma_wait3A_439, %dma_wait3A_440] : memref<10000x128xf32, #tpu.memory_space<hbm>> -> memref<10000x128xf32, #tpu.memory_space<hbm>>
      tpu.wait_indirect_dma semaphore(%arg13 : memref<!tpu.dma_semaphore, #tpu.memory_space<semaphore_mem>>) src(%dma_wait3A_441 : memref<10000x128xf32, #tpu.memory_space<hbm>>) dst(%dma_wait3A_435 : memref<125x128xf32, #tpu.memory_space<vmem>>)
      %dma_start3A_442 = arith.constant 15 : i32
      %dma_start3A_443 = arith.constant 1 : i32
      %dma_start3A_444 = arith.constant 0 : i32
      %dma_start3A_445 = arith.constant 0 : i32
      %dma_start3A_446 = tpu.memref_slice %arg11[%dma_start3A_443, %dma_start3A_444, %dma_start3A_445] : memref<2x125x128xf32, #tpu.memory_space<vmem>> -> memref<1x125x128xf32, #tpu.memory_space<vmem>>
      %dma_start3A_447 = tpu.memref_squeeze %dma_start3A_446 : memref<1x125x128xf32, #tpu.memory_space<vmem>> -> memref<125x128xf32, #tpu.memory_space<vmem>>
      %dma_start3A_448 = arith.constant 0 : i32
      %dma_start3A_449 = tpu.memref_slice %arg9[%dma_start3A_442, %dma_start3A_448] : memref<16x125xi32, #tpu.memory_space<vmem>> -> memref<1x125xi32, #tpu.memory_space<vmem>>
      %dma_start3A_450 = tpu.memref_squeeze %dma_start3A_449 : memref<1x125xi32, #tpu.memory_space<vmem>> -> memref<125xi32, #tpu.memory_space<vmem>>
      %dma_start3A_451 = arith.constant 0 : i32
      %dma_start3A_452 = arith.constant 0 : i32
      %dma_start3A_453 = tpu.memref_slice %arg2[%dma_start3A_451, %dma_start3A_452] : memref<10000x128xf32, #tpu.memory_space<hbm>> -> memref<10000x128xf32, #tpu.memory_space<hbm>>
      tpu.enqueue_indirect_dma source(%dma_start3A_453 : memref<10000x128xf32, #tpu.memory_space<hbm>>) target(%dma_start3A_447 : memref<125x128xf32, #tpu.memory_space<vmem>>) offsets(%dma_start3A_450 : memref<125xi32, #tpu.memory_space<vmem>>) semaphore(%arg13 : memref<!tpu.dma_semaphore, #tpu.memory_space<semaphore_mem>>)
      %run_scoped3A_454 = arith.constant 0 : i32
      %run_scoped3A_455 = arith.constant 14 : i32
      "tpu.region"() ({
        %run_scoped3A_470 = tpu.sem_alloc : memref<!tpu.dma_semaphore, #tpu.memory_space<semaphore_mem>>
        %dma_start3A_471 = arith.constant 0 : i32
        %dma_start3A_472 = arith.constant 0 : i32
        %dma_start3A_473 = tpu.memref_slice %arg11[%run_scoped3A_454, %dma_start3A_471, %dma_start3A_472] : memref<2x125x128xf32, #tpu.memory_space<vmem>> -> memref<1x125x128xf32, #tpu.memory_space<vmem>>
        %dma_start3A_474 = tpu.memref_squeeze %dma_start3A_473 : memref<1x125x128xf32, #tpu.memory_space<vmem>> -> memref<125x128xf32, #tpu.memory_space<vmem>>
        %dma_start3A_475 = arith.constant 0 : i32
        %dma_start3A_476 = tpu.memref_slice %arg10[%run_scoped3A_455, %dma_start3A_475] : memref<16x125xi32, #tpu.memory_space<vmem>> -> memref<1x125xi32, #tpu.memory_space<vmem>>
        %dma_start3A_477 = tpu.memref_squeeze %dma_start3A_476 : memref<1x125xi32, #tpu.memory_space<vmem>> -> memref<125xi32, #tpu.memory_space<vmem>>
        %dma_start3A_478 = arith.constant 0 : i32
        %dma_start3A_479 = arith.constant 0 : i32
        %dma_start3A_480 = tpu.memref_slice %arg12[%dma_start3A_478, %dma_start3A_479] : memref<10000x128xf32, #tpu.memory_space<vmem_shared>> -> memref<10000x128xf32, #tpu.memory_space<vmem_shared>>
        tpu.enqueue_indirect_dma source(%dma_start3A_474 : memref<125x128xf32, #tpu.memory_space<vmem>>) target(%dma_start3A_480 : memref<10000x128xf32, #tpu.memory_space<vmem_shared>>) offsets(%dma_start3A_477 : memref<125xi32, #tpu.memory_space<vmem>>) semaphore(%run_scoped3A_470 : memref<!tpu.dma_semaphore, #tpu.memory_space<semaphore_mem>>) {add = true}
        %dma_wait3A_481 = arith.constant 0 : i32
        %dma_wait3A_482 = arith.constant 0 : i32
        %dma_wait3A_483 = tpu.memref_slice %arg11[%run_scoped3A_454, %dma_wait3A_481, %dma_wait3A_482] : memref<2x125x128xf32, #tpu.memory_space<vmem>> -> memref<1x125x128xf32, #tpu.memory_space<vmem>>
        %dma_wait3A_484 = tpu.memref_squeeze %dma_wait3A_483 : memref<1x125x128xf32, #tpu.memory_space<vmem>> -> memref<125x128xf32, #tpu.memory_space<vmem>>
        %dma_wait3A_485 = arith.constant 0 : i32
        %dma_wait3A_486 = tpu.memref_slice %arg10[%run_scoped3A_455, %dma_wait3A_485] : memref<16x125xi32, #tpu.memory_space<vmem>> -> memref<1x125xi32, #tpu.memory_space<vmem>>
        %dma_wait3A_487 = tpu.memref_squeeze %dma_wait3A_486 : memref<1x125xi32, #tpu.memory_space<vmem>> -> memref<125xi32, #tpu.memory_space<vmem>>
        %dma_wait3A_488 = arith.constant 0 : i32
        %dma_wait3A_489 = arith.constant 0 : i32
        %dma_wait3A_490 = tpu.memref_slice %arg12[%dma_wait3A_488, %dma_wait3A_489] : memref<10000x128xf32, #tpu.memory_space<vmem_shared>> -> memref<10000x128xf32, #tpu.memory_space<vmem_shared>>
        tpu.wait_indirect_dma semaphore(%run_scoped3A_470 : memref<!tpu.dma_semaphore, #tpu.memory_space<semaphore_mem>>) src(%dma_wait3A_484 : memref<125x128xf32, #tpu.memory_space<vmem>>) dst(%dma_wait3A_490 : memref<10000x128xf32, #tpu.memory_space<vmem_shared>>)
        tpu.yield
      }) : () -> ()
      %dma_wait3A_456 = arith.constant 15 : i32
      %dma_wait3A_457 = arith.constant 1 : i32
      %dma_wait3A_458 = arith.constant 0 : i32
      %dma_wait3A_459 = arith.constant 0 : i32
      %dma_wait3A_460 = tpu.memref_slice %arg11[%dma_wait3A_457, %dma_wait3A_458, %dma_wait3A_459] : memref<2x125x128xf32, #tpu.memory_space<vmem>> -> memref<1x125x128xf32, #tpu.memory_space<vmem>>
      %dma_wait3A_461 = tpu.memref_squeeze %dma_wait3A_460 : memref<1x125x128xf32, #tpu.memory_space<vmem>> -> memref<125x128xf32, #tpu.memory_space<vmem>>
      %dma_wait3A_462 = arith.constant 0 : i32
      %dma_wait3A_463 = tpu.memref_slice %arg9[%dma_wait3A_456, %dma_wait3A_462] : memref<16x125xi32, #tpu.memory_space<vmem>> -> memref<1x125xi32, #tpu.memory_space<vmem>>
      %dma_wait3A_464 = tpu.memref_squeeze %dma_wait3A_463 : memref<1x125xi32, #tpu.memory_space<vmem>> -> memref<125xi32, #tpu.memory_space<vmem>>
      %dma_wait3A_465 = arith.constant 0 : i32
      %dma_wait3A_466 = arith.constant 0 : i32
      %dma_wait3A_467 = tpu.memref_slice %arg2[%dma_wait3A_465, %dma_wait3A_466] : memref<10000x128xf32, #tpu.memory_space<hbm>> -> memref<10000x128xf32, #tpu.memory_space<hbm>>
      tpu.wait_indirect_dma semaphore(%arg13 : memref<!tpu.dma_semaphore, #tpu.memory_space<semaphore_mem>>) src(%dma_wait3A_467 : memref<10000x128xf32, #tpu.memory_space<hbm>>) dst(%dma_wait3A_461 : memref<125x128xf32, #tpu.memory_space<vmem>>)
      %run_scoped3A_468 = arith.constant 1 : i32
      %run_scoped3A_469 = arith.constant 15 : i32
      "tpu.region"() ({
        %run_scoped3A_470 = tpu.sem_alloc : memref<!tpu.dma_semaphore, #tpu.memory_space<semaphore_mem>>
        %dma_start3A_471 = arith.constant 0 : i32
        %dma_start3A_472 = arith.constant 0 : i32
        %dma_start3A_473 = tpu.memref_slice %arg11[%run_scoped3A_468, %dma_start3A_471, %dma_start3A_472] : memref<2x125x128xf32, #tpu.memory_space<vmem>> -> memref<1x125x128xf32, #tpu.memory_space<vmem>>
        %dma_start3A_474 = tpu.memref_squeeze %dma_start3A_473 : memref<1x125x128xf32, #tpu.memory_space<vmem>> -> memref<125x128xf32, #tpu.memory_space<vmem>>
        %dma_start3A_475 = arith.constant 0 : i32
        %dma_start3A_476 = tpu.memref_slice %arg10[%run_scoped3A_469, %dma_start3A_475] : memref<16x125xi32, #tpu.memory_space<vmem>> -> memref<1x125xi32, #tpu.memory_space<vmem>>
        %dma_start3A_477 = tpu.memref_squeeze %dma_start3A_476 : memref<1x125xi32, #tpu.memory_space<vmem>> -> memref<125xi32, #tpu.memory_space<vmem>>
        %dma_start3A_478 = arith.constant 0 : i32
        %dma_start3A_479 = arith.constant 0 : i32
        %dma_start3A_480 = tpu.memref_slice %arg12[%dma_start3A_478, %dma_start3A_479] : memref<10000x128xf32, #tpu.memory_space<vmem_shared>> -> memref<10000x128xf32, #tpu.memory_space<vmem_shared>>
        tpu.enqueue_indirect_dma source(%dma_start3A_474 : memref<125x128xf32, #tpu.memory_space<vmem>>) target(%dma_start3A_480 : memref<10000x128xf32, #tpu.memory_space<vmem_shared>>) offsets(%dma_start3A_477 : memref<125xi32, #tpu.memory_space<vmem>>) semaphore(%run_scoped3A_470 : memref<!tpu.dma_semaphore, #tpu.memory_space<semaphore_mem>>) {add = true}
        %dma_wait3A_481 = arith.constant 0 : i32
        %dma_wait3A_482 = arith.constant 0 : i32
        %dma_wait3A_483 = tpu.memref_slice %arg11[%run_scoped3A_468, %dma_wait3A_481, %dma_wait3A_482] : memref<2x125x128xf32, #tpu.memory_space<vmem>> -> memref<1x125x128xf32, #tpu.memory_space<vmem>>
        %dma_wait3A_484 = tpu.memref_squeeze %dma_wait3A_483 : memref<1x125x128xf32, #tpu.memory_space<vmem>> -> memref<125x128xf32, #tpu.memory_space<vmem>>
        %dma_wait3A_485 = arith.constant 0 : i32
        %dma_wait3A_486 = tpu.memref_slice %arg10[%run_scoped3A_469, %dma_wait3A_485] : memref<16x125xi32, #tpu.memory_space<vmem>> -> memref<1x125xi32, #tpu.memory_space<vmem>>
        %dma_wait3A_487 = tpu.memref_squeeze %dma_wait3A_486 : memref<1x125xi32, #tpu.memory_space<vmem>> -> memref<125xi32, #tpu.memory_space<vmem>>
        %dma_wait3A_488 = arith.constant 0 : i32
        %dma_wait3A_489 = arith.constant 0 : i32
        %dma_wait3A_490 = tpu.memref_slice %arg12[%dma_wait3A_488, %dma_wait3A_489] : memref<10000x128xf32, #tpu.memory_space<vmem_shared>> -> memref<10000x128xf32, #tpu.memory_space<vmem_shared>>
        tpu.wait_indirect_dma semaphore(%run_scoped3A_470 : memref<!tpu.dma_semaphore, #tpu.memory_space<semaphore_mem>>) src(%dma_wait3A_484 : memref<125x128xf32, #tpu.memory_space<vmem>>) dst(%dma_wait3A_490 : memref<10000x128xf32, #tpu.memory_space<vmem_shared>>)
        tpu.yield
      }) : () -> ()
    }
    %scan3A_21 = arith.constant 5 : i32
    %barrier3A_22 = arith.constant 0 : index
    tpu.barrier barrier_id(%barrier3A_22)
    %lt3A_23 = arith.constant 15 : i32
    %lt3A_24 = arith.cmpi slt, %arg1, %lt3A_23 : i32
    %convert_element_type3A_25 = arith.extui %lt3A_24 : i1 to i32
    %cond3A_26 = arith.constant 0 : i32
    %cond3A_27 = arith.cmpi ne, %convert_element_type3A_25, %cond3A_26 : i32
    scf.if %cond3A_27 {
      %mul3A = arith.constant 632 : i32
      %mul3A_62 = arith.muli %arg1, %mul3A : i32
      %mul3A_63 = arith.constant 632 : i32
      %mul3A_64 = arith.muli %arg1, %mul3A_63 : i32
      "tpu.region"() ({
        %run_scoped3A_65 = tpu.sem_alloc : memref<!tpu.dma_semaphore, #tpu.memory_space<semaphore_mem>>
        %dma_start3A_66 = arith.constant 0 : i32
        %dma_start3A_67 = tpu.memref_slice %arg7[%arg0, %mul3A_64, %dma_start3A_66] : memref<2x10000x128xf32, #tpu.memory_space<hbm>> -> memref<1x632x128xf32, #tpu.memory_space<hbm>>
        %dma_start3A_68 = tpu.memref_squeeze %dma_start3A_67 : memref<1x632x128xf32, #tpu.memory_space<hbm>> -> memref<632x128xf32, #tpu.memory_space<hbm>>
        %dma_start3A_69 = arith.constant 0 : i32
        %dma_start3A_70 = tpu.memref_slice %arg12[%mul3A_62, %dma_start3A_69] : memref<10000x128xf32, #tpu.memory_space<vmem_shared>> -> memref<632x128xf32, #tpu.memory_space<vmem_shared>>
        tpu.enqueue_dma source(%dma_start3A_70 : memref<632x128xf32, #tpu.memory_space<vmem_shared>>) target(%dma_start3A_68 : memref<632x128xf32, #tpu.memory_space<hbm>>) target_semaphore(%run_scoped3A_65 : memref<!tpu.dma_semaphore, #tpu.memory_space<semaphore_mem>>)
        %dma_wait3A = arith.constant 0 : i32
        %dma_wait3A_71 = tpu.memref_slice %arg7[%arg0, %mul3A_64, %dma_wait3A] : memref<2x10000x128xf32, #tpu.memory_space<hbm>> -> memref<1x632x128xf32, #tpu.memory_space<hbm>>
        %dma_wait3A_72 = tpu.memref_squeeze %dma_wait3A_71 : memref<1x632x128xf32, #tpu.memory_space<hbm>> -> memref<632x128xf32, #tpu.memory_space<hbm>>
        %dma_wait3A_73 = arith.constant 0 : i32
        %dma_wait3A_74 = tpu.memref_slice %arg12[%mul3A_62, %dma_wait3A_73] : memref<10000x128xf32, #tpu.memory_space<vmem_shared>> -> memref<632x128xf32, #tpu.memory_space<vmem_shared>>
        tpu.wait_dma2 semaphore(%run_scoped3A_65 : memref<!tpu.dma_semaphore, #tpu.memory_space<semaphore_mem>>) src(%dma_wait3A_74 : memref<632x128xf32, #tpu.memory_space<vmem_shared>>) dst(%dma_wait3A_72 : memref<632x128xf32, #tpu.memory_space<hbm>>)
        tpu.yield
      }) : () -> ()
    } else {
    }
    %eq3A_28 = arith.constant 15 : i32
    %eq3A_29 = arith.cmpi eq, %arg1, %eq3A_28 : i32
    %convert_element_type3A_30 = arith.extui %eq3A_29 : i1 to i32
    %cond3A_31 = arith.constant 0 : i32
    %cond3A_32 = arith.cmpi ne, %convert_element_type3A_30, %cond3A_31 : i32
    scf.if %cond3A_32 {
      "tpu.region"() ({
        %run_scoped3A_62 = tpu.sem_alloc : memref<!tpu.dma_semaphore, #tpu.memory_space<semaphore_mem>>
        %dma_start3A_63 = arith.constant 9480 : i32
        %dma_start3A_64 = arith.constant 0 : i32
        %dma_start3A_65 = tpu.memref_slice %arg7[%arg0, %dma_start3A_63, %dma_start3A_64] : memref<2x10000x128xf32, #tpu.memory_space<hbm>> -> memref<1x520x128xf32, #tpu.memory_space<hbm>>
        %dma_start3A_66 = tpu.memref_squeeze %dma_start3A_65 : memref<1x520x128xf32, #tpu.memory_space<hbm>> -> memref<520x128xf32, #tpu.memory_space<hbm>>
        %dma_start3A_67 = arith.constant 9480 : i32
        %dma_start3A_68 = arith.constant 0 : i32
        %dma_start3A_69 = tpu.memref_slice %arg12[%dma_start3A_67, %dma_start3A_68] : memref<10000x128xf32, #tpu.memory_space<vmem_shared>> -> memref<520x128xf32, #tpu.memory_space<vmem_shared>>
        tpu.enqueue_dma source(%dma_start3A_69 : memref<520x128xf32, #tpu.memory_space<vmem_shared>>) target(%dma_start3A_66 : memref<520x128xf32, #tpu.memory_space<hbm>>) target_semaphore(%run_scoped3A_62 : memref<!tpu.dma_semaphore, #tpu.memory_space<semaphore_mem>>)
        %dma_wait3A = arith.constant 9480 : i32
        %dma_wait3A_70 = arith.constant 0 : i32
        %dma_wait3A_71 = tpu.memref_slice %arg7[%arg0, %dma_wait3A, %dma_wait3A_70] : memref<2x10000x128xf32, #tpu.memory_space<hbm>> -> memref<1x520x128xf32, #tpu.memory_space<hbm>>
        %dma_wait3A_72 = tpu.memref_squeeze %dma_wait3A_71 : memref<1x520x128xf32, #tpu.memory_space<hbm>> -> memref<520x128xf32, #tpu.memory_space<hbm>>
        %dma_wait3A_73 = arith.constant 9480 : i32
        %dma_wait3A_74 = arith.constant 0 : i32
        %dma_wait3A_75 = tpu.memref_slice %arg12[%dma_wait3A_73, %dma_wait3A_74] : memref<10000x128xf32, #tpu.memory_space<vmem_shared>> -> memref<520x128xf32, #tpu.memory_space<vmem_shared>>
        tpu.wait_dma2 semaphore(%run_scoped3A_62 : memref<!tpu.dma_semaphore, #tpu.memory_space<semaphore_mem>>) src(%dma_wait3A_75 : memref<520x128xf32, #tpu.memory_space<vmem_shared>>) dst(%dma_wait3A_72 : memref<520x128xf32, #tpu.memory_space<hbm>>)
        tpu.yield
      }) : () -> ()
    } else {
    }
    %run_scoped3A = arith.constant 0 : i32
    "tpu.region"() ({
      %run_scoped3A_62 = tpu.sem_alloc : memref<!tpu.dma_semaphore, #tpu.memory_space<semaphore_mem>>
      %dma_start3A_63 = arith.constant 0 : i32
      %dma_start3A_64 = arith.constant 0 : i32
      %dma_start3A_65 = tpu.memref_slice %arg11[%run_scoped3A, %dma_start3A_63, %dma_start3A_64] : memref<2x125x128xf32, #tpu.memory_space<vmem>> -> memref<1x125x128xf32, #tpu.memory_space<vmem>>
      %dma_start3A_66 = tpu.memref_squeeze %dma_start3A_65 : memref<1x125x128xf32, #tpu.memory_space<vmem>> -> memref<125x128xf32, #tpu.memory_space<vmem>>
      %dma_start3A_67 = arith.constant 0 : i32
      %dma_start3A_68 = arith.constant 0 : i32
      %dma_start3A_69 = tpu.memref_slice %arg11[%run_scoped3A, %dma_start3A_67, %dma_start3A_68] : memref<2x125x128xf32, #tpu.memory_space<vmem>> -> memref<1x125x128xf32, #tpu.memory_space<vmem>>
      %dma_start3A_70 = tpu.memref_squeeze %dma_start3A_69 : memref<1x125x128xf32, #tpu.memory_space<vmem>> -> memref<125x128xf32, #tpu.memory_space<vmem>>
      tpu.enqueue_dma source(%arg6 : memref<125x128xf32, #tpu.memory_space<hbm>>) target(%dma_start3A_70 : memref<125x128xf32, #tpu.memory_space<vmem>>) target_semaphore(%run_scoped3A_62 : memref<!tpu.dma_semaphore, #tpu.memory_space<semaphore_mem>>)
      %dma_wait3A = arith.constant 0 : i32
      %dma_wait3A_71 = arith.constant 0 : i32
      %dma_wait3A_72 = tpu.memref_slice %arg11[%run_scoped3A, %dma_wait3A, %dma_wait3A_71] : memref<2x125x128xf32, #tpu.memory_space<vmem>> -> memref<1x125x128xf32, #tpu.memory_space<vmem>>
      %dma_wait3A_73 = tpu.memref_squeeze %dma_wait3A_72 : memref<1x125x128xf32, #tpu.memory_space<vmem>> -> memref<125x128xf32, #tpu.memory_space<vmem>>
      %dma_wait3A_74 = arith.constant 0 : i32
      %dma_wait3A_75 = arith.constant 0 : i32
      %dma_wait3A_76 = tpu.memref_slice %arg11[%run_scoped3A, %dma_wait3A_74, %dma_wait3A_75] : memref<2x125x128xf32, #tpu.memory_space<vmem>> -> memref<1x125x128xf32, #tpu.memory_space<vmem>>
      %dma_wait3A_77 = tpu.memref_squeeze %dma_wait3A_76 : memref<1x125x128xf32, #tpu.memory_space<vmem>> -> memref<125x128xf32, #tpu.memory_space<vmem>>
      tpu.wait_dma2 semaphore(%run_scoped3A_62 : memref<!tpu.dma_semaphore, #tpu.memory_space<semaphore_mem>>) src(%arg6 : memref<125x128xf32, #tpu.memory_space<hbm>>) dst(%dma_wait3A_77 : memref<125x128xf32, #tpu.memory_space<vmem>>)
      tpu.yield
    }) : () -> ()
    %lt3A_33 = arith.constant 15 : i32
    %lt3A_34 = arith.cmpi slt, %arg1, %lt3A_33 : i32
    %convert_element_type3A_35 = arith.extui %lt3A_34 : i1 to i32
    %cond3A_36 = arith.constant 0 : i32
    %cond3A_37 = arith.cmpi ne, %convert_element_type3A_35, %cond3A_36 : i32
    scf.if %cond3A_37 {
      %mul3A = arith.constant 632 : i32
      %mul3A_62 = arith.muli %arg1, %mul3A : i32
      %mul3A_63 = arith.constant 632 : i32
      %mul3A_64 = arith.muli %arg1, %mul3A_63 : i32
      "tpu.region"() ({
        %run_scoped3A_65 = tpu.sem_alloc : memref<!tpu.dma_semaphore, #tpu.memory_space<semaphore_mem>>
        %dma_start3A_66 = arith.constant 0 : i32
        %dma_start3A_67 = tpu.memref_slice %arg12[%mul3A_64, %dma_start3A_66] : memref<10000x128xf32, #tpu.memory_space<vmem_shared>> -> memref<632x128xf32, #tpu.memory_space<vmem_shared>>
        %dma_start3A_68 = arith.constant 0 : i32
        %dma_start3A_69 = tpu.memref_slice %arg5[%mul3A_62, %dma_start3A_68] : memref<10000x128xf32, #tpu.memory_space<hbm>> -> memref<632x128xf32, #tpu.memory_space<hbm>>
        tpu.enqueue_dma source(%dma_start3A_69 : memref<632x128xf32, #tpu.memory_space<hbm>>) target(%dma_start3A_67 : memref<632x128xf32, #tpu.memory_space<vmem_shared>>) target_semaphore(%run_scoped3A_65 : memref<!tpu.dma_semaphore, #tpu.memory_space<semaphore_mem>>)
        %dma_wait3A = arith.constant 0 : i32
        %dma_wait3A_70 = tpu.memref_slice %arg12[%mul3A_64, %dma_wait3A] : memref<10000x128xf32, #tpu.memory_space<vmem_shared>> -> memref<632x128xf32, #tpu.memory_space<vmem_shared>>
        %dma_wait3A_71 = arith.constant 0 : i32
        %dma_wait3A_72 = tpu.memref_slice %arg5[%mul3A_62, %dma_wait3A_71] : memref<10000x128xf32, #tpu.memory_space<hbm>> -> memref<632x128xf32, #tpu.memory_space<hbm>>
        tpu.wait_dma2 semaphore(%run_scoped3A_65 : memref<!tpu.dma_semaphore, #tpu.memory_space<semaphore_mem>>) src(%dma_wait3A_72 : memref<632x128xf32, #tpu.memory_space<hbm>>) dst(%dma_wait3A_70 : memref<632x128xf32, #tpu.memory_space<vmem_shared>>)
        tpu.yield
      }) : () -> ()
    } else {
    }
    %eq3A_38 = arith.constant 15 : i32
    %eq3A_39 = arith.cmpi eq, %arg1, %eq3A_38 : i32
    %convert_element_type3A_40 = arith.extui %eq3A_39 : i1 to i32
    %cond3A_41 = arith.constant 0 : i32
    %cond3A_42 = arith.cmpi ne, %convert_element_type3A_40, %cond3A_41 : i32
    scf.if %cond3A_42 {
      "tpu.region"() ({
        %run_scoped3A_62 = tpu.sem_alloc : memref<!tpu.dma_semaphore, #tpu.memory_space<semaphore_mem>>
        %dma_start3A_63 = arith.constant 9480 : i32
        %dma_start3A_64 = arith.constant 0 : i32
        %dma_start3A_65 = tpu.memref_slice %arg12[%dma_start3A_63, %dma_start3A_64] : memref<10000x128xf32, #tpu.memory_space<vmem_shared>> -> memref<520x128xf32, #tpu.memory_space<vmem_shared>>
        %dma_start3A_66 = arith.constant 9480 : i32
        %dma_start3A_67 = arith.constant 0 : i32
        %dma_start3A_68 = tpu.memref_slice %arg5[%dma_start3A_66, %dma_start3A_67] : memref<10000x128xf32, #tpu.memory_space<hbm>> -> memref<520x128xf32, #tpu.memory_space<hbm>>
        tpu.enqueue_dma source(%dma_start3A_68 : memref<520x128xf32, #tpu.memory_space<hbm>>) target(%dma_start3A_65 : memref<520x128xf32, #tpu.memory_space<vmem_shared>>) target_semaphore(%run_scoped3A_62 : memref<!tpu.dma_semaphore, #tpu.memory_space<semaphore_mem>>)
        %dma_wait3A = arith.constant 9480 : i32
        %dma_wait3A_69 = arith.constant 0 : i32
        %dma_wait3A_70 = tpu.memref_slice %arg12[%dma_wait3A, %dma_wait3A_69] : memref<10000x128xf32, #tpu.memory_space<vmem_shared>> -> memref<520x128xf32, #tpu.memory_space<vmem_shared>>
        %dma_wait3A_71 = arith.constant 9480 : i32
        %dma_wait3A_72 = arith.constant 0 : i32
        %dma_wait3A_73 = tpu.memref_slice %arg5[%dma_wait3A_71, %dma_wait3A_72] : memref<10000x128xf32, #tpu.memory_space<hbm>> -> memref<520x128xf32, #tpu.memory_space<hbm>>
        tpu.wait_dma2 semaphore(%run_scoped3A_62 : memref<!tpu.dma_semaphore, #tpu.memory_space<semaphore_mem>>) src(%dma_wait3A_73 : memref<520x128xf32, #tpu.memory_space<hbm>>) dst(%dma_wait3A_70 : memref<520x128xf32, #tpu.memory_space<vmem_shared>>)
        tpu.yield
      }) : () -> ()
    } else {
    }
    %barrier3A_43 = arith.constant 0 : index
    tpu.barrier barrier_id(%barrier3A_43)
    %scan3A_44 = arith.constant 0 : i32
    %scan3A_45 = arith.constant 0 : i32
    %scan3A_46 = arith.constant 0 : i32
    %scan3A_47 = arith.constant 5 : i32
    %scan3A_48 = arith.addi %scan3A_46, %scan3A_47 : i32
    %scan3A_49 = arith.constant 1 : i32
    scf.for %scan3A_62 = %scan3A_46 to %scan3A_48 step %scan3A_49  : i32 {
      %mul3A = arith.constant 16 : i32
      %mul3A_63 = arith.muli %scan3A_62, %mul3A : i32
      "tpu.region"() ({
        %run_scoped3A_415 = tpu.sem_alloc : memref<!tpu.dma_semaphore, #tpu.memory_space<semaphore_mem>>
        %dma_start3A_416 = arith.constant 0 : i32
        %dma_start3A_417 = tpu.memref_slice %arg4[%arg0, %arg1, %mul3A_63, %dma_start3A_416] : memref<2x16x80x125xi32, #tpu.memory_space<hbm>> -> memref<1x1x16x125xi32, #tpu.memory_space<hbm>>
        %dma_start3A_418 = tpu.memref_squeeze %dma_start3A_417 : memref<1x1x16x125xi32, #tpu.memory_space<hbm>> -> memref<16x125xi32, #tpu.memory_space<hbm>>
        %dma_start3A_419 = arith.constant 0 : i32
        %dma_start3A_420 = tpu.memref_slice %arg4[%arg0, %arg1, %mul3A_63, %dma_start3A_419] : memref<2x16x80x125xi32, #tpu.memory_space<hbm>> -> memref<1x1x16x125xi32, #tpu.memory_space<hbm>>
        %dma_start3A_421 = tpu.memref_squeeze %dma_start3A_420 : memref<1x1x16x125xi32, #tpu.memory_space<hbm>> -> memref<16x125xi32, #tpu.memory_space<hbm>>
        tpu.enqueue_dma source(%dma_start3A_421 : memref<16x125xi32, #tpu.memory_space<hbm>>) target(%arg10 : memref<16x125xi32, #tpu.memory_space<vmem>>) target_semaphore(%run_scoped3A_415 : memref<!tpu.dma_semaphore, #tpu.memory_space<semaphore_mem>>)
        %dma_wait3A_422 = arith.constant 0 : i32
        %dma_wait3A_423 = tpu.memref_slice %arg4[%arg0, %arg1, %mul3A_63, %dma_wait3A_422] : memref<2x16x80x125xi32, #tpu.memory_space<hbm>> -> memref<1x1x16x125xi32, #tpu.memory_space<hbm>>
        %dma_wait3A_424 = tpu.memref_squeeze %dma_wait3A_423 : memref<1x1x16x125xi32, #tpu.memory_space<hbm>> -> memref<16x125xi32, #tpu.memory_space<hbm>>
        %dma_wait3A_425 = arith.constant 0 : i32
        %dma_wait3A_426 = tpu.memref_slice %arg4[%arg0, %arg1, %mul3A_63, %dma_wait3A_425] : memref<2x16x80x125xi32, #tpu.memory_space<hbm>> -> memref<1x1x16x125xi32, #tpu.memory_space<hbm>>
        %dma_wait3A_427 = tpu.memref_squeeze %dma_wait3A_426 : memref<1x1x16x125xi32, #tpu.memory_space<hbm>> -> memref<16x125xi32, #tpu.memory_space<hbm>>
        tpu.wait_dma2 semaphore(%run_scoped3A_415 : memref<!tpu.dma_semaphore, #tpu.memory_space<semaphore_mem>>) src(%dma_wait3A_427 : memref<16x125xi32, #tpu.memory_space<hbm>>) dst(%arg10 : memref<16x125xi32, #tpu.memory_space<vmem>>)
        tpu.yield
      }) : () -> ()
      %dma_start3A_64 = arith.constant 0 : i32
      %dma_start3A_65 = arith.constant 0 : i32
      %dma_start3A_66 = arith.constant 0 : i32
      %dma_start3A_67 = tpu.memref_slice %arg11[%scan3A_45, %dma_start3A_65, %dma_start3A_66] : memref<2x125x128xf32, #tpu.memory_space<vmem>> -> memref<1x125x128xf32, #tpu.memory_space<vmem>>
      %dma_start3A_68 = tpu.memref_squeeze %dma_start3A_67 : memref<1x125x128xf32, #tpu.memory_space<vmem>> -> memref<125x128xf32, #tpu.memory_space<vmem>>
      %dma_start3A_69 = arith.constant 0 : i32
      %dma_start3A_70 = tpu.memref_slice %arg10[%dma_start3A_64, %dma_start3A_69] : memref<16x125xi32, #tpu.memory_space<vmem>> -> memref<1x125xi32, #tpu.memory_space<vmem>>
      %dma_start3A_71 = tpu.memref_squeeze %dma_start3A_70 : memref<1x125xi32, #tpu.memory_space<vmem>> -> memref<125xi32, #tpu.memory_space<vmem>>
      %dma_start3A_72 = arith.constant 0 : i32
      %dma_start3A_73 = arith.constant 0 : i32
      %dma_start3A_74 = tpu.memref_slice %arg12[%dma_start3A_72, %dma_start3A_73] : memref<10000x128xf32, #tpu.memory_space<vmem_shared>> -> memref<10000x128xf32, #tpu.memory_space<vmem_shared>>
      tpu.enqueue_indirect_dma source(%dma_start3A_68 : memref<125x128xf32, #tpu.memory_space<vmem>>) target(%dma_start3A_74 : memref<10000x128xf32, #tpu.memory_space<vmem_shared>>) offsets(%dma_start3A_71 : memref<125xi32, #tpu.memory_space<vmem>>) semaphore(%arg13 : memref<!tpu.dma_semaphore, #tpu.memory_space<semaphore_mem>>) {add = true}
      %dma_start3A_75 = arith.constant 1 : i32
      %dma_start3A_76 = arith.constant 0 : i32
      %dma_start3A_77 = arith.constant 0 : i32
      %dma_start3A_78 = tpu.memref_slice %arg11[%scan3A_45, %dma_start3A_76, %dma_start3A_77] : memref<2x125x128xf32, #tpu.memory_space<vmem>> -> memref<1x125x128xf32, #tpu.memory_space<vmem>>
      %dma_start3A_79 = tpu.memref_squeeze %dma_start3A_78 : memref<1x125x128xf32, #tpu.memory_space<vmem>> -> memref<125x128xf32, #tpu.memory_space<vmem>>
      %dma_start3A_80 = arith.constant 0 : i32
      %dma_start3A_81 = tpu.memref_slice %arg10[%dma_start3A_75, %dma_start3A_80] : memref<16x125xi32, #tpu.memory_space<vmem>> -> memref<1x125xi32, #tpu.memory_space<vmem>>
      %dma_start3A_82 = tpu.memref_squeeze %dma_start3A_81 : memref<1x125xi32, #tpu.memory_space<vmem>> -> memref<125xi32, #tpu.memory_space<vmem>>
      %dma_start3A_83 = arith.constant 0 : i32
      %dma_start3A_84 = arith.constant 0 : i32
      %dma_start3A_85 = tpu.memref_slice %arg12[%dma_start3A_83, %dma_start3A_84] : memref<10000x128xf32, #tpu.memory_space<vmem_shared>> -> memref<10000x128xf32, #tpu.memory_space<vmem_shared>>
      tpu.enqueue_indirect_dma source(%dma_start3A_79 : memref<125x128xf32, #tpu.memory_space<vmem>>) target(%dma_start3A_85 : memref<10000x128xf32, #tpu.memory_space<vmem_shared>>) offsets(%dma_start3A_82 : memref<125xi32, #tpu.memory_space<vmem>>) semaphore(%arg13 : memref<!tpu.dma_semaphore, #tpu.memory_space<semaphore_mem>>) {add = true}
      %dma_start3A_86 = arith.constant 2 : i32
      %dma_start3A_87 = arith.constant 0 : i32
      %dma_start3A_88 = arith.constant 0 : i32
      %dma_start3A_89 = tpu.memref_slice %arg11[%scan3A_45, %dma_start3A_87, %dma_start3A_88] : memref<2x125x128xf32, #tpu.memory_space<vmem>> -> memref<1x125x128xf32, #tpu.memory_space<vmem>>
      %dma_start3A_90 = tpu.memref_squeeze %dma_start3A_89 : memref<1x125x128xf32, #tpu.memory_space<vmem>> -> memref<125x128xf32, #tpu.memory_space<vmem>>
      %dma_start3A_91 = arith.constant 0 : i32
      %dma_start3A_92 = tpu.memref_slice %arg10[%dma_start3A_86, %dma_start3A_91] : memref<16x125xi32, #tpu.memory_space<vmem>> -> memref<1x125xi32, #tpu.memory_space<vmem>>
      %dma_start3A_93 = tpu.memref_squeeze %dma_start3A_92 : memref<1x125xi32, #tpu.memory_space<vmem>> -> memref<125xi32, #tpu.memory_space<vmem>>
      %dma_start3A_94 = arith.constant 0 : i32
      %dma_start3A_95 = arith.constant 0 : i32
      %dma_start3A_96 = tpu.memref_slice %arg12[%dma_start3A_94, %dma_start3A_95] : memref<10000x128xf32, #tpu.memory_space<vmem_shared>> -> memref<10000x128xf32, #tpu.memory_space<vmem_shared>>
      tpu.enqueue_indirect_dma source(%dma_start3A_90 : memref<125x128xf32, #tpu.memory_space<vmem>>) target(%dma_start3A_96 : memref<10000x128xf32, #tpu.memory_space<vmem_shared>>) offsets(%dma_start3A_93 : memref<125xi32, #tpu.memory_space<vmem>>) semaphore(%arg13 : memref<!tpu.dma_semaphore, #tpu.memory_space<semaphore_mem>>) {add = true}
      %dma_start3A_97 = arith.constant 3 : i32
      %dma_start3A_98 = arith.constant 0 : i32
      %dma_start3A_99 = arith.constant 0 : i32
      %dma_start3A_100 = tpu.memref_slice %arg11[%scan3A_45, %dma_start3A_98, %dma_start3A_99] : memref<2x125x128xf32, #tpu.memory_space<vmem>> -> memref<1x125x128xf32, #tpu.memory_space<vmem>>
      %dma_start3A_101 = tpu.memref_squeeze %dma_start3A_100 : memref<1x125x128xf32, #tpu.memory_space<vmem>> -> memref<125x128xf32, #tpu.memory_space<vmem>>
      %dma_start3A_102 = arith.constant 0 : i32
      %dma_start3A_103 = tpu.memref_slice %arg10[%dma_start3A_97, %dma_start3A_102] : memref<16x125xi32, #tpu.memory_space<vmem>> -> memref<1x125xi32, #tpu.memory_space<vmem>>
      %dma_start3A_104 = tpu.memref_squeeze %dma_start3A_103 : memref<1x125xi32, #tpu.memory_space<vmem>> -> memref<125xi32, #tpu.memory_space<vmem>>
      %dma_start3A_105 = arith.constant 0 : i32
      %dma_start3A_106 = arith.constant 0 : i32
      %dma_start3A_107 = tpu.memref_slice %arg12[%dma_start3A_105, %dma_start3A_106] : memref<10000x128xf32, #tpu.memory_space<vmem_shared>> -> memref<10000x128xf32, #tpu.memory_space<vmem_shared>>
      tpu.enqueue_indirect_dma source(%dma_start3A_101 : memref<125x128xf32, #tpu.memory_space<vmem>>) target(%dma_start3A_107 : memref<10000x128xf32, #tpu.memory_space<vmem_shared>>) offsets(%dma_start3A_104 : memref<125xi32, #tpu.memory_space<vmem>>) semaphore(%arg13 : memref<!tpu.dma_semaphore, #tpu.memory_space<semaphore_mem>>) {add = true}
      %dma_start3A_108 = arith.constant 4 : i32
      %dma_start3A_109 = arith.constant 0 : i32
      %dma_start3A_110 = arith.constant 0 : i32
      %dma_start3A_111 = tpu.memref_slice %arg11[%scan3A_45, %dma_start3A_109, %dma_start3A_110] : memref<2x125x128xf32, #tpu.memory_space<vmem>> -> memref<1x125x128xf32, #tpu.memory_space<vmem>>
      %dma_start3A_112 = tpu.memref_squeeze %dma_start3A_111 : memref<1x125x128xf32, #tpu.memory_space<vmem>> -> memref<125x128xf32, #tpu.memory_space<vmem>>
      %dma_start3A_113 = arith.constant 0 : i32
      %dma_start3A_114 = tpu.memref_slice %arg10[%dma_start3A_108, %dma_start3A_113] : memref<16x125xi32, #tpu.memory_space<vmem>> -> memref<1x125xi32, #tpu.memory_space<vmem>>
      %dma_start3A_115 = tpu.memref_squeeze %dma_start3A_114 : memref<1x125xi32, #tpu.memory_space<vmem>> -> memref<125xi32, #tpu.memory_space<vmem>>
      %dma_start3A_116 = arith.constant 0 : i32
      %dma_start3A_117 = arith.constant 0 : i32
      %dma_start3A_118 = tpu.memref_slice %arg12[%dma_start3A_116, %dma_start3A_117] : memref<10000x128xf32, #tpu.memory_space<vmem_shared>> -> memref<10000x128xf32, #tpu.memory_space<vmem_shared>>
      tpu.enqueue_indirect_dma source(%dma_start3A_112 : memref<125x128xf32, #tpu.memory_space<vmem>>) target(%dma_start3A_118 : memref<10000x128xf32, #tpu.memory_space<vmem_shared>>) offsets(%dma_start3A_115 : memref<125xi32, #tpu.memory_space<vmem>>) semaphore(%arg13 : memref<!tpu.dma_semaphore, #tpu.memory_space<semaphore_mem>>) {add = true}
      %dma_start3A_119 = arith.constant 5 : i32
      %dma_start3A_120 = arith.constant 0 : i32
      %dma_start3A_121 = arith.constant 0 : i32
      %dma_start3A_122 = tpu.memref_slice %arg11[%scan3A_45, %dma_start3A_120, %dma_start3A_121] : memref<2x125x128xf32, #tpu.memory_space<vmem>> -> memref<1x125x128xf32, #tpu.memory_space<vmem>>
      %dma_start3A_123 = tpu.memref_squeeze %dma_start3A_122 : memref<1x125x128xf32, #tpu.memory_space<vmem>> -> memref<125x128xf32, #tpu.memory_space<vmem>>
      %dma_start3A_124 = arith.constant 0 : i32
      %dma_start3A_125 = tpu.memref_slice %arg10[%dma_start3A_119, %dma_start3A_124] : memref<16x125xi32, #tpu.memory_space<vmem>> -> memref<1x125xi32, #tpu.memory_space<vmem>>
      %dma_start3A_126 = tpu.memref_squeeze %dma_start3A_125 : memref<1x125xi32, #tpu.memory_space<vmem>> -> memref<125xi32, #tpu.memory_space<vmem>>
      %dma_start3A_127 = arith.constant 0 : i32
      %dma_start3A_128 = arith.constant 0 : i32
      %dma_start3A_129 = tpu.memref_slice %arg12[%dma_start3A_127, %dma_start3A_128] : memref<10000x128xf32, #tpu.memory_space<vmem_shared>> -> memref<10000x128xf32, #tpu.memory_space<vmem_shared>>
      tpu.enqueue_indirect_dma source(%dma_start3A_123 : memref<125x128xf32, #tpu.memory_space<vmem>>) target(%dma_start3A_129 : memref<10000x128xf32, #tpu.memory_space<vmem_shared>>) offsets(%dma_start3A_126 : memref<125xi32, #tpu.memory_space<vmem>>) semaphore(%arg13 : memref<!tpu.dma_semaphore, #tpu.memory_space<semaphore_mem>>) {add = true}
      %dma_start3A_130 = arith.constant 6 : i32
      %dma_start3A_131 = arith.constant 0 : i32
      %dma_start3A_132 = arith.constant 0 : i32
      %dma_start3A_133 = tpu.memref_slice %arg11[%scan3A_45, %dma_start3A_131, %dma_start3A_132] : memref<2x125x128xf32, #tpu.memory_space<vmem>> -> memref<1x125x128xf32, #tpu.memory_space<vmem>>
      %dma_start3A_134 = tpu.memref_squeeze %dma_start3A_133 : memref<1x125x128xf32, #tpu.memory_space<vmem>> -> memref<125x128xf32, #tpu.memory_space<vmem>>
      %dma_start3A_135 = arith.constant 0 : i32
      %dma_start3A_136 = tpu.memref_slice %arg10[%dma_start3A_130, %dma_start3A_135] : memref<16x125xi32, #tpu.memory_space<vmem>> -> memref<1x125xi32, #tpu.memory_space<vmem>>
      %dma_start3A_137 = tpu.memref_squeeze %dma_start3A_136 : memref<1x125xi32, #tpu.memory_space<vmem>> -> memref<125xi32, #tpu.memory_space<vmem>>
      %dma_start3A_138 = arith.constant 0 : i32
      %dma_start3A_139 = arith.constant 0 : i32
      %dma_start3A_140 = tpu.memref_slice %arg12[%dma_start3A_138, %dma_start3A_139] : memref<10000x128xf32, #tpu.memory_space<vmem_shared>> -> memref<10000x128xf32, #tpu.memory_space<vmem_shared>>
      tpu.enqueue_indirect_dma source(%dma_start3A_134 : memref<125x128xf32, #tpu.memory_space<vmem>>) target(%dma_start3A_140 : memref<10000x128xf32, #tpu.memory_space<vmem_shared>>) offsets(%dma_start3A_137 : memref<125xi32, #tpu.memory_space<vmem>>) semaphore(%arg13 : memref<!tpu.dma_semaphore, #tpu.memory_space<semaphore_mem>>) {add = true}
      %dma_start3A_141 = arith.constant 7 : i32
      %dma_start3A_142 = arith.constant 0 : i32
      %dma_start3A_143 = arith.constant 0 : i32
      %dma_start3A_144 = tpu.memref_slice %arg11[%scan3A_45, %dma_start3A_142, %dma_start3A_143] : memref<2x125x128xf32, #tpu.memory_space<vmem>> -> memref<1x125x128xf32, #tpu.memory_space<vmem>>
      %dma_start3A_145 = tpu.memref_squeeze %dma_start3A_144 : memref<1x125x128xf32, #tpu.memory_space<vmem>> -> memref<125x128xf32, #tpu.memory_space<vmem>>
      %dma_start3A_146 = arith.constant 0 : i32
      %dma_start3A_147 = tpu.memref_slice %arg10[%dma_start3A_141, %dma_start3A_146] : memref<16x125xi32, #tpu.memory_space<vmem>> -> memref<1x125xi32, #tpu.memory_space<vmem>>
      %dma_start3A_148 = tpu.memref_squeeze %dma_start3A_147 : memref<1x125xi32, #tpu.memory_space<vmem>> -> memref<125xi32, #tpu.memory_space<vmem>>
      %dma_start3A_149 = arith.constant 0 : i32
      %dma_start3A_150 = arith.constant 0 : i32
      %dma_start3A_151 = tpu.memref_slice %arg12[%dma_start3A_149, %dma_start3A_150] : memref<10000x128xf32, #tpu.memory_space<vmem_shared>> -> memref<10000x128xf32, #tpu.memory_space<vmem_shared>>
      tpu.enqueue_indirect_dma source(%dma_start3A_145 : memref<125x128xf32, #tpu.memory_space<vmem>>) target(%dma_start3A_151 : memref<10000x128xf32, #tpu.memory_space<vmem_shared>>) offsets(%dma_start3A_148 : memref<125xi32, #tpu.memory_space<vmem>>) semaphore(%arg13 : memref<!tpu.dma_semaphore, #tpu.memory_space<semaphore_mem>>) {add = true}
      %dma_start3A_152 = arith.constant 8 : i32
      %dma_start3A_153 = arith.constant 0 : i32
      %dma_start3A_154 = arith.constant 0 : i32
      %dma_start3A_155 = tpu.memref_slice %arg11[%scan3A_45, %dma_start3A_153, %dma_start3A_154] : memref<2x125x128xf32, #tpu.memory_space<vmem>> -> memref<1x125x128xf32, #tpu.memory_space<vmem>>
      %dma_start3A_156 = tpu.memref_squeeze %dma_start3A_155 : memref<1x125x128xf32, #tpu.memory_space<vmem>> -> memref<125x128xf32, #tpu.memory_space<vmem>>
      %dma_start3A_157 = arith.constant 0 : i32
      %dma_start3A_158 = tpu.memref_slice %arg10[%dma_start3A_152, %dma_start3A_157] : memref<16x125xi32, #tpu.memory_space<vmem>> -> memref<1x125xi32, #tpu.memory_space<vmem>>
      %dma_start3A_159 = tpu.memref_squeeze %dma_start3A_158 : memref<1x125xi32, #tpu.memory_space<vmem>> -> memref<125xi32, #tpu.memory_space<vmem>>
      %dma_start3A_160 = arith.constant 0 : i32
      %dma_start3A_161 = arith.constant 0 : i32
      %dma_start3A_162 = tpu.memref_slice %arg12[%dma_start3A_160, %dma_start3A_161] : memref<10000x128xf32, #tpu.memory_space<vmem_shared>> -> memref<10000x128xf32, #tpu.memory_space<vmem_shared>>
      tpu.enqueue_indirect_dma source(%dma_start3A_156 : memref<125x128xf32, #tpu.memory_space<vmem>>) target(%dma_start3A_162 : memref<10000x128xf32, #tpu.memory_space<vmem_shared>>) offsets(%dma_start3A_159 : memref<125xi32, #tpu.memory_space<vmem>>) semaphore(%arg13 : memref<!tpu.dma_semaphore, #tpu.memory_space<semaphore_mem>>) {add = true}
      %dma_start3A_163 = arith.constant 9 : i32
      %dma_start3A_164 = arith.constant 0 : i32
      %dma_start3A_165 = arith.constant 0 : i32
      %dma_start3A_166 = tpu.memref_slice %arg11[%scan3A_45, %dma_start3A_164, %dma_start3A_165] : memref<2x125x128xf32, #tpu.memory_space<vmem>> -> memref<1x125x128xf32, #tpu.memory_space<vmem>>
      %dma_start3A_167 = tpu.memref_squeeze %dma_start3A_166 : memref<1x125x128xf32, #tpu.memory_space<vmem>> -> memref<125x128xf32, #tpu.memory_space<vmem>>
      %dma_start3A_168 = arith.constant 0 : i32
      %dma_start3A_169 = tpu.memref_slice %arg10[%dma_start3A_163, %dma_start3A_168] : memref<16x125xi32, #tpu.memory_space<vmem>> -> memref<1x125xi32, #tpu.memory_space<vmem>>
      %dma_start3A_170 = tpu.memref_squeeze %dma_start3A_169 : memref<1x125xi32, #tpu.memory_space<vmem>> -> memref<125xi32, #tpu.memory_space<vmem>>
      %dma_start3A_171 = arith.constant 0 : i32
      %dma_start3A_172 = arith.constant 0 : i32
      %dma_start3A_173 = tpu.memref_slice %arg12[%dma_start3A_171, %dma_start3A_172] : memref<10000x128xf32, #tpu.memory_space<vmem_shared>> -> memref<10000x128xf32, #tpu.memory_space<vmem_shared>>
      tpu.enqueue_indirect_dma source(%dma_start3A_167 : memref<125x128xf32, #tpu.memory_space<vmem>>) target(%dma_start3A_173 : memref<10000x128xf32, #tpu.memory_space<vmem_shared>>) offsets(%dma_start3A_170 : memref<125xi32, #tpu.memory_space<vmem>>) semaphore(%arg13 : memref<!tpu.dma_semaphore, #tpu.memory_space<semaphore_mem>>) {add = true}
      %dma_start3A_174 = arith.constant 10 : i32
      %dma_start3A_175 = arith.constant 0 : i32
      %dma_start3A_176 = arith.constant 0 : i32
      %dma_start3A_177 = tpu.memref_slice %arg11[%scan3A_45, %dma_start3A_175, %dma_start3A_176] : memref<2x125x128xf32, #tpu.memory_space<vmem>> -> memref<1x125x128xf32, #tpu.memory_space<vmem>>
      %dma_start3A_178 = tpu.memref_squeeze %dma_start3A_177 : memref<1x125x128xf32, #tpu.memory_space<vmem>> -> memref<125x128xf32, #tpu.memory_space<vmem>>
      %dma_start3A_179 = arith.constant 0 : i32
      %dma_start3A_180 = tpu.memref_slice %arg10[%dma_start3A_174, %dma_start3A_179] : memref<16x125xi32, #tpu.memory_space<vmem>> -> memref<1x125xi32, #tpu.memory_space<vmem>>
      %dma_start3A_181 = tpu.memref_squeeze %dma_start3A_180 : memref<1x125xi32, #tpu.memory_space<vmem>> -> memref<125xi32, #tpu.memory_space<vmem>>
      %dma_start3A_182 = arith.constant 0 : i32
      %dma_start3A_183 = arith.constant 0 : i32
      %dma_start3A_184 = tpu.memref_slice %arg12[%dma_start3A_182, %dma_start3A_183] : memref<10000x128xf32, #tpu.memory_space<vmem_shared>> -> memref<10000x128xf32, #tpu.memory_space<vmem_shared>>
      tpu.enqueue_indirect_dma source(%dma_start3A_178 : memref<125x128xf32, #tpu.memory_space<vmem>>) target(%dma_start3A_184 : memref<10000x128xf32, #tpu.memory_space<vmem_shared>>) offsets(%dma_start3A_181 : memref<125xi32, #tpu.memory_space<vmem>>) semaphore(%arg13 : memref<!tpu.dma_semaphore, #tpu.memory_space<semaphore_mem>>) {add = true}
      %dma_start3A_185 = arith.constant 11 : i32
      %dma_start3A_186 = arith.constant 0 : i32
      %dma_start3A_187 = arith.constant 0 : i32
      %dma_start3A_188 = tpu.memref_slice %arg11[%scan3A_45, %dma_start3A_186, %dma_start3A_187] : memref<2x125x128xf32, #tpu.memory_space<vmem>> -> memref<1x125x128xf32, #tpu.memory_space<vmem>>
      %dma_start3A_189 = tpu.memref_squeeze %dma_start3A_188 : memref<1x125x128xf32, #tpu.memory_space<vmem>> -> memref<125x128xf32, #tpu.memory_space<vmem>>
      %dma_start3A_190 = arith.constant 0 : i32
      %dma_start3A_191 = tpu.memref_slice %arg10[%dma_start3A_185, %dma_start3A_190] : memref<16x125xi32, #tpu.memory_space<vmem>> -> memref<1x125xi32, #tpu.memory_space<vmem>>
      %dma_start3A_192 = tpu.memref_squeeze %dma_start3A_191 : memref<1x125xi32, #tpu.memory_space<vmem>> -> memref<125xi32, #tpu.memory_space<vmem>>
      %dma_start3A_193 = arith.constant 0 : i32
      %dma_start3A_194 = arith.constant 0 : i32
      %dma_start3A_195 = tpu.memref_slice %arg12[%dma_start3A_193, %dma_start3A_194] : memref<10000x128xf32, #tpu.memory_space<vmem_shared>> -> memref<10000x128xf32, #tpu.memory_space<vmem_shared>>
      tpu.enqueue_indirect_dma source(%dma_start3A_189 : memref<125x128xf32, #tpu.memory_space<vmem>>) target(%dma_start3A_195 : memref<10000x128xf32, #tpu.memory_space<vmem_shared>>) offsets(%dma_start3A_192 : memref<125xi32, #tpu.memory_space<vmem>>) semaphore(%arg13 : memref<!tpu.dma_semaphore, #tpu.memory_space<semaphore_mem>>) {add = true}
      %dma_start3A_196 = arith.constant 12 : i32
      %dma_start3A_197 = arith.constant 0 : i32
      %dma_start3A_198 = arith.constant 0 : i32
      %dma_start3A_199 = tpu.memref_slice %arg11[%scan3A_45, %dma_start3A_197, %dma_start3A_198] : memref<2x125x128xf32, #tpu.memory_space<vmem>> -> memref<1x125x128xf32, #tpu.memory_space<vmem>>
      %dma_start3A_200 = tpu.memref_squeeze %dma_start3A_199 : memref<1x125x128xf32, #tpu.memory_space<vmem>> -> memref<125x128xf32, #tpu.memory_space<vmem>>
      %dma_start3A_201 = arith.constant 0 : i32
      %dma_start3A_202 = tpu.memref_slice %arg10[%dma_start3A_196, %dma_start3A_201] : memref<16x125xi32, #tpu.memory_space<vmem>> -> memref<1x125xi32, #tpu.memory_space<vmem>>
      %dma_start3A_203 = tpu.memref_squeeze %dma_start3A_202 : memref<1x125xi32, #tpu.memory_space<vmem>> -> memref<125xi32, #tpu.memory_space<vmem>>
      %dma_start3A_204 = arith.constant 0 : i32
      %dma_start3A_205 = arith.constant 0 : i32
      %dma_start3A_206 = tpu.memref_slice %arg12[%dma_start3A_204, %dma_start3A_205] : memref<10000x128xf32, #tpu.memory_space<vmem_shared>> -> memref<10000x128xf32, #tpu.memory_space<vmem_shared>>
      tpu.enqueue_indirect_dma source(%dma_start3A_200 : memref<125x128xf32, #tpu.memory_space<vmem>>) target(%dma_start3A_206 : memref<10000x128xf32, #tpu.memory_space<vmem_shared>>) offsets(%dma_start3A_203 : memref<125xi32, #tpu.memory_space<vmem>>) semaphore(%arg13 : memref<!tpu.dma_semaphore, #tpu.memory_space<semaphore_mem>>) {add = true}
      %dma_start3A_207 = arith.constant 13 : i32
      %dma_start3A_208 = arith.constant 0 : i32
      %dma_start3A_209 = arith.constant 0 : i32
      %dma_start3A_210 = tpu.memref_slice %arg11[%scan3A_45, %dma_start3A_208, %dma_start3A_209] : memref<2x125x128xf32, #tpu.memory_space<vmem>> -> memref<1x125x128xf32, #tpu.memory_space<vmem>>
      %dma_start3A_211 = tpu.memref_squeeze %dma_start3A_210 : memref<1x125x128xf32, #tpu.memory_space<vmem>> -> memref<125x128xf32, #tpu.memory_space<vmem>>
      %dma_start3A_212 = arith.constant 0 : i32
      %dma_start3A_213 = tpu.memref_slice %arg10[%dma_start3A_207, %dma_start3A_212] : memref<16x125xi32, #tpu.memory_space<vmem>> -> memref<1x125xi32, #tpu.memory_space<vmem>>
      %dma_start3A_214 = tpu.memref_squeeze %dma_start3A_213 : memref<1x125xi32, #tpu.memory_space<vmem>> -> memref<125xi32, #tpu.memory_space<vmem>>
      %dma_start3A_215 = arith.constant 0 : i32
      %dma_start3A_216 = arith.constant 0 : i32
      %dma_start3A_217 = tpu.memref_slice %arg12[%dma_start3A_215, %dma_start3A_216] : memref<10000x128xf32, #tpu.memory_space<vmem_shared>> -> memref<10000x128xf32, #tpu.memory_space<vmem_shared>>
      tpu.enqueue_indirect_dma source(%dma_start3A_211 : memref<125x128xf32, #tpu.memory_space<vmem>>) target(%dma_start3A_217 : memref<10000x128xf32, #tpu.memory_space<vmem_shared>>) offsets(%dma_start3A_214 : memref<125xi32, #tpu.memory_space<vmem>>) semaphore(%arg13 : memref<!tpu.dma_semaphore, #tpu.memory_space<semaphore_mem>>) {add = true}
      %dma_start3A_218 = arith.constant 14 : i32
      %dma_start3A_219 = arith.constant 0 : i32
      %dma_start3A_220 = arith.constant 0 : i32
      %dma_start3A_221 = tpu.memref_slice %arg11[%scan3A_45, %dma_start3A_219, %dma_start3A_220] : memref<2x125x128xf32, #tpu.memory_space<vmem>> -> memref<1x125x128xf32, #tpu.memory_space<vmem>>
      %dma_start3A_222 = tpu.memref_squeeze %dma_start3A_221 : memref<1x125x128xf32, #tpu.memory_space<vmem>> -> memref<125x128xf32, #tpu.memory_space<vmem>>
      %dma_start3A_223 = arith.constant 0 : i32
      %dma_start3A_224 = tpu.memref_slice %arg10[%dma_start3A_218, %dma_start3A_223] : memref<16x125xi32, #tpu.memory_space<vmem>> -> memref<1x125xi32, #tpu.memory_space<vmem>>
      %dma_start3A_225 = tpu.memref_squeeze %dma_start3A_224 : memref<1x125xi32, #tpu.memory_space<vmem>> -> memref<125xi32, #tpu.memory_space<vmem>>
      %dma_start3A_226 = arith.constant 0 : i32
      %dma_start3A_227 = arith.constant 0 : i32
      %dma_start3A_228 = tpu.memref_slice %arg12[%dma_start3A_226, %dma_start3A_227] : memref<10000x128xf32, #tpu.memory_space<vmem_shared>> -> memref<10000x128xf32, #tpu.memory_space<vmem_shared>>
      tpu.enqueue_indirect_dma source(%dma_start3A_222 : memref<125x128xf32, #tpu.memory_space<vmem>>) target(%dma_start3A_228 : memref<10000x128xf32, #tpu.memory_space<vmem_shared>>) offsets(%dma_start3A_225 : memref<125xi32, #tpu.memory_space<vmem>>) semaphore(%arg13 : memref<!tpu.dma_semaphore, #tpu.memory_space<semaphore_mem>>) {add = true}
      %dma_start3A_229 = arith.constant 15 : i32
      %dma_start3A_230 = arith.constant 0 : i32
      %dma_start3A_231 = arith.constant 0 : i32
      %dma_start3A_232 = tpu.memref_slice %arg11[%scan3A_45, %dma_start3A_230, %dma_start3A_231] : memref<2x125x128xf32, #tpu.memory_space<vmem>> -> memref<1x125x128xf32, #tpu.memory_space<vmem>>
      %dma_start3A_233 = tpu.memref_squeeze %dma_start3A_232 : memref<1x125x128xf32, #tpu.memory_space<vmem>> -> memref<125x128xf32, #tpu.memory_space<vmem>>
      %dma_start3A_234 = arith.constant 0 : i32
      %dma_start3A_235 = tpu.memref_slice %arg10[%dma_start3A_229, %dma_start3A_234] : memref<16x125xi32, #tpu.memory_space<vmem>> -> memref<1x125xi32, #tpu.memory_space<vmem>>
      %dma_start3A_236 = tpu.memref_squeeze %dma_start3A_235 : memref<1x125xi32, #tpu.memory_space<vmem>> -> memref<125xi32, #tpu.memory_space<vmem>>
      %dma_start3A_237 = arith.constant 0 : i32
      %dma_start3A_238 = arith.constant 0 : i32
      %dma_start3A_239 = tpu.memref_slice %arg12[%dma_start3A_237, %dma_start3A_238] : memref<10000x128xf32, #tpu.memory_space<vmem_shared>> -> memref<10000x128xf32, #tpu.memory_space<vmem_shared>>
      tpu.enqueue_indirect_dma source(%dma_start3A_233 : memref<125x128xf32, #tpu.memory_space<vmem>>) target(%dma_start3A_239 : memref<10000x128xf32, #tpu.memory_space<vmem_shared>>) offsets(%dma_start3A_236 : memref<125xi32, #tpu.memory_space<vmem>>) semaphore(%arg13 : memref<!tpu.dma_semaphore, #tpu.memory_space<semaphore_mem>>) {add = true}
      %dma_wait3A = arith.constant 0 : i32
      %dma_wait3A_240 = arith.constant 0 : i32
      %dma_wait3A_241 = arith.constant 0 : i32
      %dma_wait3A_242 = tpu.memref_slice %arg11[%scan3A_45, %dma_wait3A_240, %dma_wait3A_241] : memref<2x125x128xf32, #tpu.memory_space<vmem>> -> memref<1x125x128xf32, #tpu.memory_space<vmem>>
      %dma_wait3A_243 = tpu.memref_squeeze %dma_wait3A_242 : memref<1x125x128xf32, #tpu.memory_space<vmem>> -> memref<125x128xf32, #tpu.memory_space<vmem>>
      %dma_wait3A_244 = arith.constant 0 : i32
      %dma_wait3A_245 = tpu.memref_slice %arg10[%dma_wait3A, %dma_wait3A_244] : memref<16x125xi32, #tpu.memory_space<vmem>> -> memref<1x125xi32, #tpu.memory_space<vmem>>
      %dma_wait3A_246 = tpu.memref_squeeze %dma_wait3A_245 : memref<1x125xi32, #tpu.memory_space<vmem>> -> memref<125xi32, #tpu.memory_space<vmem>>
      %dma_wait3A_247 = arith.constant 0 : i32
      %dma_wait3A_248 = arith.constant 0 : i32
      %dma_wait3A_249 = tpu.memref_slice %arg12[%dma_wait3A_247, %dma_wait3A_248] : memref<10000x128xf32, #tpu.memory_space<vmem_shared>> -> memref<10000x128xf32, #tpu.memory_space<vmem_shared>>
      tpu.wait_indirect_dma semaphore(%arg13 : memref<!tpu.dma_semaphore, #tpu.memory_space<semaphore_mem>>) src(%dma_wait3A_243 : memref<125x128xf32, #tpu.memory_space<vmem>>) dst(%dma_wait3A_249 : memref<10000x128xf32, #tpu.memory_space<vmem_shared>>)
      %dma_wait3A_250 = arith.constant 1 : i32
      %dma_wait3A_251 = arith.constant 0 : i32
      %dma_wait3A_252 = arith.constant 0 : i32
      %dma_wait3A_253 = tpu.memref_slice %arg11[%scan3A_45, %dma_wait3A_251, %dma_wait3A_252] : memref<2x125x128xf32, #tpu.memory_space<vmem>> -> memref<1x125x128xf32, #tpu.memory_space<vmem>>
      %dma_wait3A_254 = tpu.memref_squeeze %dma_wait3A_253 : memref<1x125x128xf32, #tpu.memory_space<vmem>> -> memref<125x128xf32, #tpu.memory_space<vmem>>
      %dma_wait3A_255 = arith.constant 0 : i32
      %dma_wait3A_256 = tpu.memref_slice %arg10[%dma_wait3A_250, %dma_wait3A_255] : memref<16x125xi32, #tpu.memory_space<vmem>> -> memref<1x125xi32, #tpu.memory_space<vmem>>
      %dma_wait3A_257 = tpu.memref_squeeze %dma_wait3A_256 : memref<1x125xi32, #tpu.memory_space<vmem>> -> memref<125xi32, #tpu.memory_space<vmem>>
      %dma_wait3A_258 = arith.constant 0 : i32
      %dma_wait3A_259 = arith.constant 0 : i32
      %dma_wait3A_260 = tpu.memref_slice %arg12[%dma_wait3A_258, %dma_wait3A_259] : memref<10000x128xf32, #tpu.memory_space<vmem_shared>> -> memref<10000x128xf32, #tpu.memory_space<vmem_shared>>
      tpu.wait_indirect_dma semaphore(%arg13 : memref<!tpu.dma_semaphore, #tpu.memory_space<semaphore_mem>>) src(%dma_wait3A_254 : memref<125x128xf32, #tpu.memory_space<vmem>>) dst(%dma_wait3A_260 : memref<10000x128xf32, #tpu.memory_space<vmem_shared>>)
      %dma_wait3A_261 = arith.constant 2 : i32
      %dma_wait3A_262 = arith.constant 0 : i32
      %dma_wait3A_263 = arith.constant 0 : i32
      %dma_wait3A_264 = tpu.memref_slice %arg11[%scan3A_45, %dma_wait3A_262, %dma_wait3A_263] : memref<2x125x128xf32, #tpu.memory_space<vmem>> -> memref<1x125x128xf32, #tpu.memory_space<vmem>>
      %dma_wait3A_265 = tpu.memref_squeeze %dma_wait3A_264 : memref<1x125x128xf32, #tpu.memory_space<vmem>> -> memref<125x128xf32, #tpu.memory_space<vmem>>
      %dma_wait3A_266 = arith.constant 0 : i32
      %dma_wait3A_267 = tpu.memref_slice %arg10[%dma_wait3A_261, %dma_wait3A_266] : memref<16x125xi32, #tpu.memory_space<vmem>> -> memref<1x125xi32, #tpu.memory_space<vmem>>
      %dma_wait3A_268 = tpu.memref_squeeze %dma_wait3A_267 : memref<1x125xi32, #tpu.memory_space<vmem>> -> memref<125xi32, #tpu.memory_space<vmem>>
      %dma_wait3A_269 = arith.constant 0 : i32
      %dma_wait3A_270 = arith.constant 0 : i32
      %dma_wait3A_271 = tpu.memref_slice %arg12[%dma_wait3A_269, %dma_wait3A_270] : memref<10000x128xf32, #tpu.memory_space<vmem_shared>> -> memref<10000x128xf32, #tpu.memory_space<vmem_shared>>
      tpu.wait_indirect_dma semaphore(%arg13 : memref<!tpu.dma_semaphore, #tpu.memory_space<semaphore_mem>>) src(%dma_wait3A_265 : memref<125x128xf32, #tpu.memory_space<vmem>>) dst(%dma_wait3A_271 : memref<10000x128xf32, #tpu.memory_space<vmem_shared>>)
      %dma_wait3A_272 = arith.constant 3 : i32
      %dma_wait3A_273 = arith.constant 0 : i32
      %dma_wait3A_274 = arith.constant 0 : i32
      %dma_wait3A_275 = tpu.memref_slice %arg11[%scan3A_45, %dma_wait3A_273, %dma_wait3A_274] : memref<2x125x128xf32, #tpu.memory_space<vmem>> -> memref<1x125x128xf32, #tpu.memory_space<vmem>>
      %dma_wait3A_276 = tpu.memref_squeeze %dma_wait3A_275 : memref<1x125x128xf32, #tpu.memory_space<vmem>> -> memref<125x128xf32, #tpu.memory_space<vmem>>
      %dma_wait3A_277 = arith.constant 0 : i32
      %dma_wait3A_278 = tpu.memref_slice %arg10[%dma_wait3A_272, %dma_wait3A_277] : memref<16x125xi32, #tpu.memory_space<vmem>> -> memref<1x125xi32, #tpu.memory_space<vmem>>
      %dma_wait3A_279 = tpu.memref_squeeze %dma_wait3A_278 : memref<1x125xi32, #tpu.memory_space<vmem>> -> memref<125xi32, #tpu.memory_space<vmem>>
      %dma_wait3A_280 = arith.constant 0 : i32
      %dma_wait3A_281 = arith.constant 0 : i32
      %dma_wait3A_282 = tpu.memref_slice %arg12[%dma_wait3A_280, %dma_wait3A_281] : memref<10000x128xf32, #tpu.memory_space<vmem_shared>> -> memref<10000x128xf32, #tpu.memory_space<vmem_shared>>
      tpu.wait_indirect_dma semaphore(%arg13 : memref<!tpu.dma_semaphore, #tpu.memory_space<semaphore_mem>>) src(%dma_wait3A_276 : memref<125x128xf32, #tpu.memory_space<vmem>>) dst(%dma_wait3A_282 : memref<10000x128xf32, #tpu.memory_space<vmem_shared>>)
      %dma_wait3A_283 = arith.constant 4 : i32
      %dma_wait3A_284 = arith.constant 0 : i32
      %dma_wait3A_285 = arith.constant 0 : i32
      %dma_wait3A_286 = tpu.memref_slice %arg11[%scan3A_45, %dma_wait3A_284, %dma_wait3A_285] : memref<2x125x128xf32, #tpu.memory_space<vmem>> -> memref<1x125x128xf32, #tpu.memory_space<vmem>>
      %dma_wait3A_287 = tpu.memref_squeeze %dma_wait3A_286 : memref<1x125x128xf32, #tpu.memory_space<vmem>> -> memref<125x128xf32, #tpu.memory_space<vmem>>
      %dma_wait3A_288 = arith.constant 0 : i32
      %dma_wait3A_289 = tpu.memref_slice %arg10[%dma_wait3A_283, %dma_wait3A_288] : memref<16x125xi32, #tpu.memory_space<vmem>> -> memref<1x125xi32, #tpu.memory_space<vmem>>
      %dma_wait3A_290 = tpu.memref_squeeze %dma_wait3A_289 : memref<1x125xi32, #tpu.memory_space<vmem>> -> memref<125xi32, #tpu.memory_space<vmem>>
      %dma_wait3A_291 = arith.constant 0 : i32
      %dma_wait3A_292 = arith.constant 0 : i32
      %dma_wait3A_293 = tpu.memref_slice %arg12[%dma_wait3A_291, %dma_wait3A_292] : memref<10000x128xf32, #tpu.memory_space<vmem_shared>> -> memref<10000x128xf32, #tpu.memory_space<vmem_shared>>
      tpu.wait_indirect_dma semaphore(%arg13 : memref<!tpu.dma_semaphore, #tpu.memory_space<semaphore_mem>>) src(%dma_wait3A_287 : memref<125x128xf32, #tpu.memory_space<vmem>>) dst(%dma_wait3A_293 : memref<10000x128xf32, #tpu.memory_space<vmem_shared>>)
      %dma_wait3A_294 = arith.constant 5 : i32
      %dma_wait3A_295 = arith.constant 0 : i32
      %dma_wait3A_296 = arith.constant 0 : i32
      %dma_wait3A_297 = tpu.memref_slice %arg11[%scan3A_45, %dma_wait3A_295, %dma_wait3A_296] : memref<2x125x128xf32, #tpu.memory_space<vmem>> -> memref<1x125x128xf32, #tpu.memory_space<vmem>>
      %dma_wait3A_298 = tpu.memref_squeeze %dma_wait3A_297 : memref<1x125x128xf32, #tpu.memory_space<vmem>> -> memref<125x128xf32, #tpu.memory_space<vmem>>
      %dma_wait3A_299 = arith.constant 0 : i32
      %dma_wait3A_300 = tpu.memref_slice %arg10[%dma_wait3A_294, %dma_wait3A_299] : memref<16x125xi32, #tpu.memory_space<vmem>> -> memref<1x125xi32, #tpu.memory_space<vmem>>
      %dma_wait3A_301 = tpu.memref_squeeze %dma_wait3A_300 : memref<1x125xi32, #tpu.memory_space<vmem>> -> memref<125xi32, #tpu.memory_space<vmem>>
      %dma_wait3A_302 = arith.constant 0 : i32
      %dma_wait3A_303 = arith.constant 0 : i32
      %dma_wait3A_304 = tpu.memref_slice %arg12[%dma_wait3A_302, %dma_wait3A_303] : memref<10000x128xf32, #tpu.memory_space<vmem_shared>> -> memref<10000x128xf32, #tpu.memory_space<vmem_shared>>
      tpu.wait_indirect_dma semaphore(%arg13 : memref<!tpu.dma_semaphore, #tpu.memory_space<semaphore_mem>>) src(%dma_wait3A_298 : memref<125x128xf32, #tpu.memory_space<vmem>>) dst(%dma_wait3A_304 : memref<10000x128xf32, #tpu.memory_space<vmem_shared>>)
      %dma_wait3A_305 = arith.constant 6 : i32
      %dma_wait3A_306 = arith.constant 0 : i32
      %dma_wait3A_307 = arith.constant 0 : i32
      %dma_wait3A_308 = tpu.memref_slice %arg11[%scan3A_45, %dma_wait3A_306, %dma_wait3A_307] : memref<2x125x128xf32, #tpu.memory_space<vmem>> -> memref<1x125x128xf32, #tpu.memory_space<vmem>>
      %dma_wait3A_309 = tpu.memref_squeeze %dma_wait3A_308 : memref<1x125x128xf32, #tpu.memory_space<vmem>> -> memref<125x128xf32, #tpu.memory_space<vmem>>
      %dma_wait3A_310 = arith.constant 0 : i32
      %dma_wait3A_311 = tpu.memref_slice %arg10[%dma_wait3A_305, %dma_wait3A_310] : memref<16x125xi32, #tpu.memory_space<vmem>> -> memref<1x125xi32, #tpu.memory_space<vmem>>
      %dma_wait3A_312 = tpu.memref_squeeze %dma_wait3A_311 : memref<1x125xi32, #tpu.memory_space<vmem>> -> memref<125xi32, #tpu.memory_space<vmem>>
      %dma_wait3A_313 = arith.constant 0 : i32
      %dma_wait3A_314 = arith.constant 0 : i32
      %dma_wait3A_315 = tpu.memref_slice %arg12[%dma_wait3A_313, %dma_wait3A_314] : memref<10000x128xf32, #tpu.memory_space<vmem_shared>> -> memref<10000x128xf32, #tpu.memory_space<vmem_shared>>
      tpu.wait_indirect_dma semaphore(%arg13 : memref<!tpu.dma_semaphore, #tpu.memory_space<semaphore_mem>>) src(%dma_wait3A_309 : memref<125x128xf32, #tpu.memory_space<vmem>>) dst(%dma_wait3A_315 : memref<10000x128xf32, #tpu.memory_space<vmem_shared>>)
      %dma_wait3A_316 = arith.constant 7 : i32
      %dma_wait3A_317 = arith.constant 0 : i32
      %dma_wait3A_318 = arith.constant 0 : i32
      %dma_wait3A_319 = tpu.memref_slice %arg11[%scan3A_45, %dma_wait3A_317, %dma_wait3A_318] : memref<2x125x128xf32, #tpu.memory_space<vmem>> -> memref<1x125x128xf32, #tpu.memory_space<vmem>>
      %dma_wait3A_320 = tpu.memref_squeeze %dma_wait3A_319 : memref<1x125x128xf32, #tpu.memory_space<vmem>> -> memref<125x128xf32, #tpu.memory_space<vmem>>
      %dma_wait3A_321 = arith.constant 0 : i32
      %dma_wait3A_322 = tpu.memref_slice %arg10[%dma_wait3A_316, %dma_wait3A_321] : memref<16x125xi32, #tpu.memory_space<vmem>> -> memref<1x125xi32, #tpu.memory_space<vmem>>
      %dma_wait3A_323 = tpu.memref_squeeze %dma_wait3A_322 : memref<1x125xi32, #tpu.memory_space<vmem>> -> memref<125xi32, #tpu.memory_space<vmem>>
      %dma_wait3A_324 = arith.constant 0 : i32
      %dma_wait3A_325 = arith.constant 0 : i32
      %dma_wait3A_326 = tpu.memref_slice %arg12[%dma_wait3A_324, %dma_wait3A_325] : memref<10000x128xf32, #tpu.memory_space<vmem_shared>> -> memref<10000x128xf32, #tpu.memory_space<vmem_shared>>
      tpu.wait_indirect_dma semaphore(%arg13 : memref<!tpu.dma_semaphore, #tpu.memory_space<semaphore_mem>>) src(%dma_wait3A_320 : memref<125x128xf32, #tpu.memory_space<vmem>>) dst(%dma_wait3A_326 : memref<10000x128xf32, #tpu.memory_space<vmem_shared>>)
      %dma_wait3A_327 = arith.constant 8 : i32
      %dma_wait3A_328 = arith.constant 0 : i32
      %dma_wait3A_329 = arith.constant 0 : i32
      %dma_wait3A_330 = tpu.memref_slice %arg11[%scan3A_45, %dma_wait3A_328, %dma_wait3A_329] : memref<2x125x128xf32, #tpu.memory_space<vmem>> -> memref<1x125x128xf32, #tpu.memory_space<vmem>>
      %dma_wait3A_331 = tpu.memref_squeeze %dma_wait3A_330 : memref<1x125x128xf32, #tpu.memory_space<vmem>> -> memref<125x128xf32, #tpu.memory_space<vmem>>
      %dma_wait3A_332 = arith.constant 0 : i32
      %dma_wait3A_333 = tpu.memref_slice %arg10[%dma_wait3A_327, %dma_wait3A_332] : memref<16x125xi32, #tpu.memory_space<vmem>> -> memref<1x125xi32, #tpu.memory_space<vmem>>
      %dma_wait3A_334 = tpu.memref_squeeze %dma_wait3A_333 : memref<1x125xi32, #tpu.memory_space<vmem>> -> memref<125xi32, #tpu.memory_space<vmem>>
      %dma_wait3A_335 = arith.constant 0 : i32
      %dma_wait3A_336 = arith.constant 0 : i32
      %dma_wait3A_337 = tpu.memref_slice %arg12[%dma_wait3A_335, %dma_wait3A_336] : memref<10000x128xf32, #tpu.memory_space<vmem_shared>> -> memref<10000x128xf32, #tpu.memory_space<vmem_shared>>
      tpu.wait_indirect_dma semaphore(%arg13 : memref<!tpu.dma_semaphore, #tpu.memory_space<semaphore_mem>>) src(%dma_wait3A_331 : memref<125x128xf32, #tpu.memory_space<vmem>>) dst(%dma_wait3A_337 : memref<10000x128xf32, #tpu.memory_space<vmem_shared>>)
      %dma_wait3A_338 = arith.constant 9 : i32
      %dma_wait3A_339 = arith.constant 0 : i32
      %dma_wait3A_340 = arith.constant 0 : i32
      %dma_wait3A_341 = tpu.memref_slice %arg11[%scan3A_45, %dma_wait3A_339, %dma_wait3A_340] : memref<2x125x128xf32, #tpu.memory_space<vmem>> -> memref<1x125x128xf32, #tpu.memory_space<vmem>>
      %dma_wait3A_342 = tpu.memref_squeeze %dma_wait3A_341 : memref<1x125x128xf32, #tpu.memory_space<vmem>> -> memref<125x128xf32, #tpu.memory_space<vmem>>
      %dma_wait3A_343 = arith.constant 0 : i32
      %dma_wait3A_344 = tpu.memref_slice %arg10[%dma_wait3A_338, %dma_wait3A_343] : memref<16x125xi32, #tpu.memory_space<vmem>> -> memref<1x125xi32, #tpu.memory_space<vmem>>
      %dma_wait3A_345 = tpu.memref_squeeze %dma_wait3A_344 : memref<1x125xi32, #tpu.memory_space<vmem>> -> memref<125xi32, #tpu.memory_space<vmem>>
      %dma_wait3A_346 = arith.constant 0 : i32
      %dma_wait3A_347 = arith.constant 0 : i32
      %dma_wait3A_348 = tpu.memref_slice %arg12[%dma_wait3A_346, %dma_wait3A_347] : memref<10000x128xf32, #tpu.memory_space<vmem_shared>> -> memref<10000x128xf32, #tpu.memory_space<vmem_shared>>
      tpu.wait_indirect_dma semaphore(%arg13 : memref<!tpu.dma_semaphore, #tpu.memory_space<semaphore_mem>>) src(%dma_wait3A_342 : memref<125x128xf32, #tpu.memory_space<vmem>>) dst(%dma_wait3A_348 : memref<10000x128xf32, #tpu.memory_space<vmem_shared>>)
      %dma_wait3A_349 = arith.constant 10 : i32
      %dma_wait3A_350 = arith.constant 0 : i32
      %dma_wait3A_351 = arith.constant 0 : i32
      %dma_wait3A_352 = tpu.memref_slice %arg11[%scan3A_45, %dma_wait3A_350, %dma_wait3A_351] : memref<2x125x128xf32, #tpu.memory_space<vmem>> -> memref<1x125x128xf32, #tpu.memory_space<vmem>>
      %dma_wait3A_353 = tpu.memref_squeeze %dma_wait3A_352 : memref<1x125x128xf32, #tpu.memory_space<vmem>> -> memref<125x128xf32, #tpu.memory_space<vmem>>
      %dma_wait3A_354 = arith.constant 0 : i32
      %dma_wait3A_355 = tpu.memref_slice %arg10[%dma_wait3A_349, %dma_wait3A_354] : memref<16x125xi32, #tpu.memory_space<vmem>> -> memref<1x125xi32, #tpu.memory_space<vmem>>
      %dma_wait3A_356 = tpu.memref_squeeze %dma_wait3A_355 : memref<1x125xi32, #tpu.memory_space<vmem>> -> memref<125xi32, #tpu.memory_space<vmem>>
      %dma_wait3A_357 = arith.constant 0 : i32
      %dma_wait3A_358 = arith.constant 0 : i32
      %dma_wait3A_359 = tpu.memref_slice %arg12[%dma_wait3A_357, %dma_wait3A_358] : memref<10000x128xf32, #tpu.memory_space<vmem_shared>> -> memref<10000x128xf32, #tpu.memory_space<vmem_shared>>
      tpu.wait_indirect_dma semaphore(%arg13 : memref<!tpu.dma_semaphore, #tpu.memory_space<semaphore_mem>>) src(%dma_wait3A_353 : memref<125x128xf32, #tpu.memory_space<vmem>>) dst(%dma_wait3A_359 : memref<10000x128xf32, #tpu.memory_space<vmem_shared>>)
      %dma_wait3A_360 = arith.constant 11 : i32
      %dma_wait3A_361 = arith.constant 0 : i32
      %dma_wait3A_362 = arith.constant 0 : i32
      %dma_wait3A_363 = tpu.memref_slice %arg11[%scan3A_45, %dma_wait3A_361, %dma_wait3A_362] : memref<2x125x128xf32, #tpu.memory_space<vmem>> -> memref<1x125x128xf32, #tpu.memory_space<vmem>>
      %dma_wait3A_364 = tpu.memref_squeeze %dma_wait3A_363 : memref<1x125x128xf32, #tpu.memory_space<vmem>> -> memref<125x128xf32, #tpu.memory_space<vmem>>
      %dma_wait3A_365 = arith.constant 0 : i32
      %dma_wait3A_366 = tpu.memref_slice %arg10[%dma_wait3A_360, %dma_wait3A_365] : memref<16x125xi32, #tpu.memory_space<vmem>> -> memref<1x125xi32, #tpu.memory_space<vmem>>
      %dma_wait3A_367 = tpu.memref_squeeze %dma_wait3A_366 : memref<1x125xi32, #tpu.memory_space<vmem>> -> memref<125xi32, #tpu.memory_space<vmem>>
      %dma_wait3A_368 = arith.constant 0 : i32
      %dma_wait3A_369 = arith.constant 0 : i32
      %dma_wait3A_370 = tpu.memref_slice %arg12[%dma_wait3A_368, %dma_wait3A_369] : memref<10000x128xf32, #tpu.memory_space<vmem_shared>> -> memref<10000x128xf32, #tpu.memory_space<vmem_shared>>
      tpu.wait_indirect_dma semaphore(%arg13 : memref<!tpu.dma_semaphore, #tpu.memory_space<semaphore_mem>>) src(%dma_wait3A_364 : memref<125x128xf32, #tpu.memory_space<vmem>>) dst(%dma_wait3A_370 : memref<10000x128xf32, #tpu.memory_space<vmem_shared>>)
      %dma_wait3A_371 = arith.constant 12 : i32
      %dma_wait3A_372 = arith.constant 0 : i32
      %dma_wait3A_373 = arith.constant 0 : i32
      %dma_wait3A_374 = tpu.memref_slice %arg11[%scan3A_45, %dma_wait3A_372, %dma_wait3A_373] : memref<2x125x128xf32, #tpu.memory_space<vmem>> -> memref<1x125x128xf32, #tpu.memory_space<vmem>>
      %dma_wait3A_375 = tpu.memref_squeeze %dma_wait3A_374 : memref<1x125x128xf32, #tpu.memory_space<vmem>> -> memref<125x128xf32, #tpu.memory_space<vmem>>
      %dma_wait3A_376 = arith.constant 0 : i32
      %dma_wait3A_377 = tpu.memref_slice %arg10[%dma_wait3A_371, %dma_wait3A_376] : memref<16x125xi32, #tpu.memory_space<vmem>> -> memref<1x125xi32, #tpu.memory_space<vmem>>
      %dma_wait3A_378 = tpu.memref_squeeze %dma_wait3A_377 : memref<1x125xi32, #tpu.memory_space<vmem>> -> memref<125xi32, #tpu.memory_space<vmem>>
      %dma_wait3A_379 = arith.constant 0 : i32
      %dma_wait3A_380 = arith.constant 0 : i32
      %dma_wait3A_381 = tpu.memref_slice %arg12[%dma_wait3A_379, %dma_wait3A_380] : memref<10000x128xf32, #tpu.memory_space<vmem_shared>> -> memref<10000x128xf32, #tpu.memory_space<vmem_shared>>
      tpu.wait_indirect_dma semaphore(%arg13 : memref<!tpu.dma_semaphore, #tpu.memory_space<semaphore_mem>>) src(%dma_wait3A_375 : memref<125x128xf32, #tpu.memory_space<vmem>>) dst(%dma_wait3A_381 : memref<10000x128xf32, #tpu.memory_space<vmem_shared>>)
      %dma_wait3A_382 = arith.constant 13 : i32
      %dma_wait3A_383 = arith.constant 0 : i32
      %dma_wait3A_384 = arith.constant 0 : i32
      %dma_wait3A_385 = tpu.memref_slice %arg11[%scan3A_45, %dma_wait3A_383, %dma_wait3A_384] : memref<2x125x128xf32, #tpu.memory_space<vmem>> -> memref<1x125x128xf32, #tpu.memory_space<vmem>>
      %dma_wait3A_386 = tpu.memref_squeeze %dma_wait3A_385 : memref<1x125x128xf32, #tpu.memory_space<vmem>> -> memref<125x128xf32, #tpu.memory_space<vmem>>
      %dma_wait3A_387 = arith.constant 0 : i32
      %dma_wait3A_388 = tpu.memref_slice %arg10[%dma_wait3A_382, %dma_wait3A_387] : memref<16x125xi32, #tpu.memory_space<vmem>> -> memref<1x125xi32, #tpu.memory_space<vmem>>
      %dma_wait3A_389 = tpu.memref_squeeze %dma_wait3A_388 : memref<1x125xi32, #tpu.memory_space<vmem>> -> memref<125xi32, #tpu.memory_space<vmem>>
      %dma_wait3A_390 = arith.constant 0 : i32
      %dma_wait3A_391 = arith.constant 0 : i32
      %dma_wait3A_392 = tpu.memref_slice %arg12[%dma_wait3A_390, %dma_wait3A_391] : memref<10000x128xf32, #tpu.memory_space<vmem_shared>> -> memref<10000x128xf32, #tpu.memory_space<vmem_shared>>
      tpu.wait_indirect_dma semaphore(%arg13 : memref<!tpu.dma_semaphore, #tpu.memory_space<semaphore_mem>>) src(%dma_wait3A_386 : memref<125x128xf32, #tpu.memory_space<vmem>>) dst(%dma_wait3A_392 : memref<10000x128xf32, #tpu.memory_space<vmem_shared>>)
      %dma_wait3A_393 = arith.constant 14 : i32
      %dma_wait3A_394 = arith.constant 0 : i32
      %dma_wait3A_395 = arith.constant 0 : i32
      %dma_wait3A_396 = tpu.memref_slice %arg11[%scan3A_45, %dma_wait3A_394, %dma_wait3A_395] : memref<2x125x128xf32, #tpu.memory_space<vmem>> -> memref<1x125x128xf32, #tpu.memory_space<vmem>>
      %dma_wait3A_397 = tpu.memref_squeeze %dma_wait3A_396 : memref<1x125x128xf32, #tpu.memory_space<vmem>> -> memref<125x128xf32, #tpu.memory_space<vmem>>
      %dma_wait3A_398 = arith.constant 0 : i32
      %dma_wait3A_399 = tpu.memref_slice %arg10[%dma_wait3A_393, %dma_wait3A_398] : memref<16x125xi32, #tpu.memory_space<vmem>> -> memref<1x125xi32, #tpu.memory_space<vmem>>
      %dma_wait3A_400 = tpu.memref_squeeze %dma_wait3A_399 : memref<1x125xi32, #tpu.memory_space<vmem>> -> memref<125xi32, #tpu.memory_space<vmem>>
      %dma_wait3A_401 = arith.constant 0 : i32
      %dma_wait3A_402 = arith.constant 0 : i32
      %dma_wait3A_403 = tpu.memref_slice %arg12[%dma_wait3A_401, %dma_wait3A_402] : memref<10000x128xf32, #tpu.memory_space<vmem_shared>> -> memref<10000x128xf32, #tpu.memory_space<vmem_shared>>
      tpu.wait_indirect_dma semaphore(%arg13 : memref<!tpu.dma_semaphore, #tpu.memory_space<semaphore_mem>>) src(%dma_wait3A_397 : memref<125x128xf32, #tpu.memory_space<vmem>>) dst(%dma_wait3A_403 : memref<10000x128xf32, #tpu.memory_space<vmem_shared>>)
      %dma_wait3A_404 = arith.constant 15 : i32
      %dma_wait3A_405 = arith.constant 0 : i32
      %dma_wait3A_406 = arith.constant 0 : i32
      %dma_wait3A_407 = tpu.memref_slice %arg11[%scan3A_45, %dma_wait3A_405, %dma_wait3A_406] : memref<2x125x128xf32, #tpu.memory_space<vmem>> -> memref<1x125x128xf32, #tpu.memory_space<vmem>>
      %dma_wait3A_408 = tpu.memref_squeeze %dma_wait3A_407 : memref<1x125x128xf32, #tpu.memory_space<vmem>> -> memref<125x128xf32, #tpu.memory_space<vmem>>
      %dma_wait3A_409 = arith.constant 0 : i32
      %dma_wait3A_410 = tpu.memref_slice %arg10[%dma_wait3A_404, %dma_wait3A_409] : memref<16x125xi32, #tpu.memory_space<vmem>> -> memref<1x125xi32, #tpu.memory_space<vmem>>
      %dma_wait3A_411 = tpu.memref_squeeze %dma_wait3A_410 : memref<1x125xi32, #tpu.memory_space<vmem>> -> memref<125xi32, #tpu.memory_space<vmem>>
      %dma_wait3A_412 = arith.constant 0 : i32
      %dma_wait3A_413 = arith.constant 0 : i32
      %dma_wait3A_414 = tpu.memref_slice %arg12[%dma_wait3A_412, %dma_wait3A_413] : memref<10000x128xf32, #tpu.memory_space<vmem_shared>> -> memref<10000x128xf32, #tpu.memory_space<vmem_shared>>
      tpu.wait_indirect_dma semaphore(%arg13 : memref<!tpu.dma_semaphore, #tpu.memory_space<semaphore_mem>>) src(%dma_wait3A_408 : memref<125x128xf32, #tpu.memory_space<vmem>>) dst(%dma_wait3A_414 : memref<10000x128xf32, #tpu.memory_space<vmem_shared>>)
    }
    %scan3A_50 = arith.constant 5 : i32
    %barrier3A_51 = arith.constant 0 : index
    tpu.barrier barrier_id(%barrier3A_51)
    %lt3A_52 = arith.constant 15 : i32
    %lt3A_53 = arith.cmpi slt, %arg1, %lt3A_52 : i32
    %convert_element_type3A_54 = arith.extui %lt3A_53 : i1 to i32
    %cond3A_55 = arith.constant 0 : i32
    %cond3A_56 = arith.cmpi ne, %convert_element_type3A_54, %cond3A_55 : i32
    scf.if %cond3A_56 {
      %mul3A = arith.constant 632 : i32
      %mul3A_62 = arith.muli %arg1, %mul3A : i32
      %mul3A_63 = arith.constant 632 : i32
      %mul3A_64 = arith.muli %arg1, %mul3A_63 : i32
      "tpu.region"() ({
        %run_scoped3A_65 = tpu.sem_alloc : memref<!tpu.dma_semaphore, #tpu.memory_space<semaphore_mem>>
        %dma_start3A_66 = arith.constant 0 : i32
        %dma_start3A_67 = tpu.memref_slice %arg8[%arg0, %mul3A_64, %dma_start3A_66] : memref<2x10000x128xf32, #tpu.memory_space<hbm>> -> memref<1x632x128xf32, #tpu.memory_space<hbm>>
        %dma_start3A_68 = tpu.memref_squeeze %dma_start3A_67 : memref<1x632x128xf32, #tpu.memory_space<hbm>> -> memref<632x128xf32, #tpu.memory_space<hbm>>
        %dma_start3A_69 = arith.constant 0 : i32
        %dma_start3A_70 = tpu.memref_slice %arg12[%mul3A_62, %dma_start3A_69] : memref<10000x128xf32, #tpu.memory_space<vmem_shared>> -> memref<632x128xf32, #tpu.memory_space<vmem_shared>>
        tpu.enqueue_dma source(%dma_start3A_70 : memref<632x128xf32, #tpu.memory_space<vmem_shared>>) target(%dma_start3A_68 : memref<632x128xf32, #tpu.memory_space<hbm>>) target_semaphore(%run_scoped3A_65 : memref<!tpu.dma_semaphore, #tpu.memory_space<semaphore_mem>>)
        %dma_wait3A = arith.constant 0 : i32
        %dma_wait3A_71 = tpu.memref_slice %arg8[%arg0, %mul3A_64, %dma_wait3A] : memref<2x10000x128xf32, #tpu.memory_space<hbm>> -> memref<1x632x128xf32, #tpu.memory_space<hbm>>
        %dma_wait3A_72 = tpu.memref_squeeze %dma_wait3A_71 : memref<1x632x128xf32, #tpu.memory_space<hbm>> -> memref<632x128xf32, #tpu.memory_space<hbm>>
        %dma_wait3A_73 = arith.constant 0 : i32
        %dma_wait3A_74 = tpu.memref_slice %arg12[%mul3A_62, %dma_wait3A_73] : memref<10000x128xf32, #tpu.memory_space<vmem_shared>> -> memref<632x128xf32, #tpu.memory_space<vmem_shared>>
        tpu.wait_dma2 semaphore(%run_scoped3A_65 : memref<!tpu.dma_semaphore, #tpu.memory_space<semaphore_mem>>) src(%dma_wait3A_74 : memref<632x128xf32, #tpu.memory_space<vmem_shared>>) dst(%dma_wait3A_72 : memref<632x128xf32, #tpu.memory_space<hbm>>)
        tpu.yield
      }) : () -> ()
    } else {
    }
    %eq3A_57 = arith.constant 15 : i32
    %eq3A_58 = arith.cmpi eq, %arg1, %eq3A_57 : i32
    %convert_element_type3A_59 = arith.extui %eq3A_58 : i1 to i32
    %cond3A_60 = arith.constant 0 : i32
    %cond3A_61 = arith.cmpi ne, %convert_element_type3A_59, %cond3A_60 : i32
    scf.if %cond3A_61 {
      "tpu.region"() ({
        %run_scoped3A_62 = tpu.sem_alloc : memref<!tpu.dma_semaphore, #tpu.memory_space<semaphore_mem>>
        %dma_start3A_63 = arith.constant 9480 : i32
        %dma_start3A_64 = arith.constant 0 : i32
        %dma_start3A_65 = tpu.memref_slice %arg8[%arg0, %dma_start3A_63, %dma_start3A_64] : memref<2x10000x128xf32, #tpu.memory_space<hbm>> -> memref<1x520x128xf32, #tpu.memory_space<hbm>>
        %dma_start3A_66 = tpu.memref_squeeze %dma_start3A_65 : memref<1x520x128xf32, #tpu.memory_space<hbm>> -> memref<520x128xf32, #tpu.memory_space<hbm>>
        %dma_start3A_67 = arith.constant 9480 : i32
        %dma_start3A_68 = arith.constant 0 : i32
        %dma_start3A_69 = tpu.memref_slice %arg12[%dma_start3A_67, %dma_start3A_68] : memref<10000x128xf32, #tpu.memory_space<vmem_shared>> -> memref<520x128xf32, #tpu.memory_space<vmem_shared>>
        tpu.enqueue_dma source(%dma_start3A_69 : memref<520x128xf32, #tpu.memory_space<vmem_shared>>) target(%dma_start3A_66 : memref<520x128xf32, #tpu.memory_space<hbm>>) target_semaphore(%run_scoped3A_62 : memref<!tpu.dma_semaphore, #tpu.memory_space<semaphore_mem>>)
        %dma_wait3A = arith.constant 9480 : i32
        %dma_wait3A_70 = arith.constant 0 : i32
        %dma_wait3A_71 = tpu.memref_slice %arg8[%arg0, %dma_wait3A, %dma_wait3A_70] : memref<2x10000x128xf32, #tpu.memory_space<hbm>> -> memref<1x520x128xf32, #tpu.memory_space<hbm>>
        %dma_wait3A_72 = tpu.memref_squeeze %dma_wait3A_71 : memref<1x520x128xf32, #tpu.memory_space<hbm>> -> memref<520x128xf32, #tpu.memory_space<hbm>>
        %dma_wait3A_73 = arith.constant 9480 : i32
        %dma_wait3A_74 = arith.constant 0 : i32
        %dma_wait3A_75 = tpu.memref_slice %arg12[%dma_wait3A_73, %dma_wait3A_74] : memref<10000x128xf32, #tpu.memory_space<vmem_shared>> -> memref<520x128xf32, #tpu.memory_space<vmem_shared>>
        tpu.wait_dma2 semaphore(%run_scoped3A_62 : memref<!tpu.dma_semaphore, #tpu.memory_space<semaphore_mem>>) src(%dma_wait3A_75 : memref<520x128xf32, #tpu.memory_space<vmem_shared>>) dst(%dma_wait3A_72 : memref<520x128xf32, #tpu.memory_space<hbm>>)
        tpu.yield
      }) : () -> ()
    } else {
    }
    return
  }
}

#map = affine_map<(d0, d1) -> (0, 0)>
#map1 = affine_map<(d0, d1) -> (0, 0, 0, 0)>
#map2 = affine_map<(d0, d1) -> (0, 0, 0)>
module attributes {stable_mosaic.version = 14 : i64} {
  func.func @_sc_body(%arg0: i32, %arg1: i32, %arg2: memref<10000x128xf32, #tpu.memory_space<hbm>>, %arg3: memref<2x16x80x125xi32, #tpu.memory_space<hbm>>, %arg4: memref<2x16x80x125xi32, #tpu.memory_space<hbm>>, %arg5: memref<10000x128xf32, #tpu.memory_space<hbm>>, %arg6: memref<2x10000x128xf32, #tpu.memory_space<hbm>>, %arg7: memref<16x125xi32, #tpu.memory_space<vmem>>, %arg8: memref<16x125xi32, #tpu.memory_space<vmem>>, %arg9: memref<2x125x128xf32, #tpu.memory_space<vmem>>, %arg10: memref<10000x128xf32, #tpu.memory_space<vmem_shared>>, %arg11: memref<!tpu.dma_semaphore, #tpu.memory_space<semaphore_mem>>) attributes {dimension_semantics = [#tpu.dimension_semantics<core_parallel>, #tpu.dimension_semantics<subcore_parallel>], iteration_bounds = array<i64: 2, 16>, scalar_prefetch = 0 : i64, scratch_operands = 5 : i64, tpu.core_type = #tpu.core_type<sc_vector_subcore>, window_params = [{transform_indices = #map}, {transform_indices = #map1}, {transform_indices = #map1}, {transform_indices = #map}, {transform_indices = #map2}]} {
    "tpu.region"() ({
      %run_scoped3A = tpu.sem_alloc : memref<!tpu.dma_semaphore, #tpu.memory_space<semaphore_mem>>
      %dma_start3A_33 = arith.constant 0 : i32
      %dma_start3A_34 = arith.constant 0 : i32
      %dma_start3A_35 = tpu.memref_slice %arg3[%arg0, %arg1, %dma_start3A_33, %dma_start3A_34] : memref<2x16x80x125xi32, #tpu.memory_space<hbm>> -> memref<1x1x16x125xi32, #tpu.memory_space<hbm>>
      %dma_start3A_36 = tpu.memref_squeeze %dma_start3A_35 : memref<1x1x16x125xi32, #tpu.memory_space<hbm>> -> memref<16x125xi32, #tpu.memory_space<hbm>>
      %dma_start3A_37 = arith.constant 0 : i32
      %dma_start3A_38 = arith.constant 0 : i32
      %dma_start3A_39 = tpu.memref_slice %arg3[%arg0, %arg1, %dma_start3A_37, %dma_start3A_38] : memref<2x16x80x125xi32, #tpu.memory_space<hbm>> -> memref<1x1x16x125xi32, #tpu.memory_space<hbm>>
      %dma_start3A_40 = tpu.memref_squeeze %dma_start3A_39 : memref<1x1x16x125xi32, #tpu.memory_space<hbm>> -> memref<16x125xi32, #tpu.memory_space<hbm>>
      tpu.enqueue_dma source(%dma_start3A_40 : memref<16x125xi32, #tpu.memory_space<hbm>>) target(%arg7 : memref<16x125xi32, #tpu.memory_space<vmem>>) target_semaphore(%run_scoped3A : memref<!tpu.dma_semaphore, #tpu.memory_space<semaphore_mem>>)
      %dma_wait3A = arith.constant 0 : i32
      %dma_wait3A_41 = arith.constant 0 : i32
      %dma_wait3A_42 = tpu.memref_slice %arg3[%arg0, %arg1, %dma_wait3A, %dma_wait3A_41] : memref<2x16x80x125xi32, #tpu.memory_space<hbm>> -> memref<1x1x16x125xi32, #tpu.memory_space<hbm>>
      %dma_wait3A_43 = tpu.memref_squeeze %dma_wait3A_42 : memref<1x1x16x125xi32, #tpu.memory_space<hbm>> -> memref<16x125xi32, #tpu.memory_space<hbm>>
      %dma_wait3A_44 = arith.constant 0 : i32
      %dma_wait3A_45 = arith.constant 0 : i32
      %dma_wait3A_46 = tpu.memref_slice %arg3[%arg0, %arg1, %dma_wait3A_44, %dma_wait3A_45] : memref<2x16x80x125xi32, #tpu.memory_space<hbm>> -> memref<1x1x16x125xi32, #tpu.memory_space<hbm>>
      %dma_wait3A_47 = tpu.memref_squeeze %dma_wait3A_46 : memref<1x1x16x125xi32, #tpu.memory_space<hbm>> -> memref<16x125xi32, #tpu.memory_space<hbm>>
      tpu.wait_dma2 semaphore(%run_scoped3A : memref<!tpu.dma_semaphore, #tpu.memory_space<semaphore_mem>>) src(%dma_wait3A_47 : memref<16x125xi32, #tpu.memory_space<hbm>>) dst(%arg7 : memref<16x125xi32, #tpu.memory_space<vmem>>)
      tpu.yield
    }) : () -> ()
    "tpu.region"() ({
      %run_scoped3A = tpu.sem_alloc : memref<!tpu.dma_semaphore, #tpu.memory_space<semaphore_mem>>
      %dma_start3A_33 = arith.constant 0 : i32
      %dma_start3A_34 = arith.constant 0 : i32
      %dma_start3A_35 = tpu.memref_slice %arg4[%arg0, %arg1, %dma_start3A_33, %dma_start3A_34] : memref<2x16x80x125xi32, #tpu.memory_space<hbm>> -> memref<1x1x16x125xi32, #tpu.memory_space<hbm>>
      %dma_start3A_36 = tpu.memref_squeeze %dma_start3A_35 : memref<1x1x16x125xi32, #tpu.memory_space<hbm>> -> memref<16x125xi32, #tpu.memory_space<hbm>>
      %dma_start3A_37 = arith.constant 0 : i32
      %dma_start3A_38 = arith.constant 0 : i32
      %dma_start3A_39 = tpu.memref_slice %arg4[%arg0, %arg1, %dma_start3A_37, %dma_start3A_38] : memref<2x16x80x125xi32, #tpu.memory_space<hbm>> -> memref<1x1x16x125xi32, #tpu.memory_space<hbm>>
      %dma_start3A_40 = tpu.memref_squeeze %dma_start3A_39 : memref<1x1x16x125xi32, #tpu.memory_space<hbm>> -> memref<16x125xi32, #tpu.memory_space<hbm>>
      tpu.enqueue_dma source(%dma_start3A_40 : memref<16x125xi32, #tpu.memory_space<hbm>>) target(%arg8 : memref<16x125xi32, #tpu.memory_space<vmem>>) target_semaphore(%run_scoped3A : memref<!tpu.dma_semaphore, #tpu.memory_space<semaphore_mem>>)
      %dma_wait3A = arith.constant 0 : i32
      %dma_wait3A_41 = arith.constant 0 : i32
      %dma_wait3A_42 = tpu.memref_slice %arg4[%arg0, %arg1, %dma_wait3A, %dma_wait3A_41] : memref<2x16x80x125xi32, #tpu.memory_space<hbm>> -> memref<1x1x16x125xi32, #tpu.memory_space<hbm>>
      %dma_wait3A_43 = tpu.memref_squeeze %dma_wait3A_42 : memref<1x1x16x125xi32, #tpu.memory_space<hbm>> -> memref<16x125xi32, #tpu.memory_space<hbm>>
      %dma_wait3A_44 = arith.constant 0 : i32
      %dma_wait3A_45 = arith.constant 0 : i32
      %dma_wait3A_46 = tpu.memref_slice %arg4[%arg0, %arg1, %dma_wait3A_44, %dma_wait3A_45] : memref<2x16x80x125xi32, #tpu.memory_space<hbm>> -> memref<1x1x16x125xi32, #tpu.memory_space<hbm>>
      %dma_wait3A_47 = tpu.memref_squeeze %dma_wait3A_46 : memref<1x1x16x125xi32, #tpu.memory_space<hbm>> -> memref<16x125xi32, #tpu.memory_space<hbm>>
      tpu.wait_dma2 semaphore(%run_scoped3A : memref<!tpu.dma_semaphore, #tpu.memory_space<semaphore_mem>>) src(%dma_wait3A_47 : memref<16x125xi32, #tpu.memory_space<hbm>>) dst(%arg8 : memref<16x125xi32, #tpu.memory_space<vmem>>)
      tpu.yield
    }) : () -> ()
    %dma_start3A = arith.constant 0 : i32
    %dma_start3A_0 = arith.constant 0 : i32
    %dma_start3A_1 = arith.constant 0 : i32
    %dma_start3A_2 = arith.constant 0 : i32
    %dma_start3A_3 = tpu.memref_slice %arg9[%dma_start3A_0, %dma_start3A_1, %dma_start3A_2] : memref<2x125x128xf32, #tpu.memory_space<vmem>> -> memref<1x125x128xf32, #tpu.memory_space<vmem>>
    %dma_start3A_4 = tpu.memref_squeeze %dma_start3A_3 : memref<1x125x128xf32, #tpu.memory_space<vmem>> -> memref<125x128xf32, #tpu.memory_space<vmem>>
    %dma_start3A_5 = arith.constant 0 : i32
    %dma_start3A_6 = tpu.memref_slice %arg7[%dma_start3A, %dma_start3A_5] : memref<16x125xi32, #tpu.memory_space<vmem>> -> memref<1x125xi32, #tpu.memory_space<vmem>>
    %dma_start3A_7 = tpu.memref_squeeze %dma_start3A_6 : memref<1x125xi32, #tpu.memory_space<vmem>> -> memref<125xi32, #tpu.memory_space<vmem>>
    %dma_start3A_8 = arith.constant 0 : i32
    %dma_start3A_9 = arith.constant 0 : i32
    %dma_start3A_10 = tpu.memref_slice %arg2[%dma_start3A_8, %dma_start3A_9] : memref<10000x128xf32, #tpu.memory_space<hbm>> -> memref<10000x128xf32, #tpu.memory_space<hbm>>
    tpu.enqueue_indirect_dma source(%dma_start3A_10 : memref<10000x128xf32, #tpu.memory_space<hbm>>) target(%dma_start3A_4 : memref<125x128xf32, #tpu.memory_space<vmem>>) offsets(%dma_start3A_7 : memref<125xi32, #tpu.memory_space<vmem>>) semaphore(%arg11 : memref<!tpu.dma_semaphore, #tpu.memory_space<semaphore_mem>>)
    %lt3A = arith.constant 15 : i32
    %lt3A_11 = arith.cmpi slt, %arg1, %lt3A : i32
    %convert_element_type3A = arith.extui %lt3A_11 : i1 to i32
    %cond3A = arith.constant 0 : i32
    %cond3A_12 = arith.cmpi ne, %convert_element_type3A, %cond3A : i32
    scf.if %cond3A_12 {
      %mul3A = arith.constant 632 : i32
      %mul3A_33 = arith.muli %arg1, %mul3A : i32
      %mul3A_34 = arith.constant 632 : i32
      %mul3A_35 = arith.muli %arg1, %mul3A_34 : i32
      "tpu.region"() ({
        %run_scoped3A = tpu.sem_alloc : memref<!tpu.dma_semaphore, #tpu.memory_space<semaphore_mem>>
        %dma_start3A_36 = arith.constant 0 : i32
        %dma_start3A_37 = tpu.memref_slice %arg10[%mul3A_35, %dma_start3A_36] : memref<10000x128xf32, #tpu.memory_space<vmem_shared>> -> memref<632x128xf32, #tpu.memory_space<vmem_shared>>
        %dma_start3A_38 = arith.constant 0 : i32
        %dma_start3A_39 = tpu.memref_slice %arg5[%mul3A_33, %dma_start3A_38] : memref<10000x128xf32, #tpu.memory_space<hbm>> -> memref<632x128xf32, #tpu.memory_space<hbm>>
        tpu.enqueue_dma source(%dma_start3A_39 : memref<632x128xf32, #tpu.memory_space<hbm>>) target(%dma_start3A_37 : memref<632x128xf32, #tpu.memory_space<vmem_shared>>) target_semaphore(%run_scoped3A : memref<!tpu.dma_semaphore, #tpu.memory_space<semaphore_mem>>)
        %dma_wait3A = arith.constant 0 : i32
        %dma_wait3A_40 = tpu.memref_slice %arg10[%mul3A_35, %dma_wait3A] : memref<10000x128xf32, #tpu.memory_space<vmem_shared>> -> memref<632x128xf32, #tpu.memory_space<vmem_shared>>
        %dma_wait3A_41 = arith.constant 0 : i32
        %dma_wait3A_42 = tpu.memref_slice %arg5[%mul3A_33, %dma_wait3A_41] : memref<10000x128xf32, #tpu.memory_space<hbm>> -> memref<632x128xf32, #tpu.memory_space<hbm>>
        tpu.wait_dma2 semaphore(%run_scoped3A : memref<!tpu.dma_semaphore, #tpu.memory_space<semaphore_mem>>) src(%dma_wait3A_42 : memref<632x128xf32, #tpu.memory_space<hbm>>) dst(%dma_wait3A_40 : memref<632x128xf32, #tpu.memory_space<vmem_shared>>)
        tpu.yield
      }) : () -> ()
    } else {
    }
    %eq3A = arith.constant 15 : i32
    %eq3A_13 = arith.cmpi eq, %arg1, %eq3A : i32
    %convert_element_type3A_14 = arith.extui %eq3A_13 : i1 to i32
    %cond3A_15 = arith.constant 0 : i32
    %cond3A_16 = arith.cmpi ne, %convert_element_type3A_14, %cond3A_15 : i32
    scf.if %cond3A_16 {
      "tpu.region"() ({
        %run_scoped3A = tpu.sem_alloc : memref<!tpu.dma_semaphore, #tpu.memory_space<semaphore_mem>>
        %dma_start3A_33 = arith.constant 9480 : i32
        %dma_start3A_34 = arith.constant 0 : i32
        %dma_start3A_35 = tpu.memref_slice %arg10[%dma_start3A_33, %dma_start3A_34] : memref<10000x128xf32, #tpu.memory_space<vmem_shared>> -> memref<520x128xf32, #tpu.memory_space<vmem_shared>>
        %dma_start3A_36 = arith.constant 9480 : i32
        %dma_start3A_37 = arith.constant 0 : i32
        %dma_start3A_38 = tpu.memref_slice %arg5[%dma_start3A_36, %dma_start3A_37] : memref<10000x128xf32, #tpu.memory_space<hbm>> -> memref<520x128xf32, #tpu.memory_space<hbm>>
        tpu.enqueue_dma source(%dma_start3A_38 : memref<520x128xf32, #tpu.memory_space<hbm>>) target(%dma_start3A_35 : memref<520x128xf32, #tpu.memory_space<vmem_shared>>) target_semaphore(%run_scoped3A : memref<!tpu.dma_semaphore, #tpu.memory_space<semaphore_mem>>)
        %dma_wait3A = arith.constant 9480 : i32
        %dma_wait3A_39 = arith.constant 0 : i32
        %dma_wait3A_40 = tpu.memref_slice %arg10[%dma_wait3A, %dma_wait3A_39] : memref<10000x128xf32, #tpu.memory_space<vmem_shared>> -> memref<520x128xf32, #tpu.memory_space<vmem_shared>>
        %dma_wait3A_41 = arith.constant 9480 : i32
        %dma_wait3A_42 = arith.constant 0 : i32
        %dma_wait3A_43 = tpu.memref_slice %arg5[%dma_wait3A_41, %dma_wait3A_42] : memref<10000x128xf32, #tpu.memory_space<hbm>> -> memref<520x128xf32, #tpu.memory_space<hbm>>
        tpu.wait_dma2 semaphore(%run_scoped3A : memref<!tpu.dma_semaphore, #tpu.memory_space<semaphore_mem>>) src(%dma_wait3A_43 : memref<520x128xf32, #tpu.memory_space<hbm>>) dst(%dma_wait3A_40 : memref<520x128xf32, #tpu.memory_space<vmem_shared>>)
        tpu.yield
      }) : () -> ()
    } else {
    }
    %barrier3A = arith.constant 0 : index
    tpu.barrier barrier_id(%barrier3A)
    %scan3A = arith.constant 0 : i32
    %scan3A_17 = arith.constant 0 : i32
    %scan3A_18 = arith.constant 5 : i32
    %scan3A_19 = arith.addi %scan3A_17, %scan3A_18 : i32
    %scan3A_20 = arith.constant 1 : i32
    scf.for %scan3A_33 = %scan3A_17 to %scan3A_19 step %scan3A_20  : i32 {
      %gt3A = arith.constant 0 : i32
      %gt3A_34 = arith.cmpi sgt, %scan3A_33, %gt3A : i32
      %convert_element_type3A_35 = arith.extui %gt3A_34 : i1 to i32
      %cond3A_36 = arith.constant 0 : i32
      %cond3A_37 = arith.cmpi ne, %convert_element_type3A_35, %cond3A_36 : i32
      scf.if %cond3A_37 {
        %mul3A = arith.constant 16 : i32
        %mul3A_440 = arith.muli %scan3A_33, %mul3A : i32
        "tpu.region"() ({
          %run_scoped3A_455 = tpu.sem_alloc : memref<!tpu.dma_semaphore, #tpu.memory_space<semaphore_mem>>
          %dma_start3A_456 = arith.constant 0 : i32
          %dma_start3A_457 = tpu.memref_slice %arg3[%arg0, %arg1, %mul3A_440, %dma_start3A_456] : memref<2x16x80x125xi32, #tpu.memory_space<hbm>> -> memref<1x1x16x125xi32, #tpu.memory_space<hbm>>
          %dma_start3A_458 = tpu.memref_squeeze %dma_start3A_457 : memref<1x1x16x125xi32, #tpu.memory_space<hbm>> -> memref<16x125xi32, #tpu.memory_space<hbm>>
          %dma_start3A_459 = arith.constant 0 : i32
          %dma_start3A_460 = tpu.memref_slice %arg3[%arg0, %arg1, %mul3A_440, %dma_start3A_459] : memref<2x16x80x125xi32, #tpu.memory_space<hbm>> -> memref<1x1x16x125xi32, #tpu.memory_space<hbm>>
          %dma_start3A_461 = tpu.memref_squeeze %dma_start3A_460 : memref<1x1x16x125xi32, #tpu.memory_space<hbm>> -> memref<16x125xi32, #tpu.memory_space<hbm>>
          tpu.enqueue_dma source(%dma_start3A_461 : memref<16x125xi32, #tpu.memory_space<hbm>>) target(%arg7 : memref<16x125xi32, #tpu.memory_space<vmem>>) target_semaphore(%run_scoped3A_455 : memref<!tpu.dma_semaphore, #tpu.memory_space<semaphore_mem>>)
          %dma_wait3A_462 = arith.constant 0 : i32
          %dma_wait3A_463 = tpu.memref_slice %arg3[%arg0, %arg1, %mul3A_440, %dma_wait3A_462] : memref<2x16x80x125xi32, #tpu.memory_space<hbm>> -> memref<1x1x16x125xi32, #tpu.memory_space<hbm>>
          %dma_wait3A_464 = tpu.memref_squeeze %dma_wait3A_463 : memref<1x1x16x125xi32, #tpu.memory_space<hbm>> -> memref<16x125xi32, #tpu.memory_space<hbm>>
          %dma_wait3A_465 = arith.constant 0 : i32
          %dma_wait3A_466 = tpu.memref_slice %arg3[%arg0, %arg1, %mul3A_440, %dma_wait3A_465] : memref<2x16x80x125xi32, #tpu.memory_space<hbm>> -> memref<1x1x16x125xi32, #tpu.memory_space<hbm>>
          %dma_wait3A_467 = tpu.memref_squeeze %dma_wait3A_466 : memref<1x1x16x125xi32, #tpu.memory_space<hbm>> -> memref<16x125xi32, #tpu.memory_space<hbm>>
          tpu.wait_dma2 semaphore(%run_scoped3A_455 : memref<!tpu.dma_semaphore, #tpu.memory_space<semaphore_mem>>) src(%dma_wait3A_467 : memref<16x125xi32, #tpu.memory_space<hbm>>) dst(%arg7 : memref<16x125xi32, #tpu.memory_space<vmem>>)
          tpu.yield
        }) : () -> ()
        %mul3A_441 = arith.constant 16 : i32
        %mul3A_442 = arith.muli %scan3A_33, %mul3A_441 : i32
        "tpu.region"() ({
          %run_scoped3A_455 = tpu.sem_alloc : memref<!tpu.dma_semaphore, #tpu.memory_space<semaphore_mem>>
          %dma_start3A_456 = arith.constant 0 : i32
          %dma_start3A_457 = tpu.memref_slice %arg4[%arg0, %arg1, %mul3A_442, %dma_start3A_456] : memref<2x16x80x125xi32, #tpu.memory_space<hbm>> -> memref<1x1x16x125xi32, #tpu.memory_space<hbm>>
          %dma_start3A_458 = tpu.memref_squeeze %dma_start3A_457 : memref<1x1x16x125xi32, #tpu.memory_space<hbm>> -> memref<16x125xi32, #tpu.memory_space<hbm>>
          %dma_start3A_459 = arith.constant 0 : i32
          %dma_start3A_460 = tpu.memref_slice %arg4[%arg0, %arg1, %mul3A_442, %dma_start3A_459] : memref<2x16x80x125xi32, #tpu.memory_space<hbm>> -> memref<1x1x16x125xi32, #tpu.memory_space<hbm>>
          %dma_start3A_461 = tpu.memref_squeeze %dma_start3A_460 : memref<1x1x16x125xi32, #tpu.memory_space<hbm>> -> memref<16x125xi32, #tpu.memory_space<hbm>>
          tpu.enqueue_dma source(%dma_start3A_461 : memref<16x125xi32, #tpu.memory_space<hbm>>) target(%arg8 : memref<16x125xi32, #tpu.memory_space<vmem>>) target_semaphore(%run_scoped3A_455 : memref<!tpu.dma_semaphore, #tpu.memory_space<semaphore_mem>>)
          %dma_wait3A_462 = arith.constant 0 : i32
          %dma_wait3A_463 = tpu.memref_slice %arg4[%arg0, %arg1, %mul3A_442, %dma_wait3A_462] : memref<2x16x80x125xi32, #tpu.memory_space<hbm>> -> memref<1x1x16x125xi32, #tpu.memory_space<hbm>>
          %dma_wait3A_464 = tpu.memref_squeeze %dma_wait3A_463 : memref<1x1x16x125xi32, #tpu.memory_space<hbm>> -> memref<16x125xi32, #tpu.memory_space<hbm>>
          %dma_wait3A_465 = arith.constant 0 : i32
          %dma_wait3A_466 = tpu.memref_slice %arg4[%arg0, %arg1, %mul3A_442, %dma_wait3A_465] : memref<2x16x80x125xi32, #tpu.memory_space<hbm>> -> memref<1x1x16x125xi32, #tpu.memory_space<hbm>>
          %dma_wait3A_467 = tpu.memref_squeeze %dma_wait3A_466 : memref<1x1x16x125xi32, #tpu.memory_space<hbm>> -> memref<16x125xi32, #tpu.memory_space<hbm>>
          tpu.wait_dma2 semaphore(%run_scoped3A_455 : memref<!tpu.dma_semaphore, #tpu.memory_space<semaphore_mem>>) src(%dma_wait3A_467 : memref<16x125xi32, #tpu.memory_space<hbm>>) dst(%arg8 : memref<16x125xi32, #tpu.memory_space<vmem>>)
          tpu.yield
        }) : () -> ()
        %dma_start3A_443 = arith.constant 0 : i32
        %dma_start3A_444 = arith.constant 0 : i32
        %dma_start3A_445 = arith.constant 0 : i32
        %dma_start3A_446 = arith.constant 0 : i32
        %dma_start3A_447 = tpu.memref_slice %arg9[%dma_start3A_444, %dma_start3A_445, %dma_start3A_446] : memref<2x125x128xf32, #tpu.memory_space<vmem>> -> memref<1x125x128xf32, #tpu.memory_space<vmem>>
        %dma_start3A_448 = tpu.memref_squeeze %dma_start3A_447 : memref<1x125x128xf32, #tpu.memory_space<vmem>> -> memref<125x128xf32, #tpu.memory_space<vmem>>
        %dma_start3A_449 = arith.constant 0 : i32
        %dma_start3A_450 = tpu.memref_slice %arg7[%dma_start3A_443, %dma_start3A_449] : memref<16x125xi32, #tpu.memory_space<vmem>> -> memref<1x125xi32, #tpu.memory_space<vmem>>
        %dma_start3A_451 = tpu.memref_squeeze %dma_start3A_450 : memref<1x125xi32, #tpu.memory_space<vmem>> -> memref<125xi32, #tpu.memory_space<vmem>>
        %dma_start3A_452 = arith.constant 0 : i32
        %dma_start3A_453 = arith.constant 0 : i32
        %dma_start3A_454 = tpu.memref_slice %arg2[%dma_start3A_452, %dma_start3A_453] : memref<10000x128xf32, #tpu.memory_space<hbm>> -> memref<10000x128xf32, #tpu.memory_space<hbm>>
        tpu.enqueue_indirect_dma source(%dma_start3A_454 : memref<10000x128xf32, #tpu.memory_space<hbm>>) target(%dma_start3A_448 : memref<125x128xf32, #tpu.memory_space<vmem>>) offsets(%dma_start3A_451 : memref<125xi32, #tpu.memory_space<vmem>>) semaphore(%arg11 : memref<!tpu.dma_semaphore, #tpu.memory_space<semaphore_mem>>)
      } else {
      }
      %dma_wait3A = arith.constant 0 : i32
      %dma_wait3A_38 = arith.constant 0 : i32
      %dma_wait3A_39 = arith.constant 0 : i32
      %dma_wait3A_40 = arith.constant 0 : i32
      %dma_wait3A_41 = tpu.memref_slice %arg9[%dma_wait3A_38, %dma_wait3A_39, %dma_wait3A_40] : memref<2x125x128xf32, #tpu.memory_space<vmem>> -> memref<1x125x128xf32, #tpu.memory_space<vmem>>
      %dma_wait3A_42 = tpu.memref_squeeze %dma_wait3A_41 : memref<1x125x128xf32, #tpu.memory_space<vmem>> -> memref<125x128xf32, #tpu.memory_space<vmem>>
      %dma_wait3A_43 = arith.constant 0 : i32
      %dma_wait3A_44 = tpu.memref_slice %arg7[%dma_wait3A, %dma_wait3A_43] : memref<16x125xi32, #tpu.memory_space<vmem>> -> memref<1x125xi32, #tpu.memory_space<vmem>>
      %dma_wait3A_45 = tpu.memref_squeeze %dma_wait3A_44 : memref<1x125xi32, #tpu.memory_space<vmem>> -> memref<125xi32, #tpu.memory_space<vmem>>
      %dma_wait3A_46 = arith.constant 0 : i32
      %dma_wait3A_47 = arith.constant 0 : i32
      %dma_wait3A_48 = tpu.memref_slice %arg2[%dma_wait3A_46, %dma_wait3A_47] : memref<10000x128xf32, #tpu.memory_space<hbm>> -> memref<10000x128xf32, #tpu.memory_space<hbm>>
      tpu.wait_indirect_dma semaphore(%arg11 : memref<!tpu.dma_semaphore, #tpu.memory_space<semaphore_mem>>) src(%dma_wait3A_48 : memref<10000x128xf32, #tpu.memory_space<hbm>>) dst(%dma_wait3A_42 : memref<125x128xf32, #tpu.memory_space<vmem>>)
      %dma_start3A_49 = arith.constant 1 : i32
      %dma_start3A_50 = arith.constant 1 : i32
      %dma_start3A_51 = arith.constant 0 : i32
      %dma_start3A_52 = arith.constant 0 : i32
      %dma_start3A_53 = tpu.memref_slice %arg9[%dma_start3A_50, %dma_start3A_51, %dma_start3A_52] : memref<2x125x128xf32, #tpu.memory_space<vmem>> -> memref<1x125x128xf32, #tpu.memory_space<vmem>>
      %dma_start3A_54 = tpu.memref_squeeze %dma_start3A_53 : memref<1x125x128xf32, #tpu.memory_space<vmem>> -> memref<125x128xf32, #tpu.memory_space<vmem>>
      %dma_start3A_55 = arith.constant 0 : i32
      %dma_start3A_56 = tpu.memref_slice %arg7[%dma_start3A_49, %dma_start3A_55] : memref<16x125xi32, #tpu.memory_space<vmem>> -> memref<1x125xi32, #tpu.memory_space<vmem>>
      %dma_start3A_57 = tpu.memref_squeeze %dma_start3A_56 : memref<1x125xi32, #tpu.memory_space<vmem>> -> memref<125xi32, #tpu.memory_space<vmem>>
      %dma_start3A_58 = arith.constant 0 : i32
      %dma_start3A_59 = arith.constant 0 : i32
      %dma_start3A_60 = tpu.memref_slice %arg2[%dma_start3A_58, %dma_start3A_59] : memref<10000x128xf32, #tpu.memory_space<hbm>> -> memref<10000x128xf32, #tpu.memory_space<hbm>>
      tpu.enqueue_indirect_dma source(%dma_start3A_60 : memref<10000x128xf32, #tpu.memory_space<hbm>>) target(%dma_start3A_54 : memref<125x128xf32, #tpu.memory_space<vmem>>) offsets(%dma_start3A_57 : memref<125xi32, #tpu.memory_space<vmem>>) semaphore(%arg11 : memref<!tpu.dma_semaphore, #tpu.memory_space<semaphore_mem>>)
      %run_scoped3A = arith.constant 0 : i32
      %run_scoped3A_61 = arith.constant 0 : i32
      "tpu.region"() ({
        %run_scoped3A_440 = tpu.sem_alloc : memref<!tpu.dma_semaphore, #tpu.memory_space<semaphore_mem>>
        %dma_start3A_441 = arith.constant 0 : i32
        %dma_start3A_442 = arith.constant 0 : i32
        %dma_start3A_443 = tpu.memref_slice %arg9[%run_scoped3A, %dma_start3A_441, %dma_start3A_442] : memref<2x125x128xf32, #tpu.memory_space<vmem>> -> memref<1x125x128xf32, #tpu.memory_space<vmem>>
        %dma_start3A_444 = tpu.memref_squeeze %dma_start3A_443 : memref<1x125x128xf32, #tpu.memory_space<vmem>> -> memref<125x128xf32, #tpu.memory_space<vmem>>
        %dma_start3A_445 = arith.constant 0 : i32
        %dma_start3A_446 = tpu.memref_slice %arg8[%run_scoped3A_61, %dma_start3A_445] : memref<16x125xi32, #tpu.memory_space<vmem>> -> memref<1x125xi32, #tpu.memory_space<vmem>>
        %dma_start3A_447 = tpu.memref_squeeze %dma_start3A_446 : memref<1x125xi32, #tpu.memory_space<vmem>> -> memref<125xi32, #tpu.memory_space<vmem>>
        %dma_start3A_448 = arith.constant 0 : i32
        %dma_start3A_449 = arith.constant 0 : i32
        %dma_start3A_450 = tpu.memref_slice %arg10[%dma_start3A_448, %dma_start3A_449] : memref<10000x128xf32, #tpu.memory_space<vmem_shared>> -> memref<10000x128xf32, #tpu.memory_space<vmem_shared>>
        tpu.enqueue_indirect_dma source(%dma_start3A_444 : memref<125x128xf32, #tpu.memory_space<vmem>>) target(%dma_start3A_450 : memref<10000x128xf32, #tpu.memory_space<vmem_shared>>) offsets(%dma_start3A_447 : memref<125xi32, #tpu.memory_space<vmem>>) semaphore(%run_scoped3A_440 : memref<!tpu.dma_semaphore, #tpu.memory_space<semaphore_mem>>) {add = true}
        %dma_wait3A_451 = arith.constant 0 : i32
        %dma_wait3A_452 = arith.constant 0 : i32
        %dma_wait3A_453 = tpu.memref_slice %arg9[%run_scoped3A, %dma_wait3A_451, %dma_wait3A_452] : memref<2x125x128xf32, #tpu.memory_space<vmem>> -> memref<1x125x128xf32, #tpu.memory_space<vmem>>
        %dma_wait3A_454 = tpu.memref_squeeze %dma_wait3A_453 : memref<1x125x128xf32, #tpu.memory_space<vmem>> -> memref<125x128xf32, #tpu.memory_space<vmem>>
        %dma_wait3A_455 = arith.constant 0 : i32
        %dma_wait3A_456 = tpu.memref_slice %arg8[%run_scoped3A_61, %dma_wait3A_455] : memref<16x125xi32, #tpu.memory_space<vmem>> -> memref<1x125xi32, #tpu.memory_space<vmem>>
        %dma_wait3A_457 = tpu.memref_squeeze %dma_wait3A_456 : memref<1x125xi32, #tpu.memory_space<vmem>> -> memref<125xi32, #tpu.memory_space<vmem>>
        %dma_wait3A_458 = arith.constant 0 : i32
        %dma_wait3A_459 = arith.constant 0 : i32
        %dma_wait3A_460 = tpu.memref_slice %arg10[%dma_wait3A_458, %dma_wait3A_459] : memref<10000x128xf32, #tpu.memory_space<vmem_shared>> -> memref<10000x128xf32, #tpu.memory_space<vmem_shared>>
        tpu.wait_indirect_dma semaphore(%run_scoped3A_440 : memref<!tpu.dma_semaphore, #tpu.memory_space<semaphore_mem>>) src(%dma_wait3A_454 : memref<125x128xf32, #tpu.memory_space<vmem>>) dst(%dma_wait3A_460 : memref<10000x128xf32, #tpu.memory_space<vmem_shared>>)
        tpu.yield
      }) : () -> ()
      %dma_wait3A_62 = arith.constant 1 : i32
      %dma_wait3A_63 = arith.constant 1 : i32
      %dma_wait3A_64 = arith.constant 0 : i32
      %dma_wait3A_65 = arith.constant 0 : i32
      %dma_wait3A_66 = tpu.memref_slice %arg9[%dma_wait3A_63, %dma_wait3A_64, %dma_wait3A_65] : memref<2x125x128xf32, #tpu.memory_space<vmem>> -> memref<1x125x128xf32, #tpu.memory_space<vmem>>
      %dma_wait3A_67 = tpu.memref_squeeze %dma_wait3A_66 : memref<1x125x128xf32, #tpu.memory_space<vmem>> -> memref<125x128xf32, #tpu.memory_space<vmem>>
      %dma_wait3A_68 = arith.constant 0 : i32
      %dma_wait3A_69 = tpu.memref_slice %arg7[%dma_wait3A_62, %dma_wait3A_68] : memref<16x125xi32, #tpu.memory_space<vmem>> -> memref<1x125xi32, #tpu.memory_space<vmem>>
      %dma_wait3A_70 = tpu.memref_squeeze %dma_wait3A_69 : memref<1x125xi32, #tpu.memory_space<vmem>> -> memref<125xi32, #tpu.memory_space<vmem>>
      %dma_wait3A_71 = arith.constant 0 : i32
      %dma_wait3A_72 = arith.constant 0 : i32
      %dma_wait3A_73 = tpu.memref_slice %arg2[%dma_wait3A_71, %dma_wait3A_72] : memref<10000x128xf32, #tpu.memory_space<hbm>> -> memref<10000x128xf32, #tpu.memory_space<hbm>>
      tpu.wait_indirect_dma semaphore(%arg11 : memref<!tpu.dma_semaphore, #tpu.memory_space<semaphore_mem>>) src(%dma_wait3A_73 : memref<10000x128xf32, #tpu.memory_space<hbm>>) dst(%dma_wait3A_67 : memref<125x128xf32, #tpu.memory_space<vmem>>)
      %dma_start3A_74 = arith.constant 2 : i32
      %dma_start3A_75 = arith.constant 0 : i32
      %dma_start3A_76 = arith.constant 0 : i32
      %dma_start3A_77 = arith.constant 0 : i32
      %dma_start3A_78 = tpu.memref_slice %arg9[%dma_start3A_75, %dma_start3A_76, %dma_start3A_77] : memref<2x125x128xf32, #tpu.memory_space<vmem>> -> memref<1x125x128xf32, #tpu.memory_space<vmem>>
      %dma_start3A_79 = tpu.memref_squeeze %dma_start3A_78 : memref<1x125x128xf32, #tpu.memory_space<vmem>> -> memref<125x128xf32, #tpu.memory_space<vmem>>
      %dma_start3A_80 = arith.constant 0 : i32
      %dma_start3A_81 = tpu.memref_slice %arg7[%dma_start3A_74, %dma_start3A_80] : memref<16x125xi32, #tpu.memory_space<vmem>> -> memref<1x125xi32, #tpu.memory_space<vmem>>
      %dma_start3A_82 = tpu.memref_squeeze %dma_start3A_81 : memref<1x125xi32, #tpu.memory_space<vmem>> -> memref<125xi32, #tpu.memory_space<vmem>>
      %dma_start3A_83 = arith.constant 0 : i32
      %dma_start3A_84 = arith.constant 0 : i32
      %dma_start3A_85 = tpu.memref_slice %arg2[%dma_start3A_83, %dma_start3A_84] : memref<10000x128xf32, #tpu.memory_space<hbm>> -> memref<10000x128xf32, #tpu.memory_space<hbm>>
      tpu.enqueue_indirect_dma source(%dma_start3A_85 : memref<10000x128xf32, #tpu.memory_space<hbm>>) target(%dma_start3A_79 : memref<125x128xf32, #tpu.memory_space<vmem>>) offsets(%dma_start3A_82 : memref<125xi32, #tpu.memory_space<vmem>>) semaphore(%arg11 : memref<!tpu.dma_semaphore, #tpu.memory_space<semaphore_mem>>)
      %run_scoped3A_86 = arith.constant 1 : i32
      %run_scoped3A_87 = arith.constant 1 : i32
      "tpu.region"() ({
        %run_scoped3A_440 = tpu.sem_alloc : memref<!tpu.dma_semaphore, #tpu.memory_space<semaphore_mem>>
        %dma_start3A_441 = arith.constant 0 : i32
        %dma_start3A_442 = arith.constant 0 : i32
        %dma_start3A_443 = tpu.memref_slice %arg9[%run_scoped3A_86, %dma_start3A_441, %dma_start3A_442] : memref<2x125x128xf32, #tpu.memory_space<vmem>> -> memref<1x125x128xf32, #tpu.memory_space<vmem>>
        %dma_start3A_444 = tpu.memref_squeeze %dma_start3A_443 : memref<1x125x128xf32, #tpu.memory_space<vmem>> -> memref<125x128xf32, #tpu.memory_space<vmem>>
        %dma_start3A_445 = arith.constant 0 : i32
        %dma_start3A_446 = tpu.memref_slice %arg8[%run_scoped3A_87, %dma_start3A_445] : memref<16x125xi32, #tpu.memory_space<vmem>> -> memref<1x125xi32, #tpu.memory_space<vmem>>
        %dma_start3A_447 = tpu.memref_squeeze %dma_start3A_446 : memref<1x125xi32, #tpu.memory_space<vmem>> -> memref<125xi32, #tpu.memory_space<vmem>>
        %dma_start3A_448 = arith.constant 0 : i32
        %dma_start3A_449 = arith.constant 0 : i32
        %dma_start3A_450 = tpu.memref_slice %arg10[%dma_start3A_448, %dma_start3A_449] : memref<10000x128xf32, #tpu.memory_space<vmem_shared>> -> memref<10000x128xf32, #tpu.memory_space<vmem_shared>>
        tpu.enqueue_indirect_dma source(%dma_start3A_444 : memref<125x128xf32, #tpu.memory_space<vmem>>) target(%dma_start3A_450 : memref<10000x128xf32, #tpu.memory_space<vmem_shared>>) offsets(%dma_start3A_447 : memref<125xi32, #tpu.memory_space<vmem>>) semaphore(%run_scoped3A_440 : memref<!tpu.dma_semaphore, #tpu.memory_space<semaphore_mem>>) {add = true}
        %dma_wait3A_451 = arith.constant 0 : i32
        %dma_wait3A_452 = arith.constant 0 : i32
        %dma_wait3A_453 = tpu.memref_slice %arg9[%run_scoped3A_86, %dma_wait3A_451, %dma_wait3A_452] : memref<2x125x128xf32, #tpu.memory_space<vmem>> -> memref<1x125x128xf32, #tpu.memory_space<vmem>>
        %dma_wait3A_454 = tpu.memref_squeeze %dma_wait3A_453 : memref<1x125x128xf32, #tpu.memory_space<vmem>> -> memref<125x128xf32, #tpu.memory_space<vmem>>
        %dma_wait3A_455 = arith.constant 0 : i32
        %dma_wait3A_456 = tpu.memref_slice %arg8[%run_scoped3A_87, %dma_wait3A_455] : memref<16x125xi32, #tpu.memory_space<vmem>> -> memref<1x125xi32, #tpu.memory_space<vmem>>
        %dma_wait3A_457 = tpu.memref_squeeze %dma_wait3A_456 : memref<1x125xi32, #tpu.memory_space<vmem>> -> memref<125xi32, #tpu.memory_space<vmem>>
        %dma_wait3A_458 = arith.constant 0 : i32
        %dma_wait3A_459 = arith.constant 0 : i32
        %dma_wait3A_460 = tpu.memref_slice %arg10[%dma_wait3A_458, %dma_wait3A_459] : memref<10000x128xf32, #tpu.memory_space<vmem_shared>> -> memref<10000x128xf32, #tpu.memory_space<vmem_shared>>
        tpu.wait_indirect_dma semaphore(%run_scoped3A_440 : memref<!tpu.dma_semaphore, #tpu.memory_space<semaphore_mem>>) src(%dma_wait3A_454 : memref<125x128xf32, #tpu.memory_space<vmem>>) dst(%dma_wait3A_460 : memref<10000x128xf32, #tpu.memory_space<vmem_shared>>)
        tpu.yield
      }) : () -> ()
      %dma_wait3A_88 = arith.constant 2 : i32
      %dma_wait3A_89 = arith.constant 0 : i32
      %dma_wait3A_90 = arith.constant 0 : i32
      %dma_wait3A_91 = arith.constant 0 : i32
      %dma_wait3A_92 = tpu.memref_slice %arg9[%dma_wait3A_89, %dma_wait3A_90, %dma_wait3A_91] : memref<2x125x128xf32, #tpu.memory_space<vmem>> -> memref<1x125x128xf32, #tpu.memory_space<vmem>>
      %dma_wait3A_93 = tpu.memref_squeeze %dma_wait3A_92 : memref<1x125x128xf32, #tpu.memory_space<vmem>> -> memref<125x128xf32, #tpu.memory_space<vmem>>
      %dma_wait3A_94 = arith.constant 0 : i32
      %dma_wait3A_95 = tpu.memref_slice %arg7[%dma_wait3A_88, %dma_wait3A_94] : memref<16x125xi32, #tpu.memory_space<vmem>> -> memref<1x125xi32, #tpu.memory_space<vmem>>
      %dma_wait3A_96 = tpu.memref_squeeze %dma_wait3A_95 : memref<1x125xi32, #tpu.memory_space<vmem>> -> memref<125xi32, #tpu.memory_space<vmem>>
      %dma_wait3A_97 = arith.constant 0 : i32
      %dma_wait3A_98 = arith.constant 0 : i32
      %dma_wait3A_99 = tpu.memref_slice %arg2[%dma_wait3A_97, %dma_wait3A_98] : memref<10000x128xf32, #tpu.memory_space<hbm>> -> memref<10000x128xf32, #tpu.memory_space<hbm>>
      tpu.wait_indirect_dma semaphore(%arg11 : memref<!tpu.dma_semaphore, #tpu.memory_space<semaphore_mem>>) src(%dma_wait3A_99 : memref<10000x128xf32, #tpu.memory_space<hbm>>) dst(%dma_wait3A_93 : memref<125x128xf32, #tpu.memory_space<vmem>>)
      %dma_start3A_100 = arith.constant 3 : i32
      %dma_start3A_101 = arith.constant 1 : i32
      %dma_start3A_102 = arith.constant 0 : i32
      %dma_start3A_103 = arith.constant 0 : i32
      %dma_start3A_104 = tpu.memref_slice %arg9[%dma_start3A_101, %dma_start3A_102, %dma_start3A_103] : memref<2x125x128xf32, #tpu.memory_space<vmem>> -> memref<1x125x128xf32, #tpu.memory_space<vmem>>
      %dma_start3A_105 = tpu.memref_squeeze %dma_start3A_104 : memref<1x125x128xf32, #tpu.memory_space<vmem>> -> memref<125x128xf32, #tpu.memory_space<vmem>>
      %dma_start3A_106 = arith.constant 0 : i32
      %dma_start3A_107 = tpu.memref_slice %arg7[%dma_start3A_100, %dma_start3A_106] : memref<16x125xi32, #tpu.memory_space<vmem>> -> memref<1x125xi32, #tpu.memory_space<vmem>>
      %dma_start3A_108 = tpu.memref_squeeze %dma_start3A_107 : memref<1x125xi32, #tpu.memory_space<vmem>> -> memref<125xi32, #tpu.memory_space<vmem>>
      %dma_start3A_109 = arith.constant 0 : i32
      %dma_start3A_110 = arith.constant 0 : i32
      %dma_start3A_111 = tpu.memref_slice %arg2[%dma_start3A_109, %dma_start3A_110] : memref<10000x128xf32, #tpu.memory_space<hbm>> -> memref<10000x128xf32, #tpu.memory_space<hbm>>
      tpu.enqueue_indirect_dma source(%dma_start3A_111 : memref<10000x128xf32, #tpu.memory_space<hbm>>) target(%dma_start3A_105 : memref<125x128xf32, #tpu.memory_space<vmem>>) offsets(%dma_start3A_108 : memref<125xi32, #tpu.memory_space<vmem>>) semaphore(%arg11 : memref<!tpu.dma_semaphore, #tpu.memory_space<semaphore_mem>>)
      %run_scoped3A_112 = arith.constant 0 : i32
      %run_scoped3A_113 = arith.constant 2 : i32
      "tpu.region"() ({
        %run_scoped3A_440 = tpu.sem_alloc : memref<!tpu.dma_semaphore, #tpu.memory_space<semaphore_mem>>
        %dma_start3A_441 = arith.constant 0 : i32
        %dma_start3A_442 = arith.constant 0 : i32
        %dma_start3A_443 = tpu.memref_slice %arg9[%run_scoped3A_112, %dma_start3A_441, %dma_start3A_442] : memref<2x125x128xf32, #tpu.memory_space<vmem>> -> memref<1x125x128xf32, #tpu.memory_space<vmem>>
        %dma_start3A_444 = tpu.memref_squeeze %dma_start3A_443 : memref<1x125x128xf32, #tpu.memory_space<vmem>> -> memref<125x128xf32, #tpu.memory_space<vmem>>
        %dma_start3A_445 = arith.constant 0 : i32
        %dma_start3A_446 = tpu.memref_slice %arg8[%run_scoped3A_113, %dma_start3A_445] : memref<16x125xi32, #tpu.memory_space<vmem>> -> memref<1x125xi32, #tpu.memory_space<vmem>>
        %dma_start3A_447 = tpu.memref_squeeze %dma_start3A_446 : memref<1x125xi32, #tpu.memory_space<vmem>> -> memref<125xi32, #tpu.memory_space<vmem>>
        %dma_start3A_448 = arith.constant 0 : i32
        %dma_start3A_449 = arith.constant 0 : i32
        %dma_start3A_450 = tpu.memref_slice %arg10[%dma_start3A_448, %dma_start3A_449] : memref<10000x128xf32, #tpu.memory_space<vmem_shared>> -> memref<10000x128xf32, #tpu.memory_space<vmem_shared>>
        tpu.enqueue_indirect_dma source(%dma_start3A_444 : memref<125x128xf32, #tpu.memory_space<vmem>>) target(%dma_start3A_450 : memref<10000x128xf32, #tpu.memory_space<vmem_shared>>) offsets(%dma_start3A_447 : memref<125xi32, #tpu.memory_space<vmem>>) semaphore(%run_scoped3A_440 : memref<!tpu.dma_semaphore, #tpu.memory_space<semaphore_mem>>) {add = true}
        %dma_wait3A_451 = arith.constant 0 : i32
        %dma_wait3A_452 = arith.constant 0 : i32
        %dma_wait3A_453 = tpu.memref_slice %arg9[%run_scoped3A_112, %dma_wait3A_451, %dma_wait3A_452] : memref<2x125x128xf32, #tpu.memory_space<vmem>> -> memref<1x125x128xf32, #tpu.memory_space<vmem>>
        %dma_wait3A_454 = tpu.memref_squeeze %dma_wait3A_453 : memref<1x125x128xf32, #tpu.memory_space<vmem>> -> memref<125x128xf32, #tpu.memory_space<vmem>>
        %dma_wait3A_455 = arith.constant 0 : i32
        %dma_wait3A_456 = tpu.memref_slice %arg8[%run_scoped3A_113, %dma_wait3A_455] : memref<16x125xi32, #tpu.memory_space<vmem>> -> memref<1x125xi32, #tpu.memory_space<vmem>>
        %dma_wait3A_457 = tpu.memref_squeeze %dma_wait3A_456 : memref<1x125xi32, #tpu.memory_space<vmem>> -> memref<125xi32, #tpu.memory_space<vmem>>
        %dma_wait3A_458 = arith.constant 0 : i32
        %dma_wait3A_459 = arith.constant 0 : i32
        %dma_wait3A_460 = tpu.memref_slice %arg10[%dma_wait3A_458, %dma_wait3A_459] : memref<10000x128xf32, #tpu.memory_space<vmem_shared>> -> memref<10000x128xf32, #tpu.memory_space<vmem_shared>>
        tpu.wait_indirect_dma semaphore(%run_scoped3A_440 : memref<!tpu.dma_semaphore, #tpu.memory_space<semaphore_mem>>) src(%dma_wait3A_454 : memref<125x128xf32, #tpu.memory_space<vmem>>) dst(%dma_wait3A_460 : memref<10000x128xf32, #tpu.memory_space<vmem_shared>>)
        tpu.yield
      }) : () -> ()
      %dma_wait3A_114 = arith.constant 3 : i32
      %dma_wait3A_115 = arith.constant 1 : i32
      %dma_wait3A_116 = arith.constant 0 : i32
      %dma_wait3A_117 = arith.constant 0 : i32
      %dma_wait3A_118 = tpu.memref_slice %arg9[%dma_wait3A_115, %dma_wait3A_116, %dma_wait3A_117] : memref<2x125x128xf32, #tpu.memory_space<vmem>> -> memref<1x125x128xf32, #tpu.memory_space<vmem>>
      %dma_wait3A_119 = tpu.memref_squeeze %dma_wait3A_118 : memref<1x125x128xf32, #tpu.memory_space<vmem>> -> memref<125x128xf32, #tpu.memory_space<vmem>>
      %dma_wait3A_120 = arith.constant 0 : i32
      %dma_wait3A_121 = tpu.memref_slice %arg7[%dma_wait3A_114, %dma_wait3A_120] : memref<16x125xi32, #tpu.memory_space<vmem>> -> memref<1x125xi32, #tpu.memory_space<vmem>>
      %dma_wait3A_122 = tpu.memref_squeeze %dma_wait3A_121 : memref<1x125xi32, #tpu.memory_space<vmem>> -> memref<125xi32, #tpu.memory_space<vmem>>
      %dma_wait3A_123 = arith.constant 0 : i32
      %dma_wait3A_124 = arith.constant 0 : i32
      %dma_wait3A_125 = tpu.memref_slice %arg2[%dma_wait3A_123, %dma_wait3A_124] : memref<10000x128xf32, #tpu.memory_space<hbm>> -> memref<10000x128xf32, #tpu.memory_space<hbm>>
      tpu.wait_indirect_dma semaphore(%arg11 : memref<!tpu.dma_semaphore, #tpu.memory_space<semaphore_mem>>) src(%dma_wait3A_125 : memref<10000x128xf32, #tpu.memory_space<hbm>>) dst(%dma_wait3A_119 : memref<125x128xf32, #tpu.memory_space<vmem>>)
      %dma_start3A_126 = arith.constant 4 : i32
      %dma_start3A_127 = arith.constant 0 : i32
      %dma_start3A_128 = arith.constant 0 : i32
      %dma_start3A_129 = arith.constant 0 : i32
      %dma_start3A_130 = tpu.memref_slice %arg9[%dma_start3A_127, %dma_start3A_128, %dma_start3A_129] : memref<2x125x128xf32, #tpu.memory_space<vmem>> -> memref<1x125x128xf32, #tpu.memory_space<vmem>>
      %dma_start3A_131 = tpu.memref_squeeze %dma_start3A_130 : memref<1x125x128xf32, #tpu.memory_space<vmem>> -> memref<125x128xf32, #tpu.memory_space<vmem>>
      %dma_start3A_132 = arith.constant 0 : i32
      %dma_start3A_133 = tpu.memref_slice %arg7[%dma_start3A_126, %dma_start3A_132] : memref<16x125xi32, #tpu.memory_space<vmem>> -> memref<1x125xi32, #tpu.memory_space<vmem>>
      %dma_start3A_134 = tpu.memref_squeeze %dma_start3A_133 : memref<1x125xi32, #tpu.memory_space<vmem>> -> memref<125xi32, #tpu.memory_space<vmem>>
      %dma_start3A_135 = arith.constant 0 : i32
      %dma_start3A_136 = arith.constant 0 : i32
      %dma_start3A_137 = tpu.memref_slice %arg2[%dma_start3A_135, %dma_start3A_136] : memref<10000x128xf32, #tpu.memory_space<hbm>> -> memref<10000x128xf32, #tpu.memory_space<hbm>>
      tpu.enqueue_indirect_dma source(%dma_start3A_137 : memref<10000x128xf32, #tpu.memory_space<hbm>>) target(%dma_start3A_131 : memref<125x128xf32, #tpu.memory_space<vmem>>) offsets(%dma_start3A_134 : memref<125xi32, #tpu.memory_space<vmem>>) semaphore(%arg11 : memref<!tpu.dma_semaphore, #tpu.memory_space<semaphore_mem>>)
      %run_scoped3A_138 = arith.constant 1 : i32
      %run_scoped3A_139 = arith.constant 3 : i32
      "tpu.region"() ({
        %run_scoped3A_440 = tpu.sem_alloc : memref<!tpu.dma_semaphore, #tpu.memory_space<semaphore_mem>>
        %dma_start3A_441 = arith.constant 0 : i32
        %dma_start3A_442 = arith.constant 0 : i32
        %dma_start3A_443 = tpu.memref_slice %arg9[%run_scoped3A_138, %dma_start3A_441, %dma_start3A_442] : memref<2x125x128xf32, #tpu.memory_space<vmem>> -> memref<1x125x128xf32, #tpu.memory_space<vmem>>
        %dma_start3A_444 = tpu.memref_squeeze %dma_start3A_443 : memref<1x125x128xf32, #tpu.memory_space<vmem>> -> memref<125x128xf32, #tpu.memory_space<vmem>>
        %dma_start3A_445 = arith.constant 0 : i32
        %dma_start3A_446 = tpu.memref_slice %arg8[%run_scoped3A_139, %dma_start3A_445] : memref<16x125xi32, #tpu.memory_space<vmem>> -> memref<1x125xi32, #tpu.memory_space<vmem>>
        %dma_start3A_447 = tpu.memref_squeeze %dma_start3A_446 : memref<1x125xi32, #tpu.memory_space<vmem>> -> memref<125xi32, #tpu.memory_space<vmem>>
        %dma_start3A_448 = arith.constant 0 : i32
        %dma_start3A_449 = arith.constant 0 : i32
        %dma_start3A_450 = tpu.memref_slice %arg10[%dma_start3A_448, %dma_start3A_449] : memref<10000x128xf32, #tpu.memory_space<vmem_shared>> -> memref<10000x128xf32, #tpu.memory_space<vmem_shared>>
        tpu.enqueue_indirect_dma source(%dma_start3A_444 : memref<125x128xf32, #tpu.memory_space<vmem>>) target(%dma_start3A_450 : memref<10000x128xf32, #tpu.memory_space<vmem_shared>>) offsets(%dma_start3A_447 : memref<125xi32, #tpu.memory_space<vmem>>) semaphore(%run_scoped3A_440 : memref<!tpu.dma_semaphore, #tpu.memory_space<semaphore_mem>>) {add = true}
        %dma_wait3A_451 = arith.constant 0 : i32
        %dma_wait3A_452 = arith.constant 0 : i32
        %dma_wait3A_453 = tpu.memref_slice %arg9[%run_scoped3A_138, %dma_wait3A_451, %dma_wait3A_452] : memref<2x125x128xf32, #tpu.memory_space<vmem>> -> memref<1x125x128xf32, #tpu.memory_space<vmem>>
        %dma_wait3A_454 = tpu.memref_squeeze %dma_wait3A_453 : memref<1x125x128xf32, #tpu.memory_space<vmem>> -> memref<125x128xf32, #tpu.memory_space<vmem>>
        %dma_wait3A_455 = arith.constant 0 : i32
        %dma_wait3A_456 = tpu.memref_slice %arg8[%run_scoped3A_139, %dma_wait3A_455] : memref<16x125xi32, #tpu.memory_space<vmem>> -> memref<1x125xi32, #tpu.memory_space<vmem>>
        %dma_wait3A_457 = tpu.memref_squeeze %dma_wait3A_456 : memref<1x125xi32, #tpu.memory_space<vmem>> -> memref<125xi32, #tpu.memory_space<vmem>>
        %dma_wait3A_458 = arith.constant 0 : i32
        %dma_wait3A_459 = arith.constant 0 : i32
        %dma_wait3A_460 = tpu.memref_slice %arg10[%dma_wait3A_458, %dma_wait3A_459] : memref<10000x128xf32, #tpu.memory_space<vmem_shared>> -> memref<10000x128xf32, #tpu.memory_space<vmem_shared>>
        tpu.wait_indirect_dma semaphore(%run_scoped3A_440 : memref<!tpu.dma_semaphore, #tpu.memory_space<semaphore_mem>>) src(%dma_wait3A_454 : memref<125x128xf32, #tpu.memory_space<vmem>>) dst(%dma_wait3A_460 : memref<10000x128xf32, #tpu.memory_space<vmem_shared>>)
        tpu.yield
      }) : () -> ()
      %dma_wait3A_140 = arith.constant 4 : i32
      %dma_wait3A_141 = arith.constant 0 : i32
      %dma_wait3A_142 = arith.constant 0 : i32
      %dma_wait3A_143 = arith.constant 0 : i32
      %dma_wait3A_144 = tpu.memref_slice %arg9[%dma_wait3A_141, %dma_wait3A_142, %dma_wait3A_143] : memref<2x125x128xf32, #tpu.memory_space<vmem>> -> memref<1x125x128xf32, #tpu.memory_space<vmem>>
      %dma_wait3A_145 = tpu.memref_squeeze %dma_wait3A_144 : memref<1x125x128xf32, #tpu.memory_space<vmem>> -> memref<125x128xf32, #tpu.memory_space<vmem>>
      %dma_wait3A_146 = arith.constant 0 : i32
      %dma_wait3A_147 = tpu.memref_slice %arg7[%dma_wait3A_140, %dma_wait3A_146] : memref<16x125xi32, #tpu.memory_space<vmem>> -> memref<1x125xi32, #tpu.memory_space<vmem>>
      %dma_wait3A_148 = tpu.memref_squeeze %dma_wait3A_147 : memref<1x125xi32, #tpu.memory_space<vmem>> -> memref<125xi32, #tpu.memory_space<vmem>>
      %dma_wait3A_149 = arith.constant 0 : i32
      %dma_wait3A_150 = arith.constant 0 : i32
      %dma_wait3A_151 = tpu.memref_slice %arg2[%dma_wait3A_149, %dma_wait3A_150] : memref<10000x128xf32, #tpu.memory_space<hbm>> -> memref<10000x128xf32, #tpu.memory_space<hbm>>
      tpu.wait_indirect_dma semaphore(%arg11 : memref<!tpu.dma_semaphore, #tpu.memory_space<semaphore_mem>>) src(%dma_wait3A_151 : memref<10000x128xf32, #tpu.memory_space<hbm>>) dst(%dma_wait3A_145 : memref<125x128xf32, #tpu.memory_space<vmem>>)
      %dma_start3A_152 = arith.constant 5 : i32
      %dma_start3A_153 = arith.constant 1 : i32
      %dma_start3A_154 = arith.constant 0 : i32
      %dma_start3A_155 = arith.constant 0 : i32
      %dma_start3A_156 = tpu.memref_slice %arg9[%dma_start3A_153, %dma_start3A_154, %dma_start3A_155] : memref<2x125x128xf32, #tpu.memory_space<vmem>> -> memref<1x125x128xf32, #tpu.memory_space<vmem>>
      %dma_start3A_157 = tpu.memref_squeeze %dma_start3A_156 : memref<1x125x128xf32, #tpu.memory_space<vmem>> -> memref<125x128xf32, #tpu.memory_space<vmem>>
      %dma_start3A_158 = arith.constant 0 : i32
      %dma_start3A_159 = tpu.memref_slice %arg7[%dma_start3A_152, %dma_start3A_158] : memref<16x125xi32, #tpu.memory_space<vmem>> -> memref<1x125xi32, #tpu.memory_space<vmem>>
      %dma_start3A_160 = tpu.memref_squeeze %dma_start3A_159 : memref<1x125xi32, #tpu.memory_space<vmem>> -> memref<125xi32, #tpu.memory_space<vmem>>
      %dma_start3A_161 = arith.constant 0 : i32
      %dma_start3A_162 = arith.constant 0 : i32
      %dma_start3A_163 = tpu.memref_slice %arg2[%dma_start3A_161, %dma_start3A_162] : memref<10000x128xf32, #tpu.memory_space<hbm>> -> memref<10000x128xf32, #tpu.memory_space<hbm>>
      tpu.enqueue_indirect_dma source(%dma_start3A_163 : memref<10000x128xf32, #tpu.memory_space<hbm>>) target(%dma_start3A_157 : memref<125x128xf32, #tpu.memory_space<vmem>>) offsets(%dma_start3A_160 : memref<125xi32, #tpu.memory_space<vmem>>) semaphore(%arg11 : memref<!tpu.dma_semaphore, #tpu.memory_space<semaphore_mem>>)
      %run_scoped3A_164 = arith.constant 0 : i32
      %run_scoped3A_165 = arith.constant 4 : i32
      "tpu.region"() ({
        %run_scoped3A_440 = tpu.sem_alloc : memref<!tpu.dma_semaphore, #tpu.memory_space<semaphore_mem>>
        %dma_start3A_441 = arith.constant 0 : i32
        %dma_start3A_442 = arith.constant 0 : i32
        %dma_start3A_443 = tpu.memref_slice %arg9[%run_scoped3A_164, %dma_start3A_441, %dma_start3A_442] : memref<2x125x128xf32, #tpu.memory_space<vmem>> -> memref<1x125x128xf32, #tpu.memory_space<vmem>>
        %dma_start3A_444 = tpu.memref_squeeze %dma_start3A_443 : memref<1x125x128xf32, #tpu.memory_space<vmem>> -> memref<125x128xf32, #tpu.memory_space<vmem>>
        %dma_start3A_445 = arith.constant 0 : i32
        %dma_start3A_446 = tpu.memref_slice %arg8[%run_scoped3A_165, %dma_start3A_445] : memref<16x125xi32, #tpu.memory_space<vmem>> -> memref<1x125xi32, #tpu.memory_space<vmem>>
        %dma_start3A_447 = tpu.memref_squeeze %dma_start3A_446 : memref<1x125xi32, #tpu.memory_space<vmem>> -> memref<125xi32, #tpu.memory_space<vmem>>
        %dma_start3A_448 = arith.constant 0 : i32
        %dma_start3A_449 = arith.constant 0 : i32
        %dma_start3A_450 = tpu.memref_slice %arg10[%dma_start3A_448, %dma_start3A_449] : memref<10000x128xf32, #tpu.memory_space<vmem_shared>> -> memref<10000x128xf32, #tpu.memory_space<vmem_shared>>
        tpu.enqueue_indirect_dma source(%dma_start3A_444 : memref<125x128xf32, #tpu.memory_space<vmem>>) target(%dma_start3A_450 : memref<10000x128xf32, #tpu.memory_space<vmem_shared>>) offsets(%dma_start3A_447 : memref<125xi32, #tpu.memory_space<vmem>>) semaphore(%run_scoped3A_440 : memref<!tpu.dma_semaphore, #tpu.memory_space<semaphore_mem>>) {add = true}
        %dma_wait3A_451 = arith.constant 0 : i32
        %dma_wait3A_452 = arith.constant 0 : i32
        %dma_wait3A_453 = tpu.memref_slice %arg9[%run_scoped3A_164, %dma_wait3A_451, %dma_wait3A_452] : memref<2x125x128xf32, #tpu.memory_space<vmem>> -> memref<1x125x128xf32, #tpu.memory_space<vmem>>
        %dma_wait3A_454 = tpu.memref_squeeze %dma_wait3A_453 : memref<1x125x128xf32, #tpu.memory_space<vmem>> -> memref<125x128xf32, #tpu.memory_space<vmem>>
        %dma_wait3A_455 = arith.constant 0 : i32
        %dma_wait3A_456 = tpu.memref_slice %arg8[%run_scoped3A_165, %dma_wait3A_455] : memref<16x125xi32, #tpu.memory_space<vmem>> -> memref<1x125xi32, #tpu.memory_space<vmem>>
        %dma_wait3A_457 = tpu.memref_squeeze %dma_wait3A_456 : memref<1x125xi32, #tpu.memory_space<vmem>> -> memref<125xi32, #tpu.memory_space<vmem>>
        %dma_wait3A_458 = arith.constant 0 : i32
        %dma_wait3A_459 = arith.constant 0 : i32
        %dma_wait3A_460 = tpu.memref_slice %arg10[%dma_wait3A_458, %dma_wait3A_459] : memref<10000x128xf32, #tpu.memory_space<vmem_shared>> -> memref<10000x128xf32, #tpu.memory_space<vmem_shared>>
        tpu.wait_indirect_dma semaphore(%run_scoped3A_440 : memref<!tpu.dma_semaphore, #tpu.memory_space<semaphore_mem>>) src(%dma_wait3A_454 : memref<125x128xf32, #tpu.memory_space<vmem>>) dst(%dma_wait3A_460 : memref<10000x128xf32, #tpu.memory_space<vmem_shared>>)
        tpu.yield
      }) : () -> ()
      %dma_wait3A_166 = arith.constant 5 : i32
      %dma_wait3A_167 = arith.constant 1 : i32
      %dma_wait3A_168 = arith.constant 0 : i32
      %dma_wait3A_169 = arith.constant 0 : i32
      %dma_wait3A_170 = tpu.memref_slice %arg9[%dma_wait3A_167, %dma_wait3A_168, %dma_wait3A_169] : memref<2x125x128xf32, #tpu.memory_space<vmem>> -> memref<1x125x128xf32, #tpu.memory_space<vmem>>
      %dma_wait3A_171 = tpu.memref_squeeze %dma_wait3A_170 : memref<1x125x128xf32, #tpu.memory_space<vmem>> -> memref<125x128xf32, #tpu.memory_space<vmem>>
      %dma_wait3A_172 = arith.constant 0 : i32
      %dma_wait3A_173 = tpu.memref_slice %arg7[%dma_wait3A_166, %dma_wait3A_172] : memref<16x125xi32, #tpu.memory_space<vmem>> -> memref<1x125xi32, #tpu.memory_space<vmem>>
      %dma_wait3A_174 = tpu.memref_squeeze %dma_wait3A_173 : memref<1x125xi32, #tpu.memory_space<vmem>> -> memref<125xi32, #tpu.memory_space<vmem>>
      %dma_wait3A_175 = arith.constant 0 : i32
      %dma_wait3A_176 = arith.constant 0 : i32
      %dma_wait3A_177 = tpu.memref_slice %arg2[%dma_wait3A_175, %dma_wait3A_176] : memref<10000x128xf32, #tpu.memory_space<hbm>> -> memref<10000x128xf32, #tpu.memory_space<hbm>>
      tpu.wait_indirect_dma semaphore(%arg11 : memref<!tpu.dma_semaphore, #tpu.memory_space<semaphore_mem>>) src(%dma_wait3A_177 : memref<10000x128xf32, #tpu.memory_space<hbm>>) dst(%dma_wait3A_171 : memref<125x128xf32, #tpu.memory_space<vmem>>)
      %dma_start3A_178 = arith.constant 6 : i32
      %dma_start3A_179 = arith.constant 0 : i32
      %dma_start3A_180 = arith.constant 0 : i32
      %dma_start3A_181 = arith.constant 0 : i32
      %dma_start3A_182 = tpu.memref_slice %arg9[%dma_start3A_179, %dma_start3A_180, %dma_start3A_181] : memref<2x125x128xf32, #tpu.memory_space<vmem>> -> memref<1x125x128xf32, #tpu.memory_space<vmem>>
      %dma_start3A_183 = tpu.memref_squeeze %dma_start3A_182 : memref<1x125x128xf32, #tpu.memory_space<vmem>> -> memref<125x128xf32, #tpu.memory_space<vmem>>
      %dma_start3A_184 = arith.constant 0 : i32
      %dma_start3A_185 = tpu.memref_slice %arg7[%dma_start3A_178, %dma_start3A_184] : memref<16x125xi32, #tpu.memory_space<vmem>> -> memref<1x125xi32, #tpu.memory_space<vmem>>
      %dma_start3A_186 = tpu.memref_squeeze %dma_start3A_185 : memref<1x125xi32, #tpu.memory_space<vmem>> -> memref<125xi32, #tpu.memory_space<vmem>>
      %dma_start3A_187 = arith.constant 0 : i32
      %dma_start3A_188 = arith.constant 0 : i32
      %dma_start3A_189 = tpu.memref_slice %arg2[%dma_start3A_187, %dma_start3A_188] : memref<10000x128xf32, #tpu.memory_space<hbm>> -> memref<10000x128xf32, #tpu.memory_space<hbm>>
      tpu.enqueue_indirect_dma source(%dma_start3A_189 : memref<10000x128xf32, #tpu.memory_space<hbm>>) target(%dma_start3A_183 : memref<125x128xf32, #tpu.memory_space<vmem>>) offsets(%dma_start3A_186 : memref<125xi32, #tpu.memory_space<vmem>>) semaphore(%arg11 : memref<!tpu.dma_semaphore, #tpu.memory_space<semaphore_mem>>)
      %run_scoped3A_190 = arith.constant 1 : i32
      %run_scoped3A_191 = arith.constant 5 : i32
      "tpu.region"() ({
        %run_scoped3A_440 = tpu.sem_alloc : memref<!tpu.dma_semaphore, #tpu.memory_space<semaphore_mem>>
        %dma_start3A_441 = arith.constant 0 : i32
        %dma_start3A_442 = arith.constant 0 : i32
        %dma_start3A_443 = tpu.memref_slice %arg9[%run_scoped3A_190, %dma_start3A_441, %dma_start3A_442] : memref<2x125x128xf32, #tpu.memory_space<vmem>> -> memref<1x125x128xf32, #tpu.memory_space<vmem>>
        %dma_start3A_444 = tpu.memref_squeeze %dma_start3A_443 : memref<1x125x128xf32, #tpu.memory_space<vmem>> -> memref<125x128xf32, #tpu.memory_space<vmem>>
        %dma_start3A_445 = arith.constant 0 : i32
        %dma_start3A_446 = tpu.memref_slice %arg8[%run_scoped3A_191, %dma_start3A_445] : memref<16x125xi32, #tpu.memory_space<vmem>> -> memref<1x125xi32, #tpu.memory_space<vmem>>
        %dma_start3A_447 = tpu.memref_squeeze %dma_start3A_446 : memref<1x125xi32, #tpu.memory_space<vmem>> -> memref<125xi32, #tpu.memory_space<vmem>>
        %dma_start3A_448 = arith.constant 0 : i32
        %dma_start3A_449 = arith.constant 0 : i32
        %dma_start3A_450 = tpu.memref_slice %arg10[%dma_start3A_448, %dma_start3A_449] : memref<10000x128xf32, #tpu.memory_space<vmem_shared>> -> memref<10000x128xf32, #tpu.memory_space<vmem_shared>>
        tpu.enqueue_indirect_dma source(%dma_start3A_444 : memref<125x128xf32, #tpu.memory_space<vmem>>) target(%dma_start3A_450 : memref<10000x128xf32, #tpu.memory_space<vmem_shared>>) offsets(%dma_start3A_447 : memref<125xi32, #tpu.memory_space<vmem>>) semaphore(%run_scoped3A_440 : memref<!tpu.dma_semaphore, #tpu.memory_space<semaphore_mem>>) {add = true}
        %dma_wait3A_451 = arith.constant 0 : i32
        %dma_wait3A_452 = arith.constant 0 : i32
        %dma_wait3A_453 = tpu.memref_slice %arg9[%run_scoped3A_190, %dma_wait3A_451, %dma_wait3A_452] : memref<2x125x128xf32, #tpu.memory_space<vmem>> -> memref<1x125x128xf32, #tpu.memory_space<vmem>>
        %dma_wait3A_454 = tpu.memref_squeeze %dma_wait3A_453 : memref<1x125x128xf32, #tpu.memory_space<vmem>> -> memref<125x128xf32, #tpu.memory_space<vmem>>
        %dma_wait3A_455 = arith.constant 0 : i32
        %dma_wait3A_456 = tpu.memref_slice %arg8[%run_scoped3A_191, %dma_wait3A_455] : memref<16x125xi32, #tpu.memory_space<vmem>> -> memref<1x125xi32, #tpu.memory_space<vmem>>
        %dma_wait3A_457 = tpu.memref_squeeze %dma_wait3A_456 : memref<1x125xi32, #tpu.memory_space<vmem>> -> memref<125xi32, #tpu.memory_space<vmem>>
        %dma_wait3A_458 = arith.constant 0 : i32
        %dma_wait3A_459 = arith.constant 0 : i32
        %dma_wait3A_460 = tpu.memref_slice %arg10[%dma_wait3A_458, %dma_wait3A_459] : memref<10000x128xf32, #tpu.memory_space<vmem_shared>> -> memref<10000x128xf32, #tpu.memory_space<vmem_shared>>
        tpu.wait_indirect_dma semaphore(%run_scoped3A_440 : memref<!tpu.dma_semaphore, #tpu.memory_space<semaphore_mem>>) src(%dma_wait3A_454 : memref<125x128xf32, #tpu.memory_space<vmem>>) dst(%dma_wait3A_460 : memref<10000x128xf32, #tpu.memory_space<vmem_shared>>)
        tpu.yield
      }) : () -> ()
      %dma_wait3A_192 = arith.constant 6 : i32
      %dma_wait3A_193 = arith.constant 0 : i32
      %dma_wait3A_194 = arith.constant 0 : i32
      %dma_wait3A_195 = arith.constant 0 : i32
      %dma_wait3A_196 = tpu.memref_slice %arg9[%dma_wait3A_193, %dma_wait3A_194, %dma_wait3A_195] : memref<2x125x128xf32, #tpu.memory_space<vmem>> -> memref<1x125x128xf32, #tpu.memory_space<vmem>>
      %dma_wait3A_197 = tpu.memref_squeeze %dma_wait3A_196 : memref<1x125x128xf32, #tpu.memory_space<vmem>> -> memref<125x128xf32, #tpu.memory_space<vmem>>
      %dma_wait3A_198 = arith.constant 0 : i32
      %dma_wait3A_199 = tpu.memref_slice %arg7[%dma_wait3A_192, %dma_wait3A_198] : memref<16x125xi32, #tpu.memory_space<vmem>> -> memref<1x125xi32, #tpu.memory_space<vmem>>
      %dma_wait3A_200 = tpu.memref_squeeze %dma_wait3A_199 : memref<1x125xi32, #tpu.memory_space<vmem>> -> memref<125xi32, #tpu.memory_space<vmem>>
      %dma_wait3A_201 = arith.constant 0 : i32
      %dma_wait3A_202 = arith.constant 0 : i32
      %dma_wait3A_203 = tpu.memref_slice %arg2[%dma_wait3A_201, %dma_wait3A_202] : memref<10000x128xf32, #tpu.memory_space<hbm>> -> memref<10000x128xf32, #tpu.memory_space<hbm>>
      tpu.wait_indirect_dma semaphore(%arg11 : memref<!tpu.dma_semaphore, #tpu.memory_space<semaphore_mem>>) src(%dma_wait3A_203 : memref<10000x128xf32, #tpu.memory_space<hbm>>) dst(%dma_wait3A_197 : memref<125x128xf32, #tpu.memory_space<vmem>>)
      %dma_start3A_204 = arith.constant 7 : i32
      %dma_start3A_205 = arith.constant 1 : i32
      %dma_start3A_206 = arith.constant 0 : i32
      %dma_start3A_207 = arith.constant 0 : i32
      %dma_start3A_208 = tpu.memref_slice %arg9[%dma_start3A_205, %dma_start3A_206, %dma_start3A_207] : memref<2x125x128xf32, #tpu.memory_space<vmem>> -> memref<1x125x128xf32, #tpu.memory_space<vmem>>
      %dma_start3A_209 = tpu.memref_squeeze %dma_start3A_208 : memref<1x125x128xf32, #tpu.memory_space<vmem>> -> memref<125x128xf32, #tpu.memory_space<vmem>>
      %dma_start3A_210 = arith.constant 0 : i32
      %dma_start3A_211 = tpu.memref_slice %arg7[%dma_start3A_204, %dma_start3A_210] : memref<16x125xi32, #tpu.memory_space<vmem>> -> memref<1x125xi32, #tpu.memory_space<vmem>>
      %dma_start3A_212 = tpu.memref_squeeze %dma_start3A_211 : memref<1x125xi32, #tpu.memory_space<vmem>> -> memref<125xi32, #tpu.memory_space<vmem>>
      %dma_start3A_213 = arith.constant 0 : i32
      %dma_start3A_214 = arith.constant 0 : i32
      %dma_start3A_215 = tpu.memref_slice %arg2[%dma_start3A_213, %dma_start3A_214] : memref<10000x128xf32, #tpu.memory_space<hbm>> -> memref<10000x128xf32, #tpu.memory_space<hbm>>
      tpu.enqueue_indirect_dma source(%dma_start3A_215 : memref<10000x128xf32, #tpu.memory_space<hbm>>) target(%dma_start3A_209 : memref<125x128xf32, #tpu.memory_space<vmem>>) offsets(%dma_start3A_212 : memref<125xi32, #tpu.memory_space<vmem>>) semaphore(%arg11 : memref<!tpu.dma_semaphore, #tpu.memory_space<semaphore_mem>>)
      %run_scoped3A_216 = arith.constant 0 : i32
      %run_scoped3A_217 = arith.constant 6 : i32
      "tpu.region"() ({
        %run_scoped3A_440 = tpu.sem_alloc : memref<!tpu.dma_semaphore, #tpu.memory_space<semaphore_mem>>
        %dma_start3A_441 = arith.constant 0 : i32
        %dma_start3A_442 = arith.constant 0 : i32
        %dma_start3A_443 = tpu.memref_slice %arg9[%run_scoped3A_216, %dma_start3A_441, %dma_start3A_442] : memref<2x125x128xf32, #tpu.memory_space<vmem>> -> memref<1x125x128xf32, #tpu.memory_space<vmem>>
        %dma_start3A_444 = tpu.memref_squeeze %dma_start3A_443 : memref<1x125x128xf32, #tpu.memory_space<vmem>> -> memref<125x128xf32, #tpu.memory_space<vmem>>
        %dma_start3A_445 = arith.constant 0 : i32
        %dma_start3A_446 = tpu.memref_slice %arg8[%run_scoped3A_217, %dma_start3A_445] : memref<16x125xi32, #tpu.memory_space<vmem>> -> memref<1x125xi32, #tpu.memory_space<vmem>>
        %dma_start3A_447 = tpu.memref_squeeze %dma_start3A_446 : memref<1x125xi32, #tpu.memory_space<vmem>> -> memref<125xi32, #tpu.memory_space<vmem>>
        %dma_start3A_448 = arith.constant 0 : i32
        %dma_start3A_449 = arith.constant 0 : i32
        %dma_start3A_450 = tpu.memref_slice %arg10[%dma_start3A_448, %dma_start3A_449] : memref<10000x128xf32, #tpu.memory_space<vmem_shared>> -> memref<10000x128xf32, #tpu.memory_space<vmem_shared>>
        tpu.enqueue_indirect_dma source(%dma_start3A_444 : memref<125x128xf32, #tpu.memory_space<vmem>>) target(%dma_start3A_450 : memref<10000x128xf32, #tpu.memory_space<vmem_shared>>) offsets(%dma_start3A_447 : memref<125xi32, #tpu.memory_space<vmem>>) semaphore(%run_scoped3A_440 : memref<!tpu.dma_semaphore, #tpu.memory_space<semaphore_mem>>) {add = true}
        %dma_wait3A_451 = arith.constant 0 : i32
        %dma_wait3A_452 = arith.constant 0 : i32
        %dma_wait3A_453 = tpu.memref_slice %arg9[%run_scoped3A_216, %dma_wait3A_451, %dma_wait3A_452] : memref<2x125x128xf32, #tpu.memory_space<vmem>> -> memref<1x125x128xf32, #tpu.memory_space<vmem>>
        %dma_wait3A_454 = tpu.memref_squeeze %dma_wait3A_453 : memref<1x125x128xf32, #tpu.memory_space<vmem>> -> memref<125x128xf32, #tpu.memory_space<vmem>>
        %dma_wait3A_455 = arith.constant 0 : i32
        %dma_wait3A_456 = tpu.memref_slice %arg8[%run_scoped3A_217, %dma_wait3A_455] : memref<16x125xi32, #tpu.memory_space<vmem>> -> memref<1x125xi32, #tpu.memory_space<vmem>>
        %dma_wait3A_457 = tpu.memref_squeeze %dma_wait3A_456 : memref<1x125xi32, #tpu.memory_space<vmem>> -> memref<125xi32, #tpu.memory_space<vmem>>
        %dma_wait3A_458 = arith.constant 0 : i32
        %dma_wait3A_459 = arith.constant 0 : i32
        %dma_wait3A_460 = tpu.memref_slice %arg10[%dma_wait3A_458, %dma_wait3A_459] : memref<10000x128xf32, #tpu.memory_space<vmem_shared>> -> memref<10000x128xf32, #tpu.memory_space<vmem_shared>>
        tpu.wait_indirect_dma semaphore(%run_scoped3A_440 : memref<!tpu.dma_semaphore, #tpu.memory_space<semaphore_mem>>) src(%dma_wait3A_454 : memref<125x128xf32, #tpu.memory_space<vmem>>) dst(%dma_wait3A_460 : memref<10000x128xf32, #tpu.memory_space<vmem_shared>>)
        tpu.yield
      }) : () -> ()
      %dma_wait3A_218 = arith.constant 7 : i32
      %dma_wait3A_219 = arith.constant 1 : i32
      %dma_wait3A_220 = arith.constant 0 : i32
      %dma_wait3A_221 = arith.constant 0 : i32
      %dma_wait3A_222 = tpu.memref_slice %arg9[%dma_wait3A_219, %dma_wait3A_220, %dma_wait3A_221] : memref<2x125x128xf32, #tpu.memory_space<vmem>> -> memref<1x125x128xf32, #tpu.memory_space<vmem>>
      %dma_wait3A_223 = tpu.memref_squeeze %dma_wait3A_222 : memref<1x125x128xf32, #tpu.memory_space<vmem>> -> memref<125x128xf32, #tpu.memory_space<vmem>>
      %dma_wait3A_224 = arith.constant 0 : i32
      %dma_wait3A_225 = tpu.memref_slice %arg7[%dma_wait3A_218, %dma_wait3A_224] : memref<16x125xi32, #tpu.memory_space<vmem>> -> memref<1x125xi32, #tpu.memory_space<vmem>>
      %dma_wait3A_226 = tpu.memref_squeeze %dma_wait3A_225 : memref<1x125xi32, #tpu.memory_space<vmem>> -> memref<125xi32, #tpu.memory_space<vmem>>
      %dma_wait3A_227 = arith.constant 0 : i32
      %dma_wait3A_228 = arith.constant 0 : i32
      %dma_wait3A_229 = tpu.memref_slice %arg2[%dma_wait3A_227, %dma_wait3A_228] : memref<10000x128xf32, #tpu.memory_space<hbm>> -> memref<10000x128xf32, #tpu.memory_space<hbm>>
      tpu.wait_indirect_dma semaphore(%arg11 : memref<!tpu.dma_semaphore, #tpu.memory_space<semaphore_mem>>) src(%dma_wait3A_229 : memref<10000x128xf32, #tpu.memory_space<hbm>>) dst(%dma_wait3A_223 : memref<125x128xf32, #tpu.memory_space<vmem>>)
      %dma_start3A_230 = arith.constant 8 : i32
      %dma_start3A_231 = arith.constant 0 : i32
      %dma_start3A_232 = arith.constant 0 : i32
      %dma_start3A_233 = arith.constant 0 : i32
      %dma_start3A_234 = tpu.memref_slice %arg9[%dma_start3A_231, %dma_start3A_232, %dma_start3A_233] : memref<2x125x128xf32, #tpu.memory_space<vmem>> -> memref<1x125x128xf32, #tpu.memory_space<vmem>>
      %dma_start3A_235 = tpu.memref_squeeze %dma_start3A_234 : memref<1x125x128xf32, #tpu.memory_space<vmem>> -> memref<125x128xf32, #tpu.memory_space<vmem>>
      %dma_start3A_236 = arith.constant 0 : i32
      %dma_start3A_237 = tpu.memref_slice %arg7[%dma_start3A_230, %dma_start3A_236] : memref<16x125xi32, #tpu.memory_space<vmem>> -> memref<1x125xi32, #tpu.memory_space<vmem>>
      %dma_start3A_238 = tpu.memref_squeeze %dma_start3A_237 : memref<1x125xi32, #tpu.memory_space<vmem>> -> memref<125xi32, #tpu.memory_space<vmem>>
      %dma_start3A_239 = arith.constant 0 : i32
      %dma_start3A_240 = arith.constant 0 : i32
      %dma_start3A_241 = tpu.memref_slice %arg2[%dma_start3A_239, %dma_start3A_240] : memref<10000x128xf32, #tpu.memory_space<hbm>> -> memref<10000x128xf32, #tpu.memory_space<hbm>>
      tpu.enqueue_indirect_dma source(%dma_start3A_241 : memref<10000x128xf32, #tpu.memory_space<hbm>>) target(%dma_start3A_235 : memref<125x128xf32, #tpu.memory_space<vmem>>) offsets(%dma_start3A_238 : memref<125xi32, #tpu.memory_space<vmem>>) semaphore(%arg11 : memref<!tpu.dma_semaphore, #tpu.memory_space<semaphore_mem>>)
      %run_scoped3A_242 = arith.constant 1 : i32
      %run_scoped3A_243 = arith.constant 7 : i32
      "tpu.region"() ({
        %run_scoped3A_440 = tpu.sem_alloc : memref<!tpu.dma_semaphore, #tpu.memory_space<semaphore_mem>>
        %dma_start3A_441 = arith.constant 0 : i32
        %dma_start3A_442 = arith.constant 0 : i32
        %dma_start3A_443 = tpu.memref_slice %arg9[%run_scoped3A_242, %dma_start3A_441, %dma_start3A_442] : memref<2x125x128xf32, #tpu.memory_space<vmem>> -> memref<1x125x128xf32, #tpu.memory_space<vmem>>
        %dma_start3A_444 = tpu.memref_squeeze %dma_start3A_443 : memref<1x125x128xf32, #tpu.memory_space<vmem>> -> memref<125x128xf32, #tpu.memory_space<vmem>>
        %dma_start3A_445 = arith.constant 0 : i32
        %dma_start3A_446 = tpu.memref_slice %arg8[%run_scoped3A_243, %dma_start3A_445] : memref<16x125xi32, #tpu.memory_space<vmem>> -> memref<1x125xi32, #tpu.memory_space<vmem>>
        %dma_start3A_447 = tpu.memref_squeeze %dma_start3A_446 : memref<1x125xi32, #tpu.memory_space<vmem>> -> memref<125xi32, #tpu.memory_space<vmem>>
        %dma_start3A_448 = arith.constant 0 : i32
        %dma_start3A_449 = arith.constant 0 : i32
        %dma_start3A_450 = tpu.memref_slice %arg10[%dma_start3A_448, %dma_start3A_449] : memref<10000x128xf32, #tpu.memory_space<vmem_shared>> -> memref<10000x128xf32, #tpu.memory_space<vmem_shared>>
        tpu.enqueue_indirect_dma source(%dma_start3A_444 : memref<125x128xf32, #tpu.memory_space<vmem>>) target(%dma_start3A_450 : memref<10000x128xf32, #tpu.memory_space<vmem_shared>>) offsets(%dma_start3A_447 : memref<125xi32, #tpu.memory_space<vmem>>) semaphore(%run_scoped3A_440 : memref<!tpu.dma_semaphore, #tpu.memory_space<semaphore_mem>>) {add = true}
        %dma_wait3A_451 = arith.constant 0 : i32
        %dma_wait3A_452 = arith.constant 0 : i32
        %dma_wait3A_453 = tpu.memref_slice %arg9[%run_scoped3A_242, %dma_wait3A_451, %dma_wait3A_452] : memref<2x125x128xf32, #tpu.memory_space<vmem>> -> memref<1x125x128xf32, #tpu.memory_space<vmem>>
        %dma_wait3A_454 = tpu.memref_squeeze %dma_wait3A_453 : memref<1x125x128xf32, #tpu.memory_space<vmem>> -> memref<125x128xf32, #tpu.memory_space<vmem>>
        %dma_wait3A_455 = arith.constant 0 : i32
        %dma_wait3A_456 = tpu.memref_slice %arg8[%run_scoped3A_243, %dma_wait3A_455] : memref<16x125xi32, #tpu.memory_space<vmem>> -> memref<1x125xi32, #tpu.memory_space<vmem>>
        %dma_wait3A_457 = tpu.memref_squeeze %dma_wait3A_456 : memref<1x125xi32, #tpu.memory_space<vmem>> -> memref<125xi32, #tpu.memory_space<vmem>>
        %dma_wait3A_458 = arith.constant 0 : i32
        %dma_wait3A_459 = arith.constant 0 : i32
        %dma_wait3A_460 = tpu.memref_slice %arg10[%dma_wait3A_458, %dma_wait3A_459] : memref<10000x128xf32, #tpu.memory_space<vmem_shared>> -> memref<10000x128xf32, #tpu.memory_space<vmem_shared>>
        tpu.wait_indirect_dma semaphore(%run_scoped3A_440 : memref<!tpu.dma_semaphore, #tpu.memory_space<semaphore_mem>>) src(%dma_wait3A_454 : memref<125x128xf32, #tpu.memory_space<vmem>>) dst(%dma_wait3A_460 : memref<10000x128xf32, #tpu.memory_space<vmem_shared>>)
        tpu.yield
      }) : () -> ()
      %dma_wait3A_244 = arith.constant 8 : i32
      %dma_wait3A_245 = arith.constant 0 : i32
      %dma_wait3A_246 = arith.constant 0 : i32
      %dma_wait3A_247 = arith.constant 0 : i32
      %dma_wait3A_248 = tpu.memref_slice %arg9[%dma_wait3A_245, %dma_wait3A_246, %dma_wait3A_247] : memref<2x125x128xf32, #tpu.memory_space<vmem>> -> memref<1x125x128xf32, #tpu.memory_space<vmem>>
      %dma_wait3A_249 = tpu.memref_squeeze %dma_wait3A_248 : memref<1x125x128xf32, #tpu.memory_space<vmem>> -> memref<125x128xf32, #tpu.memory_space<vmem>>
      %dma_wait3A_250 = arith.constant 0 : i32
      %dma_wait3A_251 = tpu.memref_slice %arg7[%dma_wait3A_244, %dma_wait3A_250] : memref<16x125xi32, #tpu.memory_space<vmem>> -> memref<1x125xi32, #tpu.memory_space<vmem>>
      %dma_wait3A_252 = tpu.memref_squeeze %dma_wait3A_251 : memref<1x125xi32, #tpu.memory_space<vmem>> -> memref<125xi32, #tpu.memory_space<vmem>>
      %dma_wait3A_253 = arith.constant 0 : i32
      %dma_wait3A_254 = arith.constant 0 : i32
      %dma_wait3A_255 = tpu.memref_slice %arg2[%dma_wait3A_253, %dma_wait3A_254] : memref<10000x128xf32, #tpu.memory_space<hbm>> -> memref<10000x128xf32, #tpu.memory_space<hbm>>
      tpu.wait_indirect_dma semaphore(%arg11 : memref<!tpu.dma_semaphore, #tpu.memory_space<semaphore_mem>>) src(%dma_wait3A_255 : memref<10000x128xf32, #tpu.memory_space<hbm>>) dst(%dma_wait3A_249 : memref<125x128xf32, #tpu.memory_space<vmem>>)
      %dma_start3A_256 = arith.constant 9 : i32
      %dma_start3A_257 = arith.constant 1 : i32
      %dma_start3A_258 = arith.constant 0 : i32
      %dma_start3A_259 = arith.constant 0 : i32
      %dma_start3A_260 = tpu.memref_slice %arg9[%dma_start3A_257, %dma_start3A_258, %dma_start3A_259] : memref<2x125x128xf32, #tpu.memory_space<vmem>> -> memref<1x125x128xf32, #tpu.memory_space<vmem>>
      %dma_start3A_261 = tpu.memref_squeeze %dma_start3A_260 : memref<1x125x128xf32, #tpu.memory_space<vmem>> -> memref<125x128xf32, #tpu.memory_space<vmem>>
      %dma_start3A_262 = arith.constant 0 : i32
      %dma_start3A_263 = tpu.memref_slice %arg7[%dma_start3A_256, %dma_start3A_262] : memref<16x125xi32, #tpu.memory_space<vmem>> -> memref<1x125xi32, #tpu.memory_space<vmem>>
      %dma_start3A_264 = tpu.memref_squeeze %dma_start3A_263 : memref<1x125xi32, #tpu.memory_space<vmem>> -> memref<125xi32, #tpu.memory_space<vmem>>
      %dma_start3A_265 = arith.constant 0 : i32
      %dma_start3A_266 = arith.constant 0 : i32
      %dma_start3A_267 = tpu.memref_slice %arg2[%dma_start3A_265, %dma_start3A_266] : memref<10000x128xf32, #tpu.memory_space<hbm>> -> memref<10000x128xf32, #tpu.memory_space<hbm>>
      tpu.enqueue_indirect_dma source(%dma_start3A_267 : memref<10000x128xf32, #tpu.memory_space<hbm>>) target(%dma_start3A_261 : memref<125x128xf32, #tpu.memory_space<vmem>>) offsets(%dma_start3A_264 : memref<125xi32, #tpu.memory_space<vmem>>) semaphore(%arg11 : memref<!tpu.dma_semaphore, #tpu.memory_space<semaphore_mem>>)
      %run_scoped3A_268 = arith.constant 0 : i32
      %run_scoped3A_269 = arith.constant 8 : i32
      "tpu.region"() ({
        %run_scoped3A_440 = tpu.sem_alloc : memref<!tpu.dma_semaphore, #tpu.memory_space<semaphore_mem>>
        %dma_start3A_441 = arith.constant 0 : i32
        %dma_start3A_442 = arith.constant 0 : i32
        %dma_start3A_443 = tpu.memref_slice %arg9[%run_scoped3A_268, %dma_start3A_441, %dma_start3A_442] : memref<2x125x128xf32, #tpu.memory_space<vmem>> -> memref<1x125x128xf32, #tpu.memory_space<vmem>>
        %dma_start3A_444 = tpu.memref_squeeze %dma_start3A_443 : memref<1x125x128xf32, #tpu.memory_space<vmem>> -> memref<125x128xf32, #tpu.memory_space<vmem>>
        %dma_start3A_445 = arith.constant 0 : i32
        %dma_start3A_446 = tpu.memref_slice %arg8[%run_scoped3A_269, %dma_start3A_445] : memref<16x125xi32, #tpu.memory_space<vmem>> -> memref<1x125xi32, #tpu.memory_space<vmem>>
        %dma_start3A_447 = tpu.memref_squeeze %dma_start3A_446 : memref<1x125xi32, #tpu.memory_space<vmem>> -> memref<125xi32, #tpu.memory_space<vmem>>
        %dma_start3A_448 = arith.constant 0 : i32
        %dma_start3A_449 = arith.constant 0 : i32
        %dma_start3A_450 = tpu.memref_slice %arg10[%dma_start3A_448, %dma_start3A_449] : memref<10000x128xf32, #tpu.memory_space<vmem_shared>> -> memref<10000x128xf32, #tpu.memory_space<vmem_shared>>
        tpu.enqueue_indirect_dma source(%dma_start3A_444 : memref<125x128xf32, #tpu.memory_space<vmem>>) target(%dma_start3A_450 : memref<10000x128xf32, #tpu.memory_space<vmem_shared>>) offsets(%dma_start3A_447 : memref<125xi32, #tpu.memory_space<vmem>>) semaphore(%run_scoped3A_440 : memref<!tpu.dma_semaphore, #tpu.memory_space<semaphore_mem>>) {add = true}
        %dma_wait3A_451 = arith.constant 0 : i32
        %dma_wait3A_452 = arith.constant 0 : i32
        %dma_wait3A_453 = tpu.memref_slice %arg9[%run_scoped3A_268, %dma_wait3A_451, %dma_wait3A_452] : memref<2x125x128xf32, #tpu.memory_space<vmem>> -> memref<1x125x128xf32, #tpu.memory_space<vmem>>
        %dma_wait3A_454 = tpu.memref_squeeze %dma_wait3A_453 : memref<1x125x128xf32, #tpu.memory_space<vmem>> -> memref<125x128xf32, #tpu.memory_space<vmem>>
        %dma_wait3A_455 = arith.constant 0 : i32
        %dma_wait3A_456 = tpu.memref_slice %arg8[%run_scoped3A_269, %dma_wait3A_455] : memref<16x125xi32, #tpu.memory_space<vmem>> -> memref<1x125xi32, #tpu.memory_space<vmem>>
        %dma_wait3A_457 = tpu.memref_squeeze %dma_wait3A_456 : memref<1x125xi32, #tpu.memory_space<vmem>> -> memref<125xi32, #tpu.memory_space<vmem>>
        %dma_wait3A_458 = arith.constant 0 : i32
        %dma_wait3A_459 = arith.constant 0 : i32
        %dma_wait3A_460 = tpu.memref_slice %arg10[%dma_wait3A_458, %dma_wait3A_459] : memref<10000x128xf32, #tpu.memory_space<vmem_shared>> -> memref<10000x128xf32, #tpu.memory_space<vmem_shared>>
        tpu.wait_indirect_dma semaphore(%run_scoped3A_440 : memref<!tpu.dma_semaphore, #tpu.memory_space<semaphore_mem>>) src(%dma_wait3A_454 : memref<125x128xf32, #tpu.memory_space<vmem>>) dst(%dma_wait3A_460 : memref<10000x128xf32, #tpu.memory_space<vmem_shared>>)
        tpu.yield
      }) : () -> ()
      %dma_wait3A_270 = arith.constant 9 : i32
      %dma_wait3A_271 = arith.constant 1 : i32
      %dma_wait3A_272 = arith.constant 0 : i32
      %dma_wait3A_273 = arith.constant 0 : i32
      %dma_wait3A_274 = tpu.memref_slice %arg9[%dma_wait3A_271, %dma_wait3A_272, %dma_wait3A_273] : memref<2x125x128xf32, #tpu.memory_space<vmem>> -> memref<1x125x128xf32, #tpu.memory_space<vmem>>
      %dma_wait3A_275 = tpu.memref_squeeze %dma_wait3A_274 : memref<1x125x128xf32, #tpu.memory_space<vmem>> -> memref<125x128xf32, #tpu.memory_space<vmem>>
      %dma_wait3A_276 = arith.constant 0 : i32
      %dma_wait3A_277 = tpu.memref_slice %arg7[%dma_wait3A_270, %dma_wait3A_276] : memref<16x125xi32, #tpu.memory_space<vmem>> -> memref<1x125xi32, #tpu.memory_space<vmem>>
      %dma_wait3A_278 = tpu.memref_squeeze %dma_wait3A_277 : memref<1x125xi32, #tpu.memory_space<vmem>> -> memref<125xi32, #tpu.memory_space<vmem>>
      %dma_wait3A_279 = arith.constant 0 : i32
      %dma_wait3A_280 = arith.constant 0 : i32
      %dma_wait3A_281 = tpu.memref_slice %arg2[%dma_wait3A_279, %dma_wait3A_280] : memref<10000x128xf32, #tpu.memory_space<hbm>> -> memref<10000x128xf32, #tpu.memory_space<hbm>>
      tpu.wait_indirect_dma semaphore(%arg11 : memref<!tpu.dma_semaphore, #tpu.memory_space<semaphore_mem>>) src(%dma_wait3A_281 : memref<10000x128xf32, #tpu.memory_space<hbm>>) dst(%dma_wait3A_275 : memref<125x128xf32, #tpu.memory_space<vmem>>)
      %dma_start3A_282 = arith.constant 10 : i32
      %dma_start3A_283 = arith.constant 0 : i32
      %dma_start3A_284 = arith.constant 0 : i32
      %dma_start3A_285 = arith.constant 0 : i32
      %dma_start3A_286 = tpu.memref_slice %arg9[%dma_start3A_283, %dma_start3A_284, %dma_start3A_285] : memref<2x125x128xf32, #tpu.memory_space<vmem>> -> memref<1x125x128xf32, #tpu.memory_space<vmem>>
      %dma_start3A_287 = tpu.memref_squeeze %dma_start3A_286 : memref<1x125x128xf32, #tpu.memory_space<vmem>> -> memref<125x128xf32, #tpu.memory_space<vmem>>
      %dma_start3A_288 = arith.constant 0 : i32
      %dma_start3A_289 = tpu.memref_slice %arg7[%dma_start3A_282, %dma_start3A_288] : memref<16x125xi32, #tpu.memory_space<vmem>> -> memref<1x125xi32, #tpu.memory_space<vmem>>
      %dma_start3A_290 = tpu.memref_squeeze %dma_start3A_289 : memref<1x125xi32, #tpu.memory_space<vmem>> -> memref<125xi32, #tpu.memory_space<vmem>>
      %dma_start3A_291 = arith.constant 0 : i32
      %dma_start3A_292 = arith.constant 0 : i32
      %dma_start3A_293 = tpu.memref_slice %arg2[%dma_start3A_291, %dma_start3A_292] : memref<10000x128xf32, #tpu.memory_space<hbm>> -> memref<10000x128xf32, #tpu.memory_space<hbm>>
      tpu.enqueue_indirect_dma source(%dma_start3A_293 : memref<10000x128xf32, #tpu.memory_space<hbm>>) target(%dma_start3A_287 : memref<125x128xf32, #tpu.memory_space<vmem>>) offsets(%dma_start3A_290 : memref<125xi32, #tpu.memory_space<vmem>>) semaphore(%arg11 : memref<!tpu.dma_semaphore, #tpu.memory_space<semaphore_mem>>)
      %run_scoped3A_294 = arith.constant 1 : i32
      %run_scoped3A_295 = arith.constant 9 : i32
      "tpu.region"() ({
        %run_scoped3A_440 = tpu.sem_alloc : memref<!tpu.dma_semaphore, #tpu.memory_space<semaphore_mem>>
        %dma_start3A_441 = arith.constant 0 : i32
        %dma_start3A_442 = arith.constant 0 : i32
        %dma_start3A_443 = tpu.memref_slice %arg9[%run_scoped3A_294, %dma_start3A_441, %dma_start3A_442] : memref<2x125x128xf32, #tpu.memory_space<vmem>> -> memref<1x125x128xf32, #tpu.memory_space<vmem>>
        %dma_start3A_444 = tpu.memref_squeeze %dma_start3A_443 : memref<1x125x128xf32, #tpu.memory_space<vmem>> -> memref<125x128xf32, #tpu.memory_space<vmem>>
        %dma_start3A_445 = arith.constant 0 : i32
        %dma_start3A_446 = tpu.memref_slice %arg8[%run_scoped3A_295, %dma_start3A_445] : memref<16x125xi32, #tpu.memory_space<vmem>> -> memref<1x125xi32, #tpu.memory_space<vmem>>
        %dma_start3A_447 = tpu.memref_squeeze %dma_start3A_446 : memref<1x125xi32, #tpu.memory_space<vmem>> -> memref<125xi32, #tpu.memory_space<vmem>>
        %dma_start3A_448 = arith.constant 0 : i32
        %dma_start3A_449 = arith.constant 0 : i32
        %dma_start3A_450 = tpu.memref_slice %arg10[%dma_start3A_448, %dma_start3A_449] : memref<10000x128xf32, #tpu.memory_space<vmem_shared>> -> memref<10000x128xf32, #tpu.memory_space<vmem_shared>>
        tpu.enqueue_indirect_dma source(%dma_start3A_444 : memref<125x128xf32, #tpu.memory_space<vmem>>) target(%dma_start3A_450 : memref<10000x128xf32, #tpu.memory_space<vmem_shared>>) offsets(%dma_start3A_447 : memref<125xi32, #tpu.memory_space<vmem>>) semaphore(%run_scoped3A_440 : memref<!tpu.dma_semaphore, #tpu.memory_space<semaphore_mem>>) {add = true}
        %dma_wait3A_451 = arith.constant 0 : i32
        %dma_wait3A_452 = arith.constant 0 : i32
        %dma_wait3A_453 = tpu.memref_slice %arg9[%run_scoped3A_294, %dma_wait3A_451, %dma_wait3A_452] : memref<2x125x128xf32, #tpu.memory_space<vmem>> -> memref<1x125x128xf32, #tpu.memory_space<vmem>>
        %dma_wait3A_454 = tpu.memref_squeeze %dma_wait3A_453 : memref<1x125x128xf32, #tpu.memory_space<vmem>> -> memref<125x128xf32, #tpu.memory_space<vmem>>
        %dma_wait3A_455 = arith.constant 0 : i32
        %dma_wait3A_456 = tpu.memref_slice %arg8[%run_scoped3A_295, %dma_wait3A_455] : memref<16x125xi32, #tpu.memory_space<vmem>> -> memref<1x125xi32, #tpu.memory_space<vmem>>
        %dma_wait3A_457 = tpu.memref_squeeze %dma_wait3A_456 : memref<1x125xi32, #tpu.memory_space<vmem>> -> memref<125xi32, #tpu.memory_space<vmem>>
        %dma_wait3A_458 = arith.constant 0 : i32
        %dma_wait3A_459 = arith.constant 0 : i32
        %dma_wait3A_460 = tpu.memref_slice %arg10[%dma_wait3A_458, %dma_wait3A_459] : memref<10000x128xf32, #tpu.memory_space<vmem_shared>> -> memref<10000x128xf32, #tpu.memory_space<vmem_shared>>
        tpu.wait_indirect_dma semaphore(%run_scoped3A_440 : memref<!tpu.dma_semaphore, #tpu.memory_space<semaphore_mem>>) src(%dma_wait3A_454 : memref<125x128xf32, #tpu.memory_space<vmem>>) dst(%dma_wait3A_460 : memref<10000x128xf32, #tpu.memory_space<vmem_shared>>)
        tpu.yield
      }) : () -> ()
      %dma_wait3A_296 = arith.constant 10 : i32
      %dma_wait3A_297 = arith.constant 0 : i32
      %dma_wait3A_298 = arith.constant 0 : i32
      %dma_wait3A_299 = arith.constant 0 : i32
      %dma_wait3A_300 = tpu.memref_slice %arg9[%dma_wait3A_297, %dma_wait3A_298, %dma_wait3A_299] : memref<2x125x128xf32, #tpu.memory_space<vmem>> -> memref<1x125x128xf32, #tpu.memory_space<vmem>>
      %dma_wait3A_301 = tpu.memref_squeeze %dma_wait3A_300 : memref<1x125x128xf32, #tpu.memory_space<vmem>> -> memref<125x128xf32, #tpu.memory_space<vmem>>
      %dma_wait3A_302 = arith.constant 0 : i32
      %dma_wait3A_303 = tpu.memref_slice %arg7[%dma_wait3A_296, %dma_wait3A_302] : memref<16x125xi32, #tpu.memory_space<vmem>> -> memref<1x125xi32, #tpu.memory_space<vmem>>
      %dma_wait3A_304 = tpu.memref_squeeze %dma_wait3A_303 : memref<1x125xi32, #tpu.memory_space<vmem>> -> memref<125xi32, #tpu.memory_space<vmem>>
      %dma_wait3A_305 = arith.constant 0 : i32
      %dma_wait3A_306 = arith.constant 0 : i32
      %dma_wait3A_307 = tpu.memref_slice %arg2[%dma_wait3A_305, %dma_wait3A_306] : memref<10000x128xf32, #tpu.memory_space<hbm>> -> memref<10000x128xf32, #tpu.memory_space<hbm>>
      tpu.wait_indirect_dma semaphore(%arg11 : memref<!tpu.dma_semaphore, #tpu.memory_space<semaphore_mem>>) src(%dma_wait3A_307 : memref<10000x128xf32, #tpu.memory_space<hbm>>) dst(%dma_wait3A_301 : memref<125x128xf32, #tpu.memory_space<vmem>>)
      %dma_start3A_308 = arith.constant 11 : i32
      %dma_start3A_309 = arith.constant 1 : i32
      %dma_start3A_310 = arith.constant 0 : i32
      %dma_start3A_311 = arith.constant 0 : i32
      %dma_start3A_312 = tpu.memref_slice %arg9[%dma_start3A_309, %dma_start3A_310, %dma_start3A_311] : memref<2x125x128xf32, #tpu.memory_space<vmem>> -> memref<1x125x128xf32, #tpu.memory_space<vmem>>
      %dma_start3A_313 = tpu.memref_squeeze %dma_start3A_312 : memref<1x125x128xf32, #tpu.memory_space<vmem>> -> memref<125x128xf32, #tpu.memory_space<vmem>>
      %dma_start3A_314 = arith.constant 0 : i32
      %dma_start3A_315 = tpu.memref_slice %arg7[%dma_start3A_308, %dma_start3A_314] : memref<16x125xi32, #tpu.memory_space<vmem>> -> memref<1x125xi32, #tpu.memory_space<vmem>>
      %dma_start3A_316 = tpu.memref_squeeze %dma_start3A_315 : memref<1x125xi32, #tpu.memory_space<vmem>> -> memref<125xi32, #tpu.memory_space<vmem>>
      %dma_start3A_317 = arith.constant 0 : i32
      %dma_start3A_318 = arith.constant 0 : i32
      %dma_start3A_319 = tpu.memref_slice %arg2[%dma_start3A_317, %dma_start3A_318] : memref<10000x128xf32, #tpu.memory_space<hbm>> -> memref<10000x128xf32, #tpu.memory_space<hbm>>
      tpu.enqueue_indirect_dma source(%dma_start3A_319 : memref<10000x128xf32, #tpu.memory_space<hbm>>) target(%dma_start3A_313 : memref<125x128xf32, #tpu.memory_space<vmem>>) offsets(%dma_start3A_316 : memref<125xi32, #tpu.memory_space<vmem>>) semaphore(%arg11 : memref<!tpu.dma_semaphore, #tpu.memory_space<semaphore_mem>>)
      %run_scoped3A_320 = arith.constant 0 : i32
      %run_scoped3A_321 = arith.constant 10 : i32
      "tpu.region"() ({
        %run_scoped3A_440 = tpu.sem_alloc : memref<!tpu.dma_semaphore, #tpu.memory_space<semaphore_mem>>
        %dma_start3A_441 = arith.constant 0 : i32
        %dma_start3A_442 = arith.constant 0 : i32
        %dma_start3A_443 = tpu.memref_slice %arg9[%run_scoped3A_320, %dma_start3A_441, %dma_start3A_442] : memref<2x125x128xf32, #tpu.memory_space<vmem>> -> memref<1x125x128xf32, #tpu.memory_space<vmem>>
        %dma_start3A_444 = tpu.memref_squeeze %dma_start3A_443 : memref<1x125x128xf32, #tpu.memory_space<vmem>> -> memref<125x128xf32, #tpu.memory_space<vmem>>
        %dma_start3A_445 = arith.constant 0 : i32
        %dma_start3A_446 = tpu.memref_slice %arg8[%run_scoped3A_321, %dma_start3A_445] : memref<16x125xi32, #tpu.memory_space<vmem>> -> memref<1x125xi32, #tpu.memory_space<vmem>>
        %dma_start3A_447 = tpu.memref_squeeze %dma_start3A_446 : memref<1x125xi32, #tpu.memory_space<vmem>> -> memref<125xi32, #tpu.memory_space<vmem>>
        %dma_start3A_448 = arith.constant 0 : i32
        %dma_start3A_449 = arith.constant 0 : i32
        %dma_start3A_450 = tpu.memref_slice %arg10[%dma_start3A_448, %dma_start3A_449] : memref<10000x128xf32, #tpu.memory_space<vmem_shared>> -> memref<10000x128xf32, #tpu.memory_space<vmem_shared>>
        tpu.enqueue_indirect_dma source(%dma_start3A_444 : memref<125x128xf32, #tpu.memory_space<vmem>>) target(%dma_start3A_450 : memref<10000x128xf32, #tpu.memory_space<vmem_shared>>) offsets(%dma_start3A_447 : memref<125xi32, #tpu.memory_space<vmem>>) semaphore(%run_scoped3A_440 : memref<!tpu.dma_semaphore, #tpu.memory_space<semaphore_mem>>) {add = true}
        %dma_wait3A_451 = arith.constant 0 : i32
        %dma_wait3A_452 = arith.constant 0 : i32
        %dma_wait3A_453 = tpu.memref_slice %arg9[%run_scoped3A_320, %dma_wait3A_451, %dma_wait3A_452] : memref<2x125x128xf32, #tpu.memory_space<vmem>> -> memref<1x125x128xf32, #tpu.memory_space<vmem>>
        %dma_wait3A_454 = tpu.memref_squeeze %dma_wait3A_453 : memref<1x125x128xf32, #tpu.memory_space<vmem>> -> memref<125x128xf32, #tpu.memory_space<vmem>>
        %dma_wait3A_455 = arith.constant 0 : i32
        %dma_wait3A_456 = tpu.memref_slice %arg8[%run_scoped3A_321, %dma_wait3A_455] : memref<16x125xi32, #tpu.memory_space<vmem>> -> memref<1x125xi32, #tpu.memory_space<vmem>>
        %dma_wait3A_457 = tpu.memref_squeeze %dma_wait3A_456 : memref<1x125xi32, #tpu.memory_space<vmem>> -> memref<125xi32, #tpu.memory_space<vmem>>
        %dma_wait3A_458 = arith.constant 0 : i32
        %dma_wait3A_459 = arith.constant 0 : i32
        %dma_wait3A_460 = tpu.memref_slice %arg10[%dma_wait3A_458, %dma_wait3A_459] : memref<10000x128xf32, #tpu.memory_space<vmem_shared>> -> memref<10000x128xf32, #tpu.memory_space<vmem_shared>>
        tpu.wait_indirect_dma semaphore(%run_scoped3A_440 : memref<!tpu.dma_semaphore, #tpu.memory_space<semaphore_mem>>) src(%dma_wait3A_454 : memref<125x128xf32, #tpu.memory_space<vmem>>) dst(%dma_wait3A_460 : memref<10000x128xf32, #tpu.memory_space<vmem_shared>>)
        tpu.yield
      }) : () -> ()
      %dma_wait3A_322 = arith.constant 11 : i32
      %dma_wait3A_323 = arith.constant 1 : i32
      %dma_wait3A_324 = arith.constant 0 : i32
      %dma_wait3A_325 = arith.constant 0 : i32
      %dma_wait3A_326 = tpu.memref_slice %arg9[%dma_wait3A_323, %dma_wait3A_324, %dma_wait3A_325] : memref<2x125x128xf32, #tpu.memory_space<vmem>> -> memref<1x125x128xf32, #tpu.memory_space<vmem>>
      %dma_wait3A_327 = tpu.memref_squeeze %dma_wait3A_326 : memref<1x125x128xf32, #tpu.memory_space<vmem>> -> memref<125x128xf32, #tpu.memory_space<vmem>>
      %dma_wait3A_328 = arith.constant 0 : i32
      %dma_wait3A_329 = tpu.memref_slice %arg7[%dma_wait3A_322, %dma_wait3A_328] : memref<16x125xi32, #tpu.memory_space<vmem>> -> memref<1x125xi32, #tpu.memory_space<vmem>>
      %dma_wait3A_330 = tpu.memref_squeeze %dma_wait3A_329 : memref<1x125xi32, #tpu.memory_space<vmem>> -> memref<125xi32, #tpu.memory_space<vmem>>
      %dma_wait3A_331 = arith.constant 0 : i32
      %dma_wait3A_332 = arith.constant 0 : i32
      %dma_wait3A_333 = tpu.memref_slice %arg2[%dma_wait3A_331, %dma_wait3A_332] : memref<10000x128xf32, #tpu.memory_space<hbm>> -> memref<10000x128xf32, #tpu.memory_space<hbm>>
      tpu.wait_indirect_dma semaphore(%arg11 : memref<!tpu.dma_semaphore, #tpu.memory_space<semaphore_mem>>) src(%dma_wait3A_333 : memref<10000x128xf32, #tpu.memory_space<hbm>>) dst(%dma_wait3A_327 : memref<125x128xf32, #tpu.memory_space<vmem>>)
      %dma_start3A_334 = arith.constant 12 : i32
      %dma_start3A_335 = arith.constant 0 : i32
      %dma_start3A_336 = arith.constant 0 : i32
      %dma_start3A_337 = arith.constant 0 : i32
      %dma_start3A_338 = tpu.memref_slice %arg9[%dma_start3A_335, %dma_start3A_336, %dma_start3A_337] : memref<2x125x128xf32, #tpu.memory_space<vmem>> -> memref<1x125x128xf32, #tpu.memory_space<vmem>>
      %dma_start3A_339 = tpu.memref_squeeze %dma_start3A_338 : memref<1x125x128xf32, #tpu.memory_space<vmem>> -> memref<125x128xf32, #tpu.memory_space<vmem>>
      %dma_start3A_340 = arith.constant 0 : i32
      %dma_start3A_341 = tpu.memref_slice %arg7[%dma_start3A_334, %dma_start3A_340] : memref<16x125xi32, #tpu.memory_space<vmem>> -> memref<1x125xi32, #tpu.memory_space<vmem>>
      %dma_start3A_342 = tpu.memref_squeeze %dma_start3A_341 : memref<1x125xi32, #tpu.memory_space<vmem>> -> memref<125xi32, #tpu.memory_space<vmem>>
      %dma_start3A_343 = arith.constant 0 : i32
      %dma_start3A_344 = arith.constant 0 : i32
      %dma_start3A_345 = tpu.memref_slice %arg2[%dma_start3A_343, %dma_start3A_344] : memref<10000x128xf32, #tpu.memory_space<hbm>> -> memref<10000x128xf32, #tpu.memory_space<hbm>>
      tpu.enqueue_indirect_dma source(%dma_start3A_345 : memref<10000x128xf32, #tpu.memory_space<hbm>>) target(%dma_start3A_339 : memref<125x128xf32, #tpu.memory_space<vmem>>) offsets(%dma_start3A_342 : memref<125xi32, #tpu.memory_space<vmem>>) semaphore(%arg11 : memref<!tpu.dma_semaphore, #tpu.memory_space<semaphore_mem>>)
      %run_scoped3A_346 = arith.constant 1 : i32
      %run_scoped3A_347 = arith.constant 11 : i32
      "tpu.region"() ({
        %run_scoped3A_440 = tpu.sem_alloc : memref<!tpu.dma_semaphore, #tpu.memory_space<semaphore_mem>>
        %dma_start3A_441 = arith.constant 0 : i32
        %dma_start3A_442 = arith.constant 0 : i32
        %dma_start3A_443 = tpu.memref_slice %arg9[%run_scoped3A_346, %dma_start3A_441, %dma_start3A_442] : memref<2x125x128xf32, #tpu.memory_space<vmem>> -> memref<1x125x128xf32, #tpu.memory_space<vmem>>
        %dma_start3A_444 = tpu.memref_squeeze %dma_start3A_443 : memref<1x125x128xf32, #tpu.memory_space<vmem>> -> memref<125x128xf32, #tpu.memory_space<vmem>>
        %dma_start3A_445 = arith.constant 0 : i32
        %dma_start3A_446 = tpu.memref_slice %arg8[%run_scoped3A_347, %dma_start3A_445] : memref<16x125xi32, #tpu.memory_space<vmem>> -> memref<1x125xi32, #tpu.memory_space<vmem>>
        %dma_start3A_447 = tpu.memref_squeeze %dma_start3A_446 : memref<1x125xi32, #tpu.memory_space<vmem>> -> memref<125xi32, #tpu.memory_space<vmem>>
        %dma_start3A_448 = arith.constant 0 : i32
        %dma_start3A_449 = arith.constant 0 : i32
        %dma_start3A_450 = tpu.memref_slice %arg10[%dma_start3A_448, %dma_start3A_449] : memref<10000x128xf32, #tpu.memory_space<vmem_shared>> -> memref<10000x128xf32, #tpu.memory_space<vmem_shared>>
        tpu.enqueue_indirect_dma source(%dma_start3A_444 : memref<125x128xf32, #tpu.memory_space<vmem>>) target(%dma_start3A_450 : memref<10000x128xf32, #tpu.memory_space<vmem_shared>>) offsets(%dma_start3A_447 : memref<125xi32, #tpu.memory_space<vmem>>) semaphore(%run_scoped3A_440 : memref<!tpu.dma_semaphore, #tpu.memory_space<semaphore_mem>>) {add = true}
        %dma_wait3A_451 = arith.constant 0 : i32
        %dma_wait3A_452 = arith.constant 0 : i32
        %dma_wait3A_453 = tpu.memref_slice %arg9[%run_scoped3A_346, %dma_wait3A_451, %dma_wait3A_452] : memref<2x125x128xf32, #tpu.memory_space<vmem>> -> memref<1x125x128xf32, #tpu.memory_space<vmem>>
        %dma_wait3A_454 = tpu.memref_squeeze %dma_wait3A_453 : memref<1x125x128xf32, #tpu.memory_space<vmem>> -> memref<125x128xf32, #tpu.memory_space<vmem>>
        %dma_wait3A_455 = arith.constant 0 : i32
        %dma_wait3A_456 = tpu.memref_slice %arg8[%run_scoped3A_347, %dma_wait3A_455] : memref<16x125xi32, #tpu.memory_space<vmem>> -> memref<1x125xi32, #tpu.memory_space<vmem>>
        %dma_wait3A_457 = tpu.memref_squeeze %dma_wait3A_456 : memref<1x125xi32, #tpu.memory_space<vmem>> -> memref<125xi32, #tpu.memory_space<vmem>>
        %dma_wait3A_458 = arith.constant 0 : i32
        %dma_wait3A_459 = arith.constant 0 : i32
        %dma_wait3A_460 = tpu.memref_slice %arg10[%dma_wait3A_458, %dma_wait3A_459] : memref<10000x128xf32, #tpu.memory_space<vmem_shared>> -> memref<10000x128xf32, #tpu.memory_space<vmem_shared>>
        tpu.wait_indirect_dma semaphore(%run_scoped3A_440 : memref<!tpu.dma_semaphore, #tpu.memory_space<semaphore_mem>>) src(%dma_wait3A_454 : memref<125x128xf32, #tpu.memory_space<vmem>>) dst(%dma_wait3A_460 : memref<10000x128xf32, #tpu.memory_space<vmem_shared>>)
        tpu.yield
      }) : () -> ()
      %dma_wait3A_348 = arith.constant 12 : i32
      %dma_wait3A_349 = arith.constant 0 : i32
      %dma_wait3A_350 = arith.constant 0 : i32
      %dma_wait3A_351 = arith.constant 0 : i32
      %dma_wait3A_352 = tpu.memref_slice %arg9[%dma_wait3A_349, %dma_wait3A_350, %dma_wait3A_351] : memref<2x125x128xf32, #tpu.memory_space<vmem>> -> memref<1x125x128xf32, #tpu.memory_space<vmem>>
      %dma_wait3A_353 = tpu.memref_squeeze %dma_wait3A_352 : memref<1x125x128xf32, #tpu.memory_space<vmem>> -> memref<125x128xf32, #tpu.memory_space<vmem>>
      %dma_wait3A_354 = arith.constant 0 : i32
      %dma_wait3A_355 = tpu.memref_slice %arg7[%dma_wait3A_348, %dma_wait3A_354] : memref<16x125xi32, #tpu.memory_space<vmem>> -> memref<1x125xi32, #tpu.memory_space<vmem>>
      %dma_wait3A_356 = tpu.memref_squeeze %dma_wait3A_355 : memref<1x125xi32, #tpu.memory_space<vmem>> -> memref<125xi32, #tpu.memory_space<vmem>>
      %dma_wait3A_357 = arith.constant 0 : i32
      %dma_wait3A_358 = arith.constant 0 : i32
      %dma_wait3A_359 = tpu.memref_slice %arg2[%dma_wait3A_357, %dma_wait3A_358] : memref<10000x128xf32, #tpu.memory_space<hbm>> -> memref<10000x128xf32, #tpu.memory_space<hbm>>
      tpu.wait_indirect_dma semaphore(%arg11 : memref<!tpu.dma_semaphore, #tpu.memory_space<semaphore_mem>>) src(%dma_wait3A_359 : memref<10000x128xf32, #tpu.memory_space<hbm>>) dst(%dma_wait3A_353 : memref<125x128xf32, #tpu.memory_space<vmem>>)
      %dma_start3A_360 = arith.constant 13 : i32
      %dma_start3A_361 = arith.constant 1 : i32
      %dma_start3A_362 = arith.constant 0 : i32
      %dma_start3A_363 = arith.constant 0 : i32
      %dma_start3A_364 = tpu.memref_slice %arg9[%dma_start3A_361, %dma_start3A_362, %dma_start3A_363] : memref<2x125x128xf32, #tpu.memory_space<vmem>> -> memref<1x125x128xf32, #tpu.memory_space<vmem>>
      %dma_start3A_365 = tpu.memref_squeeze %dma_start3A_364 : memref<1x125x128xf32, #tpu.memory_space<vmem>> -> memref<125x128xf32, #tpu.memory_space<vmem>>
      %dma_start3A_366 = arith.constant 0 : i32
      %dma_start3A_367 = tpu.memref_slice %arg7[%dma_start3A_360, %dma_start3A_366] : memref<16x125xi32, #tpu.memory_space<vmem>> -> memref<1x125xi32, #tpu.memory_space<vmem>>
      %dma_start3A_368 = tpu.memref_squeeze %dma_start3A_367 : memref<1x125xi32, #tpu.memory_space<vmem>> -> memref<125xi32, #tpu.memory_space<vmem>>
      %dma_start3A_369 = arith.constant 0 : i32
      %dma_start3A_370 = arith.constant 0 : i32
      %dma_start3A_371 = tpu.memref_slice %arg2[%dma_start3A_369, %dma_start3A_370] : memref<10000x128xf32, #tpu.memory_space<hbm>> -> memref<10000x128xf32, #tpu.memory_space<hbm>>
      tpu.enqueue_indirect_dma source(%dma_start3A_371 : memref<10000x128xf32, #tpu.memory_space<hbm>>) target(%dma_start3A_365 : memref<125x128xf32, #tpu.memory_space<vmem>>) offsets(%dma_start3A_368 : memref<125xi32, #tpu.memory_space<vmem>>) semaphore(%arg11 : memref<!tpu.dma_semaphore, #tpu.memory_space<semaphore_mem>>)
      %run_scoped3A_372 = arith.constant 0 : i32
      %run_scoped3A_373 = arith.constant 12 : i32
      "tpu.region"() ({
        %run_scoped3A_440 = tpu.sem_alloc : memref<!tpu.dma_semaphore, #tpu.memory_space<semaphore_mem>>
        %dma_start3A_441 = arith.constant 0 : i32
        %dma_start3A_442 = arith.constant 0 : i32
        %dma_start3A_443 = tpu.memref_slice %arg9[%run_scoped3A_372, %dma_start3A_441, %dma_start3A_442] : memref<2x125x128xf32, #tpu.memory_space<vmem>> -> memref<1x125x128xf32, #tpu.memory_space<vmem>>
        %dma_start3A_444 = tpu.memref_squeeze %dma_start3A_443 : memref<1x125x128xf32, #tpu.memory_space<vmem>> -> memref<125x128xf32, #tpu.memory_space<vmem>>
        %dma_start3A_445 = arith.constant 0 : i32
        %dma_start3A_446 = tpu.memref_slice %arg8[%run_scoped3A_373, %dma_start3A_445] : memref<16x125xi32, #tpu.memory_space<vmem>> -> memref<1x125xi32, #tpu.memory_space<vmem>>
        %dma_start3A_447 = tpu.memref_squeeze %dma_start3A_446 : memref<1x125xi32, #tpu.memory_space<vmem>> -> memref<125xi32, #tpu.memory_space<vmem>>
        %dma_start3A_448 = arith.constant 0 : i32
        %dma_start3A_449 = arith.constant 0 : i32
        %dma_start3A_450 = tpu.memref_slice %arg10[%dma_start3A_448, %dma_start3A_449] : memref<10000x128xf32, #tpu.memory_space<vmem_shared>> -> memref<10000x128xf32, #tpu.memory_space<vmem_shared>>
        tpu.enqueue_indirect_dma source(%dma_start3A_444 : memref<125x128xf32, #tpu.memory_space<vmem>>) target(%dma_start3A_450 : memref<10000x128xf32, #tpu.memory_space<vmem_shared>>) offsets(%dma_start3A_447 : memref<125xi32, #tpu.memory_space<vmem>>) semaphore(%run_scoped3A_440 : memref<!tpu.dma_semaphore, #tpu.memory_space<semaphore_mem>>) {add = true}
        %dma_wait3A_451 = arith.constant 0 : i32
        %dma_wait3A_452 = arith.constant 0 : i32
        %dma_wait3A_453 = tpu.memref_slice %arg9[%run_scoped3A_372, %dma_wait3A_451, %dma_wait3A_452] : memref<2x125x128xf32, #tpu.memory_space<vmem>> -> memref<1x125x128xf32, #tpu.memory_space<vmem>>
        %dma_wait3A_454 = tpu.memref_squeeze %dma_wait3A_453 : memref<1x125x128xf32, #tpu.memory_space<vmem>> -> memref<125x128xf32, #tpu.memory_space<vmem>>
        %dma_wait3A_455 = arith.constant 0 : i32
        %dma_wait3A_456 = tpu.memref_slice %arg8[%run_scoped3A_373, %dma_wait3A_455] : memref<16x125xi32, #tpu.memory_space<vmem>> -> memref<1x125xi32, #tpu.memory_space<vmem>>
        %dma_wait3A_457 = tpu.memref_squeeze %dma_wait3A_456 : memref<1x125xi32, #tpu.memory_space<vmem>> -> memref<125xi32, #tpu.memory_space<vmem>>
        %dma_wait3A_458 = arith.constant 0 : i32
        %dma_wait3A_459 = arith.constant 0 : i32
        %dma_wait3A_460 = tpu.memref_slice %arg10[%dma_wait3A_458, %dma_wait3A_459] : memref<10000x128xf32, #tpu.memory_space<vmem_shared>> -> memref<10000x128xf32, #tpu.memory_space<vmem_shared>>
        tpu.wait_indirect_dma semaphore(%run_scoped3A_440 : memref<!tpu.dma_semaphore, #tpu.memory_space<semaphore_mem>>) src(%dma_wait3A_454 : memref<125x128xf32, #tpu.memory_space<vmem>>) dst(%dma_wait3A_460 : memref<10000x128xf32, #tpu.memory_space<vmem_shared>>)
        tpu.yield
      }) : () -> ()
      %dma_wait3A_374 = arith.constant 13 : i32
      %dma_wait3A_375 = arith.constant 1 : i32
      %dma_wait3A_376 = arith.constant 0 : i32
      %dma_wait3A_377 = arith.constant 0 : i32
      %dma_wait3A_378 = tpu.memref_slice %arg9[%dma_wait3A_375, %dma_wait3A_376, %dma_wait3A_377] : memref<2x125x128xf32, #tpu.memory_space<vmem>> -> memref<1x125x128xf32, #tpu.memory_space<vmem>>
      %dma_wait3A_379 = tpu.memref_squeeze %dma_wait3A_378 : memref<1x125x128xf32, #tpu.memory_space<vmem>> -> memref<125x128xf32, #tpu.memory_space<vmem>>
      %dma_wait3A_380 = arith.constant 0 : i32
      %dma_wait3A_381 = tpu.memref_slice %arg7[%dma_wait3A_374, %dma_wait3A_380] : memref<16x125xi32, #tpu.memory_space<vmem>> -> memref<1x125xi32, #tpu.memory_space<vmem>>
      %dma_wait3A_382 = tpu.memref_squeeze %dma_wait3A_381 : memref<1x125xi32, #tpu.memory_space<vmem>> -> memref<125xi32, #tpu.memory_space<vmem>>
      %dma_wait3A_383 = arith.constant 0 : i32
      %dma_wait3A_384 = arith.constant 0 : i32
      %dma_wait3A_385 = tpu.memref_slice %arg2[%dma_wait3A_383, %dma_wait3A_384] : memref<10000x128xf32, #tpu.memory_space<hbm>> -> memref<10000x128xf32, #tpu.memory_space<hbm>>
      tpu.wait_indirect_dma semaphore(%arg11 : memref<!tpu.dma_semaphore, #tpu.memory_space<semaphore_mem>>) src(%dma_wait3A_385 : memref<10000x128xf32, #tpu.memory_space<hbm>>) dst(%dma_wait3A_379 : memref<125x128xf32, #tpu.memory_space<vmem>>)
      %dma_start3A_386 = arith.constant 14 : i32
      %dma_start3A_387 = arith.constant 0 : i32
      %dma_start3A_388 = arith.constant 0 : i32
      %dma_start3A_389 = arith.constant 0 : i32
      %dma_start3A_390 = tpu.memref_slice %arg9[%dma_start3A_387, %dma_start3A_388, %dma_start3A_389] : memref<2x125x128xf32, #tpu.memory_space<vmem>> -> memref<1x125x128xf32, #tpu.memory_space<vmem>>
      %dma_start3A_391 = tpu.memref_squeeze %dma_start3A_390 : memref<1x125x128xf32, #tpu.memory_space<vmem>> -> memref<125x128xf32, #tpu.memory_space<vmem>>
      %dma_start3A_392 = arith.constant 0 : i32
      %dma_start3A_393 = tpu.memref_slice %arg7[%dma_start3A_386, %dma_start3A_392] : memref<16x125xi32, #tpu.memory_space<vmem>> -> memref<1x125xi32, #tpu.memory_space<vmem>>
      %dma_start3A_394 = tpu.memref_squeeze %dma_start3A_393 : memref<1x125xi32, #tpu.memory_space<vmem>> -> memref<125xi32, #tpu.memory_space<vmem>>
      %dma_start3A_395 = arith.constant 0 : i32
      %dma_start3A_396 = arith.constant 0 : i32
      %dma_start3A_397 = tpu.memref_slice %arg2[%dma_start3A_395, %dma_start3A_396] : memref<10000x128xf32, #tpu.memory_space<hbm>> -> memref<10000x128xf32, #tpu.memory_space<hbm>>
      tpu.enqueue_indirect_dma source(%dma_start3A_397 : memref<10000x128xf32, #tpu.memory_space<hbm>>) target(%dma_start3A_391 : memref<125x128xf32, #tpu.memory_space<vmem>>) offsets(%dma_start3A_394 : memref<125xi32, #tpu.memory_space<vmem>>) semaphore(%arg11 : memref<!tpu.dma_semaphore, #tpu.memory_space<semaphore_mem>>)
      %run_scoped3A_398 = arith.constant 1 : i32
      %run_scoped3A_399 = arith.constant 13 : i32
      "tpu.region"() ({
        %run_scoped3A_440 = tpu.sem_alloc : memref<!tpu.dma_semaphore, #tpu.memory_space<semaphore_mem>>
        %dma_start3A_441 = arith.constant 0 : i32
        %dma_start3A_442 = arith.constant 0 : i32
        %dma_start3A_443 = tpu.memref_slice %arg9[%run_scoped3A_398, %dma_start3A_441, %dma_start3A_442] : memref<2x125x128xf32, #tpu.memory_space<vmem>> -> memref<1x125x128xf32, #tpu.memory_space<vmem>>
        %dma_start3A_444 = tpu.memref_squeeze %dma_start3A_443 : memref<1x125x128xf32, #tpu.memory_space<vmem>> -> memref<125x128xf32, #tpu.memory_space<vmem>>
        %dma_start3A_445 = arith.constant 0 : i32
        %dma_start3A_446 = tpu.memref_slice %arg8[%run_scoped3A_399, %dma_start3A_445] : memref<16x125xi32, #tpu.memory_space<vmem>> -> memref<1x125xi32, #tpu.memory_space<vmem>>
        %dma_start3A_447 = tpu.memref_squeeze %dma_start3A_446 : memref<1x125xi32, #tpu.memory_space<vmem>> -> memref<125xi32, #tpu.memory_space<vmem>>
        %dma_start3A_448 = arith.constant 0 : i32
        %dma_start3A_449 = arith.constant 0 : i32
        %dma_start3A_450 = tpu.memref_slice %arg10[%dma_start3A_448, %dma_start3A_449] : memref<10000x128xf32, #tpu.memory_space<vmem_shared>> -> memref<10000x128xf32, #tpu.memory_space<vmem_shared>>
        tpu.enqueue_indirect_dma source(%dma_start3A_444 : memref<125x128xf32, #tpu.memory_space<vmem>>) target(%dma_start3A_450 : memref<10000x128xf32, #tpu.memory_space<vmem_shared>>) offsets(%dma_start3A_447 : memref<125xi32, #tpu.memory_space<vmem>>) semaphore(%run_scoped3A_440 : memref<!tpu.dma_semaphore, #tpu.memory_space<semaphore_mem>>) {add = true}
        %dma_wait3A_451 = arith.constant 0 : i32
        %dma_wait3A_452 = arith.constant 0 : i32
        %dma_wait3A_453 = tpu.memref_slice %arg9[%run_scoped3A_398, %dma_wait3A_451, %dma_wait3A_452] : memref<2x125x128xf32, #tpu.memory_space<vmem>> -> memref<1x125x128xf32, #tpu.memory_space<vmem>>
        %dma_wait3A_454 = tpu.memref_squeeze %dma_wait3A_453 : memref<1x125x128xf32, #tpu.memory_space<vmem>> -> memref<125x128xf32, #tpu.memory_space<vmem>>
        %dma_wait3A_455 = arith.constant 0 : i32
        %dma_wait3A_456 = tpu.memref_slice %arg8[%run_scoped3A_399, %dma_wait3A_455] : memref<16x125xi32, #tpu.memory_space<vmem>> -> memref<1x125xi32, #tpu.memory_space<vmem>>
        %dma_wait3A_457 = tpu.memref_squeeze %dma_wait3A_456 : memref<1x125xi32, #tpu.memory_space<vmem>> -> memref<125xi32, #tpu.memory_space<vmem>>
        %dma_wait3A_458 = arith.constant 0 : i32
        %dma_wait3A_459 = arith.constant 0 : i32
        %dma_wait3A_460 = tpu.memref_slice %arg10[%dma_wait3A_458, %dma_wait3A_459] : memref<10000x128xf32, #tpu.memory_space<vmem_shared>> -> memref<10000x128xf32, #tpu.memory_space<vmem_shared>>
        tpu.wait_indirect_dma semaphore(%run_scoped3A_440 : memref<!tpu.dma_semaphore, #tpu.memory_space<semaphore_mem>>) src(%dma_wait3A_454 : memref<125x128xf32, #tpu.memory_space<vmem>>) dst(%dma_wait3A_460 : memref<10000x128xf32, #tpu.memory_space<vmem_shared>>)
        tpu.yield
      }) : () -> ()
      %dma_wait3A_400 = arith.constant 14 : i32
      %dma_wait3A_401 = arith.constant 0 : i32
      %dma_wait3A_402 = arith.constant 0 : i32
      %dma_wait3A_403 = arith.constant 0 : i32
      %dma_wait3A_404 = tpu.memref_slice %arg9[%dma_wait3A_401, %dma_wait3A_402, %dma_wait3A_403] : memref<2x125x128xf32, #tpu.memory_space<vmem>> -> memref<1x125x128xf32, #tpu.memory_space<vmem>>
      %dma_wait3A_405 = tpu.memref_squeeze %dma_wait3A_404 : memref<1x125x128xf32, #tpu.memory_space<vmem>> -> memref<125x128xf32, #tpu.memory_space<vmem>>
      %dma_wait3A_406 = arith.constant 0 : i32
      %dma_wait3A_407 = tpu.memref_slice %arg7[%dma_wait3A_400, %dma_wait3A_406] : memref<16x125xi32, #tpu.memory_space<vmem>> -> memref<1x125xi32, #tpu.memory_space<vmem>>
      %dma_wait3A_408 = tpu.memref_squeeze %dma_wait3A_407 : memref<1x125xi32, #tpu.memory_space<vmem>> -> memref<125xi32, #tpu.memory_space<vmem>>
      %dma_wait3A_409 = arith.constant 0 : i32
      %dma_wait3A_410 = arith.constant 0 : i32
      %dma_wait3A_411 = tpu.memref_slice %arg2[%dma_wait3A_409, %dma_wait3A_410] : memref<10000x128xf32, #tpu.memory_space<hbm>> -> memref<10000x128xf32, #tpu.memory_space<hbm>>
      tpu.wait_indirect_dma semaphore(%arg11 : memref<!tpu.dma_semaphore, #tpu.memory_space<semaphore_mem>>) src(%dma_wait3A_411 : memref<10000x128xf32, #tpu.memory_space<hbm>>) dst(%dma_wait3A_405 : memref<125x128xf32, #tpu.memory_space<vmem>>)
      %dma_start3A_412 = arith.constant 15 : i32
      %dma_start3A_413 = arith.constant 1 : i32
      %dma_start3A_414 = arith.constant 0 : i32
      %dma_start3A_415 = arith.constant 0 : i32
      %dma_start3A_416 = tpu.memref_slice %arg9[%dma_start3A_413, %dma_start3A_414, %dma_start3A_415] : memref<2x125x128xf32, #tpu.memory_space<vmem>> -> memref<1x125x128xf32, #tpu.memory_space<vmem>>
      %dma_start3A_417 = tpu.memref_squeeze %dma_start3A_416 : memref<1x125x128xf32, #tpu.memory_space<vmem>> -> memref<125x128xf32, #tpu.memory_space<vmem>>
      %dma_start3A_418 = arith.constant 0 : i32
      %dma_start3A_419 = tpu.memref_slice %arg7[%dma_start3A_412, %dma_start3A_418] : memref<16x125xi32, #tpu.memory_space<vmem>> -> memref<1x125xi32, #tpu.memory_space<vmem>>
      %dma_start3A_420 = tpu.memref_squeeze %dma_start3A_419 : memref<1x125xi32, #tpu.memory_space<vmem>> -> memref<125xi32, #tpu.memory_space<vmem>>
      %dma_start3A_421 = arith.constant 0 : i32
      %dma_start3A_422 = arith.constant 0 : i32
      %dma_start3A_423 = tpu.memref_slice %arg2[%dma_start3A_421, %dma_start3A_422] : memref<10000x128xf32, #tpu.memory_space<hbm>> -> memref<10000x128xf32, #tpu.memory_space<hbm>>
      tpu.enqueue_indirect_dma source(%dma_start3A_423 : memref<10000x128xf32, #tpu.memory_space<hbm>>) target(%dma_start3A_417 : memref<125x128xf32, #tpu.memory_space<vmem>>) offsets(%dma_start3A_420 : memref<125xi32, #tpu.memory_space<vmem>>) semaphore(%arg11 : memref<!tpu.dma_semaphore, #tpu.memory_space<semaphore_mem>>)
      %run_scoped3A_424 = arith.constant 0 : i32
      %run_scoped3A_425 = arith.constant 14 : i32
      "tpu.region"() ({
        %run_scoped3A_440 = tpu.sem_alloc : memref<!tpu.dma_semaphore, #tpu.memory_space<semaphore_mem>>
        %dma_start3A_441 = arith.constant 0 : i32
        %dma_start3A_442 = arith.constant 0 : i32
        %dma_start3A_443 = tpu.memref_slice %arg9[%run_scoped3A_424, %dma_start3A_441, %dma_start3A_442] : memref<2x125x128xf32, #tpu.memory_space<vmem>> -> memref<1x125x128xf32, #tpu.memory_space<vmem>>
        %dma_start3A_444 = tpu.memref_squeeze %dma_start3A_443 : memref<1x125x128xf32, #tpu.memory_space<vmem>> -> memref<125x128xf32, #tpu.memory_space<vmem>>
        %dma_start3A_445 = arith.constant 0 : i32
        %dma_start3A_446 = tpu.memref_slice %arg8[%run_scoped3A_425, %dma_start3A_445] : memref<16x125xi32, #tpu.memory_space<vmem>> -> memref<1x125xi32, #tpu.memory_space<vmem>>
        %dma_start3A_447 = tpu.memref_squeeze %dma_start3A_446 : memref<1x125xi32, #tpu.memory_space<vmem>> -> memref<125xi32, #tpu.memory_space<vmem>>
        %dma_start3A_448 = arith.constant 0 : i32
        %dma_start3A_449 = arith.constant 0 : i32
        %dma_start3A_450 = tpu.memref_slice %arg10[%dma_start3A_448, %dma_start3A_449] : memref<10000x128xf32, #tpu.memory_space<vmem_shared>> -> memref<10000x128xf32, #tpu.memory_space<vmem_shared>>
        tpu.enqueue_indirect_dma source(%dma_start3A_444 : memref<125x128xf32, #tpu.memory_space<vmem>>) target(%dma_start3A_450 : memref<10000x128xf32, #tpu.memory_space<vmem_shared>>) offsets(%dma_start3A_447 : memref<125xi32, #tpu.memory_space<vmem>>) semaphore(%run_scoped3A_440 : memref<!tpu.dma_semaphore, #tpu.memory_space<semaphore_mem>>) {add = true}
        %dma_wait3A_451 = arith.constant 0 : i32
        %dma_wait3A_452 = arith.constant 0 : i32
        %dma_wait3A_453 = tpu.memref_slice %arg9[%run_scoped3A_424, %dma_wait3A_451, %dma_wait3A_452] : memref<2x125x128xf32, #tpu.memory_space<vmem>> -> memref<1x125x128xf32, #tpu.memory_space<vmem>>
        %dma_wait3A_454 = tpu.memref_squeeze %dma_wait3A_453 : memref<1x125x128xf32, #tpu.memory_space<vmem>> -> memref<125x128xf32, #tpu.memory_space<vmem>>
        %dma_wait3A_455 = arith.constant 0 : i32
        %dma_wait3A_456 = tpu.memref_slice %arg8[%run_scoped3A_425, %dma_wait3A_455] : memref<16x125xi32, #tpu.memory_space<vmem>> -> memref<1x125xi32, #tpu.memory_space<vmem>>
        %dma_wait3A_457 = tpu.memref_squeeze %dma_wait3A_456 : memref<1x125xi32, #tpu.memory_space<vmem>> -> memref<125xi32, #tpu.memory_space<vmem>>
        %dma_wait3A_458 = arith.constant 0 : i32
        %dma_wait3A_459 = arith.constant 0 : i32
        %dma_wait3A_460 = tpu.memref_slice %arg10[%dma_wait3A_458, %dma_wait3A_459] : memref<10000x128xf32, #tpu.memory_space<vmem_shared>> -> memref<10000x128xf32, #tpu.memory_space<vmem_shared>>
        tpu.wait_indirect_dma semaphore(%run_scoped3A_440 : memref<!tpu.dma_semaphore, #tpu.memory_space<semaphore_mem>>) src(%dma_wait3A_454 : memref<125x128xf32, #tpu.memory_space<vmem>>) dst(%dma_wait3A_460 : memref<10000x128xf32, #tpu.memory_space<vmem_shared>>)
        tpu.yield
      }) : () -> ()
      %dma_wait3A_426 = arith.constant 15 : i32
      %dma_wait3A_427 = arith.constant 1 : i32
      %dma_wait3A_428 = arith.constant 0 : i32
      %dma_wait3A_429 = arith.constant 0 : i32
      %dma_wait3A_430 = tpu.memref_slice %arg9[%dma_wait3A_427, %dma_wait3A_428, %dma_wait3A_429] : memref<2x125x128xf32, #tpu.memory_space<vmem>> -> memref<1x125x128xf32, #tpu.memory_space<vmem>>
      %dma_wait3A_431 = tpu.memref_squeeze %dma_wait3A_430 : memref<1x125x128xf32, #tpu.memory_space<vmem>> -> memref<125x128xf32, #tpu.memory_space<vmem>>
      %dma_wait3A_432 = arith.constant 0 : i32
      %dma_wait3A_433 = tpu.memref_slice %arg7[%dma_wait3A_426, %dma_wait3A_432] : memref<16x125xi32, #tpu.memory_space<vmem>> -> memref<1x125xi32, #tpu.memory_space<vmem>>
      %dma_wait3A_434 = tpu.memref_squeeze %dma_wait3A_433 : memref<1x125xi32, #tpu.memory_space<vmem>> -> memref<125xi32, #tpu.memory_space<vmem>>
      %dma_wait3A_435 = arith.constant 0 : i32
      %dma_wait3A_436 = arith.constant 0 : i32
      %dma_wait3A_437 = tpu.memref_slice %arg2[%dma_wait3A_435, %dma_wait3A_436] : memref<10000x128xf32, #tpu.memory_space<hbm>> -> memref<10000x128xf32, #tpu.memory_space<hbm>>
      tpu.wait_indirect_dma semaphore(%arg11 : memref<!tpu.dma_semaphore, #tpu.memory_space<semaphore_mem>>) src(%dma_wait3A_437 : memref<10000x128xf32, #tpu.memory_space<hbm>>) dst(%dma_wait3A_431 : memref<125x128xf32, #tpu.memory_space<vmem>>)
      %run_scoped3A_438 = arith.constant 1 : i32
      %run_scoped3A_439 = arith.constant 15 : i32
      "tpu.region"() ({
        %run_scoped3A_440 = tpu.sem_alloc : memref<!tpu.dma_semaphore, #tpu.memory_space<semaphore_mem>>
        %dma_start3A_441 = arith.constant 0 : i32
        %dma_start3A_442 = arith.constant 0 : i32
        %dma_start3A_443 = tpu.memref_slice %arg9[%run_scoped3A_438, %dma_start3A_441, %dma_start3A_442] : memref<2x125x128xf32, #tpu.memory_space<vmem>> -> memref<1x125x128xf32, #tpu.memory_space<vmem>>
        %dma_start3A_444 = tpu.memref_squeeze %dma_start3A_443 : memref<1x125x128xf32, #tpu.memory_space<vmem>> -> memref<125x128xf32, #tpu.memory_space<vmem>>
        %dma_start3A_445 = arith.constant 0 : i32
        %dma_start3A_446 = tpu.memref_slice %arg8[%run_scoped3A_439, %dma_start3A_445] : memref<16x125xi32, #tpu.memory_space<vmem>> -> memref<1x125xi32, #tpu.memory_space<vmem>>
        %dma_start3A_447 = tpu.memref_squeeze %dma_start3A_446 : memref<1x125xi32, #tpu.memory_space<vmem>> -> memref<125xi32, #tpu.memory_space<vmem>>
        %dma_start3A_448 = arith.constant 0 : i32
        %dma_start3A_449 = arith.constant 0 : i32
        %dma_start3A_450 = tpu.memref_slice %arg10[%dma_start3A_448, %dma_start3A_449] : memref<10000x128xf32, #tpu.memory_space<vmem_shared>> -> memref<10000x128xf32, #tpu.memory_space<vmem_shared>>
        tpu.enqueue_indirect_dma source(%dma_start3A_444 : memref<125x128xf32, #tpu.memory_space<vmem>>) target(%dma_start3A_450 : memref<10000x128xf32, #tpu.memory_space<vmem_shared>>) offsets(%dma_start3A_447 : memref<125xi32, #tpu.memory_space<vmem>>) semaphore(%run_scoped3A_440 : memref<!tpu.dma_semaphore, #tpu.memory_space<semaphore_mem>>) {add = true}
        %dma_wait3A_451 = arith.constant 0 : i32
        %dma_wait3A_452 = arith.constant 0 : i32
        %dma_wait3A_453 = tpu.memref_slice %arg9[%run_scoped3A_438, %dma_wait3A_451, %dma_wait3A_452] : memref<2x125x128xf32, #tpu.memory_space<vmem>> -> memref<1x125x128xf32, #tpu.memory_space<vmem>>
        %dma_wait3A_454 = tpu.memref_squeeze %dma_wait3A_453 : memref<1x125x128xf32, #tpu.memory_space<vmem>> -> memref<125x128xf32, #tpu.memory_space<vmem>>
        %dma_wait3A_455 = arith.constant 0 : i32
        %dma_wait3A_456 = tpu.memref_slice %arg8[%run_scoped3A_439, %dma_wait3A_455] : memref<16x125xi32, #tpu.memory_space<vmem>> -> memref<1x125xi32, #tpu.memory_space<vmem>>
        %dma_wait3A_457 = tpu.memref_squeeze %dma_wait3A_456 : memref<1x125xi32, #tpu.memory_space<vmem>> -> memref<125xi32, #tpu.memory_space<vmem>>
        %dma_wait3A_458 = arith.constant 0 : i32
        %dma_wait3A_459 = arith.constant 0 : i32
        %dma_wait3A_460 = tpu.memref_slice %arg10[%dma_wait3A_458, %dma_wait3A_459] : memref<10000x128xf32, #tpu.memory_space<vmem_shared>> -> memref<10000x128xf32, #tpu.memory_space<vmem_shared>>
        tpu.wait_indirect_dma semaphore(%run_scoped3A_440 : memref<!tpu.dma_semaphore, #tpu.memory_space<semaphore_mem>>) src(%dma_wait3A_454 : memref<125x128xf32, #tpu.memory_space<vmem>>) dst(%dma_wait3A_460 : memref<10000x128xf32, #tpu.memory_space<vmem_shared>>)
        tpu.yield
      }) : () -> ()
    }
    %scan3A_21 = arith.constant 5 : i32
    %barrier3A_22 = arith.constant 0 : index
    tpu.barrier barrier_id(%barrier3A_22)
    %lt3A_23 = arith.constant 15 : i32
    %lt3A_24 = arith.cmpi slt, %arg1, %lt3A_23 : i32
    %convert_element_type3A_25 = arith.extui %lt3A_24 : i1 to i32
    %cond3A_26 = arith.constant 0 : i32
    %cond3A_27 = arith.cmpi ne, %convert_element_type3A_25, %cond3A_26 : i32
    scf.if %cond3A_27 {
      %mul3A = arith.constant 632 : i32
      %mul3A_33 = arith.muli %arg1, %mul3A : i32
      %mul3A_34 = arith.constant 632 : i32
      %mul3A_35 = arith.muli %arg1, %mul3A_34 : i32
      "tpu.region"() ({
        %run_scoped3A = tpu.sem_alloc : memref<!tpu.dma_semaphore, #tpu.memory_space<semaphore_mem>>
        %dma_start3A_36 = arith.constant 0 : i32
        %dma_start3A_37 = tpu.memref_slice %arg6[%arg0, %mul3A_35, %dma_start3A_36] : memref<2x10000x128xf32, #tpu.memory_space<hbm>> -> memref<1x632x128xf32, #tpu.memory_space<hbm>>
        %dma_start3A_38 = tpu.memref_squeeze %dma_start3A_37 : memref<1x632x128xf32, #tpu.memory_space<hbm>> -> memref<632x128xf32, #tpu.memory_space<hbm>>
        %dma_start3A_39 = arith.constant 0 : i32
        %dma_start3A_40 = tpu.memref_slice %arg10[%mul3A_33, %dma_start3A_39] : memref<10000x128xf32, #tpu.memory_space<vmem_shared>> -> memref<632x128xf32, #tpu.memory_space<vmem_shared>>
        tpu.enqueue_dma source(%dma_start3A_40 : memref<632x128xf32, #tpu.memory_space<vmem_shared>>) target(%dma_start3A_38 : memref<632x128xf32, #tpu.memory_space<hbm>>) target_semaphore(%run_scoped3A : memref<!tpu.dma_semaphore, #tpu.memory_space<semaphore_mem>>)
        %dma_wait3A = arith.constant 0 : i32
        %dma_wait3A_41 = tpu.memref_slice %arg6[%arg0, %mul3A_35, %dma_wait3A] : memref<2x10000x128xf32, #tpu.memory_space<hbm>> -> memref<1x632x128xf32, #tpu.memory_space<hbm>>
        %dma_wait3A_42 = tpu.memref_squeeze %dma_wait3A_41 : memref<1x632x128xf32, #tpu.memory_space<hbm>> -> memref<632x128xf32, #tpu.memory_space<hbm>>
        %dma_wait3A_43 = arith.constant 0 : i32
        %dma_wait3A_44 = tpu.memref_slice %arg10[%mul3A_33, %dma_wait3A_43] : memref<10000x128xf32, #tpu.memory_space<vmem_shared>> -> memref<632x128xf32, #tpu.memory_space<vmem_shared>>
        tpu.wait_dma2 semaphore(%run_scoped3A : memref<!tpu.dma_semaphore, #tpu.memory_space<semaphore_mem>>) src(%dma_wait3A_44 : memref<632x128xf32, #tpu.memory_space<vmem_shared>>) dst(%dma_wait3A_42 : memref<632x128xf32, #tpu.memory_space<hbm>>)
        tpu.yield
      }) : () -> ()
    } else {
    }
    %eq3A_28 = arith.constant 15 : i32
    %eq3A_29 = arith.cmpi eq, %arg1, %eq3A_28 : i32
    %convert_element_type3A_30 = arith.extui %eq3A_29 : i1 to i32
    %cond3A_31 = arith.constant 0 : i32
    %cond3A_32 = arith.cmpi ne, %convert_element_type3A_30, %cond3A_31 : i32
    scf.if %cond3A_32 {
      "tpu.region"() ({
        %run_scoped3A = tpu.sem_alloc : memref<!tpu.dma_semaphore, #tpu.memory_space<semaphore_mem>>
        %dma_start3A_33 = arith.constant 9480 : i32
        %dma_start3A_34 = arith.constant 0 : i32
        %dma_start3A_35 = tpu.memref_slice %arg6[%arg0, %dma_start3A_33, %dma_start3A_34] : memref<2x10000x128xf32, #tpu.memory_space<hbm>> -> memref<1x520x128xf32, #tpu.memory_space<hbm>>
        %dma_start3A_36 = tpu.memref_squeeze %dma_start3A_35 : memref<1x520x128xf32, #tpu.memory_space<hbm>> -> memref<520x128xf32, #tpu.memory_space<hbm>>
        %dma_start3A_37 = arith.constant 9480 : i32
        %dma_start3A_38 = arith.constant 0 : i32
        %dma_start3A_39 = tpu.memref_slice %arg10[%dma_start3A_37, %dma_start3A_38] : memref<10000x128xf32, #tpu.memory_space<vmem_shared>> -> memref<520x128xf32, #tpu.memory_space<vmem_shared>>
        tpu.enqueue_dma source(%dma_start3A_39 : memref<520x128xf32, #tpu.memory_space<vmem_shared>>) target(%dma_start3A_36 : memref<520x128xf32, #tpu.memory_space<hbm>>) target_semaphore(%run_scoped3A : memref<!tpu.dma_semaphore, #tpu.memory_space<semaphore_mem>>)
        %dma_wait3A = arith.constant 9480 : i32
        %dma_wait3A_40 = arith.constant 0 : i32
        %dma_wait3A_41 = tpu.memref_slice %arg6[%arg0, %dma_wait3A, %dma_wait3A_40] : memref<2x10000x128xf32, #tpu.memory_space<hbm>> -> memref<1x520x128xf32, #tpu.memory_space<hbm>>
        %dma_wait3A_42 = tpu.memref_squeeze %dma_wait3A_41 : memref<1x520x128xf32, #tpu.memory_space<hbm>> -> memref<520x128xf32, #tpu.memory_space<hbm>>
        %dma_wait3A_43 = arith.constant 9480 : i32
        %dma_wait3A_44 = arith.constant 0 : i32
        %dma_wait3A_45 = tpu.memref_slice %arg10[%dma_wait3A_43, %dma_wait3A_44] : memref<10000x128xf32, #tpu.memory_space<vmem_shared>> -> memref<520x128xf32, #tpu.memory_space<vmem_shared>>
        tpu.wait_dma2 semaphore(%run_scoped3A : memref<!tpu.dma_semaphore, #tpu.memory_space<semaphore_mem>>) src(%dma_wait3A_45 : memref<520x128xf32, #tpu.memory_space<vmem_shared>>) dst(%dma_wait3A_42 : memref<520x128xf32, #tpu.memory_space<hbm>>)
        tpu.yield
      }) : () -> ()
    } else {
    }
    return
  }
}

module attributes {stable_mosaic.version = 14 : i64} {
  func.func @body(%arg0: i32, %arg1: memref<2x2000x128xf32, #tpu.memory_space<vmem>>, %arg2: memref<2x2000x128xf32, #tpu.memory_space<vmem>>, %arg3: memref<2000x128xf32, #tpu.memory_space<vmem>>, %arg4: memref<128x128xf32, #tpu.memory_space<vmem>>, %arg5: memref<128x128xf32, #tpu.memory_space<vmem>>, %arg6: memref<1x128xf32, #tpu.memory_space<vmem>>, %arg7: memref<2000x128xf32, #tpu.memory_space<vmem>>) attributes {dimension_semantics = [#tpu.dimension_semantics<arbitrary>], iteration_bounds = array<i64: 5>, scalar_prefetch = 0 : i64, scratch_operands = 0 : i64, tpu.core_type = #tpu.core_type<tc>, window_params = [{transform_indices = @transform_0, window_bounds = array<i64: 2, 2000, 128>}, {transform_indices = @transform_1, window_bounds = array<i64: 2, 2000, 128>}, {transform_indices = @transform_2, window_bounds = array<i64: 2000, 128>}, {pipeline_mode = #tpu.pipeline_mode<synchronous>, transform_indices = @transform_3, window_bounds = array<i64: 128, 128>}, {pipeline_mode = #tpu.pipeline_mode<synchronous>, transform_indices = @transform_4, window_bounds = array<i64: 128, 128>}, {pipeline_mode = #tpu.pipeline_mode<synchronous>, transform_indices = @transform_5, window_bounds = array<i64: 1, 128>}, {transform_indices = @transform_6, window_bounds = array<i64: 2000, 128>}]} {
    %get3A = arith.constant 0 : index
    %get3A_0 = arith.constant 0 : index
    %get3A_1 = arith.constant 0 : index
    %get3A_2 = vector.load %arg2[%get3A, %get3A_0, %get3A_1] : memref<2x2000x128xf32, #tpu.memory_space<vmem>>, vector<1x2000x1xf32>
    %get3A_3 = vector.shape_cast %get3A_2 : vector<1x2000x1xf32> to vector<2000x1xf32>
    %get3A_4 = arith.constant 1 : index
    %get3A_5 = arith.constant 0 : index
    %get3A_6 = arith.constant 0 : index
    %get3A_7 = vector.load %arg2[%get3A_4, %get3A_5, %get3A_6] : memref<2x2000x128xf32, #tpu.memory_space<vmem>>, vector<1x2000x1xf32>
    %get3A_8 = vector.shape_cast %get3A_7 : vector<1x2000x1xf32> to vector<2000x1xf32>
    %add3A = arith.addf %get3A_3, %get3A_8 : vector<2000x1xf32>
    %max3A = arith.constant 1.000000e+00 : f32
    %max3A_9 = vector.broadcast %max3A : f32 to vector<2000x1xf32>
    %max3A_10 = arith.maximumf %add3A, %max3A_9 : vector<2000x1xf32>
    %get3A_11 = arith.constant 0 : index
    %get3A_12 = arith.constant 0 : index
    %get3A_13 = arith.constant 0 : index
    %get3A_14 = vector.load %arg1[%get3A_11, %get3A_12, %get3A_13] : memref<2x2000x128xf32, #tpu.memory_space<vmem>>, vector<1x2000x128xf32>
    %get3A_15 = vector.shape_cast %get3A_14 : vector<1x2000x128xf32> to vector<2000x128xf32>
    %get3A_16 = arith.constant 1 : index
    %get3A_17 = arith.constant 0 : index
    %get3A_18 = arith.constant 0 : index
    %get3A_19 = vector.load %arg1[%get3A_16, %get3A_17, %get3A_18] : memref<2x2000x128xf32, #tpu.memory_space<vmem>>, vector<1x2000x128xf32>
    %get3A_20 = vector.shape_cast %get3A_19 : vector<1x2000x128xf32> to vector<2000x128xf32>
    %add3A_21 = arith.addf %get3A_15, %get3A_20 : vector<2000x128xf32>
    %div3A = vector.broadcast %max3A_10 : vector<2000x1xf32> to vector<2000x128xf32>
    %div3A_22 = arith.divf %add3A_21, %div3A : vector<2000x128xf32>
    %get3A_23 = arith.constant 0 : index
    %get3A_24 = arith.constant 0 : index
    %get3A_25 = vector.load %arg4[%get3A_23, %get3A_24] : memref<128x128xf32, #tpu.memory_space<vmem>>, vector<128x128xf32>
    %dot_general3A = arith.constant dense<0.000000e+00> : vector<2000x128xf32>
    %dot_general3A_26 = tpu.matmul %div3A_22, %get3A_25, %dot_general3A {dimension_numbers = #tpu.dot_dimension_numbers<[1], [0], [0], [1], [0, 0, 1, 1], [], []>, transpose_lhs_hint = false} : vector<2000x128xf32>, vector<128x128xf32>, vector<2000x128xf32> -> vector<2000x128xf32>
    %get3A_27 = arith.constant 0 : index
    %get3A_28 = arith.constant 0 : index
    %get3A_29 = vector.load %arg3[%get3A_27, %get3A_28] : memref<2000x128xf32, #tpu.memory_space<vmem>>, vector<2000x128xf32>
    %get3A_30 = arith.constant 0 : index
    %get3A_31 = arith.constant 0 : index
    %get3A_32 = vector.load %arg5[%get3A_30, %get3A_31] : memref<128x128xf32, #tpu.memory_space<vmem>>, vector<128x128xf32>
    %dot_general3A_33 = arith.constant dense<0.000000e+00> : vector<2000x128xf32>
    %dot_general3A_34 = tpu.matmul %get3A_29, %get3A_32, %dot_general3A_33 {dimension_numbers = #tpu.dot_dimension_numbers<[1], [0], [0], [1], [0, 0, 1, 1], [], []>, transpose_lhs_hint = false} : vector<2000x128xf32>, vector<128x128xf32>, vector<2000x128xf32> -> vector<2000x128xf32>
    %add3A_35 = arith.addf %dot_general3A_26, %dot_general3A_34 : vector<2000x128xf32>
    %get3A_36 = arith.constant 0 : index
    %get3A_37 = arith.constant 0 : index
    %get3A_38 = vector.load %arg6[%get3A_36, %get3A_37] : memref<1x128xf32, #tpu.memory_space<vmem>>, vector<1x128xf32>
    %add3A_39 = vector.broadcast %get3A_38 : vector<1x128xf32> to vector<2000x128xf32>
    %add3A_40 = arith.addf %add3A_35, %add3A_39 : vector<2000x128xf32>
    %max3A_41 = arith.constant 0.000000e+00 : f32
    %max3A_42 = vector.broadcast %max3A_41 : f32 to vector<2000x128xf32>
    %max3A_43 = arith.maximumf %add3A_40, %max3A_42 : vector<2000x128xf32>
    %swap3A = arith.constant 0 : index
    %swap3A_44 = arith.constant 0 : index
    %swap3A_45 = vector.load %arg7[%swap3A, %swap3A_44] : memref<2000x128xf32, #tpu.memory_space<vmem>>, vector<2000x128xf32>
    tpu.vector_store %arg7[%swap3A, %swap3A_44], %max3A_43 {strides = array<i32>} : memref<2000x128xf32, #tpu.memory_space<vmem>>, vector<2000x128xf32>,
    return
  }
  func.func @transform_0(%arg0: i32) -> (i32, i32, i32) {
    %c0_i32 = arith.constant 0 : i32
    %c0_i32_0 = arith.constant 0 : i32
    %c0_i32_1 = arith.constant 0 : i32
    return %c0_i32, %arg0, %c0_i32_0 : i32, i32, i32
  }
  func.func @transform_1(%arg0: i32) -> (i32, i32, i32) {
    %c0_i32 = arith.constant 0 : i32
    %c0_i32_0 = arith.constant 0 : i32
    %c0_i32_1 = arith.constant 0 : i32
    return %c0_i32, %arg0, %c0_i32_0 : i32, i32, i32
  }
  func.func @transform_2(%arg0: i32) -> (i32, i32) {
    %c0_i32 = arith.constant 0 : i32
    %c0_i32_0 = arith.constant 0 : i32
    return %arg0, %c0_i32 : i32, i32
  }
  func.func @transform_3(%arg0: i32) -> (i32, i32) {
    %c0_i32 = arith.constant 0 : i32
    %c0_i32_0 = arith.constant 0 : i32
    %c0_i32_1 = arith.constant 0 : i32
    return %c0_i32, %c0_i32_0 : i32, i32
  }
  func.func @transform_4(%arg0: i32) -> (i32, i32) {
    %c0_i32 = arith.constant 0 : i32
    %c0_i32_0 = arith.constant 0 : i32
    %c0_i32_1 = arith.constant 0 : i32
    return %c0_i32, %c0_i32_0 : i32, i32
  }
  func.func @transform_5(%arg0: i32) -> (i32, i32) {
    %c0_i32 = arith.constant 0 : i32
    %c0_i32_0 = arith.constant 0 : i32
    %c0_i32_1 = arith.constant 0 : i32
    return %c0_i32, %c0_i32_0 : i32, i32
  }
  func.func @transform_6(%arg0: i32) -> (i32, i32) {
    %c0_i32 = arith.constant 0 : i32
    %c0_i32_0 = arith.constant 0 : i32
    return %arg0, %c0_i32 : i32, i32
  }
}

module attributes {stable_mosaic.version = 14 : i64} {
  func.func @body(%arg0: i32, %arg1: memref<2x2000x128xf32, #tpu.memory_space<vmem>>, %arg2: memref<2x2000x128xf32, #tpu.memory_space<vmem>>, %arg3: memref<2000x128xf32, #tpu.memory_space<vmem>>, %arg4: memref<2000x128xf32, #tpu.memory_space<vmem>>, %arg5: memref<128x256xf32, #tpu.memory_space<vmem>>, %arg6: memref<128x256xf32, #tpu.memory_space<vmem>>, %arg7: memref<1x256xf32, #tpu.memory_space<vmem>>, %arg8: memref<256x128xf32, #tpu.memory_space<vmem>>, %arg9: memref<1x128xf32, #tpu.memory_space<vmem>>, %arg10: memref<128x128xf32, #tpu.memory_space<vmem>>, %arg11: memref<1x128xf32, #tpu.memory_space<vmem>>, %arg12: memref<2000x128xf32, #tpu.memory_space<vmem>>) attributes {dimension_semantics = [#tpu.dimension_semantics<arbitrary>], iteration_bounds = array<i64: 5>, scalar_prefetch = 0 : i64, scratch_operands = 0 : i64, tpu.core_type = #tpu.core_type<tc>, window_params = [{transform_indices = @transform_0, window_bounds = array<i64: 2, 2000, 128>}, {transform_indices = @transform_1, window_bounds = array<i64: 2, 2000, 128>}, {transform_indices = @transform_2, window_bounds = array<i64: 2000, 128>}, {transform_indices = @transform_3, window_bounds = array<i64: 2000, 128>}, {pipeline_mode = #tpu.pipeline_mode<synchronous>, transform_indices = @transform_4, window_bounds = array<i64: 128, 256>}, {pipeline_mode = #tpu.pipeline_mode<synchronous>, transform_indices = @transform_5, window_bounds = array<i64: 128, 256>}, {pipeline_mode = #tpu.pipeline_mode<synchronous>, transform_indices = @transform_6, window_bounds = array<i64: 1, 256>}, {pipeline_mode = #tpu.pipeline_mode<synchronous>, transform_indices = @transform_7, window_bounds = array<i64: 256, 128>}, {pipeline_mode = #tpu.pipeline_mode<synchronous>, transform_indices = @transform_8, window_bounds = array<i64: 1, 128>}, {pipeline_mode = #tpu.pipeline_mode<synchronous>, transform_indices = @transform_9, window_bounds = array<i64: 128, 128>}, {pipeline_mode = #tpu.pipeline_mode<synchronous>, transform_indices = @transform_10, window_bounds = array<i64: 1, 128>}, {transform_indices = @transform_11, window_bounds = array<i64: 2000, 128>}]} {
    %get3A = arith.constant 0 : index
    %get3A_0 = arith.constant 0 : index
    %get3A_1 = arith.constant 0 : index
    %get3A_2 = vector.load %arg2[%get3A, %get3A_0, %get3A_1] : memref<2x2000x128xf32, #tpu.memory_space<vmem>>, vector<1x2000x1xf32>
    %get3A_3 = vector.shape_cast %get3A_2 : vector<1x2000x1xf32> to vector<2000x1xf32>
    %get3A_4 = arith.constant 1 : index
    %get3A_5 = arith.constant 0 : index
    %get3A_6 = arith.constant 0 : index
    %get3A_7 = vector.load %arg2[%get3A_4, %get3A_5, %get3A_6] : memref<2x2000x128xf32, #tpu.memory_space<vmem>>, vector<1x2000x1xf32>
    %get3A_8 = vector.shape_cast %get3A_7 : vector<1x2000x1xf32> to vector<2000x1xf32>
    %add3A = arith.addf %get3A_3, %get3A_8 : vector<2000x1xf32>
    %max3A = arith.constant 1.000000e+00 : f32
    %max3A_9 = vector.broadcast %max3A : f32 to vector<2000x1xf32>
    %max3A_10 = arith.maximumf %add3A, %max3A_9 : vector<2000x1xf32>
    %get3A_11 = arith.constant 0 : index
    %get3A_12 = arith.constant 0 : index
    %get3A_13 = arith.constant 0 : index
    %get3A_14 = vector.load %arg1[%get3A_11, %get3A_12, %get3A_13] : memref<2x2000x128xf32, #tpu.memory_space<vmem>>, vector<1x2000x128xf32>
    %get3A_15 = vector.shape_cast %get3A_14 : vector<1x2000x128xf32> to vector<2000x128xf32>
    %get3A_16 = arith.constant 1 : index
    %get3A_17 = arith.constant 0 : index
    %get3A_18 = arith.constant 0 : index
    %get3A_19 = vector.load %arg1[%get3A_16, %get3A_17, %get3A_18] : memref<2x2000x128xf32, #tpu.memory_space<vmem>>, vector<1x2000x128xf32>
    %get3A_20 = vector.shape_cast %get3A_19 : vector<1x2000x128xf32> to vector<2000x128xf32>
    %add3A_21 = arith.addf %get3A_15, %get3A_20 : vector<2000x128xf32>
    %div3A = vector.broadcast %max3A_10 : vector<2000x1xf32> to vector<2000x128xf32>
    %div3A_22 = arith.divf %add3A_21, %div3A : vector<2000x128xf32>
    %get3A_23 = arith.constant 0 : index
    %get3A_24 = arith.constant 0 : index
    %get3A_25 = vector.load %arg5[%get3A_23, %get3A_24] : memref<128x256xf32, #tpu.memory_space<vmem>>, vector<128x256xf32>
    %dot_general3A = arith.constant dense<0.000000e+00> : vector<2000x256xf32>
    %dot_general3A_26 = tpu.matmul %div3A_22, %get3A_25, %dot_general3A {dimension_numbers = #tpu.dot_dimension_numbers<[1], [0], [0], [1], [0, 0, 1, 1], [], []>, transpose_lhs_hint = false} : vector<2000x128xf32>, vector<128x256xf32>, vector<2000x256xf32> -> vector<2000x256xf32>
    %get3A_27 = arith.constant 0 : index
    %get3A_28 = arith.constant 0 : index
    %get3A_29 = vector.load %arg3[%get3A_27, %get3A_28] : memref<2000x128xf32, #tpu.memory_space<vmem>>, vector<2000x128xf32>
    %get3A_30 = arith.constant 0 : index
    %get3A_31 = arith.constant 0 : index
    %get3A_32 = vector.load %arg6[%get3A_30, %get3A_31] : memref<128x256xf32, #tpu.memory_space<vmem>>, vector<128x256xf32>
    %dot_general3A_33 = arith.constant dense<0.000000e+00> : vector<2000x256xf32>
    %dot_general3A_34 = tpu.matmul %get3A_29, %get3A_32, %dot_general3A_33 {dimension_numbers = #tpu.dot_dimension_numbers<[1], [0], [0], [1], [0, 0, 1, 1], [], []>, transpose_lhs_hint = false} : vector<2000x128xf32>, vector<128x256xf32>, vector<2000x256xf32> -> vector<2000x256xf32>
    %add3A_35 = arith.addf %dot_general3A_26, %dot_general3A_34 : vector<2000x256xf32>
    %get3A_36 = arith.constant 0 : index
    %get3A_37 = arith.constant 0 : index
    %get3A_38 = vector.load %arg7[%get3A_36, %get3A_37] : memref<1x256xf32, #tpu.memory_space<vmem>>, vector<1x256xf32>
    %add3A_39 = vector.broadcast %get3A_38 : vector<1x256xf32> to vector<2000x256xf32>
    %add3A_40 = arith.addf %add3A_35, %add3A_39 : vector<2000x256xf32>
    %max3A_41 = arith.constant 0.000000e+00 : f32
    %max3A_42 = vector.broadcast %max3A_41 : f32 to vector<2000x256xf32>
    %max3A_43 = arith.maximumf %add3A_40, %max3A_42 : vector<2000x256xf32>
    %get3A_44 = arith.constant 0 : index
    %get3A_45 = arith.constant 0 : index
    %get3A_46 = vector.load %arg8[%get3A_44, %get3A_45] : memref<256x128xf32, #tpu.memory_space<vmem>>, vector<256x128xf32>
    %dot_general3A_47 = arith.constant dense<0.000000e+00> : vector<2000x128xf32>
    %dot_general3A_48 = tpu.matmul %max3A_43, %get3A_46, %dot_general3A_47 {dimension_numbers = #tpu.dot_dimension_numbers<[1], [0], [0], [1], [0, 0, 1, 1], [], []>, transpose_lhs_hint = false} : vector<2000x256xf32>, vector<256x128xf32>, vector<2000x128xf32> -> vector<2000x128xf32>
    %get3A_49 = arith.constant 0 : index
    %get3A_50 = arith.constant 0 : index
    %get3A_51 = vector.load %arg9[%get3A_49, %get3A_50] : memref<1x128xf32, #tpu.memory_space<vmem>>, vector<1x128xf32>
    %add3A_52 = vector.broadcast %get3A_51 : vector<1x128xf32> to vector<2000x128xf32>
    %add3A_53 = arith.addf %dot_general3A_48, %add3A_52 : vector<2000x128xf32>
    %get3A_54 = arith.constant 0 : index
    %get3A_55 = arith.constant 0 : index
    %get3A_56 = vector.load %arg4[%get3A_54, %get3A_55] : memref<2000x128xf32, #tpu.memory_space<vmem>>, vector<2000x128xf32>
    %get3A_57 = arith.constant 0 : index
    %get3A_58 = arith.constant 0 : index
    %get3A_59 = vector.load %arg10[%get3A_57, %get3A_58] : memref<128x128xf32, #tpu.memory_space<vmem>>, vector<128x128xf32>
    %dot_general3A_60 = arith.constant dense<0.000000e+00> : vector<2000x128xf32>
    %dot_general3A_61 = tpu.matmul %get3A_56, %get3A_59, %dot_general3A_60 {dimension_numbers = #tpu.dot_dimension_numbers<[1], [0], [0], [1], [0, 0, 1, 1], [], []>, transpose_lhs_hint = false} : vector<2000x128xf32>, vector<128x128xf32>, vector<2000x128xf32> -> vector<2000x128xf32>
    %add3A_62 = arith.addf %add3A_53, %dot_general3A_61 : vector<2000x128xf32>
    %get3A_63 = arith.constant 0 : index
    %get3A_64 = arith.constant 0 : index
    %get3A_65 = vector.load %arg11[%get3A_63, %get3A_64] : memref<1x128xf32, #tpu.memory_space<vmem>>, vector<1x128xf32>
    %add3A_66 = vector.broadcast %get3A_65 : vector<1x128xf32> to vector<2000x128xf32>
    %add3A_67 = arith.addf %add3A_62, %add3A_66 : vector<2000x128xf32>
    %swap3A = arith.constant 0 : index
    %swap3A_68 = arith.constant 0 : index
    %swap3A_69 = vector.load %arg12[%swap3A, %swap3A_68] : memref<2000x128xf32, #tpu.memory_space<vmem>>, vector<2000x128xf32>
    tpu.vector_store %arg12[%swap3A, %swap3A_68], %add3A_67 {strides = array<i32>} : memref<2000x128xf32, #tpu.memory_space<vmem>>, vector<2000x128xf32>,
    return
  }
  func.func @transform_0(%arg0: i32) -> (i32, i32, i32) {
    %c0_i32 = arith.constant 0 : i32
    %c0_i32_0 = arith.constant 0 : i32
    %c0_i32_1 = arith.constant 0 : i32
    return %c0_i32, %arg0, %c0_i32_0 : i32, i32, i32
  }
  func.func @transform_1(%arg0: i32) -> (i32, i32, i32) {
    %c0_i32 = arith.constant 0 : i32
    %c0_i32_0 = arith.constant 0 : i32
    %c0_i32_1 = arith.constant 0 : i32
    return %c0_i32, %arg0, %c0_i32_0 : i32, i32, i32
  }
  func.func @transform_2(%arg0: i32) -> (i32, i32) {
    %c0_i32 = arith.constant 0 : i32
    %c0_i32_0 = arith.constant 0 : i32
    return %arg0, %c0_i32 : i32, i32
  }
  func.func @transform_3(%arg0: i32) -> (i32, i32) {
    %c0_i32 = arith.constant 0 : i32
    %c0_i32_0 = arith.constant 0 : i32
    return %arg0, %c0_i32 : i32, i32
  }
  func.func @transform_4(%arg0: i32) -> (i32, i32) {
    %c0_i32 = arith.constant 0 : i32
    %c0_i32_0 = arith.constant 0 : i32
    %c0_i32_1 = arith.constant 0 : i32
    return %c0_i32, %c0_i32_0 : i32, i32
  }
  func.func @transform_5(%arg0: i32) -> (i32, i32) {
    %c0_i32 = arith.constant 0 : i32
    %c0_i32_0 = arith.constant 0 : i32
    %c0_i32_1 = arith.constant 0 : i32
    return %c0_i32, %c0_i32_0 : i32, i32
  }
  func.func @transform_6(%arg0: i32) -> (i32, i32) {
    %c0_i32 = arith.constant 0 : i32
    %c0_i32_0 = arith.constant 0 : i32
    %c0_i32_1 = arith.constant 0 : i32
    return %c0_i32, %c0_i32_0 : i32, i32
  }
  func.func @transform_7(%arg0: i32) -> (i32, i32) {
    %c0_i32 = arith.constant 0 : i32
    %c0_i32_0 = arith.constant 0 : i32
    %c0_i32_1 = arith.constant 0 : i32
    return %c0_i32, %c0_i32_0 : i32, i32
  }
  func.func @transform_8(%arg0: i32) -> (i32, i32) {
    %c0_i32 = arith.constant 0 : i32
    %c0_i32_0 = arith.constant 0 : i32
    %c0_i32_1 = arith.constant 0 : i32
    return %c0_i32, %c0_i32_0 : i32, i32
  }
  func.func @transform_9(%arg0: i32) -> (i32, i32) {
    %c0_i32 = arith.constant 0 : i32
    %c0_i32_0 = arith.constant 0 : i32
    %c0_i32_1 = arith.constant 0 : i32
    return %c0_i32, %c0_i32_0 : i32, i32
  }
  func.func @transform_10(%arg0: i32) -> (i32, i32) {
    %c0_i32 = arith.constant 0 : i32
    %c0_i32_0 = arith.constant 0 : i32
    %c0_i32_1 = arith.constant 0 : i32
    return %c0_i32, %c0_i32_0 : i32, i32
  }
  func.func @transform_11(%arg0: i32) -> (i32, i32) {
    %c0_i32 = arith.constant 0 : i32
    %c0_i32_0 = arith.constant 0 : i32
    return %arg0, %c0_i32 : i32, i32
  }
}

</mosaic_0001>

<sc_bundles>
// kernel: kernel.6.cloned.1.call-start
scs
__scs_entry_jumppad:
0x0: {  	(pc) =	sbr.rel $0x88, $3  }
0x1: {  	(tag) =	ssettag $0x0;
	lr =	simm.s32 $0x1  }
0x2: {  	[smem:$0x3F95] =	sst lr;
	_ =	strace $0xD0000000  }
0x3: {  	_ = 	snop  }
0x4: {  	_ = 	snop  }
0x5: {  	_ = 	snop  }
0x6: {  	_ = 	snop  }
0x7: {  	_ = 	snop  }
__scs_overlays_trampoline_lowered:
0x8: {  	[smem:$0x3FA4] =	sst s0  }
0x9: {  	[smem:$0x3FA5] =	sst s1  }
0xa: {  	[smem:$0x3FA6] =	sst s2  }
0xb: {  	[smem:$0x3FA7] =	sst s3  }
0xc: {  	[smem:$0x3FA8] =	sst s4  }
0xd: {  	[smem:$0x3FA9] =	sst s5  }
0xe: {  	[smem:$0x3FAA] =	sst s6  }
0xf: {  	[smem:$0x3FAB] =	sst s7  }
0x10: {  	[smem:$0x3FAC] =	sst s8  }
0x11: {  	[smem:$0x3FAD] =	sst s9;
	s0 =	simm.s32 @!p0 $0x0  }
0x12: {  	s1 =	sld [smem:$0x3F93];
	s0 =	simm.s32 @p0 $0x1  }
0x13: {  	[smem:$0x3FAE] =	sst s0;
	s0 =	simm.s32 @!p1 $0x0  }
0x14: {  	s2 =	sld [smem:$0x3F92];
	s0 =	simm.s32 @p1 $0x1  }
0x15: {  	[smem:$0x3FAF] =	sst s0;
	s0 =	simm.s32 @!p2 $0x0  }
0x16: {  	s3 =	sld [smem:$0x3FDB];
	s0 =	simm.s32 @p2 $0x1  }
0x17: {  	s4 =	simm.s32 $0x1BF5;
	[smem:$0x3FB1] =	sst s0  }
0x18: {  	s0 =	sld [smem:$0x3F94];
	_ =	swait.ge [sflag:s4], $0x0  }
0x19: {  	s7 =	sld [smem:$0x3F95]  }
0x1a: {  	s8 =	sadd.s32 $0xFFFFE003, lr  }
0x1b: {  	s9 =	sadd.s32 $0xFFFFFEF7, lr;
	s5 =	simm.s32 $0xFFFFFFFF;
	p2 =	slt.u32 s8, $0xFFFFF086  }
0x1c: {  	p1 =	slt.u32 s9, $0xF7A;
	s5 =	simm.s32 @!p2 $0x0  }
0x1d: {  	s5 =	simm.s32 @p1 $0x1;
	p0 =	seq.s32 s7, s2  }
0x1e: {  	s7 =	smul.u32 @!p0 $0xF7A, s2;
	p2 =	seq.s32 @!p0 s5, $0x0  }
0x1f: {  	s9 =	smul.u32 $0xF7A, s1;
	s8 =	simm.s32 @!p0 $0x1BF5;
	p2 =	por !p2, p0  }
0x20: {  	[sflag:s8] =	ssyncset.s32 @!p0 $0xFFFFF086;
	s6 =	sadd.s32 @!p0 s3, s7;
	s7 =	simm.s32 @!p0 $0x108  }
0x21: {  	s3 =	sadd.s32 s3, s9;
	s6 =	sadd.s32 @!p0 $0x88, s6;
	s7 =	simm.s32 @p2 $0x1082  }
0x22: {  	[simem:s7], [sflag:s8] =	dma.local @!p0 [hbm:s6], $0xF7A  }
0x23: {  	s9 =	sor.u32 $0xD0000000, s2;
	s6 =	simm.s32 $0x108;
	_ =	swait.ge @!p0 [sflag:s8], $0x0  }
0x24: {  	s3 =	sadd.s32 $0x88, s3;
	s6 =	simm.s32 @!p1 $0x1082;
	[sflag:s4] =	ssyncset.s32 $0xFFFFF086  }
0x25: {  	[simem:s6], [sflag:s4] =	dma.local [hbm:s3], $0xF7A  }
0x26: {  	[smem:$0x3F95] =	sst s1;
	(tag) =	ssettag s2;
	_ =	strace s9  }
0x27: {  	s1 =	sld [smem:$0x3FA5]  }
0x28: {  	s2 =	sld [smem:$0x3FA6]  }
0x29: {  	s4 =	sld [smem:$0x3FA8]  }
0x2a: {  	p0 =	seq.s32 s5, $0x0;
	s5 =	sld [smem:$0x3FA9]  }
0x2b: {  	s6 =	sld [smem:$0x3FAA]  }
0x2c: {  	s7 =	sld [smem:$0x3FAB]  }
0x2d: {  	s3 =	simm.s32 $0x108;
	s8 =	sld [smem:$0x3FAC]  }
0x2e: {  	s3 =	simm.s32 @!p0 $0x1082;
	s9 =	sld [smem:$0x3FAD]  }
0x2f: {  	lr =	sadd.s32 s0, s3;
	s0 =	sld [smem:$0x3FA4]  }
0x30: {  	s3 =	sld [smem:$0x3FA7]  }
0x31: {  	[smem:$0x3FB0] =	sst s10  }
0x32: {  	s10 =	sld [smem:$0x3FAE];
	_ =	sdelay $0x3  }
0x33: {  	p0 =	seq.s32 s10, $0x1;
	s10 =	sld [smem:$0x3FB0];
	_ =	sdelay $0x3  }
0x34: {  	[smem:$0x3FB0] =	sst s10  }
0x35: {  	s10 =	sld [smem:$0x3FAF];
	_ =	sdelay $0x3  }
0x36: {  	p1 =	seq.s32 s10, $0x1;
	s10 =	sld [smem:$0x3FB0];
	_ =	sdelay $0x3  }
0x37: {  	[smem:$0x3FB0] =	sst s10  }
0x38: {  	s10 =	sld [smem:$0x3FB1]  }
0x39: {  	_ = 	snop;
	(pc) =	sbr.ind lr, $3  }
0x3a: {  	_ = 	snop  }
0x3b: {  	_ = 	snop  }
0x3c: {  	p2 =	seq.s32 s10, $0x1;
	s10 =	sld [smem:$0x3FB0]  }
0x3d: {  	_ =	shalt  }
0x3e: {  	_ =	shalt  }
0x3f: {  	_ =	shalt  }
0x40: {  	_ =	shalt  }
0x41: {  	_ =	shalt  }
0x42: {  	_ =	shalt  }
0x43: {  	_ =	shalt  }
0x44: {  	_ =	shalt  }
0x45: {  	_ =	shalt  }
0x46: {  	_ =	shalt  }
0x47: {  	_ =	shalt  }
0x48: {  	_ =	shalt  }
0x49: {  	_ =	shalt  }
0x4a: {  	_ =	shalt  }
0x4b: {  	_ =	shalt  }
0x4c: {  	_ =	shalt  }
0x4d: {  	_ =	shalt  }
0x4e: {  	_ =	shalt  }
0x4f: {  	_ =	shalt  }
0x50: {  	_ =	shalt  }
0x51: {  	_ =	shalt  }
0x52: {  	_ =	shalt  }
0x53: {  	_ =	shalt  }
0x54: {  	_ =	shalt  }
0x55: {  	_ =	shalt  }
0x56: {  	_ =	shalt  }
0x57: {  	_ =	shalt  }
0x58: {  	_ =	shalt  }
0x59: {  	_ =	shalt  }
0x5a: {  	_ =	shalt  }
0x5b: {  	_ =	shalt  }
0x5c: {  	_ =	shalt  }
0x5d: {  	_ =	shalt  }
0x5e: {  	_ =	shalt  }
0x5f: {  	_ =	shalt  }
0x60: {  	_ =	shalt  }
0x61: {  	_ =	shalt  }
0x62: {  	_ =	shalt  }
0x63: {  	_ =	shalt  }
0x64: {  	_ =	shalt  }
0x65: {  	_ =	shalt  }
0x66: {  	_ =	shalt  }
0x67: {  	_ =	shalt  }
0x68: {  	_ =	shalt  }
0x69: {  	_ =	shalt  }
0x6a: {  	_ =	shalt  }
0x6b: {  	_ =	shalt  }
0x6c: {  	_ =	shalt  }
0x6d: {  	_ =	shalt  }
0x6e: {  	_ =	shalt  }
0x6f: {  	_ =	shalt  }
0x70: {  	_ =	shalt  }
0x71: {  	_ =	shalt  }
0x72: {  	_ =	shalt  }
0x73: {  	_ =	shalt  }
0x74: {  	_ =	shalt  }
0x75: {  	_ =	shalt  }
0x76: {  	_ =	shalt  }
0x77: {  	_ =	shalt  }
0x78: {  	_ =	shalt  }
0x79: {  	_ =	shalt  }
0x7a: {  	_ =	shalt  }
0x7b: {  	_ =	shalt  }
0x7c: {  	_ =	shalt  }
0x7d: {  	_ =	shalt  }
0x7e: {  	_ =	shalt  }
0x7f: {  	_ =	shalt  }
0x80: {  	_ =	shalt  }
0x81: {  	_ =	shalt  }
0x82: {  	_ =	shalt  }
0x83: {  	_ =	shalt  }
0x84: {  	_ =	shalt  }
0x85: {  	_ =	shalt  }
0x86: {  	_ =	shalt  }
0x87: {  	_ =	shalt  }
.Lfunc_end0:
.L_simem_size_0:
called_computation_lowered:
.L_overlay_start_0:
0x88: {  	s2 =	sld [smem:$0x3FD9]  }
0x89: {  	s3 =	sld [smem:$0x3FFE];
	_ =	sdelay $0x1  }
0x8a: {  	s1 =	srdreg.scid  }
0x8b: {  	s0 =	sand.u32 $0x1, s1  }
0x8c: {  	s17 =	sshll.u32 s0, $0xA;
	s2 =	sadd.s32 s3, s2  }
0x8d: {  	s2 =	sadd.s32 s2, s17  }
0x8e: {  	[smem:$0x3FBC] =	sst s2  }
0x8f: {  	_ = 	snop  }
0x90: {  	s2 =	sld [smem:$0x3FC9]  }
0x91: {  	s18 =	sld [smem:$0x3FD0];
	(tm) =	ssettm $0x1  }
0x92: {  	s4 =	sld [smem:$0x3FFB];
	_ =	sdelay $0x3  }
0x93: {  	_ =	strace s4  }
0x94: {  	s4 =	sld [smem:$0x3FFC];
	_ =	sdelay $0x3  }
0x95: {  	_ =	strace s4  }
0x96: {  	s4 =	sld [smem:$0x3FFD];
	_ =	sdelay $0x3  }
0x97: {  	_ =	strace s4  }
0x98: {  	_ =	strace $0x8FFFFFFF  }
0x99: {  	s19 =	sld [smem:$0x3FDB];
	_ =	sdelay $0x1  }
0x9a: {  	s5 =	simm.s32 $_scs_section_size  }
0x9b: {  	s6 =	simm.s32 $_size__tile_overlayer_lowered;
	s7 =	simm.s32 $_tile_overlayer_lowered  }
0x9c: {  	s22 =	simm.s32 $0x1BFF;
	s21 =	sshll.u32 s7, $0x1;
	s4 =	sadd.s32 s5, s19  }
0x9d: {  	s8 =	simm.s32 $0x0;
	s20 =	sshll.u32 s6, $0x1;
	s6 =	sadd.s32 s21, s4  }
0x9e: {  	[timem:s8], [sflag:s22] =	dma.local [hbm:s6], s20  }
0x9f: {  	_ =	swait.ge [sflag:s22], s20  }
0xa0: {  	s5 =	ssub.s32 $0x0, s20;
	[sflag:s22] =	ssyncset.done $0x0  }
0xa1: {  	[sflag:s22] =	ssyncadd.s32 s5;
	_ =	sdelay $0x1  }
0xa2: {  	s23 =	simm.s32 $0x1B8B  }
0xa3: {  	_ =	swait.ge [sflag:s23], $0x1  }
0xa4: {  	[sflag:s23] =	ssyncset.done $0x0  }
0xa5: {  	s25 =	simm.s32 $0x1B8E;
	s24 =	sld [smem:$0x3FFE];
	[sflag:s23] =	ssyncadd.s32 $0xFFFFFFFF  }
0xa6: {  	s26 =	simm.s32 $execute0_lowered;
	[smem:$0x3FD2] =	sst s25  }
0xa7: {  	s6 =	sshll.u32 s26, $0x1;
	_ =	strace $0x80000046;
	[dreg:$0x1] =	wrdreg $0xFFFFFFFF  }
0xa8: {  	s28 =	simm.s32 $_size_execute0_lowered;
	s4 =	sadd.s32 s4, s6;
	[dreg:$0x0] =	wrdreg $0x0  }
0xa9: {  	s6 =	sshll.u32 s28, $0x1;
	[dreg:$0x2] =	wrdreg s4  }
0xaa: {  	[dreg:$0x3] =	wrdreg s6  }
0xab: {  	[dreg:$0x4] =	wrdreg $0xC0  }
0xac: {  	_ =	task [dreg:s8], $0x5FFFF  }
0xad: {  	[dreg:$0x1] =	wrdreg $0xFFFFFFFF  }
0xae: {  	[dreg:$0x0] =	wrdreg $0x60  }
0xaf: {  	[dreg:$0x2] =	wrdreg s2  }
0xb0: {  	[dreg:$0x3] =	wrdreg s24  }
0xb1: {  	[dreg:$0x4] =	wrdreg s18  }
0xb2: {  	[dreg:$0x5] =	wrdreg $0x90000  }
0xb3: {  	[dreg:$0x6] =	wrdreg $0x9  }
0xb4: {  	_ =	task.clear_ibuf [dreg:s8], $0x7FFFF;
	_ =	strace $0x90000046  }
0xb5: {  	s29 =	simm.s32 $0x9;
	_ =	strace $0x80000048  }
0xb6: {  	_ =	swait.ge [sflag:s29], $0x1  }
0xb7: {  	[sflag:s29] =	ssyncadd.s32 $0xFFFFFFFF  }
0xb8: {  	_ =	strace $0x90000048  }
0xb9: {  	_ =	sfence  }
0xba: {  	s30 =	sld [smem:$0x0];
	_ =	sdelay $0x2  }
0xbb: {  	s31 =	sshll.u32 s1, $0xD;
	s1 =	sshrl.u32 s1, $0x2  }
0xbc: {  	s3 =	sand.u32 $0x4000, s31;
	s1 =	sadd.s32 s1, s30  }
0xbd: {  	s0 =	sor.u32 s3, s0;
	s1 =	sshll.u32 s1, $0x11  }
0xbe: {  	s0 =	sor.u32 s1, s0  }
0xbf: {  	s0 =	sadd.s32 $0x8F2B, s0  }
0xc0: {  	[sflag:s0] =	ssyncadd.remote.s32 $0x1  }
0xc1: {  	_ =	sfence.sel $0xFFFF  }
0xc2: {  	[dreg:$0x0] =	wrdreg $0xFFFFFFFF;
	(pc) =	sbr.abs _section_cstart, $3  }
0xc3: {  	[dreg:$0x1] =	wrdreg $0xFFFFFFFF  }
0xc4: {  	_ =	task.clear_ibuf [dreg:s8], $0x2FFFF;
	_ =	strace $0x9FFFFFFF  }
0xc5: {  	(tm) =	ssettm $0x7FFFFFFF  }
tec
execute0_lowered:
.L_overlay_start_1:
0x0: {  	(tag) =	ssettag $0x1  }
0x1: {  	s1 =	rddreg [dreg:$0x0]  }
0x2: {  	s2 =	rddreg [dreg:$0x1]  }
0x3: {  	s0 =	srdreg.scid;
	s8 =	rddreg [dreg:$0x2]  }
0x4: {  	s4 =	stileid.u32;
	s3 =	rddreg [dreg:$0x3];
	s14 =	simm.s32 $0x0  }
0x5: {  	s22 =	simm.s32 $0x80;
	s23 =	simm.s32 $0x100;
	s25 =	simm.s32 $0x180  }
0x6: {  	s26 =	simm.s32 $0x200;
	s28 =	simm.s32 $0xA00;
	s29 =	simm.s32 $0xA80  }
0x7: {  	s30 =	simm.s32 $0xB00;
	s31 =	simm.s32 $0xB80;
	s6 =	smul.u32 $0x2800, s4  }
0x8: {  	[smem:$0x7FF] =	sst s14;
	s9 =	smul.u32 $0x4F000, s4;
	s15 =	sadd.s32 $0x16800, s2  }
0x9: {  	s20 =	sadd.s32 $0x128400, s3;
	_ =	strace $0x80000047;
	[dreg:$0x14] =	wrdreg s15  }
0xa: {  	s0 =	sand.u32 $0x1, s0;
	s10 =	smul.u32 $0x2780, s4;
	[dreg:$0x17] =	wrdreg s20  }
0xb: {  	s11 =	sadd.s32 $0x17000, s2;
	s13 =	smul.u32 $0x13C00, s4;
	[dreg:$0x5] =	wrdreg s22  }
0xc: {  	p0 =	seq.s32 s4, $0xF;
	s5 =	smul.u32 $0x28000, s0;
	[dreg:$0x6] =	wrdreg s23  }
0xd: {  	s16 =	ssub.s32 $0x2, s0;
	s0 =	smul.u32 $0x138800, s0;
	[dreg:$0x7] =	wrdreg s25  }
0xe: {  	[dreg:$0x8] =	wrdreg s26;
	s20 =	simm.s32 $0x1000;
	s15 =	simm.s32 $0x580  }
0xf: {  	s22 =	simm.s32 $0x5000;
	s23 =	simm.s32 $0x700;
	s25 =	simm.s32 $0x900  }
0x10: {  	s26 =	simm.s32 $0x780;
	s7 =	sshrl.u32 s16, $0x1;
	[dreg:$0xf] =	wrdreg s15  }
0x11: {  	s17 =	sshrl.u32 s9, $0x2;
	s18 =	sadd.s32 s8, s10;
	[dreg:$0x12] =	wrdreg s23  }
0x12: {  	s8 =	sadd.s32 $0x25080, s8;
	s9 =	simm.s32 $0x300;
	[dreg:$0x13] =	wrdreg s26  }
0x13: {  	s10 =	simm.s32 $0x380;
	s26 =	simm.s32 $0x980;
	[dreg:$0x16] =	wrdreg s18  }
0x14: {  	s5 =	sadd.s32 s6, s5;
	s12 =	ssub.s32 s16, s7;
	[dreg:$0x18] =	wrdreg s8  }
0x15: {  	s19 =	sadd.s32 s13, s0;
	s0 =	sshrl.u32 s0, $0x3;
	[dreg:$0xa] =	wrdreg s9  }
0x16: {  	[dreg:$0xb] =	wrdreg s10;
	s13 =	simm.s32 $0x500;
	s16 =	simm.s32 $0x600  }
0x17: {  	s18 =	simm.s32 $0x680;
	s10 =	simm.s32 $0xE00;
	s9 =	simm.s32 $0x0  }
0x18: {  	s5 =	sshrl.u32 s5, $0x3;
	s0 =	sadd.s32 $0x25080, s0;
	[dreg:$0xe] =	wrdreg s13  }
0x19: {  	s8 =	smax.u32 s12, $0x1;
	s12 =	simm.s32 $0x480;
	[dreg:$0x10] =	wrdreg s16  }
0x1a: {  	[dreg:$0x11] =	wrdreg s18;
	s13 =	simm.s32 $0xF00;
	s18 =	simm.s32 $0xF80  }
0x1b: {  	s5 =	sadd.s32 s5, s2;
	s2 =	sadd.s32 $0x65200, s2;
	[dreg:$0x1d] =	wrdreg s8  }
0x1c: {  	s24 =	sadd.s32 s11, s0;
	[dreg:$0xd] =	wrdreg s12;
	s8 =	simm.s32 $0xD80  }
0x1d: {  	s12 =	simm.s32 $0xE80;
	s6 =	sadd.s32 $0xC800, s5;
	s7 =	sadd.s32 $0x2800, s5  }
0x1e: {  	s5 =	sadd.s32 s17, s3;
	[dreg:$0x1a] =	wrdreg s24;
	s0 =	sadd.s32 s2, s0  }
0x1f: {  	s17 =	simm.s32 $0x2;
	[dreg:$0x15] =	wrdreg s5;
	s5 =	sshrl.u32 s19, $0x3  }
0x20: {  	s24 =	simm.s32 $0x880;
	[dreg:$0x1c] =	wrdreg s0;
	s21 =	sadd.s32 s11, s5  }
0x21: {  	s19 =	simm.s32 $0x7D;
	s5 =	sadd.s32 s2, s5;
	[dreg:$0x19] =	wrdreg s21  }
0x22: {  	s0 =	simm.s32 $0xC80;
	s11 =	simm.s32 $0x400;
	[dreg:$0x1b] =	wrdreg s5  }
0x23: {  	s2 =	simm.s32 $0xC00;
	s5 =	simm.s32 $0x280;
	[dreg:$0xc] =	wrdreg s11  }
0x24: {  	s21 =	simm.s32 $0x1;
	[dreg:$0x9] =	wrdreg s5;
	s5 =	simm.s32 $0xD00  }
.LBB2_1:
0x25: {  	[dreg:$0x1e] =	wrdreg s9  }
0x26: {  	[tilespmem:s14], [sflag:$0x2] =	stream.linear.gather [hbm4b:s6+s14], $0x800, $0x38;
	[tilespmem:$0x1C880] =	vst v63  }
0x27: {  	_ =	swait.ge [sflag:s17], $0x800  }
0x28: {  	[sflag:s17] =	ssyncset.done $0x0  }
0x29: {  	s23 =	simm.s32 $0x800;
	[sflag:s17] =	ssyncadd.s32 $0xFFFFF800  }
0x2a: {  	[tilespmem:s23], [sflag:$0x2] =	stream.linear.gather [hbm4b:s7+s14], $0x800, $0x38;
	[tilespmem:$0x1C880] =	vst v63  }
0x2b: {  	_ =	swait.ge [sflag:s17], $0x800  }
0x2c: {  	[sflag:s17] =	ssyncset.done $0x0;
	s4 =	rddreg [dreg:$0x17]  }
0x2d: {  	[sflag:s17] =	ssyncadd.s32 $0xFFFFF800;
	s11 =	sshrl.u32 @p0 s4, $0x3;
	s4 =	rddreg [dreg:$0x18]  }
0x2e: {  	[tilespmem:s20], [sflag:$0x1] =	stream.indirect.gather [hbm4b:s1+s19], $0x80, s14, s19, $0xb8;
	[tilespmem:$0x1C880] =	vst v63  }
0x2f: {  	s9 =	simm.s32 @p0 $0x1FC2;
	[dreg:$0x1f] =	wrdreg s11  }
0x30: {  	[spmem:s11], [sflag:s9] =	dma.local @p0 [hbm:s4], $0x2080  }
0x31: {  	s9 =	simm.s32 @p0 $0x2  }
0x32: {  	_ =	swait.ge @p0 [sflag:s9], $0x2080  }
0x33: {  	s4 =	stileid.u32;
	[sflag:s9] =	ssyncset.done @p0 $0x0  }
0x34: {  	s11 =	sshll.u32 @!p0 s4, $0x6;
	s4 =	rddreg [dreg:$0x15];
	[sflag:s9] =	ssyncadd.s32 @p0 $0xFFFFDF80  }
0x35: {  	s9 =	sor.u32 @!p0 $0x1C02, s11;
	s11 =	sshrl.u32 @!p0 s4, $0x3;
	s4 =	rddreg [dreg:$0x16]  }
0x36: {  	[smem:$0x7FC] =	sst s9  }
0x37: {  	[smem:$0x7FD] =	sst s11  }
0x38: {  	[spmem:s11], [sflag:s9] =	dma.local @!p0 [hbm:s4], $0x2780  }
0x39: {  	s11 =	simm.s32 @!p0 $0x2  }
0x3a: {  	_ =	swait.ge @!p0 [sflag:s11], $0x2780  }
0x3b: {  	p1 =	por $0x1, $0x1;
	[sflag:s11] =	ssyncset.done @!p0 $0x0  }
0x3c: {  	s15 =	simm.s32 @!p1 $0x0;
	[sflag:s11] =	ssyncadd.s32 @!p0 $0xFFFFD880  }
0x3d: {  	s16 =	simm.s32 @!p1 $0x2;
	s11 =	sadd.s32 @!p1 $0x0, s6;
	[bflag:$0x0] =	sbarrier.arrive $0xFFFF  }
0x3e: {  	[tilespmem:s15], [sflag:$0x2] =	stream.linear.gather @!p1 [hbm4b:s11+s15], $0x800, $0x38;
	[tilespmem:$0x1C880] =	vst v63  }
0x3f: {  	_ =	swait.ge @!p1 [sflag:s16], $0x800  }
0x40: {  	[sflag:s16] =	ssyncset.done @!p1 $0x0  }
0x41: {  	s9 =	simm.s32 @!p1 $0x800;
	s11 =	sadd.s32 @!p1 $0x0, s7;
	[sflag:s16] =	ssyncadd.s32 @!p1 $0xFFFFF800  }
0x42: {  	[tilespmem:s9], [sflag:$0x2] =	stream.linear.gather @!p1 [hbm4b:s11+s15], $0x800, $0x38;
	[tilespmem:$0x1C880] =	vst v63  }
0x43: {  	_ =	swait.ge @!p1 [sflag:s16], $0x800  }
0x44: {  	[sflag:s16] =	ssyncset.done @!p1 $0x0  }
0x45: {  	s9 =	simm.s32 @!p1 $0x7D;
	s11 =	simm.s32 @!p1 $0x1000;
	[sflag:s16] =	ssyncadd.s32 @!p1 $0xFFFFF800  }
0x46: {  	[tilespmem:s11], [sflag:$0x1] =	stream.indirect.gather @!p1 [hbm4b:s1+s9], $0x80, s15, s9, $0xb8;
	[tilespmem:$0x1C880] =	vst v63  }
0x47: {  	_ =	swait.ge [sflag:s21], $0x3E80  }
0x48: {  	[sflag:s21] =	ssyncset.done $0x0  }
0x49: {  	s15 =	rddreg [dreg:$0x5];
	[sflag:s21] =	ssyncadd.s32 $0xFFFFC180  }
0x4a: {  	[tilespmem:s22], [sflag:$0x1] =	stream.indirect.gather [hbm4b:s1+s19], $0x80, s15, s19, $0xb8;
	[tilespmem:$0x1C880] =	vst v63  }
0x4b: {  	_ = 	snop  }
0x4c: {  	[spmem:s3] =	stream.indirect.scatter.add.f32 [tilespmem:s20], [sflag:$0x2], $0x80, s23, s19, $0xb8;
	[tilespmem:$0x1C880] =	vst v63  }
0x4d: {  	_ =	swait.ge [sflag:s17], $0x3E80  }
0x4e: {  	[sflag:s17] =	ssyncset.done $0x0  }
0x4f: {  	[sflag:s17] =	ssyncadd.s32 $0xFFFFC180  }
0x50: {  	_ =	swait.ge [sflag:s21], $0x3E80  }
0x51: {  	[sflag:s21] =	ssyncset.done $0x0  }
0x52: {  	s16 =	rddreg [dreg:$0x6];
	[sflag:s21] =	ssyncadd.s32 $0xFFFFC180  }
0x53: {  	[tilespmem:s20], [sflag:$0x1] =	stream.indirect.gather [hbm4b:s1+s19], $0x80, s16, s19, $0xb8;
	[tilespmem:$0x1C880] =	vst v63  }
0x54: {  	_ = 	snop  }
0x55: {  	[spmem:s3] =	stream.indirect.scatter.add.f32 [tilespmem:s22], [sflag:$0x2], $0x80, s24, s19, $0xb8;
	[tilespmem:$0x1C880] =	vst v63  }
0x56: {  	_ =	swait.ge [sflag:s17], $0x3E80  }
0x57: {  	[sflag:s17] =	ssyncset.done $0x0  }
0x58: {  	[sflag:s17] =	ssyncadd.s32 $0xFFFFC180  }
0x59: {  	_ =	swait.ge [sflag:s21], $0x3E80  }
0x5a: {  	[sflag:s21] =	ssyncset.done $0x0  }
0x5b: {  	s23 =	rddreg [dreg:$0x7];
	[sflag:s21] =	ssyncadd.s32 $0xFFFFC180  }
0x5c: {  	[tilespmem:s22], [sflag:$0x1] =	stream.indirect.gather [hbm4b:s1+s19], $0x80, s23, s19, $0xb8;
	[tilespmem:$0x1C880] =	vst v63  }
0x5d: {  	_ = 	snop  }
0x5e: {  	[spmem:s3] =	stream.indirect.scatter.add.f32 [tilespmem:s20], [sflag:$0x2], $0x80, s25, s19, $0xb8;
	[tilespmem:$0x1C880] =	vst v63  }
0x5f: {  	_ =	swait.ge [sflag:s17], $0x3E80  }
0x60: {  	[sflag:s17] =	ssyncset.done $0x0  }
0x61: {  	[sflag:s17] =	ssyncadd.s32 $0xFFFFC180  }
0x62: {  	_ =	swait.ge [sflag:s21], $0x3E80  }
0x63: {  	[sflag:s21] =	ssyncset.done $0x0  }
0x64: {  	s4 =	rddreg [dreg:$0x8];
	[sflag:s21] =	ssyncadd.s32 $0xFFFFC180  }
0x65: {  	[tilespmem:s20], [sflag:$0x1] =	stream.indirect.gather [hbm4b:s1+s19], $0x80, s4, s19, $0xb8;
	[tilespmem:$0x1C880] =	vst v63  }
0x66: {  	_ = 	snop  }
0x67: {  	[spmem:s3] =	stream.indirect.scatter.add.f32 [tilespmem:s22], [sflag:$0x2], $0x80, s26, s19, $0xb8;
	[tilespmem:$0x1C880] =	vst v63  }
0x68: {  	_ =	swait.ge [sflag:s17], $0x3E80  }
0x69: {  	[sflag:s17] =	ssyncset.done $0x0  }
0x6a: {  	[sflag:s17] =	ssyncadd.s32 $0xFFFFC180  }
0x6b: {  	_ =	swait.ge [sflag:s21], $0x3E80  }
0x6c: {  	[sflag:s21] =	ssyncset.done $0x0  }
0x6d: {  	s11 =	rddreg [dreg:$0x9];
	[sflag:s21] =	ssyncadd.s32 $0xFFFFC180  }
0x6e: {  	[tilespmem:s22], [sflag:$0x1] =	stream.indirect.gather [hbm4b:s1+s19], $0x80, s11, s19, $0xb8;
	[tilespmem:$0x1C880] =	vst v63  }
0x6f: {  	_ = 	snop  }
0x70: {  	[spmem:s3] =	stream.indirect.scatter.add.f32 [tilespmem:s20], [sflag:$0x2], $0x80, s28, s19, $0xb8;
	[tilespmem:$0x1C880] =	vst v63  }
0x71: {  	_ =	swait.ge [sflag:s17], $0x3E80  }
0x72: {  	[sflag:s17] =	ssyncset.done $0x0  }
0x73: {  	[sflag:s17] =	ssyncadd.s32 $0xFFFFC180  }
0x74: {  	_ =	swait.ge [sflag:s21], $0x3E80  }
0x75: {  	[sflag:s21] =	ssyncset.done $0x0  }
0x76: {  	s14 =	rddreg [dreg:$0xa];
	[sflag:s21] =	ssyncadd.s32 $0xFFFFC180  }
0x77: {  	[tilespmem:s20], [sflag:$0x1] =	stream.indirect.gather [hbm4b:s1+s19], $0x80, s14, s19, $0xb8;
	[tilespmem:$0x1C880] =	vst v63  }
0x78: {  	_ = 	snop  }
0x79: {  	[spmem:s3] =	stream.indirect.scatter.add.f32 [tilespmem:s22], [sflag:$0x2], $0x80, s29, s19, $0xb8;
	[tilespmem:$0x1C880] =	vst v63  }
0x7a: {  	_ =	swait.ge [sflag:s17], $0x3E80  }
0x7b: {  	[sflag:s17] =	ssyncset.done $0x0  }
0x7c: {  	[sflag:s17] =	ssyncadd.s32 $0xFFFFC180  }
0x7d: {  	_ =	swait.ge [sflag:s21], $0x3E80  }
0x7e: {  	[sflag:s21] =	ssyncset.done $0x0  }
0x7f: {  	s15 =	rddreg [dreg:$0xb];
	[sflag:s21] =	ssyncadd.s32 $0xFFFFC180  }
0x80: {  	[tilespmem:s22], [sflag:$0x1] =	stream.indirect.gather [hbm4b:s1+s19], $0x80, s15, s19, $0xb8;
	[tilespmem:$0x1C880] =	vst v63  }
0x81: {  	_ = 	snop  }
0x82: {  	[spmem:s3] =	stream.indirect.scatter.add.f32 [tilespmem:s20], [sflag:$0x2], $0x80, s30, s19, $0xb8;
	[tilespmem:$0x1C880] =	vst v63  }
0x83: {  	_ =	swait.ge [sflag:s17], $0x3E80  }
0x84: {  	[sflag:s17] =	ssyncset.done $0x0  }
0x85: {  	[sflag:s17] =	ssyncadd.s32 $0xFFFFC180  }
0x86: {  	_ =	swait.ge [sflag:s21], $0x3E80  }
0x87: {  	[sflag:s21] =	ssyncset.done $0x0  }
0x88: {  	s16 =	rddreg [dreg:$0xc];
	[sflag:s21] =	ssyncadd.s32 $0xFFFFC180  }
0x89: {  	[tilespmem:s20], [sflag:$0x1] =	stream.indirect.gather [hbm4b:s1+s19], $0x80, s16, s19, $0xb8;
	[tilespmem:$0x1C880] =	vst v63  }
0x8a: {  	_ = 	snop  }
0x8b: {  	[spmem:s3] =	stream.indirect.scatter.add.f32 [tilespmem:s22], [sflag:$0x2], $0x80, s31, s19, $0xb8;
	[tilespmem:$0x1C880] =	vst v63  }
0x8c: {  	_ =	swait.ge [sflag:s17], $0x3E80  }
0x8d: {  	[sflag:s17] =	ssyncset.done $0x0  }
0x8e: {  	[sflag:s17] =	ssyncadd.s32 $0xFFFFC180  }
0x8f: {  	_ =	swait.ge [sflag:s21], $0x3E80  }
0x90: {  	[sflag:s21] =	ssyncset.done $0x0  }
0x91: {  	s23 =	rddreg [dreg:$0xd];
	[sflag:s21] =	ssyncadd.s32 $0xFFFFC180  }
0x92: {  	[tilespmem:s22], [sflag:$0x1] =	stream.indirect.gather [hbm4b:s1+s19], $0x80, s23, s19, $0xb8;
	[tilespmem:$0x1C880] =	vst v63  }
0x93: {  	_ = 	snop  }
0x94: {  	[spmem:s3] =	stream.indirect.scatter.add.f32 [tilespmem:s20], [sflag:$0x2], $0x80, s2, s19, $0xb8;
	[tilespmem:$0x1C880] =	vst v63  }
0x95: {  	_ =	swait.ge [sflag:s17], $0x3E80  }
0x96: {  	[sflag:s17] =	ssyncset.done $0x0  }
0x97: {  	[sflag:s17] =	ssyncadd.s32 $0xFFFFC180  }
0x98: {  	_ =	swait.ge [sflag:s21], $0x3E80  }
0x99: {  	[sflag:s21] =	ssyncset.done $0x0  }
0x9a: {  	s4 =	rddreg [dreg:$0xe];
	[sflag:s21] =	ssyncadd.s32 $0xFFFFC180  }
0x9b: {  	[tilespmem:s20], [sflag:$0x1] =	stream.indirect.gather [hbm4b:s1+s19], $0x80, s4, s19, $0xb8;
	[tilespmem:$0x1C880] =	vst v63  }
0x9c: {  	_ = 	snop  }
0x9d: {  	[spmem:s3] =	stream.indirect.scatter.add.f32 [tilespmem:s22], [sflag:$0x2], $0x80, s0, s19, $0xb8;
	[tilespmem:$0x1C880] =	vst v63  }
0x9e: {  	_ =	swait.ge [sflag:s17], $0x3E80  }
0x9f: {  	[sflag:s17] =	ssyncset.done $0x0  }
0xa0: {  	[sflag:s17] =	ssyncadd.s32 $0xFFFFC180  }
0xa1: {  	_ =	swait.ge [sflag:s21], $0x3E80  }
0xa2: {  	[sflag:s21] =	ssyncset.done $0x0  }
0xa3: {  	s11 =	rddreg [dreg:$0xf];
	[sflag:s21] =	ssyncadd.s32 $0xFFFFC180  }
0xa4: {  	[tilespmem:s22], [sflag:$0x1] =	stream.indirect.gather [hbm4b:s1+s19], $0x80, s11, s19, $0xb8;
	[tilespmem:$0x1C880] =	vst v63  }
0xa5: {  	_ = 	snop  }
0xa6: {  	[spmem:s3] =	stream.indirect.scatter.add.f32 [tilespmem:s20], [sflag:$0x2], $0x80, s5, s19, $0xb8;
	[tilespmem:$0x1C880] =	vst v63  }
0xa7: {  	_ =	swait.ge [sflag:s17], $0x3E80  }
0xa8: {  	[sflag:s17] =	ssyncset.done $0x0  }
0xa9: {  	[sflag:s17] =	ssyncadd.s32 $0xFFFFC180  }
0xaa: {  	_ =	swait.ge [sflag:s21], $0x3E80  }
0xab: {  	[sflag:s21] =	ssyncset.done $0x0  }
0xac: {  	s14 =	rddreg [dreg:$0x10];
	[sflag:s21] =	ssyncadd.s32 $0xFFFFC180  }
0xad: {  	[tilespmem:s20], [sflag:$0x1] =	stream.indirect.gather [hbm4b:s1+s19], $0x80, s14, s19, $0xb8;
	[tilespmem:$0x1C880] =	vst v63  }
0xae: {  	_ = 	snop  }
0xaf: {  	[spmem:s3] =	stream.indirect.scatter.add.f32 [tilespmem:s22], [sflag:$0x2], $0x80, s8, s19, $0xb8;
	[tilespmem:$0x1C880] =	vst v63  }
0xb0: {  	_ =	swait.ge [sflag:s17], $0x3E80  }
0xb1: {  	[sflag:s17] =	ssyncset.done $0x0  }
0xb2: {  	[sflag:s17] =	ssyncadd.s32 $0xFFFFC180  }
0xb3: {  	_ =	swait.ge [sflag:s21], $0x3E80  }
0xb4: {  	[sflag:s21] =	ssyncset.done $0x0  }
0xb5: {  	s15 =	rddreg [dreg:$0x11];
	[sflag:s21] =	ssyncadd.s32 $0xFFFFC180  }
0xb6: {  	[tilespmem:s22], [sflag:$0x1] =	stream.indirect.gather [hbm4b:s1+s19], $0x80, s15, s19, $0xb8;
	[tilespmem:$0x1C880] =	vst v63  }
0xb7: {  	_ = 	snop  }
0xb8: {  	[spmem:s3] =	stream.indirect.scatter.add.f32 [tilespmem:s20], [sflag:$0x2], $0x80, s10, s19, $0xb8;
	[tilespmem:$0x1C880] =	vst v63  }
0xb9: {  	_ =	swait.ge [sflag:s17], $0x3E80  }
0xba: {  	[sflag:s17] =	ssyncset.done $0x0  }
0xbb: {  	[sflag:s17] =	ssyncadd.s32 $0xFFFFC180  }
0xbc: {  	_ =	swait.ge [sflag:s21], $0x3E80  }
0xbd: {  	[sflag:s21] =	ssyncset.done $0x0  }
0xbe: {  	s16 =	rddreg [dreg:$0x12];
	[sflag:s21] =	ssyncadd.s32 $0xFFFFC180  }
0xbf: {  	[tilespmem:s20], [sflag:$0x1] =	stream.indirect.gather [hbm4b:s1+s19], $0x80, s16, s19, $0xb8;
	[tilespmem:$0x1C880] =	vst v63  }
0xc0: {  	_ = 	snop  }
0xc1: {  	[spmem:s3] =	stream.indirect.scatter.add.f32 [tilespmem:s22], [sflag:$0x2], $0x80, s12, s19, $0xb8;
	[tilespmem:$0x1C880] =	vst v63  }
0xc2: {  	_ =	swait.ge [sflag:s17], $0x3E80  }
0xc3: {  	[sflag:s17] =	ssyncset.done $0x0  }
0xc4: {  	[sflag:s17] =	ssyncadd.s32 $0xFFFFC180  }
0xc5: {  	_ =	swait.ge [sflag:s21], $0x3E80  }
0xc6: {  	[sflag:s21] =	ssyncset.done $0x0  }
0xc7: {  	s23 =	rddreg [dreg:$0x13];
	[sflag:s21] =	ssyncadd.s32 $0xFFFFC180  }
0xc8: {  	[tilespmem:s22], [sflag:$0x1] =	stream.indirect.gather [hbm4b:s1+s19], $0x80, s23, s19, $0xb8;
	[tilespmem:$0x1C880] =	vst v63  }
0xc9: {  	_ = 	snop  }
0xca: {  	[spmem:s3] =	stream.indirect.scatter.add.f32 [tilespmem:s20], [sflag:$0x2], $0x80, s13, s19, $0xb8;
	[tilespmem:$0x1C880] =	vst v63  }
0xcb: {  	_ =	swait.ge [sflag:s17], $0x3E80  }
0xcc: {  	[sflag:s17] =	ssyncset.done $0x0  }
0xcd: {  	[sflag:s17] =	ssyncadd.s32 $0xFFFFC180  }
0xce: {  	_ =	swait.ge [sflag:s21], $0x3E80  }
0xcf: {  	[sflag:s21] =	ssyncset.done $0x0  }
0xd0: {  	p2 =	por $0x0, $0x0;
	[sflag:s21] =	ssyncadd.s32 $0xFFFFC180  }
0xd1: {  	[spmem:s3] =	stream.indirect.scatter.add.f32 [tilespmem:s22], [sflag:$0x2], $0x80, s18, s19, $0xb8;
	[tilespmem:$0x1C880] =	vst v63  }
0xd2: {  	s11 =	simm.s32 $0x100;
	s15 =	simm.s32 $0x200;
	_ =	swait.ge [sflag:s17], $0x3E80  }
.LBB2_2:
0xd3: {  	s9 =	sadd.s32 @!p2 s11, s6;
	[sflag:s17] =	ssyncset.done $0x0  }
0xd4: {  	s16 =	simm.s32 @!p2 $0x0;
	s4 =	simm.s32 @!p2 $0x2;
	[sflag:s17] =	ssyncadd.s32 $0xFFFFC180  }
0xd5: {  	[tilespmem:s16], [sflag:$0x2] =	stream.linear.gather @!p2 [hbm4b:s9+s16], $0x800, $0x38;
	[tilespmem:$0x1C880] =	vst v63  }
0xd6: {  	_ =	swait.ge @!p2 [sflag:s4], $0x800  }
0xd7: {  	s23 =	smov.u32 s6;
	[sflag:s4] =	ssyncset.done @!p2 $0x0  }
0xd8: {  	s6 =	simm.s32 @!p2 $0x800;
	s9 =	sadd.s32 @!p2 s11, s7;
	[sflag:s4] =	ssyncadd.s32 @!p2 $0xFFFFF800  }
0xd9: {  	[tilespmem:s6], [sflag:$0x2] =	stream.linear.gather @!p2 [hbm4b:s9+s16], $0x800, $0x38;
	[tilespmem:$0x1C880] =	vst v63  }
0xda: {  	_ =	swait.ge @!p2 [sflag:s4], $0x800  }
0xdb: {  	[sflag:s4] =	ssyncset.done @!p2 $0x0  }
0xdc: {  	s6 =	simm.s32 @!p2 $0x7D;
	s9 =	simm.s32 @!p2 $0x1000;
	[sflag:s4] =	ssyncadd.s32 @!p2 $0xFFFFF800  }
0xdd: {  	[tilespmem:s9], [sflag:$0x1] =	stream.indirect.gather @!p2 [hbm4b:s1+s6], $0x80, s16, s6, $0xb8;
	[tilespmem:$0x1C880] =	vst v63  }
0xde: {  	_ =	swait.ge [sflag:s21], $0x3E80  }
0xdf: {  	[sflag:s21] =	ssyncset.done $0x0  }
0xe0: {  	s16 =	rddreg [dreg:$0x5];
	[sflag:s21] =	ssyncadd.s32 $0xFFFFC180  }
0xe1: {  	[tilespmem:s22], [sflag:$0x1] =	stream.indirect.gather [hbm4b:s1+s19], $0x80, s16, s19, $0xb8;
	[tilespmem:$0x1C880] =	vst v63  }
0xe2: {  	s9 =	simm.s32 $0x800  }
0xe3: {  	[spmem:s3] =	stream.indirect.scatter.add.f32 [tilespmem:s20], [sflag:$0x2], $0x80, s9, s19, $0xb8;
	[tilespmem:$0x1C880] =	vst v63  }
0xe4: {  	_ =	swait.ge [sflag:s17], $0x3E80  }
0xe5: {  	[sflag:s17] =	ssyncset.done $0x0  }
0xe6: {  	[sflag:s17] =	ssyncadd.s32 $0xFFFFC180  }
0xe7: {  	_ =	swait.ge [sflag:s21], $0x3E80  }
0xe8: {  	s14 =	smov.u32 s15;
	[sflag:s21] =	ssyncset.done $0x0  }
0xe9: {  	s11 =	smov.u32 s14;
	s14 =	rddreg [dreg:$0x6];
	[sflag:s21] =	ssyncadd.s32 $0xFFFFC180  }
0xea: {  	[tilespmem:s20], [sflag:$0x1] =	stream.indirect.gather [hbm4b:s1+s19], $0x80, s14, s19, $0xb8;
	[tilespmem:$0x1C880] =	vst v63  }
0xeb: {  	_ = 	snop  }
0xec: {  	[spmem:s3] =	stream.indirect.scatter.add.f32 [tilespmem:s22], [sflag:$0x2], $0x80, s24, s19, $0xb8;
	[tilespmem:$0x1C880] =	vst v63  }
0xed: {  	_ =	swait.ge [sflag:s17], $0x3E80  }
0xee: {  	[sflag:s17] =	ssyncset.done $0x0  }
0xef: {  	[sflag:s17] =	ssyncadd.s32 $0xFFFFC180  }
0xf0: {  	_ =	swait.ge [sflag:s21], $0x3E80  }
0xf1: {  	[sflag:s21] =	ssyncset.done $0x0  }
0xf2: {  	s16 =	rddreg [dreg:$0x7];
	[sflag:s21] =	ssyncadd.s32 $0xFFFFC180  }
0xf3: {  	[tilespmem:s22], [sflag:$0x1] =	stream.indirect.gather [hbm4b:s1+s19], $0x80, s16, s19, $0xb8;
	[tilespmem:$0x1C880] =	vst v63  }
0xf4: {  	_ = 	snop  }
0xf5: {  	[spmem:s3] =	stream.indirect.scatter.add.f32 [tilespmem:s20], [sflag:$0x2], $0x80, s25, s19, $0xb8;
	[tilespmem:$0x1C880] =	vst v63  }
0xf6: {  	_ =	swait.ge [sflag:s17], $0x3E80  }
0xf7: {  	[sflag:s17] =	ssyncset.done $0x0  }
0xf8: {  	[sflag:s17] =	ssyncadd.s32 $0xFFFFC180  }
0xf9: {  	_ =	swait.ge [sflag:s21], $0x3E80  }
0xfa: {  	[sflag:s21] =	ssyncset.done $0x0  }
0xfb: {  	s9 =	rddreg [dreg:$0x8];
	[sflag:s21] =	ssyncadd.s32 $0xFFFFC180  }
0xfc: {  	[tilespmem:s20], [sflag:$0x1] =	stream.indirect.gather [hbm4b:s1+s19], $0x80, s9, s19, $0xb8;
	[tilespmem:$0x1C880] =	vst v63  }
0xfd: {  	_ = 	snop  }
0xfe: {  	[spmem:s3] =	stream.indirect.scatter.add.f32 [tilespmem:s22], [sflag:$0x2], $0x80, s26, s19, $0xb8;
	[tilespmem:$0x1C880] =	vst v63  }
0xff: {  	_ =	swait.ge [sflag:s17], $0x3E80  }
0x100: {  	[sflag:s17] =	ssyncset.done $0x0  }
0x101: {  	[sflag:s17] =	ssyncadd.s32 $0xFFFFC180  }
0x102: {  	_ =	swait.ge [sflag:s21], $0x3E80  }
0x103: {  	[sflag:s21] =	ssyncset.done $0x0  }
0x104: {  	s14 =	rddreg [dreg:$0x9];
	[sflag:s21] =	ssyncadd.s32 $0xFFFFC180  }
0x105: {  	[tilespmem:s22], [sflag:$0x1] =	stream.indirect.gather [hbm4b:s1+s19], $0x80, s14, s19, $0xb8;
	[tilespmem:$0x1C880] =	vst v63  }
0x106: {  	_ = 	snop  }
0x107: {  	[spmem:s3] =	stream.indirect.scatter.add.f32 [tilespmem:s20], [sflag:$0x2], $0x80, s28, s19, $0xb8;
	[tilespmem:$0x1C880] =	vst v63  }
0x108: {  	_ =	swait.ge [sflag:s17], $0x3E80  }
0x109: {  	[sflag:s17] =	ssyncset.done $0x0  }
0x10a: {  	[sflag:s17] =	ssyncadd.s32 $0xFFFFC180  }
0x10b: {  	_ =	swait.ge [sflag:s21], $0x3E80  }
0x10c: {  	[sflag:s21] =	ssyncset.done $0x0  }
0x10d: {  	s16 =	rddreg [dreg:$0xa];
	[sflag:s21] =	ssyncadd.s32 $0xFFFFC180  }
0x10e: {  	[tilespmem:s20], [sflag:$0x1] =	stream.indirect.gather [hbm4b:s1+s19], $0x80, s16, s19, $0xb8;
	[tilespmem:$0x1C880] =	vst v63  }
0x10f: {  	_ = 	snop  }
0x110: {  	[spmem:s3] =	stream.indirect.scatter.add.f32 [tilespmem:s22], [sflag:$0x2], $0x80, s29, s19, $0xb8;
	[tilespmem:$0x1C880] =	vst v63  }
0x111: {  	_ =	swait.ge [sflag:s17], $0x3E80  }
0x112: {  	[sflag:s17] =	ssyncset.done $0x0  }
0x113: {  	[sflag:s17] =	ssyncadd.s32 $0xFFFFC180  }
0x114: {  	_ =	swait.ge [sflag:s21], $0x3E80  }
0x115: {  	[sflag:s21] =	ssyncset.done $0x0  }
0x116: {  	s9 =	rddreg [dreg:$0xb];
	[sflag:s21] =	ssyncadd.s32 $0xFFFFC180  }
0x117: {  	[tilespmem:s22], [sflag:$0x1] =	stream.indirect.gather [hbm4b:s1+s19], $0x80, s9, s19, $0xb8;
	[tilespmem:$0x1C880] =	vst v63  }
0x118: {  	_ = 	snop  }
0x119: {  	[spmem:s3] =	stream.indirect.scatter.add.f32 [tilespmem:s20], [sflag:$0x2], $0x80, s30, s19, $0xb8;
	[tilespmem:$0x1C880] =	vst v63  }
0x11a: {  	_ =	swait.ge [sflag:s17], $0x3E80  }
0x11b: {  	[sflag:s17] =	ssyncset.done $0x0  }
0x11c: {  	[sflag:s17] =	ssyncadd.s32 $0xFFFFC180  }
0x11d: {  	_ =	swait.ge [sflag:s21], $0x3E80  }
0x11e: {  	[sflag:s21] =	ssyncset.done $0x0  }
0x11f: {  	s14 =	rddreg [dreg:$0xc];
	[sflag:s21] =	ssyncadd.s32 $0xFFFFC180  }
0x120: {  	[tilespmem:s20], [sflag:$0x1] =	stream.indirect.gather [hbm4b:s1+s19], $0x80, s14, s19, $0xb8;
	[tilespmem:$0x1C880] =	vst v63  }
0x121: {  	_ = 	snop  }
0x122: {  	[spmem:s3] =	stream.indirect.scatter.add.f32 [tilespmem:s22], [sflag:$0x2], $0x80, s31, s19, $0xb8;
	[tilespmem:$0x1C880] =	vst v63  }
0x123: {  	_ =	swait.ge [sflag:s17], $0x3E80  }
0x124: {  	[sflag:s17] =	ssyncset.done $0x0  }
0x125: {  	[sflag:s17] =	ssyncadd.s32 $0xFFFFC180  }
0x126: {  	_ =	swait.ge [sflag:s21], $0x3E80  }
0x127: {  	[sflag:s21] =	ssyncset.done $0x0  }
0x128: {  	s16 =	rddreg [dreg:$0xd];
	[sflag:s21] =	ssyncadd.s32 $0xFFFFC180  }
0x129: {  	[tilespmem:s22], [sflag:$0x1] =	stream.indirect.gather [hbm4b:s1+s19], $0x80, s16, s19, $0xb8;
	[tilespmem:$0x1C880] =	vst v63  }
0x12a: {  	_ = 	snop  }
0x12b: {  	[spmem:s3] =	stream.indirect.scatter.add.f32 [tilespmem:s20], [sflag:$0x2], $0x80, s2, s19, $0xb8;
	[tilespmem:$0x1C880] =	vst v63  }
0x12c: {  	_ =	swait.ge [sflag:s17], $0x3E80  }
0x12d: {  	[sflag:s17] =	ssyncset.done $0x0  }
0x12e: {  	[sflag:s17] =	ssyncadd.s32 $0xFFFFC180  }
0x12f: {  	_ =	swait.ge [sflag:s21], $0x3E80  }
0x130: {  	[sflag:s21] =	ssyncset.done $0x0  }
0x131: {  	s9 =	rddreg [dreg:$0xe];
	[sflag:s21] =	ssyncadd.s32 $0xFFFFC180  }
0x132: {  	[tilespmem:s20], [sflag:$0x1] =	stream.indirect.gather [hbm4b:s1+s19], $0x80, s9, s19, $0xb8;
	[tilespmem:$0x1C880] =	vst v63  }
0x133: {  	_ = 	snop  }
0x134: {  	[spmem:s3] =	stream.indirect.scatter.add.f32 [tilespmem:s22], [sflag:$0x2], $0x80, s0, s19, $0xb8;
	[tilespmem:$0x1C880] =	vst v63  }
0x135: {  	_ =	swait.ge [sflag:s17], $0x3E80  }
0x136: {  	[sflag:s17] =	ssyncset.done $0x0  }
0x137: {  	[sflag:s17] =	ssyncadd.s32 $0xFFFFC180  }
0x138: {  	_ =	swait.ge [sflag:s21], $0x3E80  }
0x139: {  	[sflag:s21] =	ssyncset.done $0x0  }
0x13a: {  	s14 =	rddreg [dreg:$0xf];
	[sflag:s21] =	ssyncadd.s32 $0xFFFFC180  }
0x13b: {  	[tilespmem:s22], [sflag:$0x1] =	stream.indirect.gather [hbm4b:s1+s19], $0x80, s14, s19, $0xb8;
	[tilespmem:$0x1C880] =	vst v63  }
0x13c: {  	_ = 	snop  }
0x13d: {  	[spmem:s3] =	stream.indirect.scatter.add.f32 [tilespmem:s20], [sflag:$0x2], $0x80, s5, s19, $0xb8;
	[tilespmem:$0x1C880] =	vst v63  }
0x13e: {  	_ =	swait.ge [sflag:s17], $0x3E80  }
0x13f: {  	[sflag:s17] =	ssyncset.done $0x0  }
0x140: {  	[sflag:s17] =	ssyncadd.s32 $0xFFFFC180  }
0x141: {  	_ =	swait.ge [sflag:s21], $0x3E80  }
0x142: {  	[sflag:s21] =	ssyncset.done $0x0  }
0x143: {  	s16 =	rddreg [dreg:$0x10];
	[sflag:s21] =	ssyncadd.s32 $0xFFFFC180  }
0x144: {  	[tilespmem:s20], [sflag:$0x1] =	stream.indirect.gather [hbm4b:s1+s19], $0x80, s16, s19, $0xb8;
	[tilespmem:$0x1C880] =	vst v63  }
0x145: {  	_ = 	snop  }
0x146: {  	[spmem:s3] =	stream.indirect.scatter.add.f32 [tilespmem:s22], [sflag:$0x2], $0x80, s8, s19, $0xb8;
	[tilespmem:$0x1C880] =	vst v63  }
0x147: {  	_ =	swait.ge [sflag:s17], $0x3E80  }
0x148: {  	[sflag:s17] =	ssyncset.done $0x0  }
0x149: {  	[sflag:s17] =	ssyncadd.s32 $0xFFFFC180  }
0x14a: {  	_ =	swait.ge [sflag:s21], $0x3E80  }
0x14b: {  	[sflag:s21] =	ssyncset.done $0x0  }
0x14c: {  	s9 =	rddreg [dreg:$0x11];
	[sflag:s21] =	ssyncadd.s32 $0xFFFFC180  }
0x14d: {  	[tilespmem:s22], [sflag:$0x1] =	stream.indirect.gather [hbm4b:s1+s19], $0x80, s9, s19, $0xb8;
	[tilespmem:$0x1C880] =	vst v63  }
0x14e: {  	_ = 	snop  }
0x14f: {  	[spmem:s3] =	stream.indirect.scatter.add.f32 [tilespmem:s20], [sflag:$0x2], $0x80, s10, s19, $0xb8;
	[tilespmem:$0x1C880] =	vst v63  }
0x150: {  	_ =	swait.ge [sflag:s17], $0x3E80  }
0x151: {  	[sflag:s17] =	ssyncset.done $0x0  }
0x152: {  	[sflag:s17] =	ssyncadd.s32 $0xFFFFC180  }
0x153: {  	_ =	swait.ge [sflag:s21], $0x3E80  }
0x154: {  	[sflag:s21] =	ssyncset.done $0x0  }
0x155: {  	s14 =	rddreg [dreg:$0x12];
	[sflag:s21] =	ssyncadd.s32 $0xFFFFC180  }
0x156: {  	[tilespmem:s20], [sflag:$0x1] =	stream.indirect.gather [hbm4b:s1+s19], $0x80, s14, s19, $0xb8;
	[tilespmem:$0x1C880] =	vst v63  }
0x157: {  	_ = 	snop  }
0x158: {  	[spmem:s3] =	stream.indirect.scatter.add.f32 [tilespmem:s22], [sflag:$0x2], $0x80, s12, s19, $0xb8;
	[tilespmem:$0x1C880] =	vst v63  }
0x159: {  	_ =	swait.ge [sflag:s17], $0x3E80  }
0x15a: {  	[sflag:s17] =	ssyncset.done $0x0  }
0x15b: {  	[sflag:s17] =	ssyncadd.s32 $0xFFFFC180  }
0x15c: {  	_ =	swait.ge [sflag:s21], $0x3E80  }
0x15d: {  	[sflag:s21] =	ssyncset.done $0x0  }
0x15e: {  	s16 =	rddreg [dreg:$0x13];
	[sflag:s21] =	ssyncadd.s32 $0xFFFFC180  }
0x15f: {  	[tilespmem:s22], [sflag:$0x1] =	stream.indirect.gather [hbm4b:s1+s19], $0x80, s16, s19, $0xb8;
	[tilespmem:$0x1C880] =	vst v63  }
0x160: {  	_ = 	snop  }
0x161: {  	[spmem:s3] =	stream.indirect.scatter.add.f32 [tilespmem:s20], [sflag:$0x2], $0x80, s13, s19, $0xb8;
	[tilespmem:$0x1C880] =	vst v63  }
0x162: {  	_ =	swait.ge [sflag:s17], $0x3E80  }
0x163: {  	s15 =	sadd.s32 $0x100, s15;
	[sflag:s17] =	ssyncset.done $0x0  }
0x164: {  	p1 =	sne.s32 s15, $0x500;
	[sflag:s17] =	ssyncadd.s32 $0xFFFFC180  }
.Ltmp0:
0x165: {  	_ =	swait.ge [sflag:s21], $0x3E80;
	(pc) =	sbr.rel @p1 .LBB2_2-.Ltmp0, $4  }
0x166: {  	[sflag:s21] =	ssyncset.done $0x0  }
0x167: {  	[sflag:s21] =	ssyncadd.s32 $0xFFFFC180  }
0x168: {  	[spmem:s3] =	stream.indirect.scatter.add.f32 [tilespmem:s22], [sflag:$0x2], $0x80, s18, s19, $0xb8;
	[tilespmem:$0x1C880] =	vst v63  }
0x169: {  	s6 =	smov.u32 s23;
	p2 =	seq.s32 s11, $0x0;
	_ =	swait.ge [sflag:s17], $0x3E80  }
0x16a: {  	s4 =	sadd.s32 @!p2 s11, s6;
	[sflag:s17] =	ssyncset.done $0x0  }
0x16b: {  	s6 =	simm.s32 @!p2 $0x0;
	s9 =	simm.s32 @!p2 $0x2;
	[sflag:s17] =	ssyncadd.s32 $0xFFFFC180  }
0x16c: {  	[tilespmem:s6], [sflag:$0x2] =	stream.linear.gather @!p2 [hbm4b:s4+s6], $0x800, $0x38;
	[tilespmem:$0x1C880] =	vst v63  }
0x16d: {  	_ =	swait.ge @!p2 [sflag:s9], $0x800  }
0x16e: {  	[sflag:s9] =	ssyncset.done @!p2 $0x0  }
0x16f: {  	s4 =	sadd.s32 @!p2 s11, s7;
	s11 =	simm.s32 @!p2 $0x800;
	[sflag:s9] =	ssyncadd.s32 @!p2 $0xFFFFF800  }
0x170: {  	[tilespmem:s11], [sflag:$0x2] =	stream.linear.gather @!p2 [hbm4b:s4+s6], $0x800, $0x38;
	[tilespmem:$0x1C880] =	vst v63  }
0x171: {  	_ =	swait.ge @!p2 [sflag:s9], $0x800  }
0x172: {  	[sflag:s9] =	ssyncset.done @!p2 $0x0  }
0x173: {  	s4 =	simm.s32 @!p2 $0x7D;
	[sflag:s9] =	ssyncadd.s32 @!p2 $0xFFFFF800;
	s9 =	simm.s32 @!p2 $0x1000  }
0x174: {  	[tilespmem:s9], [sflag:$0x1] =	stream.indirect.gather @!p2 [hbm4b:s1+s4], $0x80, s6, s4, $0xb8;
	[tilespmem:$0x1C880] =	vst v63  }
0x175: {  	_ =	swait.ge [sflag:s21], $0x3E80  }
0x176: {  	[sflag:s21] =	ssyncset.done $0x0  }
0x177: {  	s0 =	rddreg [dreg:$0x5];
	[sflag:s21] =	ssyncadd.s32 $0xFFFFC180  }
0x178: {  	[tilespmem:s22], [sflag:$0x1] =	stream.indirect.gather [hbm4b:s1+s19], $0x80, s0, s19, $0xb8;
	[tilespmem:$0x1C880] =	vst v63  }
0x179: {  	s24 =	simm.s32 $0x800  }
0x17a: {  	[spmem:s3] =	stream.indirect.scatter.add.f32 [tilespmem:s20], [sflag:$0x2], $0x80, s24, s19, $0xb8;
	[tilespmem:$0x1C880] =	vst v63  }
0x17b: {  	_ =	swait.ge [sflag:s17], $0x3E80  }
0x17c: {  	[sflag:s17] =	ssyncset.done $0x0  }
0x17d: {  	[sflag:s17] =	ssyncadd.s32 $0xFFFFC180  }
0x17e: {  	_ =	swait.ge [sflag:s21], $0x3E80  }
0x17f: {  	[sflag:s21] =	ssyncset.done $0x0  }
0x180: {  	s2 =	rddreg [dreg:$0x6];
	[sflag:s21] =	ssyncadd.s32 $0xFFFFC180  }
0x181: {  	[tilespmem:s20], [sflag:$0x1] =	stream.indirect.gather [hbm4b:s1+s19], $0x80, s2, s19, $0xb8;
	[tilespmem:$0x1C880] =	vst v63  }
0x182: {  	s25 =	simm.s32 $0x880  }
0x183: {  	[spmem:s3] =	stream.indirect.scatter.add.f32 [tilespmem:s22], [sflag:$0x2], $0x80, s25, s19, $0xb8;
	[tilespmem:$0x1C880] =	vst v63  }
0x184: {  	_ =	swait.ge [sflag:s17], $0x3E80  }
0x185: {  	[sflag:s17] =	ssyncset.done $0x0  }
0x186: {  	[sflag:s17] =	ssyncadd.s32 $0xFFFFC180  }
0x187: {  	_ =	swait.ge [sflag:s21], $0x3E80  }
0x188: {  	[sflag:s21] =	ssyncset.done $0x0  }
0x189: {  	s5 =	rddreg [dreg:$0x7];
	[sflag:s21] =	ssyncadd.s32 $0xFFFFC180  }
0x18a: {  	[tilespmem:s22], [sflag:$0x1] =	stream.indirect.gather [hbm4b:s1+s19], $0x80, s5, s19, $0xb8;
	[tilespmem:$0x1C880] =	vst v63  }
0x18b: {  	s26 =	simm.s32 $0x900  }
0x18c: {  	[spmem:s3] =	stream.indirect.scatter.add.f32 [tilespmem:s20], [sflag:$0x2], $0x80, s26, s19, $0xb8;
	[tilespmem:$0x1C880] =	vst v63  }
0x18d: {  	_ =	swait.ge [sflag:s17], $0x3E80  }
0x18e: {  	[sflag:s17] =	ssyncset.done $0x0  }
0x18f: {  	[sflag:s17] =	ssyncadd.s32 $0xFFFFC180  }
0x190: {  	_ =	swait.ge [sflag:s21], $0x3E80  }
0x191: {  	[sflag:s21] =	ssyncset.done $0x0  }
0x192: {  	s6 =	rddreg [dreg:$0x8];
	[sflag:s21] =	ssyncadd.s32 $0xFFFFC180  }
0x193: {  	[tilespmem:s20], [sflag:$0x1] =	stream.indirect.gather [hbm4b:s1+s19], $0x80, s6, s19, $0xb8;
	[tilespmem:$0x1C880] =	vst v63  }
0x194: {  	s28 =	simm.s32 $0x980  }
0x195: {  	[spmem:s3] =	stream.indirect.scatter.add.f32 [tilespmem:s22], [sflag:$0x2], $0x80, s28, s19, $0xb8;
	[tilespmem:$0x1C880] =	vst v63  }
0x196: {  	_ =	swait.ge [sflag:s17], $0x3E80  }
0x197: {  	[sflag:s17] =	ssyncset.done $0x0  }
0x198: {  	[sflag:s17] =	ssyncadd.s32 $0xFFFFC180  }
0x199: {  	_ =	swait.ge [sflag:s21], $0x3E80  }
0x19a: {  	[sflag:s21] =	ssyncset.done $0x0  }
0x19b: {  	s8 =	rddreg [dreg:$0x9];
	[sflag:s21] =	ssyncadd.s32 $0xFFFFC180  }
0x19c: {  	[tilespmem:s22], [sflag:$0x1] =	stream.indirect.gather [hbm4b:s1+s19], $0x80, s8, s19, $0xb8;
	[tilespmem:$0x1C880] =	vst v63  }
0x19d: {  	s29 =	simm.s32 $0xA00  }
0x19e: {  	[spmem:s3] =	stream.indirect.scatter.add.f32 [tilespmem:s20], [sflag:$0x2], $0x80, s29, s19, $0xb8;
	[tilespmem:$0x1C880] =	vst v63  }
0x19f: {  	_ =	swait.ge [sflag:s17], $0x3E80  }
0x1a0: {  	[sflag:s17] =	ssyncset.done $0x0  }
0x1a1: {  	[sflag:s17] =	ssyncadd.s32 $0xFFFFC180  }
0x1a2: {  	_ =	swait.ge [sflag:s21], $0x3E80  }
0x1a3: {  	[sflag:s21] =	ssyncset.done $0x0  }
0x1a4: {  	s9 =	rddreg [dreg:$0xa];
	[sflag:s21] =	ssyncadd.s32 $0xFFFFC180  }
0x1a5: {  	[tilespmem:s20], [sflag:$0x1] =	stream.indirect.gather [hbm4b:s1+s19], $0x80, s9, s19, $0xb8;
	[tilespmem:$0x1C880] =	vst v63  }
0x1a6: {  	s30 =	simm.s32 $0xA80  }
0x1a7: {  	[spmem:s3] =	stream.indirect.scatter.add.f32 [tilespmem:s22], [sflag:$0x2], $0x80, s30, s19, $0xb8;
	[tilespmem:$0x1C880] =	vst v63  }
0x1a8: {  	_ =	swait.ge [sflag:s17], $0x3E80  }
0x1a9: {  	[sflag:s17] =	ssyncset.done $0x0  }
0x1aa: {  	[sflag:s17] =	ssyncadd.s32 $0xFFFFC180  }
0x1ab: {  	_ =	swait.ge [sflag:s21], $0x3E80  }
0x1ac: {  	[sflag:s21] =	ssyncset.done $0x0  }
0x1ad: {  	s10 =	rddreg [dreg:$0xb];
	[sflag:s21] =	ssyncadd.s32 $0xFFFFC180  }
0x1ae: {  	[tilespmem:s22], [sflag:$0x1] =	stream.indirect.gather [hbm4b:s1+s19], $0x80, s10, s19, $0xb8;
	[tilespmem:$0x1C880] =	vst v63  }
0x1af: {  	s0 =	simm.s32 $0xB00  }
0x1b0: {  	[spmem:s3] =	stream.indirect.scatter.add.f32 [tilespmem:s20], [sflag:$0x2], $0x80, s0, s19, $0xb8;
	[tilespmem:$0x1C880] =	vst v63  }
0x1b1: {  	_ =	swait.ge [sflag:s17], $0x3E80  }
0x1b2: {  	[sflag:s17] =	ssyncset.done $0x0  }
0x1b3: {  	[sflag:s17] =	ssyncadd.s32 $0xFFFFC180  }
0x1b4: {  	_ =	swait.ge [sflag:s21], $0x3E80  }
0x1b5: {  	[sflag:s21] =	ssyncset.done $0x0  }
0x1b6: {  	s11 =	rddreg [dreg:$0xc];
	[sflag:s21] =	ssyncadd.s32 $0xFFFFC180  }
0x1b7: {  	[tilespmem:s20], [sflag:$0x1] =	stream.indirect.gather [hbm4b:s1+s19], $0x80, s11, s19, $0xb8;
	[tilespmem:$0x1C880] =	vst v63  }
0x1b8: {  	s12 =	simm.s32 $0xB80  }
0x1b9: {  	[spmem:s3] =	stream.indirect.scatter.add.f32 [tilespmem:s22], [sflag:$0x2], $0x80, s12, s19, $0xb8;
	[tilespmem:$0x1C880] =	vst v63  }
0x1ba: {  	_ =	swait.ge [sflag:s17], $0x3E80  }
0x1bb: {  	[sflag:s17] =	ssyncset.done $0x0  }
0x1bc: {  	[sflag:s17] =	ssyncadd.s32 $0xFFFFC180  }
0x1bd: {  	_ =	swait.ge [sflag:s21], $0x3E80  }
0x1be: {  	[sflag:s21] =	ssyncset.done $0x0  }
0x1bf: {  	s13 =	rddreg [dreg:$0xd];
	[sflag:s21] =	ssyncadd.s32 $0xFFFFC180  }
0x1c0: {  	[tilespmem:s22], [sflag:$0x1] =	stream.indirect.gather [hbm4b:s1+s19], $0x80, s13, s19, $0xb8;
	[tilespmem:$0x1C880] =	vst v63  }
0x1c1: {  	s5 =	simm.s32 $0xC00  }
0x1c2: {  	[spmem:s3] =	stream.indirect.scatter.add.f32 [tilespmem:s20], [sflag:$0x2], $0x80, s5, s19, $0xb8;
	[tilespmem:$0x1C880] =	vst v63  }
0x1c3: {  	_ =	swait.ge [sflag:s17], $0x3E80  }
0x1c4: {  	[sflag:s17] =	ssyncset.done $0x0  }
0x1c5: {  	[sflag:s17] =	ssyncadd.s32 $0xFFFFC180  }
0x1c6: {  	_ =	swait.ge [sflag:s21], $0x3E80  }
0x1c7: {  	[sflag:s21] =	ssyncset.done $0x0  }
0x1c8: {  	s14 =	rddreg [dreg:$0xe];
	[sflag:s21] =	ssyncadd.s32 $0xFFFFC180  }
0x1c9: {  	[tilespmem:s20], [sflag:$0x1] =	stream.indirect.gather [hbm4b:s1+s19], $0x80, s14, s19, $0xb8;
	[tilespmem:$0x1C880] =	vst v63  }
0x1ca: {  	s8 =	simm.s32 $0xC80  }
0x1cb: {  	[spmem:s3] =	stream.indirect.scatter.add.f32 [tilespmem:s22], [sflag:$0x2], $0x80, s8, s19, $0xb8;
	[tilespmem:$0x1C880] =	vst v63  }
0x1cc: {  	_ =	swait.ge [sflag:s17], $0x3E80  }
0x1cd: {  	[sflag:s17] =	ssyncset.done $0x0  }
0x1ce: {  	[sflag:s17] =	ssyncadd.s32 $0xFFFFC180  }
0x1cf: {  	_ =	swait.ge [sflag:s21], $0x3E80  }
0x1d0: {  	[sflag:s21] =	ssyncset.done $0x0  }
0x1d1: {  	s15 =	rddreg [dreg:$0xf];
	[sflag:s21] =	ssyncadd.s32 $0xFFFFC180  }
0x1d2: {  	[tilespmem:s22], [sflag:$0x1] =	stream.indirect.gather [hbm4b:s1+s19], $0x80, s15, s19, $0xb8;
	[tilespmem:$0x1C880] =	vst v63  }
0x1d3: {  	s10 =	simm.s32 $0xD00  }
0x1d4: {  	[spmem:s3] =	stream.indirect.scatter.add.f32 [tilespmem:s20], [sflag:$0x2], $0x80, s10, s19, $0xb8;
	[tilespmem:$0x1C880] =	vst v63  }
0x1d5: {  	_ =	swait.ge [sflag:s17], $0x3E80  }
0x1d6: {  	[sflag:s17] =	ssyncset.done $0x0  }
0x1d7: {  	[sflag:s17] =	ssyncadd.s32 $0xFFFFC180  }
0x1d8: {  	_ =	swait.ge [sflag:s21], $0x3E80  }
0x1d9: {  	[sflag:s21] =	ssyncset.done $0x0  }
0x1da: {  	s16 =	rddreg [dreg:$0x10];
	[sflag:s21] =	ssyncadd.s32 $0xFFFFC180  }
0x1db: {  	[tilespmem:s20], [sflag:$0x1] =	stream.indirect.gather [hbm4b:s1+s19], $0x80, s16, s19, $0xb8;
	[tilespmem:$0x1C880] =	vst v63  }
0x1dc: {  	s12 =	simm.s32 $0xD80  }
0x1dd: {  	[spmem:s3] =	stream.indirect.scatter.add.f32 [tilespmem:s22], [sflag:$0x2], $0x80, s12, s19, $0xb8;
	[tilespmem:$0x1C880] =	vst v63  }
0x1de: {  	_ =	swait.ge [sflag:s17], $0x3E80  }
0x1df: {  	[sflag:s17] =	ssyncset.done $0x0  }
0x1e0: {  	[sflag:s17] =	ssyncadd.s32 $0xFFFFC180  }
0x1e1: {  	_ =	swait.ge [sflag:s21], $0x3E80  }
0x1e2: {  	[sflag:s21] =	ssyncset.done $0x0  }
0x1e3: {  	s18 =	rddreg [dreg:$0x11];
	[sflag:s21] =	ssyncadd.s32 $0xFFFFC180  }
0x1e4: {  	[tilespmem:s22], [sflag:$0x1] =	stream.indirect.gather [hbm4b:s1+s19], $0x80, s18, s19, $0xb8;
	[tilespmem:$0x1C880] =	vst v63  }
0x1e5: {  	s13 =	simm.s32 $0xE00  }
0x1e6: {  	[spmem:s3] =	stream.indirect.scatter.add.f32 [tilespmem:s20], [sflag:$0x2], $0x80, s13, s19, $0xb8;
	[tilespmem:$0x1C880] =	vst v63  }
0x1e7: {  	_ =	swait.ge [sflag:s17], $0x3E80  }
0x1e8: {  	[sflag:s17] =	ssyncset.done $0x0  }
0x1e9: {  	[sflag:s17] =	ssyncadd.s32 $0xFFFFC180  }
0x1ea: {  	_ =	swait.ge [sflag:s21], $0x3E80  }
0x1eb: {  	[sflag:s21] =	ssyncset.done $0x0  }
0x1ec: {  	s0 =	rddreg [dreg:$0x12];
	[sflag:s21] =	ssyncadd.s32 $0xFFFFC180  }
0x1ed: {  	[tilespmem:s20], [sflag:$0x1] =	stream.indirect.gather [hbm4b:s1+s19], $0x80, s0, s19, $0xb8;
	[tilespmem:$0x1C880] =	vst v63  }
0x1ee: {  	s18 =	simm.s32 $0xE80  }
0x1ef: {  	[spmem:s3] =	stream.indirect.scatter.add.f32 [tilespmem:s22], [sflag:$0x2], $0x80, s18, s19, $0xb8;
	[tilespmem:$0x1C880] =	vst v63  }
0x1f0: {  	_ =	swait.ge [sflag:s17], $0x3E80  }
0x1f1: {  	[sflag:s17] =	ssyncset.done $0x0  }
0x1f2: {  	[sflag:s17] =	ssyncadd.s32 $0xFFFFC180  }
0x1f3: {  	_ =	swait.ge [sflag:s21], $0x3E80  }
0x1f4: {  	[sflag:s21] =	ssyncset.done $0x0  }
0x1f5: {  	s2 =	rddreg [dreg:$0x13];
	[sflag:s21] =	ssyncadd.s32 $0xFFFFC180  }
0x1f6: {  	[tilespmem:s22], [sflag:$0x1] =	stream.indirect.gather [hbm4b:s1+s19], $0x80, s2, s19, $0xb8;
	[tilespmem:$0x1C880] =	vst v63  }
0x1f7: {  	s16 =	simm.s32 $0xF00  }
0x1f8: {  	[spmem:s3] =	stream.indirect.scatter.add.f32 [tilespmem:s20], [sflag:$0x2], $0x80, s16, s19, $0xb8;
	[tilespmem:$0x1C880] =	vst v63  }
0x1f9: {  	_ =	swait.ge [sflag:s17], $0x3E80  }
0x1fa: {  	[sflag:s17] =	ssyncset.done $0x0  }
0x1fb: {  	[sflag:s17] =	ssyncadd.s32 $0xFFFFC180  }
0x1fc: {  	_ =	swait.ge [sflag:s21], $0x3E80  }
0x1fd: {  	[sflag:s21] =	ssyncset.done $0x0  }
0x1fe: {  	s15 =	simm.s32 $0xF80;
	[sflag:s21] =	ssyncadd.s32 $0xFFFFC180  }
0x1ff: {  	[spmem:s3] =	stream.indirect.scatter.add.f32 [tilespmem:s22], [sflag:$0x2], $0x80, s15, s19, $0xb8;
	[tilespmem:$0x1C880] =	vst v63  }
0x200: {  	_ =	swait.ge [sflag:s17], $0x3E80  }
0x201: {  	[sflag:s17] =	ssyncset.done $0x0  }
0x202: {  	[sflag:s17] =	ssyncadd.s32 $0xFFFFC180  }
0x203: {  	[bflag:$0x0] =	sbarrier.arrive $0xFFFF  }
0x204: {  	s6 =	rddreg [dreg:$0x1a]  }
0x205: {  	s4 =	simm.s32 @p0 $0x1FC2;
	s31 =	rddreg [dreg:$0x1f]  }
0x206: {  	[hbm:s6], [sflag:s4] =	dma.local @p0 [spmem:s31], $0x2080  }
0x207: {  	s6 =	simm.s32 @p0 $0x2  }
0x208: {  	_ =	swait.ge @p0 [sflag:s6], $0x2080  }
0x209: {  	s0 =	sld [smem:$0x7FC]  }
0x20a: {  	s2 =	sld [smem:$0x7FD]  }
0x20b: {  	[sflag:s6] =	ssyncset.done @p0 $0x0  }
0x20c: {  	s9 =	rddreg [dreg:$0x19];
	[sflag:s6] =	ssyncadd.s32 @p0 $0xFFFFDF80  }
0x20d: {  	[hbm:s9], [sflag:s0] =	dma.local @!p0 [spmem:s2], $0x2780  }
0x20e: {  	s9 =	simm.s32 @!p0 $0x2  }
0x20f: {  	_ =	swait.ge @!p0 [sflag:s9], $0x2780  }
0x210: {  	[sflag:s9] =	ssyncset.done @!p0 $0x0  }
0x211: {  	s14 =	simm.s32 $0x0;
	s11 =	rddreg [dreg:$0x14];
	[sflag:s9] =	ssyncadd.s32 @!p0 $0xFFFFD880  }
0x212: {  	[tilespmem:s20], [sflag:$0x2] =	stream.linear.gather [hbm4b:s11+s14], $0x3E80, $0x38;
	[tilespmem:$0x1C880] =	vst v63  }
0x213: {  	_ =	swait.ge [sflag:s17], $0x3E80  }
0x214: {  	[sflag:s17] =	ssyncset.done $0x0  }
0x215: {  	s11 =	rddreg [dreg:$0x18];
	[sflag:s17] =	ssyncadd.s32 $0xFFFFC180  }
0x216: {  	[spmem:s31], [sflag:s4] =	dma.local @p0 [hbm:s11], $0x2080  }
0x217: {  	_ =	swait.ge @p0 [sflag:s6], $0x2080  }
0x218: {  	[sflag:s6] =	ssyncset.done @p0 $0x0  }
0x219: {  	s4 =	rddreg [dreg:$0x16];
	[sflag:s6] =	ssyncadd.s32 @p0 $0xFFFFDF80  }
0x21a: {  	[spmem:s2], [sflag:s0] =	dma.local @!p0 [hbm:s4], $0x2780  }
0x21b: {  	_ =	swait.ge @!p0 [sflag:s9], $0x2780  }
0x21c: {  	[sflag:s9] =	ssyncset.done @!p0 $0x0  }
0x21d: {  	[sflag:s9] =	ssyncadd.s32 @!p0 $0xFFFFD880  }
0x21e: {  	s6 =	sadd.s32 $0x0, s7;
	[bflag:$0x0] =	sbarrier.arrive $0xFFFF  }
0x21f: {  	[tilespmem:s24], [sflag:$0x2] =	stream.linear.gather [hbm4b:s6+s14], $0x800, $0x38;
	[tilespmem:$0x1C880] =	vst v63  }
0x220: {  	_ =	swait.ge [sflag:s17], $0x800  }
0x221: {  	[sflag:s17] =	ssyncset.done $0x0  }
0x222: {  	[sflag:s17] =	ssyncadd.s32 $0xFFFFF800  }
0x223: {  	[spmem:s3] =	stream.indirect.scatter.add.f32 [tilespmem:s20], [sflag:$0x1], $0x80, s24, s19, $0xb8;
	[tilespmem:$0x1C880] =	vst v63  }
0x224: {  	_ = 	snop  }
0x225: {  	[spmem:s3] =	stream.indirect.scatter.add.f32 [tilespmem:s20], [sflag:$0x1], $0x80, s25, s19, $0xb8;
	[tilespmem:$0x1C880] =	vst v63  }
0x226: {  	_ = 	snop  }
0x227: {  	[spmem:s3] =	stream.indirect.scatter.add.f32 [tilespmem:s20], [sflag:$0x1], $0x80, s26, s19, $0xb8;
	[tilespmem:$0x1C880] =	vst v63  }
0x228: {  	_ = 	snop  }
0x229: {  	[spmem:s3] =	stream.indirect.scatter.add.f32 [tilespmem:s20], [sflag:$0x1], $0x80, s28, s19, $0xb8;
	[tilespmem:$0x1C880] =	vst v63  }
0x22a: {  	_ = 	snop  }
0x22b: {  	[spmem:s3] =	stream.indirect.scatter.add.f32 [tilespmem:s20], [sflag:$0x1], $0x80, s29, s19, $0xb8;
	[tilespmem:$0x1C880] =	vst v63  }
0x22c: {  	_ = 	snop  }
0x22d: {  	[spmem:s3] =	stream.indirect.scatter.add.f32 [tilespmem:s20], [sflag:$0x1], $0x80, s30, s19, $0xb8;
	[tilespmem:$0x1C880] =	vst v63  }
0x22e: {  	s9 =	simm.s32 $0xB00  }
0x22f: {  	[spmem:s3] =	stream.indirect.scatter.add.f32 [tilespmem:s20], [sflag:$0x1], $0x80, s9, s19, $0xb8;
	[tilespmem:$0x1C880] =	vst v63  }
0x230: {  	s11 =	simm.s32 $0xB80  }
0x231: {  	[spmem:s3] =	stream.indirect.scatter.add.f32 [tilespmem:s20], [sflag:$0x1], $0x80, s11, s19, $0xb8;
	[tilespmem:$0x1C880] =	vst v63  }
0x232: {  	_ = 	snop  }
0x233: {  	[spmem:s3] =	stream.indirect.scatter.add.f32 [tilespmem:s20], [sflag:$0x1], $0x80, s5, s19, $0xb8;
	[tilespmem:$0x1C880] =	vst v63  }
0x234: {  	_ = 	snop  }
0x235: {  	[spmem:s3] =	stream.indirect.scatter.add.f32 [tilespmem:s20], [sflag:$0x1], $0x80, s8, s19, $0xb8;
	[tilespmem:$0x1C880] =	vst v63  }
0x236: {  	_ = 	snop  }
0x237: {  	[spmem:s3] =	stream.indirect.scatter.add.f32 [tilespmem:s20], [sflag:$0x1], $0x80, s10, s19, $0xb8;
	[tilespmem:$0x1C880] =	vst v63  }
0x238: {  	_ = 	snop  }
0x239: {  	[spmem:s3] =	stream.indirect.scatter.add.f32 [tilespmem:s20], [sflag:$0x1], $0x80, s12, s19, $0xb8;
	[tilespmem:$0x1C880] =	vst v63  }
0x23a: {  	_ = 	snop  }
0x23b: {  	[spmem:s3] =	stream.indirect.scatter.add.f32 [tilespmem:s20], [sflag:$0x1], $0x80, s13, s19, $0xb8;
	[tilespmem:$0x1C880] =	vst v63  }
0x23c: {  	_ = 	snop  }
0x23d: {  	[spmem:s3] =	stream.indirect.scatter.add.f32 [tilespmem:s20], [sflag:$0x1], $0x80, s18, s19, $0xb8;
	[tilespmem:$0x1C880] =	vst v63  }
0x23e: {  	_ = 	snop  }
0x23f: {  	[spmem:s3] =	stream.indirect.scatter.add.f32 [tilespmem:s20], [sflag:$0x1], $0x80, s16, s19, $0xb8;
	[tilespmem:$0x1C880] =	vst v63  }
0x240: {  	_ = 	snop  }
0x241: {  	[spmem:s3] =	stream.indirect.scatter.add.f32 [tilespmem:s20], [sflag:$0x1], $0x80, s15, s19, $0xb8;
	[tilespmem:$0x1C880] =	vst v63  }
0x242: {  	_ =	swait.ge [sflag:s21], $0x3E80  }
0x243: {  	[sflag:s21] =	ssyncset.done $0x0  }
0x244: {  	[sflag:s21] =	ssyncadd.s32 $0xFFFFC180  }
0x245: {  	_ =	swait.ge [sflag:s21], $0x3E80  }
0x246: {  	[sflag:s21] =	ssyncset.done $0x0  }
0x247: {  	[sflag:s21] =	ssyncadd.s32 $0xFFFFC180  }
0x248: {  	_ =	swait.ge [sflag:s21], $0x3E80  }
0x249: {  	[sflag:s21] =	ssyncset.done $0x0  }
0x24a: {  	[sflag:s21] =	ssyncadd.s32 $0xFFFFC180  }
0x24b: {  	_ =	swait.ge [sflag:s21], $0x3E80  }
0x24c: {  	[sflag:s21] =	ssyncset.done $0x0  }
0x24d: {  	[sflag:s21] =	ssyncadd.s32 $0xFFFFC180  }
0x24e: {  	_ =	swait.ge [sflag:s21], $0x3E80  }
0x24f: {  	[sflag:s21] =	ssyncset.done $0x0  }
0x250: {  	[sflag:s21] =	ssyncadd.s32 $0xFFFFC180  }
0x251: {  	_ =	swait.ge [sflag:s21], $0x3E80  }
0x252: {  	[sflag:s21] =	ssyncset.done $0x0  }
0x253: {  	[sflag:s21] =	ssyncadd.s32 $0xFFFFC180  }
0x254: {  	_ =	swait.ge [sflag:s21], $0x3E80  }
0x255: {  	[sflag:s21] =	ssyncset.done $0x0  }
0x256: {  	[sflag:s21] =	ssyncadd.s32 $0xFFFFC180  }
0x257: {  	_ =	swait.ge [sflag:s21], $0x3E80  }
0x258: {  	[sflag:s21] =	ssyncset.done $0x0  }
0x259: {  	[sflag:s21] =	ssyncadd.s32 $0xFFFFC180  }
0x25a: {  	_ =	swait.ge [sflag:s21], $0x3E80  }
0x25b: {  	[sflag:s21] =	ssyncset.done $0x0  }
0x25c: {  	[sflag:s21] =	ssyncadd.s32 $0xFFFFC180  }
0x25d: {  	_ =	swait.ge [sflag:s21], $0x3E80  }
0x25e: {  	[sflag:s21] =	ssyncset.done $0x0  }
0x25f: {  	[sflag:s21] =	ssyncadd.s32 $0xFFFFC180  }
0x260: {  	_ =	swait.ge [sflag:s21], $0x3E80  }
0x261: {  	[sflag:s21] =	ssyncset.done $0x0  }
0x262: {  	[sflag:s21] =	ssyncadd.s32 $0xFFFFC180  }
0x263: {  	_ =	swait.ge [sflag:s21], $0x3E80  }
0x264: {  	[sflag:s21] =	ssyncset.done $0x0  }
0x265: {  	[sflag:s21] =	ssyncadd.s32 $0xFFFFC180  }
0x266: {  	_ =	swait.ge [sflag:s21], $0x3E80  }
0x267: {  	[sflag:s21] =	ssyncset.done $0x0  }
0x268: {  	s31 =	simm.s32 $0xB80;
	[sflag:s21] =	ssyncadd.s32 $0xFFFFC180  }
0x269: {  	s2 =	simm.s32 $0xC00;
	s0 =	simm.s32 $0xC80;
	_ =	swait.ge [sflag:s21], $0x3E80  }
0x26a: {  	s24 =	simm.s32 $0x880;
	s25 =	simm.s32 $0x900;
	[sflag:s21] =	ssyncset.done $0x0  }
0x26b: {  	s26 =	simm.s32 $0x980;
	s28 =	simm.s32 $0xA00;
	[sflag:s21] =	ssyncadd.s32 $0xFFFFC180  }
0x26c: {  	s29 =	simm.s32 $0xA80;
	s30 =	simm.s32 $0xB00;
	_ =	swait.ge [sflag:s21], $0x3E80  }
0x26d: {  	s11 =	simm.s32 $0x100;
	s5 =	simm.s32 $0xD00;
	[sflag:s21] =	ssyncset.done $0x0  }
0x26e: {  	s8 =	simm.s32 $0xD80;
	s10 =	simm.s32 $0xE00;
	[sflag:s21] =	ssyncadd.s32 $0xFFFFC180  }
0x26f: {  	s12 =	simm.s32 $0xE80;
	s13 =	simm.s32 $0xF00;
	_ =	swait.ge [sflag:s21], $0x3E80  }
0x270: {  	s18 =	simm.s32 $0xF80;
	s15 =	simm.s32 $0x200;
	[sflag:s21] =	ssyncset.done $0x0  }
.LBB2_4:
0x271: {  	s4 =	sadd.s32 s11, s7;
	[sflag:s21] =	ssyncadd.s32 $0xFFFFC180  }
0x272: {  	s11 =	smov.u32 s15;
	s16 =	sadd.s32 $0x100, s15;
	s6 =	simm.s32 $0x800  }
0x273: {  	[tilespmem:s6], [sflag:$0x2] =	stream.linear.gather [hbm4b:s4+s14], $0x800, $0x38;
	[tilespmem:$0x1C880] =	vst v63  }
0x274: {  	p1 =	sne.s32 s15, $0x400;
	_ =	swait.ge [sflag:s17], $0x800  }
0x275: {  	[sflag:s17] =	ssyncset.done $0x0  }
0x276: {  	[sflag:s17] =	ssyncadd.s32 $0xFFFFF800  }
0x277: {  	[spmem:s3] =	stream.indirect.scatter.add.f32 [tilespmem:s20], [sflag:$0x1], $0x80, s6, s19, $0xb8;
	[tilespmem:$0x1C880] =	vst v63  }
0x278: {  	_ = 	snop  }
0x279: {  	[spmem:s3] =	stream.indirect.scatter.add.f32 [tilespmem:s20], [sflag:$0x1], $0x80, s24, s19, $0xb8;
	[tilespmem:$0x1C880] =	vst v63  }
0x27a: {  	_ = 	snop  }
0x27b: {  	[spmem:s3] =	stream.indirect.scatter.add.f32 [tilespmem:s20], [sflag:$0x1], $0x80, s25, s19, $0xb8;
	[tilespmem:$0x1C880] =	vst v63  }
0x27c: {  	_ = 	snop  }
0x27d: {  	[spmem:s3] =	stream.indirect.scatter.add.f32 [tilespmem:s20], [sflag:$0x1], $0x80, s26, s19, $0xb8;
	[tilespmem:$0x1C880] =	vst v63  }
0x27e: {  	_ = 	snop  }
0x27f: {  	[spmem:s3] =	stream.indirect.scatter.add.f32 [tilespmem:s20], [sflag:$0x1], $0x80, s28, s19, $0xb8;
	[tilespmem:$0x1C880] =	vst v63  }
0x280: {  	_ = 	snop  }
0x281: {  	[spmem:s3] =	stream.indirect.scatter.add.f32 [tilespmem:s20], [sflag:$0x1], $0x80, s29, s19, $0xb8;
	[tilespmem:$0x1C880] =	vst v63  }
0x282: {  	_ = 	snop  }
0x283: {  	[spmem:s3] =	stream.indirect.scatter.add.f32 [tilespmem:s20], [sflag:$0x1], $0x80, s30, s19, $0xb8;
	[tilespmem:$0x1C880] =	vst v63  }
0x284: {  	_ = 	snop  }
0x285: {  	[spmem:s3] =	stream.indirect.scatter.add.f32 [tilespmem:s20], [sflag:$0x1], $0x80, s31, s19, $0xb8;
	[tilespmem:$0x1C880] =	vst v63  }
0x286: {  	_ = 	snop  }
0x287: {  	[spmem:s3] =	stream.indirect.scatter.add.f32 [tilespmem:s20], [sflag:$0x1], $0x80, s2, s19, $0xb8;
	[tilespmem:$0x1C880] =	vst v63  }
0x288: {  	_ = 	snop  }
0x289: {  	[spmem:s3] =	stream.indirect.scatter.add.f32 [tilespmem:s20], [sflag:$0x1], $0x80, s0, s19, $0xb8;
	[tilespmem:$0x1C880] =	vst v63  }
0x28a: {  	_ = 	snop  }
0x28b: {  	[spmem:s3] =	stream.indirect.scatter.add.f32 [tilespmem:s20], [sflag:$0x1], $0x80, s5, s19, $0xb8;
	[tilespmem:$0x1C880] =	vst v63  }
0x28c: {  	_ = 	snop  }
0x28d: {  	[spmem:s3] =	stream.indirect.scatter.add.f32 [tilespmem:s20], [sflag:$0x1], $0x80, s8, s19, $0xb8;
	[tilespmem:$0x1C880] =	vst v63  }
0x28e: {  	_ = 	snop  }
0x28f: {  	[spmem:s3] =	stream.indirect.scatter.add.f32 [tilespmem:s20], [sflag:$0x1], $0x80, s10, s19, $0xb8;
	[tilespmem:$0x1C880] =	vst v63  }
0x290: {  	_ = 	snop  }
0x291: {  	[spmem:s3] =	stream.indirect.scatter.add.f32 [tilespmem:s20], [sflag:$0x1], $0x80, s12, s19, $0xb8;
	[tilespmem:$0x1C880] =	vst v63  }
0x292: {  	_ = 	snop  }
0x293: {  	[spmem:s3] =	stream.indirect.scatter.add.f32 [tilespmem:s20], [sflag:$0x1], $0x80, s13, s19, $0xb8;
	[tilespmem:$0x1C880] =	vst v63  }
0x294: {  	_ = 	snop  }
0x295: {  	[spmem:s3] =	stream.indirect.scatter.add.f32 [tilespmem:s20], [sflag:$0x1], $0x80, s18, s19, $0xb8;
	[tilespmem:$0x1C880] =	vst v63  }
0x296: {  	_ =	swait.ge [sflag:s21], $0x3E80  }
0x297: {  	[sflag:s21] =	ssyncset.done $0x0  }
0x298: {  	[sflag:s21] =	ssyncadd.s32 $0xFFFFC180  }
0x299: {  	_ =	swait.ge [sflag:s21], $0x3E80  }
0x29a: {  	[sflag:s21] =	ssyncset.done $0x0  }
0x29b: {  	[sflag:s21] =	ssyncadd.s32 $0xFFFFC180  }
0x29c: {  	_ =	swait.ge [sflag:s21], $0x3E80  }
0x29d: {  	[sflag:s21] =	ssyncset.done $0x0  }
0x29e: {  	[sflag:s21] =	ssyncadd.s32 $0xFFFFC180  }
0x29f: {  	_ =	swait.ge [sflag:s21], $0x3E80  }
0x2a0: {  	[sflag:s21] =	ssyncset.done $0x0  }
0x2a1: {  	[sflag:s21] =	ssyncadd.s32 $0xFFFFC180  }
0x2a2: {  	_ =	swait.ge [sflag:s21], $0x3E80  }
0x2a3: {  	[sflag:s21] =	ssyncset.done $0x0  }
0x2a4: {  	[sflag:s21] =	ssyncadd.s32 $0xFFFFC180  }
0x2a5: {  	_ =	swait.ge [sflag:s21], $0x3E80  }
0x2a6: {  	[sflag:s21] =	ssyncset.done $0x0  }
0x2a7: {  	[sflag:s21] =	ssyncadd.s32 $0xFFFFC180  }
0x2a8: {  	_ =	swait.ge [sflag:s21], $0x3E80  }
0x2a9: {  	[sflag:s21] =	ssyncset.done $0x0  }
0x2aa: {  	[sflag:s21] =	ssyncadd.s32 $0xFFFFC180  }
0x2ab: {  	_ =	swait.ge [sflag:s21], $0x3E80  }
0x2ac: {  	[sflag:s21] =	ssyncset.done $0x0  }
0x2ad: {  	[sflag:s21] =	ssyncadd.s32 $0xFFFFC180  }
0x2ae: {  	_ =	swait.ge [sflag:s21], $0x3E80  }
0x2af: {  	[sflag:s21] =	ssyncset.done $0x0  }
0x2b0: {  	[sflag:s21] =	ssyncadd.s32 $0xFFFFC180  }
0x2b1: {  	_ =	swait.ge [sflag:s21], $0x3E80  }
0x2b2: {  	[sflag:s21] =	ssyncset.done $0x0  }
0x2b3: {  	[sflag:s21] =	ssyncadd.s32 $0xFFFFC180  }
0x2b4: {  	_ =	swait.ge [sflag:s21], $0x3E80  }
0x2b5: {  	[sflag:s21] =	ssyncset.done $0x0  }
0x2b6: {  	[sflag:s21] =	ssyncadd.s32 $0xFFFFC180  }
0x2b7: {  	_ =	swait.ge [sflag:s21], $0x3E80  }
0x2b8: {  	[sflag:s21] =	ssyncset.done $0x0  }
0x2b9: {  	[sflag:s21] =	ssyncadd.s32 $0xFFFFC180  }
0x2ba: {  	_ =	swait.ge [sflag:s21], $0x3E80  }
0x2bb: {  	[sflag:s21] =	ssyncset.done $0x0  }
0x2bc: {  	[sflag:s21] =	ssyncadd.s32 $0xFFFFC180  }
0x2bd: {  	_ =	swait.ge [sflag:s21], $0x3E80  }
0x2be: {  	[sflag:s21] =	ssyncset.done $0x0  }
0x2bf: {  	[sflag:s21] =	ssyncadd.s32 $0xFFFFC180  }
.Ltmp1:
0x2c0: {  	_ =	swait.ge [sflag:s21], $0x3E80;
	(pc) =	sbr.rel @p1 .LBB2_4-.Ltmp1, $4  }
0x2c1: {  	[sflag:s21] =	ssyncset.done $0x0  }
0x2c2: {  	[sflag:s21] =	ssyncadd.s32 $0xFFFFC180  }
0x2c3: {  	_ =	swait.ge [sflag:s21], $0x3E80  }
0x2c4: {  	s15 =	smov.u32 s16;
	[sflag:s21] =	ssyncset.done $0x0  }
0x2c5: {  	s4 =	sadd.s32 s11, s7;
	[sflag:s21] =	ssyncadd.s32 $0xFFFFC180;
	s6 =	simm.s32 $0x800  }
0x2c6: {  	[tilespmem:s6], [sflag:$0x2] =	stream.linear.gather [hbm4b:s4+s14], $0x800, $0x38;
	[tilespmem:$0x1C880] =	vst v63  }
0x2c7: {  	_ =	swait.ge [sflag:s17], $0x800  }
0x2c8: {  	[sflag:s17] =	ssyncset.done $0x0  }
0x2c9: {  	[sflag:s17] =	ssyncadd.s32 $0xFFFFF800  }
0x2ca: {  	[spmem:s3] =	stream.indirect.scatter.add.f32 [tilespmem:s20], [sflag:$0x1], $0x80, s6, s19, $0xb8;
	[tilespmem:$0x1C880] =	vst v63  }
0x2cb: {  	_ = 	snop  }
0x2cc: {  	[spmem:s3] =	stream.indirect.scatter.add.f32 [tilespmem:s20], [sflag:$0x1], $0x80, s24, s19, $0xb8;
	[tilespmem:$0x1C880] =	vst v63  }
0x2cd: {  	_ = 	snop  }
0x2ce: {  	[spmem:s3] =	stream.indirect.scatter.add.f32 [tilespmem:s20], [sflag:$0x1], $0x80, s25, s19, $0xb8;
	[tilespmem:$0x1C880] =	vst v63  }
0x2cf: {  	_ = 	snop  }
0x2d0: {  	[spmem:s3] =	stream.indirect.scatter.add.f32 [tilespmem:s20], [sflag:$0x1], $0x80, s26, s19, $0xb8;
	[tilespmem:$0x1C880] =	vst v63  }
0x2d1: {  	_ = 	snop  }
0x2d2: {  	[spmem:s3] =	stream.indirect.scatter.add.f32 [tilespmem:s20], [sflag:$0x1], $0x80, s28, s19, $0xb8;
	[tilespmem:$0x1C880] =	vst v63  }
0x2d3: {  	_ = 	snop  }
0x2d4: {  	[spmem:s3] =	stream.indirect.scatter.add.f32 [tilespmem:s20], [sflag:$0x1], $0x80, s29, s19, $0xb8;
	[tilespmem:$0x1C880] =	vst v63  }
0x2d5: {  	_ = 	snop  }
0x2d6: {  	[spmem:s3] =	stream.indirect.scatter.add.f32 [tilespmem:s20], [sflag:$0x1], $0x80, s30, s19, $0xb8;
	[tilespmem:$0x1C880] =	vst v63  }
0x2d7: {  	_ = 	snop  }
0x2d8: {  	[spmem:s3] =	stream.indirect.scatter.add.f32 [tilespmem:s20], [sflag:$0x1], $0x80, s31, s19, $0xb8;
	[tilespmem:$0x1C880] =	vst v63  }
0x2d9: {  	_ = 	snop  }
0x2da: {  	[spmem:s3] =	stream.indirect.scatter.add.f32 [tilespmem:s20], [sflag:$0x1], $0x80, s2, s19, $0xb8;
	[tilespmem:$0x1C880] =	vst v63  }
0x2db: {  	_ = 	snop  }
0x2dc: {  	[spmem:s3] =	stream.indirect.scatter.add.f32 [tilespmem:s20], [sflag:$0x1], $0x80, s0, s19, $0xb8;
	[tilespmem:$0x1C880] =	vst v63  }
0x2dd: {  	_ = 	snop  }
0x2de: {  	[spmem:s3] =	stream.indirect.scatter.add.f32 [tilespmem:s20], [sflag:$0x1], $0x80, s5, s19, $0xb8;
	[tilespmem:$0x1C880] =	vst v63  }
0x2df: {  	_ = 	snop  }
0x2e0: {  	[spmem:s3] =	stream.indirect.scatter.add.f32 [tilespmem:s20], [sflag:$0x1], $0x80, s8, s19, $0xb8;
	[tilespmem:$0x1C880] =	vst v63  }
0x2e1: {  	_ = 	snop  }
0x2e2: {  	[spmem:s3] =	stream.indirect.scatter.add.f32 [tilespmem:s20], [sflag:$0x1], $0x80, s10, s19, $0xb8;
	[tilespmem:$0x1C880] =	vst v63  }
0x2e3: {  	_ = 	snop  }
0x2e4: {  	[spmem:s3] =	stream.indirect.scatter.add.f32 [tilespmem:s20], [sflag:$0x1], $0x80, s12, s19, $0xb8;
	[tilespmem:$0x1C880] =	vst v63  }
0x2e5: {  	_ = 	snop  }
0x2e6: {  	[spmem:s3] =	stream.indirect.scatter.add.f32 [tilespmem:s20], [sflag:$0x1], $0x80, s13, s19, $0xb8;
	[tilespmem:$0x1C880] =	vst v63  }
0x2e7: {  	_ = 	snop  }
0x2e8: {  	[spmem:s3] =	stream.indirect.scatter.add.f32 [tilespmem:s20], [sflag:$0x1], $0x80, s18, s19, $0xb8;
	[tilespmem:$0x1C880] =	vst v63  }
0x2e9: {  	_ =	swait.ge [sflag:s21], $0x3E80  }
0x2ea: {  	[sflag:s21] =	ssyncset.done $0x0  }
0x2eb: {  	[sflag:s21] =	ssyncadd.s32 $0xFFFFC180  }
0x2ec: {  	_ =	swait.ge [sflag:s21], $0x3E80  }
0x2ed: {  	[sflag:s21] =	ssyncset.done $0x0  }
0x2ee: {  	[sflag:s21] =	ssyncadd.s32 $0xFFFFC180  }
0x2ef: {  	_ =	swait.ge [sflag:s21], $0x3E80  }
0x2f0: {  	[sflag:s21] =	ssyncset.done $0x0  }
0x2f1: {  	[sflag:s21] =	ssyncadd.s32 $0xFFFFC180  }
0x2f2: {  	_ =	swait.ge [sflag:s21], $0x3E80  }
0x2f3: {  	[sflag:s21] =	ssyncset.done $0x0  }
0x2f4: {  	[sflag:s21] =	ssyncadd.s32 $0xFFFFC180  }
0x2f5: {  	_ =	swait.ge [sflag:s21], $0x3E80  }
0x2f6: {  	[sflag:s21] =	ssyncset.done $0x0  }
0x2f7: {  	[sflag:s21] =	ssyncadd.s32 $0xFFFFC180  }
0x2f8: {  	_ =	swait.ge [sflag:s21], $0x3E80  }
0x2f9: {  	[sflag:s21] =	ssyncset.done $0x0  }
0x2fa: {  	[sflag:s21] =	ssyncadd.s32 $0xFFFFC180  }
0x2fb: {  	_ =	swait.ge [sflag:s21], $0x3E80  }
0x2fc: {  	[sflag:s21] =	ssyncset.done $0x0  }
0x2fd: {  	[sflag:s21] =	ssyncadd.s32 $0xFFFFC180  }
0x2fe: {  	_ =	swait.ge [sflag:s21], $0x3E80  }
0x2ff: {  	[sflag:s21] =	ssyncset.done $0x0  }
0x300: {  	[sflag:s21] =	ssyncadd.s32 $0xFFFFC180  }
0x301: {  	_ =	swait.ge [sflag:s21], $0x3E80  }
0x302: {  	[sflag:s21] =	ssyncset.done $0x0  }
0x303: {  	[sflag:s21] =	ssyncadd.s32 $0xFFFFC180  }
0x304: {  	_ =	swait.ge [sflag:s21], $0x3E80  }
0x305: {  	[sflag:s21] =	ssyncset.done $0x0  }
0x306: {  	[sflag:s21] =	ssyncadd.s32 $0xFFFFC180  }
0x307: {  	_ =	swait.ge [sflag:s21], $0x3E80  }
0x308: {  	[sflag:s21] =	ssyncset.done $0x0  }
0x309: {  	[sflag:s21] =	ssyncadd.s32 $0xFFFFC180  }
0x30a: {  	_ =	swait.ge [sflag:s21], $0x3E80  }
0x30b: {  	[sflag:s21] =	ssyncset.done $0x0  }
0x30c: {  	[sflag:s21] =	ssyncadd.s32 $0xFFFFC180  }
0x30d: {  	_ =	swait.ge [sflag:s21], $0x3E80  }
0x30e: {  	[sflag:s21] =	ssyncset.done $0x0  }
0x30f: {  	[sflag:s21] =	ssyncadd.s32 $0xFFFFC180  }
0x310: {  	_ =	swait.ge [sflag:s21], $0x3E80  }
0x311: {  	[sflag:s21] =	ssyncset.done $0x0  }
0x312: {  	[sflag:s21] =	ssyncadd.s32 $0xFFFFC180  }
0x313: {  	_ =	swait.ge [sflag:s21], $0x3E80  }
0x314: {  	[sflag:s21] =	ssyncset.done $0x0  }
0x315: {  	[sflag:s21] =	ssyncadd.s32 $0xFFFFC180  }
0x316: {  	_ =	swait.ge [sflag:s21], $0x3E80  }
0x317: {  	[sflag:s21] =	ssyncset.done $0x0  }
0x318: {  	[sflag:s21] =	ssyncadd.s32 $0xFFFFC180  }
0x319: {  	[bflag:$0x0] =	sbarrier.arrive $0xFFFF  }
0x31a: {  	s6 =	rddreg [dreg:$0x1c]  }
0x31b: {  	s4 =	simm.s32 @p0 $0x1FC2;
	s9 =	rddreg [dreg:$0x1f]  }
0x31c: {  	[hbm:s6], [sflag:s4] =	dma.local @p0 [spmem:s9], $0x2080  }
0x31d: {  	s4 =	simm.s32 @p0 $0x2  }
0x31e: {  	_ =	swait.ge @p0 [sflag:s4], $0x2080  }
0x31f: {  	s6 =	sld [smem:$0x7FC]  }
0x320: {  	s9 =	sld [smem:$0x7FD]  }
0x321: {  	[sflag:s4] =	ssyncset.done @p0 $0x0  }
0x322: {  	[sflag:s4] =	ssyncadd.s32 @p0 $0xFFFFDF80;
	s4 =	rddreg [dreg:$0x1b]  }
0x323: {  	[hbm:s4], [sflag:s6] =	dma.local @!p0 [spmem:s9], $0x2780  }
0x324: {  	s4 =	simm.s32 @!p0 $0x2  }
0x325: {  	_ =	swait.ge @!p0 [sflag:s4], $0x2780  }
0x326: {  	s15 =	rddreg [dreg:$0x1e]  }
0x327: {  	s16 =	rddreg [dreg:$0x1d];
	s9 =	sadd.s32 $0x1, s15  }
0x328: {  	p1 =	sne.s32 s9, s16  }
.Ltmp2:
0x329: {  	_ = 	snop;
	(pc) =	sbr.rel @p1 .LBB2_1-.Ltmp2, $3  }
0x32a: {  	_ =	sdelay $0x1  }
0x32b: {  	[sflag:s4] =	ssyncset.done @!p0 $0x0  }
0x32c: {  	s6 =	smov.u32 s23;
	[sflag:s4] =	ssyncadd.s32 @!p0 $0xFFFFD880  }
0x32d: {  	_ =	sfence.sel $0x180000  }
0x32e: {  	[bflag:$0x0] =	sbarrier.arrive $0xFFFF  }
0x32f: {  	_ =	strace $0x90000047  }
0x330: {  	s0 =	stileid.u32;
	[bflag:$0x2] =	sbarrier.arrive $0xFFFF  }
0x331: {  	p0 =	sne.s32 s0, $0x0;
	s0 =	rddreg [dreg:$0x4]  }
0x332: {  	s0 =	sadd.s32 @!p0 $0x100000, s0  }
0x333: {  	[sflag:s0] =	ssyncadd.tile.s32 @!p0 $0x1;
	_ =	shalt  }
.Lfunc_end2:
_tile_overlayer_lowered:
.L_overlay_start_2:
0x334: {  	(tag) =	ssettag $0x2  }
0x335: {  	s0 =	rddreg [dreg:$0x0];
	s2 =	stileid.u32  }
0x336: {  	s1 =	rddreg [dreg:$0x1];
	p0 =	sne.s32 s2, $0x0  }
0x337: {  	s3 =	rddreg [dreg:$0x2];
	[bflag:$0x3] =	sbarrier.arrive $0xFFFF;
	s2 =	simm.s32 @!p0 $0x1C02  }
0x338: {  	[timem:s3], [sflag:s2] =	dma.local @!p0 [hbm:s0], s1  }
0x339: {  	s0 =	simm.s32 @!p0 $0x2  }
0x33a: {  	_ =	swait.ge @!p0 [sflag:s0], s1  }
0x33b: {  	s1 =	ssub.s32 @!p0 $0x0, s1;
	[sflag:s0] =	ssyncset.done @!p0 $0x0  }
0x33c: {  	[sflag:s0] =	ssyncadd.s32 @!p0 s1  }
0x33d: {  	[bflag:$0x3] =	sbarrier.arrive $0xFFFF  }
0x33e: {  	_ =	shalt  }

// kernel: kernel.9.cloned.1.call-start
scs
__scs_entry_jumppad:
0x0: {  	(pc) =	sbr.rel $0x88, $3  }
0x1: {  	(tag) =	ssettag $0x0;
	lr =	simm.s32 $0x1  }
0x2: {  	[smem:$0x3F95] =	sst lr;
	_ =	strace $0xD0000000  }
0x3: {  	_ = 	snop  }
0x4: {  	_ = 	snop  }
0x5: {  	_ = 	snop  }
0x6: {  	_ = 	snop  }
0x7: {  	_ = 	snop  }
__scs_overlays_trampoline_lowered:
0x8: {  	[smem:$0x3FA4] =	sst s0  }
0x9: {  	[smem:$0x3FA5] =	sst s1  }
0xa: {  	[smem:$0x3FA6] =	sst s2  }
0xb: {  	[smem:$0x3FA7] =	sst s3  }
0xc: {  	[smem:$0x3FA8] =	sst s4  }
0xd: {  	[smem:$0x3FA9] =	sst s5  }
0xe: {  	[smem:$0x3FAA] =	sst s6  }
0xf: {  	[smem:$0x3FAB] =	sst s7  }
0x10: {  	[smem:$0x3FAC] =	sst s8  }
0x11: {  	[smem:$0x3FAD] =	sst s9;
	s0 =	simm.s32 @!p0 $0x0  }
0x12: {  	s1 =	sld [smem:$0x3F93];
	s0 =	simm.s32 @p0 $0x1  }
0x13: {  	[smem:$0x3FAE] =	sst s0;
	s0 =	simm.s32 @!p1 $0x0  }
0x14: {  	s2 =	sld [smem:$0x3F92];
	s0 =	simm.s32 @p1 $0x1  }
0x15: {  	[smem:$0x3FAF] =	sst s0;
	s0 =	simm.s32 @!p2 $0x0  }
0x16: {  	s3 =	sld [smem:$0x3FDB];
	s0 =	simm.s32 @p2 $0x1  }
0x17: {  	s4 =	simm.s32 $0x1BF5;
	[smem:$0x3FB1] =	sst s0  }
0x18: {  	s0 =	sld [smem:$0x3F94];
	_ =	swait.ge [sflag:s4], $0x0  }
0x19: {  	s7 =	sld [smem:$0x3F95]  }
0x1a: {  	s8 =	sadd.s32 $0xFFFFE003, lr  }
0x1b: {  	s9 =	sadd.s32 $0xFFFFFEF7, lr;
	s5 =	simm.s32 $0xFFFFFFFF;
	p2 =	slt.u32 s8, $0xFFFFF086  }
0x1c: {  	p1 =	slt.u32 s9, $0xF7A;
	s5 =	simm.s32 @!p2 $0x0  }
0x1d: {  	s5 =	simm.s32 @p1 $0x1;
	p0 =	seq.s32 s7, s2  }
0x1e: {  	s7 =	smul.u32 @!p0 $0xF7A, s2;
	p2 =	seq.s32 @!p0 s5, $0x0  }
0x1f: {  	s9 =	smul.u32 $0xF7A, s1;
	s8 =	simm.s32 @!p0 $0x1BF5;
	p2 =	por !p2, p0  }
0x20: {  	[sflag:s8] =	ssyncset.s32 @!p0 $0xFFFFF086;
	s6 =	sadd.s32 @!p0 s3, s7;
	s7 =	simm.s32 @!p0 $0x108  }
0x21: {  	s3 =	sadd.s32 s3, s9;
	s6 =	sadd.s32 @!p0 $0x88, s6;
	s7 =	simm.s32 @p2 $0x1082  }
0x22: {  	[simem:s7], [sflag:s8] =	dma.local @!p0 [hbm:s6], $0xF7A  }
0x23: {  	s9 =	sor.u32 $0xD0000000, s2;
	s6 =	simm.s32 $0x108;
	_ =	swait.ge @!p0 [sflag:s8], $0x0  }
0x24: {  	s3 =	sadd.s32 $0x88, s3;
	s6 =	simm.s32 @!p1 $0x1082;
	[sflag:s4] =	ssyncset.s32 $0xFFFFF086  }
0x25: {  	[simem:s6], [sflag:s4] =	dma.local [hbm:s3], $0xF7A  }
0x26: {  	[smem:$0x3F95] =	sst s1;
	(tag) =	ssettag s2;
	_ =	strace s9  }
0x27: {  	s1 =	sld [smem:$0x3FA5]  }
0x28: {  	s2 =	sld [smem:$0x3FA6]  }
0x29: {  	s4 =	sld [smem:$0x3FA8]  }
0x2a: {  	p0 =	seq.s32 s5, $0x0;
	s5 =	sld [smem:$0x3FA9]  }
0x2b: {  	s6 =	sld [smem:$0x3FAA]  }
0x2c: {  	s7 =	sld [smem:$0x3FAB]  }
0x2d: {  	s3 =	simm.s32 $0x108;
	s8 =	sld [smem:$0x3FAC]  }
0x2e: {  	s3 =	simm.s32 @!p0 $0x1082;
	s9 =	sld [smem:$0x3FAD]  }
0x2f: {  	lr =	sadd.s32 s0, s3;
	s0 =	sld [smem:$0x3FA4]  }
0x30: {  	s3 =	sld [smem:$0x3FA7]  }
0x31: {  	[smem:$0x3FB0] =	sst s10  }
0x32: {  	s10 =	sld [smem:$0x3FAE];
	_ =	sdelay $0x3  }
0x33: {  	p0 =	seq.s32 s10, $0x1;
	s10 =	sld [smem:$0x3FB0];
	_ =	sdelay $0x3  }
0x34: {  	[smem:$0x3FB0] =	sst s10  }
0x35: {  	s10 =	sld [smem:$0x3FAF];
	_ =	sdelay $0x3  }
0x36: {  	p1 =	seq.s32 s10, $0x1;
	s10 =	sld [smem:$0x3FB0];
	_ =	sdelay $0x3  }
0x37: {  	[smem:$0x3FB0] =	sst s10  }
0x38: {  	s10 =	sld [smem:$0x3FB1]  }
0x39: {  	_ = 	snop;
	(pc) =	sbr.ind lr, $3  }
0x3a: {  	_ = 	snop  }
0x3b: {  	_ = 	snop  }
0x3c: {  	p2 =	seq.s32 s10, $0x1;
	s10 =	sld [smem:$0x3FB0]  }
0x3d: {  	_ =	shalt  }
0x3e: {  	_ =	shalt  }
0x3f: {  	_ =	shalt  }
0x40: {  	_ =	shalt  }
0x41: {  	_ =	shalt  }
0x42: {  	_ =	shalt  }
0x43: {  	_ =	shalt  }
0x44: {  	_ =	shalt  }
0x45: {  	_ =	shalt  }
0x46: {  	_ =	shalt  }
0x47: {  	_ =	shalt  }
0x48: {  	_ =	shalt  }
0x49: {  	_ =	shalt  }
0x4a: {  	_ =	shalt  }
0x4b: {  	_ =	shalt  }
0x4c: {  	_ =	shalt  }
0x4d: {  	_ =	shalt  }
0x4e: {  	_ =	shalt  }
0x4f: {  	_ =	shalt  }
0x50: {  	_ =	shalt  }
0x51: {  	_ =	shalt  }
0x52: {  	_ =	shalt  }
0x53: {  	_ =	shalt  }
0x54: {  	_ =	shalt  }
0x55: {  	_ =	shalt  }
0x56: {  	_ =	shalt  }
0x57: {  	_ =	shalt  }
0x58: {  	_ =	shalt  }
0x59: {  	_ =	shalt  }
0x5a: {  	_ =	shalt  }
0x5b: {  	_ =	shalt  }
0x5c: {  	_ =	shalt  }
0x5d: {  	_ =	shalt  }
0x5e: {  	_ =	shalt  }
0x5f: {  	_ =	shalt  }
0x60: {  	_ =	shalt  }
0x61: {  	_ =	shalt  }
0x62: {  	_ =	shalt  }
0x63: {  	_ =	shalt  }
0x64: {  	_ =	shalt  }
0x65: {  	_ =	shalt  }
0x66: {  	_ =	shalt  }
0x67: {  	_ =	shalt  }
0x68: {  	_ =	shalt  }
0x69: {  	_ =	shalt  }
0x6a: {  	_ =	shalt  }
0x6b: {  	_ =	shalt  }
0x6c: {  	_ =	shalt  }
0x6d: {  	_ =	shalt  }
0x6e: {  	_ =	shalt  }
0x6f: {  	_ =	shalt  }
0x70: {  	_ =	shalt  }
0x71: {  	_ =	shalt  }
0x72: {  	_ =	shalt  }
0x73: {  	_ =	shalt  }
0x74: {  	_ =	shalt  }
0x75: {  	_ =	shalt  }
0x76: {  	_ =	shalt  }
0x77: {  	_ =	shalt  }
0x78: {  	_ =	shalt  }
0x79: {  	_ =	shalt  }
0x7a: {  	_ =	shalt  }
0x7b: {  	_ =	shalt  }
0x7c: {  	_ =	shalt  }
0x7d: {  	_ =	shalt  }
0x7e: {  	_ =	shalt  }
0x7f: {  	_ =	shalt  }
0x80: {  	_ =	shalt  }
0x81: {  	_ =	shalt  }
0x82: {  	_ =	shalt  }
0x83: {  	_ =	shalt  }
0x84: {  	_ =	shalt  }
0x85: {  	_ =	shalt  }
0x86: {  	_ =	shalt  }
0x87: {  	_ =	shalt  }
.Lfunc_end0:
.L_simem_size_0:
called_computation.1_lowered:
.L_overlay_start_0:
0x88: {  	s2 =	sld [smem:$0x3FD9]  }
0x89: {  	s3 =	sld [smem:$0x3FFE];
	_ =	sdelay $0x1  }
0x8a: {  	s1 =	srdreg.scid  }
0x8b: {  	s0 =	sand.u32 $0x1, s1  }
0x8c: {  	s17 =	sshll.u32 s0, $0xA;
	s2 =	sadd.s32 s3, s2  }
0x8d: {  	s2 =	sadd.s32 s2, s17  }
0x8e: {  	[smem:$0x3FBC] =	sst s2  }
0x8f: {  	_ = 	snop  }
0x90: {  	s2 =	sld [smem:$0x3FD0];
	(tm) =	ssettm $0x1  }
0x91: {  	s18 =	sld [smem:$0x3FFB];
	_ =	sdelay $0x3  }
0x92: {  	_ =	strace s18  }
0x93: {  	s3 =	sld [smem:$0x3FFC];
	_ =	sdelay $0x3  }
0x94: {  	_ =	strace s3  }
0x95: {  	s3 =	sld [smem:$0x3FFD];
	_ =	sdelay $0x3  }
0x96: {  	_ =	strace s3  }
0x97: {  	_ =	strace $0x8FFFFFFF  }
0x98: {  	s19 =	sld [smem:$0x3FDB];
	_ =	sdelay $0x1  }
0x99: {  	s4 =	simm.s32 $_scs_section_size  }
0x9a: {  	s5 =	simm.s32 $_size__tile_overlayer_lowered;
	s6 =	simm.s32 $_tile_overlayer_lowered  }
0x9b: {  	s22 =	simm.s32 $0x1BFF;
	s21 =	sshll.u32 s6, $0x1;
	s3 =	sadd.s32 s4, s19  }
0x9c: {  	s7 =	simm.s32 $0x0;
	s20 =	sshll.u32 s5, $0x1;
	s5 =	sadd.s32 s21, s3  }
0x9d: {  	[timem:s7], [sflag:s22] =	dma.local [hbm:s5], s20  }
0x9e: {  	_ =	swait.ge [sflag:s22], s20  }
0x9f: {  	s4 =	ssub.s32 $0x0, s20;
	[sflag:s22] =	ssyncset.done $0x0  }
0xa0: {  	[sflag:s22] =	ssyncadd.s32 s4;
	_ =	sdelay $0x1  }
0xa1: {  	s23 =	simm.s32 $0x1B8B  }
0xa2: {  	_ =	swait.ge [sflag:s23], $0x1  }
0xa3: {  	[sflag:s23] =	ssyncset.done $0x0  }
0xa4: {  	s25 =	simm.s32 $0x1B8E;
	s24 =	sld [smem:$0x3FFE];
	[sflag:s23] =	ssyncadd.s32 $0xFFFFFFFF  }
0xa5: {  	s26 =	simm.s32 $execute0_lowered;
	[smem:$0x3FD2] =	sst s25  }
0xa6: {  	s5 =	sshll.u32 s26, $0x1;
	_ =	strace $0x80000049;
	[dreg:$0x1] =	wrdreg $0xFFFFFFFF  }
0xa7: {  	s28 =	simm.s32 $_size_execute0_lowered;
	s3 =	sadd.s32 s3, s5;
	[dreg:$0x0] =	wrdreg $0x0  }
0xa8: {  	s5 =	sshll.u32 s28, $0x1;
	[dreg:$0x2] =	wrdreg s3  }
0xa9: {  	[dreg:$0x3] =	wrdreg s5  }
0xaa: {  	[dreg:$0x4] =	wrdreg $0xC0  }
0xab: {  	_ =	task [dreg:s7], $0x5FFFF  }
0xac: {  	[dreg:$0x1] =	wrdreg $0xFFFFFFFF  }
0xad: {  	[dreg:$0x0] =	wrdreg $0x60  }
0xae: {  	[dreg:$0x2] =	wrdreg s24  }
0xaf: {  	[dreg:$0x3] =	wrdreg s2  }
0xb0: {  	[dreg:$0x4] =	wrdreg $0x90000  }
0xb1: {  	[dreg:$0x5] =	wrdreg $0x9  }
0xb2: {  	_ =	task.clear_ibuf [dreg:s7], $0x6FFFF;
	_ =	strace $0x90000049  }
0xb3: {  	s29 =	simm.s32 $0x9;
	_ =	strace $0x8000004B  }
0xb4: {  	_ =	swait.ge [sflag:s29], $0x1  }
0xb5: {  	[sflag:s29] =	ssyncadd.s32 $0xFFFFFFFF  }
0xb6: {  	_ =	strace $0x9000004B  }
0xb7: {  	_ =	sfence  }
0xb8: {  	s30 =	sld [smem:$0x0];
	_ =	sdelay $0x2  }
0xb9: {  	s31 =	sshll.u32 s1, $0xD;
	s1 =	sshrl.u32 s1, $0x2  }
0xba: {  	s3 =	sand.u32 $0x4000, s31;
	s1 =	sadd.s32 s1, s30  }
0xbb: {  	s0 =	sor.u32 s3, s0;
	s1 =	sshll.u32 s1, $0x11  }
0xbc: {  	s0 =	sor.u32 s1, s0  }
0xbd: {  	s0 =	sadd.s32 $0x8F2B, s0  }
0xbe: {  	[sflag:s0] =	ssyncadd.remote.s32 $0x1  }
0xbf: {  	_ =	sfence.sel $0xFFFF  }
0xc0: {  	[dreg:$0x0] =	wrdreg $0xFFFFFFFF;
	(pc) =	sbr.abs _section_cstart, $3  }
0xc1: {  	[dreg:$0x1] =	wrdreg $0xFFFFFFFF  }
0xc2: {  	_ =	task.clear_ibuf [dreg:s7], $0x2FFFF;
	_ =	strace $0x9FFFFFFF  }
0xc3: {  	(tm) =	ssettm $0x7FFFFFFF  }
tec
execute0_lowered:
.L_overlay_start_1:
0x0: {  	(tag) =	ssettag $0x1  }
0x1: {  	s0 =	rddreg [dreg:$0x0]  }
0x2: {  	s1 =	rddreg [dreg:$0x1]  }
0x3: {  	s3 =	srdreg.scid;
	s2 =	rddreg [dreg:$0x2];
	s7 =	simm.s32 $0x0  }
0x4: {  	s24 =	simm.s32 $0x80;
	s25 =	simm.s32 $0x100;
	s12 =	simm.s32 $0x180  }
0x5: {  	s13 =	simm.s32 $0x900;
	s15 =	simm.s32 $0x200;
	s16 =	simm.s32 $0x980  }
0x6: {  	s17 =	simm.s32 $0x280;
	s18 =	simm.s32 $0xA00;
	[smem:$0x7FF] =	sst s7  }
0x7: {  	s19 =	simm.s32 $0x300;
	_ =	strace $0x8000004A;
	[dreg:$0x4] =	wrdreg s24  }
0x8: {  	s5 =	sand.u32 $0x1, s3;
	s3 =	stileid.u32;
	[dreg:$0x5] =	wrdreg s25  }
0x9: {  	s20 =	simm.s32 $0xA80;
	s4 =	smul.u32 $0x28000, s5;
	[dreg:$0x7] =	wrdreg s12  }
0xa: {  	s28 =	simm.s32 $0x680;
	s6 =	smul.u32 $0x2800, s3;
	[dreg:$0x8] =	wrdreg s13  }
0xb: {  	s29 =	simm.s32 $0xE00;
	s21 =	smul.u32 $0x4F000, s3;
	[dreg:$0x9] =	wrdreg s15  }
0xc: {  	s30 =	simm.s32 $0x700;
	s9 =	smul.u32 $0x2780, s3;
	[dreg:$0xa] =	wrdreg s16  }
0xd: {  	s31 =	simm.s32 $0xE80;
	s11 =	smul.u32 $0x138800, s5;
	[dreg:$0xb] =	wrdreg s17  }
0xe: {  	s8 =	ssub.s32 $0x2, s5;
	s22 =	smul.u32 $0x13C00, s3;
	[dreg:$0xc] =	wrdreg s18  }
0xf: {  	p0 =	seq.s32 s3, $0xF;
	s12 =	simm.s32 $0x2;
	[dreg:$0xd] =	wrdreg s19  }
0x10: {  	s13 =	simm.s32 $0x800;
	s15 =	simm.s32 $0x1000;
	[dreg:$0xe] =	wrdreg s20  }
0x11: {  	s24 =	simm.s32 $0xB80;
	s19 =	simm.s32 $0x1;
	s25 =	simm.s32 $0x480  }
0x12: {  	s20 =	simm.s32 $0x5000;
	s10 =	sshrl.u32 s8, $0x1;
	[dreg:$0x12] =	wrdreg s24  }
0x13: {  	[dreg:$0x13] =	wrdreg s25;
	s24 =	simm.s32 $0xD00;
	s25 =	simm.s32 $0x600  }
0x14: {  	s6 =	sadd.s32 s6, s4;
	s4 =	sadd.s32 $0x16800, s0;
	s8 =	ssub.s32 s8, s10  }
0x15: {  	s7 =	sshrl.u32 s21, $0x2;
	s9 =	sadd.s32 s1, s9;
	s10 =	sadd.s32 s22, s11  }
0x16: {  	s1 =	sadd.s32 $0x25080, s1;
	s26 =	sshrl.u32 s11, $0x3;
	[dreg:$0x15] =	wrdreg s9  }
0x17: {  	s11 =	simm.s32 $0x880;
	s21 =	simm.s32 $0x380;
	[dreg:$0x16] =	wrdreg s1  }
0x18: {  	s22 =	simm.s32 $0xB00;
	s6 =	sshrl.u32 s6, $0x3;
	[dreg:$0x6] =	wrdreg s11  }
0x19: {  	s7 =	sadd.s32 s7, s2;
	s9 =	sadd.s32 $0x128400, s2;
	[dreg:$0xf] =	wrdreg s21  }
0x1a: {  	s23 =	sshrl.u32 s10, $0x3;
	s14 =	smax.u32 s8, $0x1;
	[dreg:$0x10] =	wrdreg s22  }
0x1b: {  	s21 =	simm.s32 $0x500;
	s22 =	simm.s32 $0xC80;
	s8 =	simm.s32 $0x0  }
0x1c: {  	s6 =	sadd.s32 s6, s0;
	s0 =	sadd.s32 $0xB3400, s0;
	[dreg:$0x19] =	wrdreg s14  }
0x1d: {  	s14 =	simm.s32 $0x7D;
	s10 =	sshrl.u32 @p0 s9, $0x3;
	s16 =	sshrl.u32 @!p0 s7, $0x3  }
0x1e: {  	s7 =	simm.s32 $0xF80;
	s5 =	sadd.s32 $0xC800, s6;
	[dreg:$0x1a] =	wrdreg s10  }
0x1f: {  	s6 =	sadd.s32 $0x2800, s6;
	s1 =	sadd.s32 s0, s23;
	[dreg:$0x1c] =	wrdreg s16  }
0x20: {  	s0 =	sadd.s32 s0, s26;
	s23 =	simm.s32 $0x400;
	[dreg:$0x17] =	wrdreg s1  }
0x21: {  	s26 =	simm.s32 $0xC00;
	s0 =	sadd.s32 $0x25080, s0;
	[dreg:$0x11] =	wrdreg s23  }
0x22: {  	s1 =	sshll.u32 @!p0 s3, $0x6;
	[dreg:$0x14] =	wrdreg s26;
	s23 =	simm.s32 $0x580  }
0x23: {  	s26 =	simm.s32 $0xD80;
	[dreg:$0x18] =	wrdreg s0;
	s11 =	sor.u32 @!p0 $0x1C02, s1  }
0x24: {  	s0 =	simm.s32 $0x780;
	s1 =	simm.s32 $0xF00;
	[dreg:$0x1b] =	wrdreg s11  }
.LBB2_1:
0x25: {  	s3 =	simm.s32 $0x0  }
0x26: {  	[tilespmem:s3], [sflag:$0x2] =	stream.linear.gather [hbm4b:s5+s3], $0x800, $0x38;
	[tilespmem:$0x1C880] =	vst v63  }
0x27: {  	_ =	swait.ge [sflag:s12], $0x800  }
0x28: {  	[sflag:s12] =	ssyncset.done $0x0  }
0x29: {  	[sflag:s12] =	ssyncadd.s32 $0xFFFFF800  }
0x2a: {  	[tilespmem:s13], [sflag:$0x2] =	stream.linear.gather [hbm4b:s6+s3], $0x800, $0x38;
	[tilespmem:$0x1C880] =	vst v63  }
0x2b: {  	_ =	swait.ge [sflag:s12], $0x800  }
0x2c: {  	[sflag:s12] =	ssyncset.done $0x0  }
0x2d: {  	[sflag:s12] =	ssyncadd.s32 $0xFFFFF800  }
0x2e: {  	[tilespmem:s15], [sflag:$0x1] =	stream.indirect.gather [hbm4b:s4+s14], $0x80, s3, s14, $0xb8;
	[tilespmem:$0x1C880] =	vst v63  }
0x2f: {  	s9 =	simm.s32 @p0 $0x1FC2;
	s3 =	rddreg [dreg:$0x16]  }
0x30: {  	[spmem:s10], [sflag:s9] =	dma.local @p0 [hbm:s3], $0x2080  }
0x31: {  	s9 =	simm.s32 @p0 $0x2  }
0x32: {  	_ =	swait.ge @p0 [sflag:s9], $0x2080  }
0x33: {  	[sflag:s9] =	ssyncset.done @p0 $0x0  }
0x34: {  	s3 =	rddreg [dreg:$0x15];
	[sflag:s9] =	ssyncadd.s32 @p0 $0xFFFFDF80;
	s9 =	simm.s32 @!p0 $0x2  }
0x35: {  	[spmem:s16], [sflag:s11] =	dma.local @!p0 [hbm:s3], $0x2780  }
0x36: {  	_ =	swait.ge @!p0 [sflag:s9], $0x2780  }
0x37: {  	p1 =	por $0x1, $0x1;
	[sflag:s9] =	ssyncset.done @!p0 $0x0  }
0x38: {  	s10 =	simm.s32 @!p1 $0x0;
	[sflag:s9] =	ssyncadd.s32 @!p0 $0xFFFFD880  }
0x39: {  	s11 =	simm.s32 @!p1 $0x2;
	s9 =	sadd.s32 @!p1 $0x0, s5;
	[bflag:$0x0] =	sbarrier.arrive $0xFFFF  }
0x3a: {  	[tilespmem:s10], [sflag:$0x2] =	stream.linear.gather @!p1 [hbm4b:s9+s10], $0x800, $0x38;
	[tilespmem:$0x1C880] =	vst v63  }
0x3b: {  	_ =	swait.ge @!p1 [sflag:s11], $0x800  }
0x3c: {  	[sflag:s11] =	ssyncset.done @!p1 $0x0  }
0x3d: {  	s3 =	simm.s32 @!p1 $0x800;
	s9 =	sadd.s32 @!p1 $0x0, s6;
	[sflag:s11] =	ssyncadd.s32 @!p1 $0xFFFFF800  }
0x3e: {  	[tilespmem:s3], [sflag:$0x2] =	stream.linear.gather @!p1 [hbm4b:s9+s10], $0x800, $0x38;
	[tilespmem:$0x1C880] =	vst v63  }
0x3f: {  	_ =	swait.ge @!p1 [sflag:s11], $0x800  }
0x40: {  	[sflag:s11] =	ssyncset.done @!p1 $0x0  }
0x41: {  	s3 =	simm.s32 @!p1 $0x7D;
	s9 =	simm.s32 @!p1 $0x1000;
	[sflag:s11] =	ssyncadd.s32 @!p1 $0xFFFFF800  }
0x42: {  	[tilespmem:s9], [sflag:$0x1] =	stream.indirect.gather @!p1 [hbm4b:s4+s3], $0x80, s10, s3, $0xb8;
	[tilespmem:$0x1C880] =	vst v63  }
0x43: {  	_ =	swait.ge [sflag:s19], $0x3E80  }
0x44: {  	[sflag:s19] =	ssyncset.done $0x0  }
0x45: {  	s10 =	rddreg [dreg:$0x4];
	[sflag:s19] =	ssyncadd.s32 $0xFFFFC180  }
0x46: {  	[tilespmem:s20], [sflag:$0x1] =	stream.indirect.gather [hbm4b:s4+s14], $0x80, s10, s14, $0xb8;
	[tilespmem:$0x1C880] =	vst v63  }
0x47: {  	_ = 	snop  }
0x48: {  	[spmem:s2] =	stream.indirect.scatter.add.f32 [tilespmem:s15], [sflag:$0x2], $0x80, s13, s14, $0xb8;
	[tilespmem:$0x1C880] =	vst v63  }
0x49: {  	_ =	swait.ge [sflag:s12], $0x3E80  }
0x4a: {  	[sflag:s12] =	ssyncset.done $0x0  }
0x4b: {  	[sflag:s12] =	ssyncadd.s32 $0xFFFFC180  }
0x4c: {  	_ =	swait.ge [sflag:s19], $0x3E80  }
0x4d: {  	[sflag:s19] =	ssyncset.done $0x0  }
0x4e: {  	s11 =	rddreg [dreg:$0x5];
	[sflag:s19] =	ssyncadd.s32 $0xFFFFC180  }
0x4f: {  	[tilespmem:s15], [sflag:$0x1] =	stream.indirect.gather [hbm4b:s4+s14], $0x80, s11, s14, $0xb8;
	[tilespmem:$0x1C880] =	vst v63  }
0x50: {  	s16 =	rddreg [dreg:$0x6]  }
0x51: {  	[spmem:s2] =	stream.indirect.scatter.add.f32 [tilespmem:s20], [sflag:$0x2], $0x80, s16, s14, $0xb8;
	[tilespmem:$0x1C880] =	vst v63  }
0x52: {  	_ =	swait.ge [sflag:s12], $0x3E80  }
0x53: {  	[sflag:s12] =	ssyncset.done $0x0  }
0x54: {  	[sflag:s12] =	ssyncadd.s32 $0xFFFFC180  }
0x55: {  	_ =	swait.ge [sflag:s19], $0x3E80  }
0x56: {  	[sflag:s19] =	ssyncset.done $0x0  }
0x57: {  	s17 =	rddreg [dreg:$0x7];
	[sflag:s19] =	ssyncadd.s32 $0xFFFFC180  }
0x58: {  	[tilespmem:s20], [sflag:$0x1] =	stream.indirect.gather [hbm4b:s4+s14], $0x80, s17, s14, $0xb8;
	[tilespmem:$0x1C880] =	vst v63  }
0x59: {  	s18 =	rddreg [dreg:$0x8]  }
0x5a: {  	[spmem:s2] =	stream.indirect.scatter.add.f32 [tilespmem:s15], [sflag:$0x2], $0x80, s18, s14, $0xb8;
	[tilespmem:$0x1C880] =	vst v63  }
0x5b: {  	_ =	swait.ge [sflag:s12], $0x3E80  }
0x5c: {  	[sflag:s12] =	ssyncset.done $0x0  }
0x5d: {  	[sflag:s12] =	ssyncadd.s32 $0xFFFFC180  }
0x5e: {  	_ =	swait.ge [sflag:s19], $0x3E80  }
0x5f: {  	[sflag:s19] =	ssyncset.done $0x0  }
0x60: {  	s9 =	rddreg [dreg:$0x9];
	[sflag:s19] =	ssyncadd.s32 $0xFFFFC180  }
0x61: {  	[tilespmem:s15], [sflag:$0x1] =	stream.indirect.gather [hbm4b:s4+s14], $0x80, s9, s14, $0xb8;
	[tilespmem:$0x1C880] =	vst v63  }
0x62: {  	s10 =	rddreg [dreg:$0xa]  }
0x63: {  	[spmem:s2] =	stream.indirect.scatter.add.f32 [tilespmem:s20], [sflag:$0x2], $0x80, s10, s14, $0xb8;
	[tilespmem:$0x1C880] =	vst v63  }
0x64: {  	_ =	swait.ge [sflag:s12], $0x3E80  }
0x65: {  	[sflag:s12] =	ssyncset.done $0x0  }
0x66: {  	[sflag:s12] =	ssyncadd.s32 $0xFFFFC180  }
0x67: {  	_ =	swait.ge [sflag:s19], $0x3E80  }
0x68: {  	[sflag:s19] =	ssyncset.done $0x0  }
0x69: {  	s11 =	rddreg [dreg:$0xb];
	[sflag:s19] =	ssyncadd.s32 $0xFFFFC180  }
0x6a: {  	[tilespmem:s20], [sflag:$0x1] =	stream.indirect.gather [hbm4b:s4+s14], $0x80, s11, s14, $0xb8;
	[tilespmem:$0x1C880] =	vst v63  }
0x6b: {  	s16 =	rddreg [dreg:$0xc]  }
0x6c: {  	[spmem:s2] =	stream.indirect.scatter.add.f32 [tilespmem:s15], [sflag:$0x2], $0x80, s16, s14, $0xb8;
	[tilespmem:$0x1C880] =	vst v63  }
0x6d: {  	_ =	swait.ge [sflag:s12], $0x3E80  }
0x6e: {  	[sflag:s12] =	ssyncset.done $0x0  }
0x6f: {  	[sflag:s12] =	ssyncadd.s32 $0xFFFFC180  }
0x70: {  	_ =	swait.ge [sflag:s19], $0x3E80  }
0x71: {  	[sflag:s19] =	ssyncset.done $0x0  }
0x72: {  	s17 =	rddreg [dreg:$0xd];
	[sflag:s19] =	ssyncadd.s32 $0xFFFFC180  }
0x73: {  	[tilespmem:s15], [sflag:$0x1] =	stream.indirect.gather [hbm4b:s4+s14], $0x80, s17, s14, $0xb8;
	[tilespmem:$0x1C880] =	vst v63  }
0x74: {  	s18 =	rddreg [dreg:$0xe]  }
0x75: {  	[spmem:s2] =	stream.indirect.scatter.add.f32 [tilespmem:s20], [sflag:$0x2], $0x80, s18, s14, $0xb8;
	[tilespmem:$0x1C880] =	vst v63  }
0x76: {  	_ =	swait.ge [sflag:s12], $0x3E80  }
0x77: {  	[sflag:s12] =	ssyncset.done $0x0  }
0x78: {  	[sflag:s12] =	ssyncadd.s32 $0xFFFFC180  }
0x79: {  	_ =	swait.ge [sflag:s19], $0x3E80  }
0x7a: {  	[sflag:s19] =	ssyncset.done $0x0  }
0x7b: {  	s9 =	rddreg [dreg:$0xf];
	[sflag:s19] =	ssyncadd.s32 $0xFFFFC180  }
0x7c: {  	[tilespmem:s20], [sflag:$0x1] =	stream.indirect.gather [hbm4b:s4+s14], $0x80, s9, s14, $0xb8;
	[tilespmem:$0x1C880] =	vst v63  }
0x7d: {  	s10 =	rddreg [dreg:$0x10]  }
0x7e: {  	[spmem:s2] =	stream.indirect.scatter.add.f32 [tilespmem:s15], [sflag:$0x2], $0x80, s10, s14, $0xb8;
	[tilespmem:$0x1C880] =	vst v63  }
0x7f: {  	_ =	swait.ge [sflag:s12], $0x3E80  }
0x80: {  	[sflag:s12] =	ssyncset.done $0x0  }
0x81: {  	[sflag:s12] =	ssyncadd.s32 $0xFFFFC180  }
0x82: {  	_ =	swait.ge [sflag:s19], $0x3E80  }
0x83: {  	[sflag:s19] =	ssyncset.done $0x0  }
0x84: {  	s11 =	rddreg [dreg:$0x11];
	[sflag:s19] =	ssyncadd.s32 $0xFFFFC180  }
0x85: {  	[tilespmem:s15], [sflag:$0x1] =	stream.indirect.gather [hbm4b:s4+s14], $0x80, s11, s14, $0xb8;
	[tilespmem:$0x1C880] =	vst v63  }
0x86: {  	s16 =	rddreg [dreg:$0x12]  }
0x87: {  	[spmem:s2] =	stream.indirect.scatter.add.f32 [tilespmem:s20], [sflag:$0x2], $0x80, s16, s14, $0xb8;
	[tilespmem:$0x1C880] =	vst v63  }
0x88: {  	_ =	swait.ge [sflag:s12], $0x3E80  }
0x89: {  	[sflag:s12] =	ssyncset.done $0x0  }
0x8a: {  	[sflag:s12] =	ssyncadd.s32 $0xFFFFC180  }
0x8b: {  	_ =	swait.ge [sflag:s19], $0x3E80  }
0x8c: {  	[sflag:s19] =	ssyncset.done $0x0  }
0x8d: {  	s17 =	rddreg [dreg:$0x13];
	[sflag:s19] =	ssyncadd.s32 $0xFFFFC180  }
0x8e: {  	[tilespmem:s20], [sflag:$0x1] =	stream.indirect.gather [hbm4b:s4+s14], $0x80, s17, s14, $0xb8;
	[tilespmem:$0x1C880] =	vst v63  }
0x8f: {  	s18 =	rddreg [dreg:$0x14]  }
0x90: {  	[spmem:s2] =	stream.indirect.scatter.add.f32 [tilespmem:s15], [sflag:$0x2], $0x80, s18, s14, $0xb8;
	[tilespmem:$0x1C880] =	vst v63  }
0x91: {  	_ =	swait.ge [sflag:s12], $0x3E80  }
0x92: {  	[sflag:s12] =	ssyncset.done $0x0  }
0x93: {  	[sflag:s12] =	ssyncadd.s32 $0xFFFFC180  }
0x94: {  	_ =	swait.ge [sflag:s19], $0x3E80  }
0x95: {  	[sflag:s19] =	ssyncset.done $0x0  }
0x96: {  	[sflag:s19] =	ssyncadd.s32 $0xFFFFC180  }
0x97: {  	[tilespmem:s15], [sflag:$0x1] =	stream.indirect.gather [hbm4b:s4+s14], $0x80, s21, s14, $0xb8;
	[tilespmem:$0x1C880] =	vst v63  }
0x98: {  	_ = 	snop  }
0x99: {  	[spmem:s2] =	stream.indirect.scatter.add.f32 [tilespmem:s20], [sflag:$0x2], $0x80, s22, s14, $0xb8;
	[tilespmem:$0x1C880] =	vst v63  }
0x9a: {  	_ =	swait.ge [sflag:s12], $0x3E80  }
0x9b: {  	[sflag:s12] =	ssyncset.done $0x0  }
0x9c: {  	[sflag:s12] =	ssyncadd.s32 $0xFFFFC180  }
0x9d: {  	_ =	swait.ge [sflag:s19], $0x3E80  }
0x9e: {  	[sflag:s19] =	ssyncset.done $0x0  }
0x9f: {  	[sflag:s19] =	ssyncadd.s32 $0xFFFFC180  }
0xa0: {  	[tilespmem:s20], [sflag:$0x1] =	stream.indirect.gather [hbm4b:s4+s14], $0x80, s23, s14, $0xb8;
	[tilespmem:$0x1C880] =	vst v63  }
0xa1: {  	_ = 	snop  }
0xa2: {  	[spmem:s2] =	stream.indirect.scatter.add.f32 [tilespmem:s15], [sflag:$0x2], $0x80, s24, s14, $0xb8;
	[tilespmem:$0x1C880] =	vst v63  }
0xa3: {  	_ =	swait.ge [sflag:s12], $0x3E80  }
0xa4: {  	[sflag:s12] =	ssyncset.done $0x0  }
0xa5: {  	[sflag:s12] =	ssyncadd.s32 $0xFFFFC180  }
0xa6: {  	_ =	swait.ge [sflag:s19], $0x3E80  }
0xa7: {  	[sflag:s19] =	ssyncset.done $0x0  }
0xa8: {  	[sflag:s19] =	ssyncadd.s32 $0xFFFFC180  }
0xa9: {  	[tilespmem:s15], [sflag:$0x1] =	stream.indirect.gather [hbm4b:s4+s14], $0x80, s25, s14, $0xb8;
	[tilespmem:$0x1C880] =	vst v63  }
0xaa: {  	_ = 	snop  }
0xab: {  	[spmem:s2] =	stream.indirect.scatter.add.f32 [tilespmem:s20], [sflag:$0x2], $0x80, s26, s14, $0xb8;
	[tilespmem:$0x1C880] =	vst v63  }
0xac: {  	_ =	swait.ge [sflag:s12], $0x3E80  }
0xad: {  	[sflag:s12] =	ssyncset.done $0x0  }
0xae: {  	[sflag:s12] =	ssyncadd.s32 $0xFFFFC180  }
0xaf: {  	_ =	swait.ge [sflag:s19], $0x3E80  }
0xb0: {  	[sflag:s19] =	ssyncset.done $0x0  }
0xb1: {  	[sflag:s19] =	ssyncadd.s32 $0xFFFFC180  }
0xb2: {  	[tilespmem:s20], [sflag:$0x1] =	stream.indirect.gather [hbm4b:s4+s14], $0x80, s28, s14, $0xb8;
	[tilespmem:$0x1C880] =	vst v63  }
0xb3: {  	_ = 	snop  }
0xb4: {  	[spmem:s2] =	stream.indirect.scatter.add.f32 [tilespmem:s15], [sflag:$0x2], $0x80, s29, s14, $0xb8;
	[tilespmem:$0x1C880] =	vst v63  }
0xb5: {  	_ =	swait.ge [sflag:s12], $0x3E80  }
0xb6: {  	[sflag:s12] =	ssyncset.done $0x0  }
0xb7: {  	[sflag:s12] =	ssyncadd.s32 $0xFFFFC180  }
0xb8: {  	_ =	swait.ge [sflag:s19], $0x3E80  }
0xb9: {  	[sflag:s19] =	ssyncset.done $0x0  }
0xba: {  	[sflag:s19] =	ssyncadd.s32 $0xFFFFC180  }
0xbb: {  	[tilespmem:s15], [sflag:$0x1] =	stream.indirect.gather [hbm4b:s4+s14], $0x80, s30, s14, $0xb8;
	[tilespmem:$0x1C880] =	vst v63  }
0xbc: {  	_ = 	snop  }
0xbd: {  	[spmem:s2] =	stream.indirect.scatter.add.f32 [tilespmem:s20], [sflag:$0x2], $0x80, s31, s14, $0xb8;
	[tilespmem:$0x1C880] =	vst v63  }
0xbe: {  	_ =	swait.ge [sflag:s12], $0x3E80  }
0xbf: {  	[sflag:s12] =	ssyncset.done $0x0  }
0xc0: {  	[sflag:s12] =	ssyncadd.s32 $0xFFFFC180  }
0xc1: {  	_ =	swait.ge [sflag:s19], $0x3E80  }
0xc2: {  	[sflag:s19] =	ssyncset.done $0x0  }
0xc3: {  	[sflag:s19] =	ssyncadd.s32 $0xFFFFC180  }
0xc4: {  	[tilespmem:s20], [sflag:$0x1] =	stream.indirect.gather [hbm4b:s4+s14], $0x80, s0, s14, $0xb8;
	[tilespmem:$0x1C880] =	vst v63  }
0xc5: {  	_ = 	snop  }
0xc6: {  	[spmem:s2] =	stream.indirect.scatter.add.f32 [tilespmem:s15], [sflag:$0x2], $0x80, s1, s14, $0xb8;
	[tilespmem:$0x1C880] =	vst v63  }
0xc7: {  	_ =	swait.ge [sflag:s12], $0x3E80  }
0xc8: {  	[sflag:s12] =	ssyncset.done $0x0  }
0xc9: {  	[sflag:s12] =	ssyncadd.s32 $0xFFFFC180  }
0xca: {  	_ =	swait.ge [sflag:s19], $0x3E80  }
0xcb: {  	[sflag:s19] =	ssyncset.done $0x0  }
0xcc: {  	p2 =	por $0x0, $0x0;
	[sflag:s19] =	ssyncadd.s32 $0xFFFFC180  }
0xcd: {  	[spmem:s2] =	stream.indirect.scatter.add.f32 [tilespmem:s20], [sflag:$0x2], $0x80, s7, s14, $0xb8;
	[tilespmem:$0x1C880] =	vst v63  }
0xce: {  	s9 =	simm.s32 $0x100;
	s10 =	simm.s32 $0x200;
	_ =	swait.ge [sflag:s12], $0x3E80  }
.LBB2_2:
0xcf: {  	s3 =	sadd.s32 @!p2 s9, s5;
	[sflag:s12] =	ssyncset.done $0x0  }
0xd0: {  	s11 =	simm.s32 @!p2 $0x0;
	s17 =	simm.s32 @!p2 $0x2;
	[sflag:s12] =	ssyncadd.s32 $0xFFFFC180  }
0xd1: {  	[tilespmem:s11], [sflag:$0x2] =	stream.linear.gather @!p2 [hbm4b:s3+s11], $0x800, $0x38;
	[tilespmem:$0x1C880] =	vst v63  }
0xd2: {  	_ =	swait.ge @!p2 [sflag:s17], $0x800  }
0xd3: {  	[sflag:s17] =	ssyncset.done @!p2 $0x0  }
0xd4: {  	s18 =	simm.s32 @!p2 $0x800;
	s3 =	sadd.s32 @!p2 s9, s6;
	[sflag:s17] =	ssyncadd.s32 @!p2 $0xFFFFF800  }
0xd5: {  	[tilespmem:s18], [sflag:$0x2] =	stream.linear.gather @!p2 [hbm4b:s3+s11], $0x800, $0x38;
	[tilespmem:$0x1C880] =	vst v63  }
0xd6: {  	s16 =	smov.u32 s10;
	_ =	swait.ge @!p2 [sflag:s17], $0x800  }
0xd7: {  	s9 =	smov.u32 s16;
	[sflag:s17] =	ssyncset.done @!p2 $0x0  }
0xd8: {  	s16 =	simm.s32 @!p2 $0x1000;
	s3 =	simm.s32 @!p2 $0x7D;
	[sflag:s17] =	ssyncadd.s32 @!p2 $0xFFFFF800  }
0xd9: {  	[tilespmem:s16], [sflag:$0x1] =	stream.indirect.gather @!p2 [hbm4b:s4+s3], $0x80, s11, s3, $0xb8;
	[tilespmem:$0x1C880] =	vst v63  }
0xda: {  	_ =	swait.ge [sflag:s19], $0x3E80  }
0xdb: {  	[sflag:s19] =	ssyncset.done $0x0  }
0xdc: {  	s18 =	rddreg [dreg:$0x4];
	[sflag:s19] =	ssyncadd.s32 $0xFFFFC180  }
0xdd: {  	[tilespmem:s20], [sflag:$0x1] =	stream.indirect.gather [hbm4b:s4+s14], $0x80, s18, s14, $0xb8;
	[tilespmem:$0x1C880] =	vst v63  }
0xde: {  	_ = 	snop  }
0xdf: {  	[spmem:s2] =	stream.indirect.scatter.add.f32 [tilespmem:s15], [sflag:$0x2], $0x80, s13, s14, $0xb8;
	[tilespmem:$0x1C880] =	vst v63  }
0xe0: {  	_ =	swait.ge [sflag:s12], $0x3E80  }
0xe1: {  	[sflag:s12] =	ssyncset.done $0x0  }
0xe2: {  	[sflag:s12] =	ssyncadd.s32 $0xFFFFC180  }
0xe3: {  	_ =	swait.ge [sflag:s19], $0x3E80  }
0xe4: {  	[sflag:s19] =	ssyncset.done $0x0  }
0xe5: {  	s11 =	rddreg [dreg:$0x5];
	[sflag:s19] =	ssyncadd.s32 $0xFFFFC180  }
0xe6: {  	[tilespmem:s15], [sflag:$0x1] =	stream.indirect.gather [hbm4b:s4+s14], $0x80, s11, s14, $0xb8;
	[tilespmem:$0x1C880] =	vst v63  }
0xe7: {  	s16 =	rddreg [dreg:$0x6]  }
0xe8: {  	[spmem:s2] =	stream.indirect.scatter.add.f32 [tilespmem:s20], [sflag:$0x2], $0x80, s16, s14, $0xb8;
	[tilespmem:$0x1C880] =	vst v63  }
0xe9: {  	_ =	swait.ge [sflag:s12], $0x3E80  }
0xea: {  	[sflag:s12] =	ssyncset.done $0x0  }
0xeb: {  	[sflag:s12] =	ssyncadd.s32 $0xFFFFC180  }
0xec: {  	_ =	swait.ge [sflag:s19], $0x3E80  }
0xed: {  	[sflag:s19] =	ssyncset.done $0x0  }
0xee: {  	s17 =	rddreg [dreg:$0x7];
	[sflag:s19] =	ssyncadd.s32 $0xFFFFC180  }
0xef: {  	[tilespmem:s20], [sflag:$0x1] =	stream.indirect.gather [hbm4b:s4+s14], $0x80, s17, s14, $0xb8;
	[tilespmem:$0x1C880] =	vst v63  }
0xf0: {  	s18 =	rddreg [dreg:$0x8]  }
0xf1: {  	[spmem:s2] =	stream.indirect.scatter.add.f32 [tilespmem:s15], [sflag:$0x2], $0x80, s18, s14, $0xb8;
	[tilespmem:$0x1C880] =	vst v63  }
0xf2: {  	_ =	swait.ge [sflag:s12], $0x3E80  }
0xf3: {  	[sflag:s12] =	ssyncset.done $0x0  }
0xf4: {  	[sflag:s12] =	ssyncadd.s32 $0xFFFFC180  }
0xf5: {  	_ =	swait.ge [sflag:s19], $0x3E80  }
0xf6: {  	[sflag:s19] =	ssyncset.done $0x0  }
0xf7: {  	s11 =	rddreg [dreg:$0x9];
	[sflag:s19] =	ssyncadd.s32 $0xFFFFC180  }
0xf8: {  	[tilespmem:s15], [sflag:$0x1] =	stream.indirect.gather [hbm4b:s4+s14], $0x80, s11, s14, $0xb8;
	[tilespmem:$0x1C880] =	vst v63  }
0xf9: {  	s16 =	rddreg [dreg:$0xa]  }
0xfa: {  	[spmem:s2] =	stream.indirect.scatter.add.f32 [tilespmem:s20], [sflag:$0x2], $0x80, s16, s14, $0xb8;
	[tilespmem:$0x1C880] =	vst v63  }
0xfb: {  	_ =	swait.ge [sflag:s12], $0x3E80  }
0xfc: {  	[sflag:s12] =	ssyncset.done $0x0  }
0xfd: {  	[sflag:s12] =	ssyncadd.s32 $0xFFFFC180  }
0xfe: {  	_ =	swait.ge [sflag:s19], $0x3E80  }
0xff: {  	[sflag:s19] =	ssyncset.done $0x0  }
0x100: {  	s17 =	rddreg [dreg:$0xb];
	[sflag:s19] =	ssyncadd.s32 $0xFFFFC180  }
0x101: {  	[tilespmem:s20], [sflag:$0x1] =	stream.indirect.gather [hbm4b:s4+s14], $0x80, s17, s14, $0xb8;
	[tilespmem:$0x1C880] =	vst v63  }
0x102: {  	s18 =	rddreg [dreg:$0xc]  }
0x103: {  	[spmem:s2] =	stream.indirect.scatter.add.f32 [tilespmem:s15], [sflag:$0x2], $0x80, s18, s14, $0xb8;
	[tilespmem:$0x1C880] =	vst v63  }
0x104: {  	_ =	swait.ge [sflag:s12], $0x3E80  }
0x105: {  	[sflag:s12] =	ssyncset.done $0x0  }
0x106: {  	[sflag:s12] =	ssyncadd.s32 $0xFFFFC180  }
0x107: {  	_ =	swait.ge [sflag:s19], $0x3E80  }
0x108: {  	[sflag:s19] =	ssyncset.done $0x0  }
0x109: {  	s11 =	rddreg [dreg:$0xd];
	[sflag:s19] =	ssyncadd.s32 $0xFFFFC180  }
0x10a: {  	[tilespmem:s15], [sflag:$0x1] =	stream.indirect.gather [hbm4b:s4+s14], $0x80, s11, s14, $0xb8;
	[tilespmem:$0x1C880] =	vst v63  }
0x10b: {  	s16 =	rddreg [dreg:$0xe]  }
0x10c: {  	[spmem:s2] =	stream.indirect.scatter.add.f32 [tilespmem:s20], [sflag:$0x2], $0x80, s16, s14, $0xb8;
	[tilespmem:$0x1C880] =	vst v63  }
0x10d: {  	_ =	swait.ge [sflag:s12], $0x3E80  }
0x10e: {  	[sflag:s12] =	ssyncset.done $0x0  }
0x10f: {  	[sflag:s12] =	ssyncadd.s32 $0xFFFFC180  }
0x110: {  	_ =	swait.ge [sflag:s19], $0x3E80  }
0x111: {  	[sflag:s19] =	ssyncset.done $0x0  }
0x112: {  	s17 =	rddreg [dreg:$0xf];
	[sflag:s19] =	ssyncadd.s32 $0xFFFFC180  }
0x113: {  	[tilespmem:s20], [sflag:$0x1] =	stream.indirect.gather [hbm4b:s4+s14], $0x80, s17, s14, $0xb8;
	[tilespmem:$0x1C880] =	vst v63  }
0x114: {  	s18 =	rddreg [dreg:$0x10]  }
0x115: {  	[spmem:s2] =	stream.indirect.scatter.add.f32 [tilespmem:s15], [sflag:$0x2], $0x80, s18, s14, $0xb8;
	[tilespmem:$0x1C880] =	vst v63  }
0x116: {  	_ =	swait.ge [sflag:s12], $0x3E80  }
0x117: {  	[sflag:s12] =	ssyncset.done $0x0  }
0x118: {  	[sflag:s12] =	ssyncadd.s32 $0xFFFFC180  }
0x119: {  	_ =	swait.ge [sflag:s19], $0x3E80  }
0x11a: {  	[sflag:s19] =	ssyncset.done $0x0  }
0x11b: {  	s11 =	rddreg [dreg:$0x11];
	[sflag:s19] =	ssyncadd.s32 $0xFFFFC180  }
0x11c: {  	[tilespmem:s15], [sflag:$0x1] =	stream.indirect.gather [hbm4b:s4+s14], $0x80, s11, s14, $0xb8;
	[tilespmem:$0x1C880] =	vst v63  }
0x11d: {  	s16 =	rddreg [dreg:$0x12]  }
0x11e: {  	[spmem:s2] =	stream.indirect.scatter.add.f32 [tilespmem:s20], [sflag:$0x2], $0x80, s16, s14, $0xb8;
	[tilespmem:$0x1C880] =	vst v63  }
0x11f: {  	_ =	swait.ge [sflag:s12], $0x3E80  }
0x120: {  	[sflag:s12] =	ssyncset.done $0x0  }
0x121: {  	[sflag:s12] =	ssyncadd.s32 $0xFFFFC180  }
0x122: {  	_ =	swait.ge [sflag:s19], $0x3E80  }
0x123: {  	[sflag:s19] =	ssyncset.done $0x0  }
0x124: {  	s17 =	rddreg [dreg:$0x13];
	[sflag:s19] =	ssyncadd.s32 $0xFFFFC180  }
0x125: {  	[tilespmem:s20], [sflag:$0x1] =	stream.indirect.gather [hbm4b:s4+s14], $0x80, s17, s14, $0xb8;
	[tilespmem:$0x1C880] =	vst v63  }
0x126: {  	s18 =	rddreg [dreg:$0x14]  }
0x127: {  	[spmem:s2] =	stream.indirect.scatter.add.f32 [tilespmem:s15], [sflag:$0x2], $0x80, s18, s14, $0xb8;
	[tilespmem:$0x1C880] =	vst v63  }
0x128: {  	_ =	swait.ge [sflag:s12], $0x3E80  }
0x129: {  	[sflag:s12] =	ssyncset.done $0x0  }
0x12a: {  	[sflag:s12] =	ssyncadd.s32 $0xFFFFC180  }
0x12b: {  	_ =	swait.ge [sflag:s19], $0x3E80  }
0x12c: {  	[sflag:s19] =	ssyncset.done $0x0  }
0x12d: {  	[sflag:s19] =	ssyncadd.s32 $0xFFFFC180  }
0x12e: {  	[tilespmem:s15], [sflag:$0x1] =	stream.indirect.gather [hbm4b:s4+s14], $0x80, s21, s14, $0xb8;
	[tilespmem:$0x1C880] =	vst v63  }
0x12f: {  	_ = 	snop  }
0x130: {  	[spmem:s2] =	stream.indirect.scatter.add.f32 [tilespmem:s20], [sflag:$0x2], $0x80, s22, s14, $0xb8;
	[tilespmem:$0x1C880] =	vst v63  }
0x131: {  	_ =	swait.ge [sflag:s12], $0x3E80  }
0x132: {  	[sflag:s12] =	ssyncset.done $0x0  }
0x133: {  	[sflag:s12] =	ssyncadd.s32 $0xFFFFC180  }
0x134: {  	_ =	swait.ge [sflag:s19], $0x3E80  }
0x135: {  	[sflag:s19] =	ssyncset.done $0x0  }
0x136: {  	[sflag:s19] =	ssyncadd.s32 $0xFFFFC180  }
0x137: {  	[tilespmem:s20], [sflag:$0x1] =	stream.indirect.gather [hbm4b:s4+s14], $0x80, s23, s14, $0xb8;
	[tilespmem:$0x1C880] =	vst v63  }
0x138: {  	_ = 	snop  }
0x139: {  	[spmem:s2] =	stream.indirect.scatter.add.f32 [tilespmem:s15], [sflag:$0x2], $0x80, s24, s14, $0xb8;
	[tilespmem:$0x1C880] =	vst v63  }
0x13a: {  	_ =	swait.ge [sflag:s12], $0x3E80  }
0x13b: {  	[sflag:s12] =	ssyncset.done $0x0  }
0x13c: {  	[sflag:s12] =	ssyncadd.s32 $0xFFFFC180  }
0x13d: {  	_ =	swait.ge [sflag:s19], $0x3E80  }
0x13e: {  	[sflag:s19] =	ssyncset.done $0x0  }
0x13f: {  	[sflag:s19] =	ssyncadd.s32 $0xFFFFC180  }
0x140: {  	[tilespmem:s15], [sflag:$0x1] =	stream.indirect.gather [hbm4b:s4+s14], $0x80, s25, s14, $0xb8;
	[tilespmem:$0x1C880] =	vst v63  }
0x141: {  	_ = 	snop  }
0x142: {  	[spmem:s2] =	stream.indirect.scatter.add.f32 [tilespmem:s20], [sflag:$0x2], $0x80, s26, s14, $0xb8;
	[tilespmem:$0x1C880] =	vst v63  }
0x143: {  	_ =	swait.ge [sflag:s12], $0x3E80  }
0x144: {  	[sflag:s12] =	ssyncset.done $0x0  }
0x145: {  	[sflag:s12] =	ssyncadd.s32 $0xFFFFC180  }
0x146: {  	_ =	swait.ge [sflag:s19], $0x3E80  }
0x147: {  	[sflag:s19] =	ssyncset.done $0x0  }
0x148: {  	[sflag:s19] =	ssyncadd.s32 $0xFFFFC180  }
0x149: {  	[tilespmem:s20], [sflag:$0x1] =	stream.indirect.gather [hbm4b:s4+s14], $0x80, s28, s14, $0xb8;
	[tilespmem:$0x1C880] =	vst v63  }
0x14a: {  	_ = 	snop  }
0x14b: {  	[spmem:s2] =	stream.indirect.scatter.add.f32 [tilespmem:s15], [sflag:$0x2], $0x80, s29, s14, $0xb8;
	[tilespmem:$0x1C880] =	vst v63  }
0x14c: {  	_ =	swait.ge [sflag:s12], $0x3E80  }
0x14d: {  	[sflag:s12] =	ssyncset.done $0x0  }
0x14e: {  	[sflag:s12] =	ssyncadd.s32 $0xFFFFC180  }
0x14f: {  	_ =	swait.ge [sflag:s19], $0x3E80  }
0x150: {  	[sflag:s19] =	ssyncset.done $0x0  }
0x151: {  	[sflag:s19] =	ssyncadd.s32 $0xFFFFC180  }
0x152: {  	[tilespmem:s15], [sflag:$0x1] =	stream.indirect.gather [hbm4b:s4+s14], $0x80, s30, s14, $0xb8;
	[tilespmem:$0x1C880] =	vst v63  }
0x153: {  	_ = 	snop  }
0x154: {  	[spmem:s2] =	stream.indirect.scatter.add.f32 [tilespmem:s20], [sflag:$0x2], $0x80, s31, s14, $0xb8;
	[tilespmem:$0x1C880] =	vst v63  }
0x155: {  	_ =	swait.ge [sflag:s12], $0x3E80  }
0x156: {  	[sflag:s12] =	ssyncset.done $0x0  }
0x157: {  	[sflag:s12] =	ssyncadd.s32 $0xFFFFC180  }
0x158: {  	_ =	swait.ge [sflag:s19], $0x3E80  }
0x159: {  	[sflag:s19] =	ssyncset.done $0x0  }
0x15a: {  	[sflag:s19] =	ssyncadd.s32 $0xFFFFC180  }
0x15b: {  	[tilespmem:s20], [sflag:$0x1] =	stream.indirect.gather [hbm4b:s4+s14], $0x80, s0, s14, $0xb8;
	[tilespmem:$0x1C880] =	vst v63  }
0x15c: {  	_ = 	snop  }
0x15d: {  	[spmem:s2] =	stream.indirect.scatter.add.f32 [tilespmem:s15], [sflag:$0x2], $0x80, s1, s14, $0xb8;
	[tilespmem:$0x1C880] =	vst v63  }
0x15e: {  	_ =	swait.ge [sflag:s12], $0x3E80  }
0x15f: {  	s10 =	sadd.s32 $0x100, s10;
	[sflag:s12] =	ssyncset.done $0x0  }
0x160: {  	p1 =	sne.s32 s10, $0x500;
	[sflag:s12] =	ssyncadd.s32 $0xFFFFC180  }
.Ltmp0:
0x161: {  	_ =	swait.ge [sflag:s19], $0x3E80;
	(pc) =	sbr.rel @p1 .LBB2_2-.Ltmp0, $4  }
0x162: {  	[sflag:s19] =	ssyncset.done $0x0  }
0x163: {  	[sflag:s19] =	ssyncadd.s32 $0xFFFFC180  }
0x164: {  	[spmem:s2] =	stream.indirect.scatter.add.f32 [tilespmem:s20], [sflag:$0x2], $0x80, s7, s14, $0xb8;
	[tilespmem:$0x1C880] =	vst v63  }
0x165: {  	p2 =	seq.s32 s9, $0x0;
	_ =	swait.ge [sflag:s12], $0x3E80  }
0x166: {  	s3 =	sadd.s32 @!p2 s9, s5;
	[sflag:s12] =	ssyncset.done $0x0  }
0x167: {  	s10 =	simm.s32 @!p2 $0x0;
	s11 =	simm.s32 @!p2 $0x2;
	[sflag:s12] =	ssyncadd.s32 $0xFFFFC180  }
0x168: {  	[tilespmem:s10], [sflag:$0x2] =	stream.linear.gather @!p2 [hbm4b:s3+s10], $0x800, $0x38;
	[tilespmem:$0x1C880] =	vst v63  }
0x169: {  	_ =	swait.ge @!p2 [sflag:s11], $0x800  }
0x16a: {  	[sflag:s11] =	ssyncset.done @!p2 $0x0  }
0x16b: {  	s3 =	sadd.s32 @!p2 s9, s6;
	s9 =	simm.s32 @!p2 $0x800;
	[sflag:s11] =	ssyncadd.s32 @!p2 $0xFFFFF800  }
0x16c: {  	[tilespmem:s9], [sflag:$0x2] =	stream.linear.gather @!p2 [hbm4b:s3+s10], $0x800, $0x38;
	[tilespmem:$0x1C880] =	vst v63  }
0x16d: {  	_ =	swait.ge @!p2 [sflag:s11], $0x800  }
0x16e: {  	[sflag:s11] =	ssyncset.done @!p2 $0x0  }
0x16f: {  	s3 =	simm.s32 @!p2 $0x7D;
	s9 =	simm.s32 @!p2 $0x1000;
	[sflag:s11] =	ssyncadd.s32 @!p2 $0xFFFFF800  }
0x170: {  	[tilespmem:s9], [sflag:$0x1] =	stream.indirect.gather @!p2 [hbm4b:s4+s3], $0x80, s10, s3, $0xb8;
	[tilespmem:$0x1C880] =	vst v63  }
0x171: {  	_ =	swait.ge [sflag:s19], $0x3E80  }
0x172: {  	[sflag:s19] =	ssyncset.done $0x0  }
0x173: {  	s18 =	rddreg [dreg:$0x4];
	[sflag:s19] =	ssyncadd.s32 $0xFFFFC180  }
0x174: {  	[tilespmem:s20], [sflag:$0x1] =	stream.indirect.gather [hbm4b:s4+s14], $0x80, s18, s14, $0xb8;
	[tilespmem:$0x1C880] =	vst v63  }
0x175: {  	_ = 	snop  }
0x176: {  	[spmem:s2] =	stream.indirect.scatter.add.f32 [tilespmem:s15], [sflag:$0x2], $0x80, s13, s14, $0xb8;
	[tilespmem:$0x1C880] =	vst v63  }
0x177: {  	_ =	swait.ge [sflag:s12], $0x3E80  }
0x178: {  	[sflag:s12] =	ssyncset.done $0x0  }
0x179: {  	[sflag:s12] =	ssyncadd.s32 $0xFFFFC180  }
0x17a: {  	_ =	swait.ge [sflag:s19], $0x3E80  }
0x17b: {  	[sflag:s19] =	ssyncset.done $0x0  }
0x17c: {  	s9 =	rddreg [dreg:$0x5];
	[sflag:s19] =	ssyncadd.s32 $0xFFFFC180  }
0x17d: {  	[tilespmem:s15], [sflag:$0x1] =	stream.indirect.gather [hbm4b:s4+s14], $0x80, s9, s14, $0xb8;
	[tilespmem:$0x1C880] =	vst v63  }
0x17e: {  	s10 =	rddreg [dreg:$0x6]  }
0x17f: {  	[spmem:s2] =	stream.indirect.scatter.add.f32 [tilespmem:s20], [sflag:$0x2], $0x80, s10, s14, $0xb8;
	[tilespmem:$0x1C880] =	vst v63  }
0x180: {  	_ =	swait.ge [sflag:s12], $0x3E80  }
0x181: {  	[sflag:s12] =	ssyncset.done $0x0  }
0x182: {  	[sflag:s12] =	ssyncadd.s32 $0xFFFFC180  }
0x183: {  	_ =	swait.ge [sflag:s19], $0x3E80  }
0x184: {  	[sflag:s19] =	ssyncset.done $0x0  }
0x185: {  	s11 =	rddreg [dreg:$0x7];
	[sflag:s19] =	ssyncadd.s32 $0xFFFFC180  }
0x186: {  	[tilespmem:s20], [sflag:$0x1] =	stream.indirect.gather [hbm4b:s4+s14], $0x80, s11, s14, $0xb8;
	[tilespmem:$0x1C880] =	vst v63  }
0x187: {  	s16 =	rddreg [dreg:$0x8]  }
0x188: {  	[spmem:s2] =	stream.indirect.scatter.add.f32 [tilespmem:s15], [sflag:$0x2], $0x80, s16, s14, $0xb8;
	[tilespmem:$0x1C880] =	vst v63  }
0x189: {  	_ =	swait.ge [sflag:s12], $0x3E80  }
0x18a: {  	[sflag:s12] =	ssyncset.done $0x0  }
0x18b: {  	[sflag:s12] =	ssyncadd.s32 $0xFFFFC180  }
0x18c: {  	_ =	swait.ge [sflag:s19], $0x3E80  }
0x18d: {  	[sflag:s19] =	ssyncset.done $0x0  }
0x18e: {  	s17 =	rddreg [dreg:$0x9];
	[sflag:s19] =	ssyncadd.s32 $0xFFFFC180  }
0x18f: {  	[tilespmem:s15], [sflag:$0x1] =	stream.indirect.gather [hbm4b:s4+s14], $0x80, s17, s14, $0xb8;
	[tilespmem:$0x1C880] =	vst v63  }
0x190: {  	s18 =	rddreg [dreg:$0xa]  }
0x191: {  	[spmem:s2] =	stream.indirect.scatter.add.f32 [tilespmem:s20], [sflag:$0x2], $0x80, s18, s14, $0xb8;
	[tilespmem:$0x1C880] =	vst v63  }
0x192: {  	_ =	swait.ge [sflag:s12], $0x3E80  }
0x193: {  	[sflag:s12] =	ssyncset.done $0x0  }
0x194: {  	[sflag:s12] =	ssyncadd.s32 $0xFFFFC180  }
0x195: {  	_ =	swait.ge [sflag:s19], $0x3E80  }
0x196: {  	[sflag:s19] =	ssyncset.done $0x0  }
0x197: {  	s9 =	rddreg [dreg:$0xb];
	[sflag:s19] =	ssyncadd.s32 $0xFFFFC180  }
0x198: {  	[tilespmem:s20], [sflag:$0x1] =	stream.indirect.gather [hbm4b:s4+s14], $0x80, s9, s14, $0xb8;
	[tilespmem:$0x1C880] =	vst v63  }
0x199: {  	s10 =	rddreg [dreg:$0xc]  }
0x19a: {  	[spmem:s2] =	stream.indirect.scatter.add.f32 [tilespmem:s15], [sflag:$0x2], $0x80, s10, s14, $0xb8;
	[tilespmem:$0x1C880] =	vst v63  }
0x19b: {  	_ =	swait.ge [sflag:s12], $0x3E80  }
0x19c: {  	[sflag:s12] =	ssyncset.done $0x0  }
0x19d: {  	[sflag:s12] =	ssyncadd.s32 $0xFFFFC180  }
0x19e: {  	_ =	swait.ge [sflag:s19], $0x3E80  }
0x19f: {  	[sflag:s19] =	ssyncset.done $0x0  }
0x1a0: {  	s11 =	rddreg [dreg:$0xd];
	[sflag:s19] =	ssyncadd.s32 $0xFFFFC180  }
0x1a1: {  	[tilespmem:s15], [sflag:$0x1] =	stream.indirect.gather [hbm4b:s4+s14], $0x80, s11, s14, $0xb8;
	[tilespmem:$0x1C880] =	vst v63  }
0x1a2: {  	s16 =	rddreg [dreg:$0xe]  }
0x1a3: {  	[spmem:s2] =	stream.indirect.scatter.add.f32 [tilespmem:s20], [sflag:$0x2], $0x80, s16, s14, $0xb8;
	[tilespmem:$0x1C880] =	vst v63  }
0x1a4: {  	_ =	swait.ge [sflag:s12], $0x3E80  }
0x1a5: {  	[sflag:s12] =	ssyncset.done $0x0  }
0x1a6: {  	[sflag:s12] =	ssyncadd.s32 $0xFFFFC180  }
0x1a7: {  	_ =	swait.ge [sflag:s19], $0x3E80  }
0x1a8: {  	[sflag:s19] =	ssyncset.done $0x0  }
0x1a9: {  	s17 =	rddreg [dreg:$0xf];
	[sflag:s19] =	ssyncadd.s32 $0xFFFFC180  }
0x1aa: {  	[tilespmem:s20], [sflag:$0x1] =	stream.indirect.gather [hbm4b:s4+s14], $0x80, s17, s14, $0xb8;
	[tilespmem:$0x1C880] =	vst v63  }
0x1ab: {  	s18 =	rddreg [dreg:$0x10]  }
0x1ac: {  	[spmem:s2] =	stream.indirect.scatter.add.f32 [tilespmem:s15], [sflag:$0x2], $0x80, s18, s14, $0xb8;
	[tilespmem:$0x1C880] =	vst v63  }
0x1ad: {  	_ =	swait.ge [sflag:s12], $0x3E80  }
0x1ae: {  	[sflag:s12] =	ssyncset.done $0x0  }
0x1af: {  	[sflag:s12] =	ssyncadd.s32 $0xFFFFC180  }
0x1b0: {  	_ =	swait.ge [sflag:s19], $0x3E80  }
0x1b1: {  	[sflag:s19] =	ssyncset.done $0x0  }
0x1b2: {  	s10 =	rddreg [dreg:$0x11];
	[sflag:s19] =	ssyncadd.s32 $0xFFFFC180  }
0x1b3: {  	[tilespmem:s15], [sflag:$0x1] =	stream.indirect.gather [hbm4b:s4+s14], $0x80, s10, s14, $0xb8;
	[tilespmem:$0x1C880] =	vst v63  }
0x1b4: {  	s11 =	rddreg [dreg:$0x12]  }
0x1b5: {  	[spmem:s2] =	stream.indirect.scatter.add.f32 [tilespmem:s20], [sflag:$0x2], $0x80, s11, s14, $0xb8;
	[tilespmem:$0x1C880] =	vst v63  }
0x1b6: {  	_ =	swait.ge [sflag:s12], $0x3E80  }
0x1b7: {  	[sflag:s12] =	ssyncset.done $0x0  }
0x1b8: {  	[sflag:s12] =	ssyncadd.s32 $0xFFFFC180  }
0x1b9: {  	_ =	swait.ge [sflag:s19], $0x3E80  }
0x1ba: {  	[sflag:s19] =	ssyncset.done $0x0  }
0x1bb: {  	s16 =	rddreg [dreg:$0x13];
	[sflag:s19] =	ssyncadd.s32 $0xFFFFC180  }
0x1bc: {  	[tilespmem:s20], [sflag:$0x1] =	stream.indirect.gather [hbm4b:s4+s14], $0x80, s16, s14, $0xb8;
	[tilespmem:$0x1C880] =	vst v63  }
0x1bd: {  	s17 =	rddreg [dreg:$0x14]  }
0x1be: {  	[spmem:s2] =	stream.indirect.scatter.add.f32 [tilespmem:s15], [sflag:$0x2], $0x80, s17, s14, $0xb8;
	[tilespmem:$0x1C880] =	vst v63  }
0x1bf: {  	_ =	swait.ge [sflag:s12], $0x3E80  }
0x1c0: {  	[sflag:s12] =	ssyncset.done $0x0  }
0x1c1: {  	[sflag:s12] =	ssyncadd.s32 $0xFFFFC180  }
0x1c2: {  	_ =	swait.ge [sflag:s19], $0x3E80  }
0x1c3: {  	[sflag:s19] =	ssyncset.done $0x0  }
0x1c4: {  	[sflag:s19] =	ssyncadd.s32 $0xFFFFC180  }
0x1c5: {  	[tilespmem:s15], [sflag:$0x1] =	stream.indirect.gather [hbm4b:s4+s14], $0x80, s21, s14, $0xb8;
	[tilespmem:$0x1C880] =	vst v63  }
0x1c6: {  	_ = 	snop  }
0x1c7: {  	[spmem:s2] =	stream.indirect.scatter.add.f32 [tilespmem:s20], [sflag:$0x2], $0x80, s22, s14, $0xb8;
	[tilespmem:$0x1C880] =	vst v63  }
0x1c8: {  	_ =	swait.ge [sflag:s12], $0x3E80  }
0x1c9: {  	[sflag:s12] =	ssyncset.done $0x0  }
0x1ca: {  	[sflag:s12] =	ssyncadd.s32 $0xFFFFC180  }
0x1cb: {  	_ =	swait.ge [sflag:s19], $0x3E80  }
0x1cc: {  	[sflag:s19] =	ssyncset.done $0x0  }
0x1cd: {  	[sflag:s19] =	ssyncadd.s32 $0xFFFFC180  }
0x1ce: {  	[tilespmem:s20], [sflag:$0x1] =	stream.indirect.gather [hbm4b:s4+s14], $0x80, s23, s14, $0xb8;
	[tilespmem:$0x1C880] =	vst v63  }
0x1cf: {  	_ = 	snop  }
0x1d0: {  	[spmem:s2] =	stream.indirect.scatter.add.f32 [tilespmem:s15], [sflag:$0x2], $0x80, s24, s14, $0xb8;
	[tilespmem:$0x1C880] =	vst v63  }
0x1d1: {  	_ =	swait.ge [sflag:s12], $0x3E80  }
0x1d2: {  	[sflag:s12] =	ssyncset.done $0x0  }
0x1d3: {  	[sflag:s12] =	ssyncadd.s32 $0xFFFFC180  }
0x1d4: {  	_ =	swait.ge [sflag:s19], $0x3E80  }
0x1d5: {  	[sflag:s19] =	ssyncset.done $0x0  }
0x1d6: {  	[sflag:s19] =	ssyncadd.s32 $0xFFFFC180  }
0x1d7: {  	[tilespmem:s15], [sflag:$0x1] =	stream.indirect.gather [hbm4b:s4+s14], $0x80, s25, s14, $0xb8;
	[tilespmem:$0x1C880] =	vst v63  }
0x1d8: {  	_ = 	snop  }
0x1d9: {  	[spmem:s2] =	stream.indirect.scatter.add.f32 [tilespmem:s20], [sflag:$0x2], $0x80, s26, s14, $0xb8;
	[tilespmem:$0x1C880] =	vst v63  }
0x1da: {  	_ =	swait.ge [sflag:s12], $0x3E80  }
0x1db: {  	[sflag:s12] =	ssyncset.done $0x0  }
0x1dc: {  	[sflag:s12] =	ssyncadd.s32 $0xFFFFC180  }
0x1dd: {  	_ =	swait.ge [sflag:s19], $0x3E80  }
0x1de: {  	[sflag:s19] =	ssyncset.done $0x0  }
0x1df: {  	[sflag:s19] =	ssyncadd.s32 $0xFFFFC180  }
0x1e0: {  	[tilespmem:s20], [sflag:$0x1] =	stream.indirect.gather [hbm4b:s4+s14], $0x80, s28, s14, $0xb8;
	[tilespmem:$0x1C880] =	vst v63  }
0x1e1: {  	_ = 	snop  }
0x1e2: {  	[spmem:s2] =	stream.indirect.scatter.add.f32 [tilespmem:s15], [sflag:$0x2], $0x80, s29, s14, $0xb8;
	[tilespmem:$0x1C880] =	vst v63  }
0x1e3: {  	_ =	swait.ge [sflag:s12], $0x3E80  }
0x1e4: {  	[sflag:s12] =	ssyncset.done $0x0  }
0x1e5: {  	[sflag:s12] =	ssyncadd.s32 $0xFFFFC180  }
0x1e6: {  	_ =	swait.ge [sflag:s19], $0x3E80  }
0x1e7: {  	[sflag:s19] =	ssyncset.done $0x0  }
0x1e8: {  	[sflag:s19] =	ssyncadd.s32 $0xFFFFC180  }
0x1e9: {  	[tilespmem:s15], [sflag:$0x1] =	stream.indirect.gather [hbm4b:s4+s14], $0x80, s30, s14, $0xb8;
	[tilespmem:$0x1C880] =	vst v63  }
0x1ea: {  	_ = 	snop  }
0x1eb: {  	[spmem:s2] =	stream.indirect.scatter.add.f32 [tilespmem:s20], [sflag:$0x2], $0x80, s31, s14, $0xb8;
	[tilespmem:$0x1C880] =	vst v63  }
0x1ec: {  	_ =	swait.ge [sflag:s12], $0x3E80  }
0x1ed: {  	[sflag:s12] =	ssyncset.done $0x0  }
0x1ee: {  	[sflag:s12] =	ssyncadd.s32 $0xFFFFC180  }
0x1ef: {  	_ =	swait.ge [sflag:s19], $0x3E80  }
0x1f0: {  	[sflag:s19] =	ssyncset.done $0x0  }
0x1f1: {  	[sflag:s19] =	ssyncadd.s32 $0xFFFFC180  }
0x1f2: {  	[tilespmem:s20], [sflag:$0x1] =	stream.indirect.gather [hbm4b:s4+s14], $0x80, s0, s14, $0xb8;
	[tilespmem:$0x1C880] =	vst v63  }
0x1f3: {  	_ = 	snop  }
0x1f4: {  	[spmem:s2] =	stream.indirect.scatter.add.f32 [tilespmem:s15], [sflag:$0x2], $0x80, s1, s14, $0xb8;
	[tilespmem:$0x1C880] =	vst v63  }
0x1f5: {  	_ =	swait.ge [sflag:s12], $0x3E80  }
0x1f6: {  	[sflag:s12] =	ssyncset.done $0x0  }
0x1f7: {  	[sflag:s12] =	ssyncadd.s32 $0xFFFFC180  }
0x1f8: {  	_ =	swait.ge [sflag:s19], $0x3E80  }
0x1f9: {  	[sflag:s19] =	ssyncset.done $0x0  }
0x1fa: {  	[sflag:s19] =	ssyncadd.s32 $0xFFFFC180  }
0x1fb: {  	[spmem:s2] =	stream.indirect.scatter.add.f32 [tilespmem:s20], [sflag:$0x2], $0x80, s7, s14, $0xb8;
	[tilespmem:$0x1C880] =	vst v63  }
0x1fc: {  	_ =	swait.ge [sflag:s12], $0x3E80  }
0x1fd: {  	[sflag:s12] =	ssyncset.done $0x0  }
0x1fe: {  	[sflag:s12] =	ssyncadd.s32 $0xFFFFC180  }
0x1ff: {  	[bflag:$0x0] =	sbarrier.arrive $0xFFFF  }
0x200: {  	s9 =	rddreg [dreg:$0x18]  }
0x201: {  	s3 =	simm.s32 @p0 $0x1FC2;
	s10 =	rddreg [dreg:$0x1a]  }
0x202: {  	[hbm:s9], [sflag:s3] =	dma.local @p0 [spmem:s10], $0x2080  }
0x203: {  	s3 =	simm.s32 @p0 $0x2  }
0x204: {  	_ =	swait.ge @p0 [sflag:s3], $0x2080  }
0x205: {  	s11 =	rddreg [dreg:$0x1b]  }
0x206: {  	[sflag:s3] =	ssyncset.done @p0 $0x0;
	s16 =	rddreg [dreg:$0x1c]  }
0x207: {  	[sflag:s3] =	ssyncadd.s32 @p0 $0xFFFFDF80;
	s3 =	rddreg [dreg:$0x17]  }
0x208: {  	[hbm:s3], [sflag:s11] =	dma.local @!p0 [spmem:s16], $0x2780  }
0x209: {  	s3 =	simm.s32 @!p0 $0x2  }
0x20a: {  	_ =	swait.ge @!p0 [sflag:s3], $0x2780  }
0x20b: {  	s8 =	sadd.s32 $0x1, s8;
	s18 =	rddreg [dreg:$0x19]  }
0x20c: {  	p1 =	sne.s32 s8, s18  }
.Ltmp1:
0x20d: {  	_ = 	snop;
	(pc) =	sbr.rel @p1 .LBB2_1-.Ltmp1, $3  }
0x20e: {  	_ =	sdelay $0x1  }
0x20f: {  	[sflag:s3] =	ssyncset.done @!p0 $0x0  }
0x210: {  	[sflag:s3] =	ssyncadd.s32 @!p0 $0xFFFFD880  }
0x211: {  	_ =	sfence.sel $0x180000  }
0x212: {  	[bflag:$0x0] =	sbarrier.arrive $0xFFFF  }
0x213: {  	_ =	strace $0x9000004A  }
0x214: {  	s0 =	stileid.u32;
	[bflag:$0x2] =	sbarrier.arrive $0xFFFF  }
0x215: {  	p0 =	sne.s32 s0, $0x0;
	s0 =	rddreg [dreg:$0x3]  }
0x216: {  	s0 =	sadd.s32 @!p0 $0x100000, s0  }
0x217: {  	[sflag:s0] =	ssyncadd.tile.s32 @!p0 $0x1;
	_ =	shalt  }
.Lfunc_end2:
_tile_overlayer_lowered:
.L_overlay_start_2:
0x218: {  	(tag) =	ssettag $0x2  }
0x219: {  	s0 =	rddreg [dreg:$0x0];
	s2 =	stileid.u32  }
0x21a: {  	s1 =	rddreg [dreg:$0x1];
	p0 =	sne.s32 s2, $0x0  }
0x21b: {  	s3 =	rddreg [dreg:$0x2];
	[bflag:$0x3] =	sbarrier.arrive $0xFFFF;
	s2 =	simm.s32 @!p0 $0x1C02  }
0x21c: {  	[timem:s3], [sflag:s2] =	dma.local @!p0 [hbm:s0], s1  }
0x21d: {  	s0 =	simm.s32 @!p0 $0x2  }
0x21e: {  	_ =	swait.ge @!p0 [sflag:s0], s1  }
0x21f: {  	s1 =	ssub.s32 @!p0 $0x0, s1;
	[sflag:s0] =	ssyncset.done @!p0 $0x0  }
0x220: {  	[sflag:s0] =	ssyncadd.s32 @!p0 s1  }
0x221: {  	[bflag:$0x3] =	sbarrier.arrive $0xFFFF  }
0x222: {  	_ =	shalt  }

</sc_bundles>
